<compile_context>
chip_gen: v7x
topology: tpu7x:2x2x1
jax: 0.10.2.dev20260603
libtpu: 0.0.44.dev20260713+nightly
codegen_flags: <defaults>
</compile_context>

<pallas_src>
import functools

import jax
import jax.numpy as jnp
from jax import lax
from jax.experimental import pallas as pl
from jax.experimental.pallas import tpu as pltpu
from jax.experimental.pallas import tpu_sc as plsc

GT = 1.2
_TOK = 256
_TILE = 256
_NE = 4
_W = 128
_NQ = 4


def _proj_gate_body(h2_ref, h3_ref, w2_ref, b2_ref, w3_ref, b3_ref, wg_ref,
                    bg_ref, mask_ref, xq_ref, p_ref, eid_ref):
    x2 = jnp.dot(h2_ref[...], w2_ref[...],
                 preferred_element_type=jnp.float32) + b2_ref[...]
    x3 = jnp.dot(h3_ref[...], w3_ref[...],
                 preferred_element_type=jnp.float32) + b3_ref[...]
    g = jnp.concatenate([x2, x3], axis=1)
    logits = jnp.dot(g, wg_ref[...],
                     preferred_element_type=jnp.float32) + bg_ref[...]
    t = [logits[:, k:k + 1] / GT for k in range(_NE)]
    m = t[0]
    for k in range(1, _NE):
        m = jnp.maximum(m, t[k])
    u = [jnp.exp(tk - m) for tk in t]
    s = u[0] + u[1] + u[2] + u[3]
    q = [uk / s for uk in u]
    e = jnp.zeros_like(logits[:, 0:1], dtype=jnp.int32)
    qm = q[0]
    for k in range(1, _NE):
        upd = q[k] > qm
        qm = jnp.where(upd, q[k], qm)
        e = jnp.where(upd, k, e)
    xm = 0.5 * (x2 + x3)
    xin = jnp.where(e == 0, x2, jnp.where(e == 1, x3, xm))
    df = xin.shape[1]
    dq = df // _NQ
    for j in range(_NQ):
        xq_ref[j] = xin[:, j * dq:(j + 1) * dq]
    p_ref[...] = jnp.broadcast_to(qm * mask_ref[...], p_ref.shape)
    ntok = e.shape[0]
    eid_ref[0] = e.reshape(ntok // 128, 128)


def _route_body(eid_ref, dest_ref, destq_ref, te_ref):
    e = eid_ref[...]
    nr, nc = e.shape
    pcap = nr * nc + _NE * _TILE
    ia = lax.broadcasted_iota(jnp.int32, (nc, nc), 0)
    ib = lax.broadcasted_iota(jnp.int32, (nc, nc), 1)
    ut = (ia < ib).astype(jnp.float32)
    ja = lax.broadcasted_iota(jnp.int32, (nr, nr), 0)
    jb = lax.broadcasted_iota(jnp.int32, (nr, nr), 1)
    lt = (jb < ja).astype(jnp.float32)
    dest = jnp.zeros((nr, nc), jnp.int32)
    start = jnp.zeros((1, 1), jnp.float32)
    starts = []
    for k in range(_NE):
        mk = (e == k).astype(jnp.float32)
        within = jnp.dot(mk, ut, preferred_element_type=jnp.float32)
        carry = jnp.sum(jnp.dot(lt, mk, preferred_element_type=jnp.float32),
                        axis=1, keepdims=True)
        rank = within + carry
        starts.append(start)
        dest = jnp.where(e == k, (rank + start).astype(jnp.int32), dest)
        cnt = jnp.sum(jnp.sum(mk, axis=1, keepdims=True), axis=0,
                      keepdims=True)
        start = start + jnp.ceil(cnt / _TILE) * _TILE
    dest_ref[...] = dest
    for j in range(_NQ):
        destq_ref[j] = dest + j * pcap
    toff = (lax.broadcasted_iota(jnp.int32, te_ref.shape, 1)
            * _TILE).astype(jnp.float32)
    te = jnp.zeros(te_ref.shape, jnp.int32)
    for k in range(1, _NE):
        te = te + (toff >= starts[k]).astype(jnp.int32)
    te_ref[...] = te


def _ffn_body(te_ref, x_ref, w1_ref, b1_ref, w2_ref, b2_ref, p_ref, y_ref):
    x = jnp.concatenate([x_ref[j] for j in range(_NQ)], axis=1)
    h = jnp.dot(x, w1_ref[0], preferred_element_type=jnp.float32) + b1_ref[0]
    h = jax.nn.gelu(h, approximate=True)
    y = jnp.dot(h, w2_ref[0],
                preferred_element_type=jnp.float32) + b2_ref[0]
    y = y * p_ref[:, 0:1]
    dq = y.shape[1] // _NQ
    for j in range(_NQ):
        y_ref[j] = y[:, j * dq:(j + 1) * dq]


def _sc_dispatch(xq_flat, p_rep, destq, dest64, pcap):
    t4, dfq = xq_flat.shape
    t = p_rep.shape[0]
    wpq = t // _W
    mesh = plsc.VectorSubcoreMesh(core_axis_name="c", subcore_axis_name="s")
    g4 = (t4 // _W) // 2
    gp = (t // _W) // 2

    @functools.partial(
        pl.kernel,
        out_type=(
            jax.ShapeDtypeStruct((_NQ * pcap, dfq), jnp.float32),
            jax.ShapeDtypeStruct((pcap, 128), jnp.float32),
        ),
        mesh=mesh,
    )
    def k(x_hbm, p_hbm, i4_hbm, ip_hbm, xs_hbm, ps_hbm):
        def bodyx(x_vmem, i_vmem):
            pltpu.sync_copy(x_vmem, xs_hbm.at[i_vmem.at[0, 0]])

        pltpu.emit_pipeline(
            bodyx,
            grid=(2, g4),
            in_specs=[
                pl.BlockSpec((_W, dfq), lambda i, j: (i * g4 + j, 0)),
                pl.BlockSpec(
                    (1, 1, _W),
                    lambda i, j: ((i * g4 + j) // wpq, (i * g4 + j) % wpq,
                                  0)),
            ],
            out_specs=[],
            core_axis_name=("c", "s"),
            dimension_semantics=(pltpu.PARALLEL, pltpu.PARALLEL),
        )(x_hbm, i4_hbm)

        def bodyp(p_vmem, i_vmem):
            pltpu.sync_copy(p_vmem, ps_hbm.at[i_vmem.at[0]])

        pltpu.emit_pipeline(
            bodyp,
            grid=(2, gp),
            in_specs=[
                pl.BlockSpec((_W, 128), lambda i, j: (i * gp + j, 0)),
                pl.BlockSpec((1, _W), lambda i, j: (i * gp + j, 0)),
            ],
            out_specs=[],
            core_axis_name=("c", "s"),
            dimension_semantics=(pltpu.PARALLEL, pltpu.PARALLEL),
        )(p_hbm, ip_hbm)

    return k(xq_flat, p_rep, destq, dest64)


def _sc_gather(yq_flat, destq, t, df):
    dfq = yq_flat.shape[1]
    t4 = destq.shape[0] * destq.shape[1] * destq.shape[2]
    mesh = plsc.VectorSubcoreMesh(core_axis_name="c", subcore_axis_name="s")
    g4 = (t4 // _W) // 2
    wpq = t // _W

    @functools.partial(
        pl.kernel,
        out_type=jax.ShapeDtypeStruct((t, df), jnp.float32),
        mesh=mesh,
    )
    def k(y_hbm, i_hbm, o_hbm):
        def body(i_vmem, o_vmem):
            pltpu.sync_copy(y_hbm.at[i_vmem.at[0, 0]], o_vmem)

        pltpu.emit_pipeline(
            body,
            grid=(2, g4),
            in_specs=[
                pl.BlockSpec(
                    (1, 1, _W),
                    lambda i, j: ((i * g4 + j) // wpq, (i * g4 + j) % wpq,
                                  0)),
            ],
            out_specs=[
                pl.BlockSpec(
                    (_W, dfq),
                    lambda i, j: ((i * g4 + j) % wpq, (i * g4 + j) // wpq)),
            ],
            core_axis_name=("c", "s"),
            dimension_semantics=(pltpu.PARALLEL, pltpu.PARALLEL),
        )(i_hbm, o_hbm)

    return k(yq_flat, destq)


def kernel(h2d, h3d, mask2d, mask3d, W2, b2, W3, b3, Wg, bg, We1, be1, We2,
           be2):
    B, N, D2 = h2d.shape
    D3 = h3d.shape[2]
    DF = W2.shape[1]
    DQ = DF // _NQ
    T = B * N
    PCAP = T + _NE * _TILE
    NT = PCAP // _TILE
    f32 = jnp.float32

    h2 = h2d.reshape(T, D2)
    h3 = h3d.reshape(T, D3)
    E = Wg.shape[1]
    maskf = jnp.logical_and(mask2d, mask3d).reshape(T, 1).astype(f32)

    xq4, p_rep, eid_rep = pl.pallas_call(
        _proj_gate_body,
        grid=(T // _TOK,),
        in_specs=[
            pl.BlockSpec((_TOK, D2), lambda i: (i, 0)),
            pl.BlockSpec((_TOK, D3), lambda i: (i, 0)),
            pl.BlockSpec((D2, DF), lambda i: (0, 0)),
            pl.BlockSpec((1, DF), lambda i: (0, 0)),
            pl.BlockSpec((D3, DF), lambda i: (0, 0)),
            pl.BlockSpec((1, DF), lambda i: (0, 0)),
            pl.BlockSpec((2 * DF, E), lambda i: (0, 0)),
            pl.BlockSpec((1, E), lambda i: (0, 0)),
            pl.BlockSpec((_TOK, 1), lambda i: (i, 0)),
        ],
        out_specs=[
            pl.BlockSpec((_NQ, _TOK, DQ), lambda i: (0, i, 0)),
            pl.BlockSpec((_TOK, 128), lambda i: (i, 0)),
            pl.BlockSpec((1, _TOK // 128, 128), lambda i: (i, 0, 0)),
        ],
        out_shape=[
            jax.ShapeDtypeStruct((_NQ, T, DQ), f32),
            jax.ShapeDtypeStruct((T, 128), f32),
            jax.ShapeDtypeStruct((T // _TOK, _TOK // 128, 128), jnp.int32),
        ],
    )(h2, h3, W2, b2.reshape(1, DF), W3, b3.reshape(1, DF), Wg,
      bg.reshape(1, E), maskf)

    eid64 = eid_rep.reshape(T // 128, 128)
    dest64, destq, te8 = pl.pallas_call(
        _route_body,
        out_shape=[
            jax.ShapeDtypeStruct((T // 128, 128), jnp.int32),
            jax.ShapeDtypeStruct((_NQ, T // 128, 128), jnp.int32),
            jax.ShapeDtypeStruct((8, 128), jnp.int32),
        ],
    )(eid64)
    te = te8[0, :NT]

    xs4, ps = _sc_dispatch(xq4.reshape(_NQ * T, DQ), p_rep, destq, dest64,
                           PCAP)

    y4 = pl.pallas_call(
        _ffn_body,
        grid_spec=pltpu.PrefetchScalarGridSpec(
            num_scalar_prefetch=1,
            grid=(NT,),
            in_specs=[
                pl.BlockSpec((_NQ, _TILE, DQ), lambda i, te_r: (0, i, 0)),
                pl.BlockSpec((1, DF, DF), lambda i, te_r: (te_r[i], 0, 0)),
                pl.BlockSpec((1, 1, DF), lambda i, te_r: (te_r[i], 0, 0)),
                pl.BlockSpec((1, DF, DF), lambda i, te_r: (te_r[i], 0, 0)),
                pl.BlockSpec((1, 1, DF), lambda i, te_r: (te_r[i], 0, 0)),
                pl.BlockSpec((_TILE, 128), lambda i, te_r: (i, 0)),
            ],
            out_specs=pl.BlockSpec((_NQ, _TILE, DQ),
                                   lambda i, te_r: (0, i, 0)),
        ),
        out_shape=jax.ShapeDtypeStruct((_NQ, PCAP, DQ), f32),
    )(te, xs4.reshape(_NQ, PCAP, DQ), We1, be1.reshape(_NE, 1, DF),
      We2, be2.reshape(_NE, 1, DF), ps)

    out = _sc_gather(y4.reshape(_NQ * PCAP, DQ), destq, T, DF)
    return out.reshape(B, N, DF)

# --- scband reference (transcript-rebuilt; emitter-appended) ---
"""Pipeline reference for scband-blending-module-53618371723355 (READ-ONLY COPY).

The authoritative reference and input builder live on the scoring server;
editing this copy changes nothing except your own understanding.
"""

import jax, jax.numpy as jnp
import numpy as np

B, N = 4, 2048
D2, D3, DF, E = 768, 1024, 1024, 4
GATE_TEMP = 1.2


def setup_inputs(seed: int = 0) -> dict:
    key = jax.random.key(seed)
    ks = jax.random.split(key, 14)
    h2d = jax.random.normal(ks[0], (B, N, D2), dtype=jnp.float32)
    h3d = jax.random.normal(ks[1], (B, N, D3), dtype=jnp.float32)
    mask2d = jnp.ones((B, N), dtype=bool)
    mask3d = jnp.ones((B, N), dtype=bool)
    # learned parameters of the GroupedAtomMoE fuser
    W2 = jax.random.normal(ks[2], (D2, DF), dtype=jnp.float32) * 0.02
    b2 = jnp.zeros((DF,), dtype=jnp.float32)
    W3 = jax.random.normal(ks[3], (D3, DF), dtype=jnp.float32) * 0.02
    b3 = jnp.zeros((DF,), dtype=jnp.float32)
    Wg = jax.random.normal(ks[4], (2 * DF, E), dtype=jnp.float32) * 0.02
    bg = jnp.zeros((E,), dtype=jnp.float32)
    We1 = jax.random.normal(ks[5], (E, DF, DF), dtype=jnp.float32) * 0.02
    be1 = jnp.zeros((E, DF), dtype=jnp.float32)
    We2 = jax.random.normal(ks[6], (E, DF, DF), dtype=jnp.float32) * 0.02
    be2 = jnp.zeros((E, DF), dtype=jnp.float32)
    return {
        "h2d": h2d, "h3d": h3d, "mask2d": mask2d, "mask3d": mask3d,
        "W2": W2, "b2": b2, "W3": W3, "b3": b3,
        "Wg": Wg, "bg": bg,
        "We1": We1, "be1": be1, "We2": We2, "be2": be2,
    }


def reference(h2d, h3d, mask2d, mask3d, W2, b2, W3, b3, Wg, bg, We1, be1, We2, be2):
    # fused mask = AND of per-encoder masks (lengths already equal)
    mask = jnp.logical_and(mask2d, mask3d)
    # per-modality projections to the fused dim
    x2 = h2d @ W2 + b2
    x3 = h3d @ W3 + b3
    xm = 0.5 * (x2 + x3)
    # gate over concatenated projected features (temperature-scaled, eval: no noise)
    gate_in = jnp.concatenate([x2, x3], axis=-1)
    logits = (gate_in @ Wg + bg) / GATE_TEMP
    probs = jax.nn.softmax(logits, axis=-1)
    top_p, top_i = jax.lax.top_k(probs, 1)  # top-1 routing
    oneh = jax.nn.one_hot(top_i[..., 0], E, dtype=probs.dtype)  # [B,N,E]
    # grouped experts: expert0 sees 2D, expert1 sees 3D, experts 2-3 see mix
    xin = jnp.stack([x2, x3, xm, xm], axis=0)  # [E,B,N,DF]
    h = jax.nn.gelu(jnp.einsum('ebnd,edh->ebnh', xin, We1) + be1[:, None, None, :])
    y = jnp.einsum('ebnh,ehd->ebnd', h, We2) + be2[:, None, None, :]
    combine = oneh * top_p  # dispatch weight of the selected expert
    out = jnp.einsum('ebnd,bne->bnd', y, combine)
    out = out * mask[..., None].astype(out.dtype)
    return out

if __name__ == "__main__":
    import jax
    _d = setup_inputs()
    print(jax.jit(kernel)(*tuple(_d.values())))

</pallas_src>

<mosaic_0001>
#map = affine_map<(d0, d1) -> (0, 0)>
#map1 = affine_map<(d0, d1) -> (0, 0, 0)>
module attributes {stable_mosaic.version = 14 : i64} {
  func.func @k(%arg0: i32, %arg1: i32, %arg2: memref<36864x256xf32, #tpu.memory_space<hbm>>, %arg3: memref<4x64x128xi32, #tpu.memory_space<hbm>>, %arg4: memref<8192x1024xf32, #tpu.memory_space<hbm>>) attributes {dimension_semantics = [#tpu.dimension_semantics<core_parallel>, #tpu.dimension_semantics<subcore_parallel>], iteration_bounds = array<i64: 2, 16>, scalar_prefetch = 0 : i64, scratch_operands = 0 : i64, tpu.core_type = #tpu.core_type<sc_vector_subcore>, window_params = [{transform_indices = #map}, {transform_indices = #map1}, {transform_indices = #map}]} {
    %mul3A = arith.constant 1 : i32
    %mul3A_0 = arith.muli %arg1, %mul3A : i32
    %add3A = arith.constant 0 : i32
    %add3A_1 = arith.addi %add3A, %mul3A_0 : i32
    %mul3A_2 = arith.constant 16 : i32
    %mul3A_3 = arith.muli %arg0, %mul3A_2 : i32
    %add3A_4 = arith.addi %add3A_1, %mul3A_3 : i32
    %mul3A_5 = arith.constant 4 : i32
    %mul3A_6 = arith.muli %add3A_4, %mul3A_5 : i32
    "tpu.region"() ({
      %run_scoped3A = memref.alloca() : memref<2x1x1x128xi32, #tpu.memory_space<vmem>>
      %run_scoped3A_7 = tpu.sem_alloc : memref<2x!tpu.dma_semaphore, #tpu.memory_space<semaphore_mem>>
      %run_scoped3A_8 = memref.alloca() : memref<2x128x256xf32, #tpu.memory_space<vmem>>
      %run_scoped3A_9 = tpu.sem_alloc : memref<2x!tpu.dma_semaphore, #tpu.memory_space<semaphore_mem>>
      %add3A_10 = arith.constant 0 : i32
      %add3A_11 = arith.addi %add3A_10, %mul3A_6 : i32
      %select_n3A = arith.constant true
      %select_n3A_12 = arith.constant 0 : i32
      %select_n3A_13 = arith.constant -1 : i32
      %select_n3A_14 = arith.select %select_n3A, %select_n3A_13, %select_n3A_12 : i32
      %eq3A = arith.constant -1 : i32
      %eq3A_15 = arith.cmpi eq, %select_n3A_14, %eq3A : i32
      %select_n3A_16 = arith.constant 3 : i32
      %select_n3A_17 = arith.select %eq3A_15, %select_n3A_16, %select_n3A_14 : i32
      %select_n3A_18 = arith.constant 0 : i32
      %select_n3A_19 = arith.constant -1 : i32
      %select_n3A_20 = arith.select %eq3A_15, %select_n3A_19, %select_n3A_18 : i32
      %eq3A_21 = arith.constant -1 : i32
      %eq3A_22 = arith.cmpi eq, %select_n3A_20, %eq3A_21 : i32
      %select_n3A_23 = arith.constant 1 : i32
      %select_n3A_24 = arith.select %eq3A_22, %select_n3A_23, %select_n3A_20 : i32
      %add3A_25 = arith.constant 0 : i32
      %add3A_26 = arith.addi %select_n3A_24, %add3A_25 : i32
      %add3A_27 = arith.addi %select_n3A_17, %mul3A_6 : i32
      %select_n3A_28 = arith.constant true
      %select_n3A_29 = arith.constant 0 : i32
      %select_n3A_30 = arith.constant 1 : i32
      %select_n3A_31 = arith.select %select_n3A_28, %select_n3A_30, %select_n3A_29 : i32
      %eq3A_32 = arith.constant 4 : i32
      %eq3A_33 = arith.cmpi eq, %select_n3A_31, %eq3A_32 : i32
      %select_n3A_34 = arith.constant 0 : i32
      %select_n3A_35 = arith.select %eq3A_33, %select_n3A_34, %select_n3A_31 : i32
      %select_n3A_36 = arith.constant 0 : i32
      %select_n3A_37 = arith.constant 1 : i32
      %select_n3A_38 = arith.select %eq3A_33, %select_n3A_37, %select_n3A_36 : i32
      %eq3A_39 = arith.constant 2 : i32
      %eq3A_40 = arith.cmpi eq, %select_n3A_38, %eq3A_39 : i32
      %select_n3A_41 = arith.constant 0 : i32
      %select_n3A_42 = arith.select %eq3A_40, %select_n3A_41, %select_n3A_38 : i32
      %add3A_43 = arith.constant 0 : i32
      %add3A_44 = arith.addi %select_n3A_42, %add3A_43 : i32
      %add3A_45 = arith.addi %select_n3A_35, %mul3A_6 : i32
      %add3A_46 = arith.constant 1 : i32
      %add3A_47 = arith.addi %select_n3A_35, %add3A_46 : i32
      %select_n3A_48 = arith.constant true
      %select_n3A_49 = arith.select %select_n3A_48, %add3A_47, %select_n3A_35 : i32
      %eq3A_50 = arith.constant 4 : i32
      %eq3A_51 = arith.cmpi eq, %select_n3A_49, %eq3A_50 : i32
      %select_n3A_52 = arith.constant 0 : i32
      %select_n3A_53 = arith.select %eq3A_51, %select_n3A_52, %select_n3A_49 : i32
      %add3A_54 = arith.constant 1 : i32
      %add3A_55 = arith.addi %select_n3A_42, %add3A_54 : i32
      %select_n3A_56 = arith.select %eq3A_51, %add3A_55, %select_n3A_42 : i32
      %eq3A_57 = arith.constant 2 : i32
      %eq3A_58 = arith.cmpi eq, %select_n3A_56, %eq3A_57 : i32
      %select_n3A_59 = arith.constant 0 : i32
      %select_n3A_60 = arith.select %eq3A_58, %select_n3A_59, %select_n3A_56 : i32
      %add3A_61 = arith.constant 0 : i32
      %add3A_62 = arith.addi %select_n3A_60, %add3A_61 : i32
      %add3A_63 = arith.addi %select_n3A_53, %mul3A_6 : i32
      "tpu.trace_start"() <{level = 10 : i32, message = "ep_initialize_0"}> : () -> ()
      %rem3A = arith.constant 0 : i32
      %rem3A_64 = arith.constant 2 : i32
      %rem3A_65 = arith.remui %rem3A, %rem3A_64 : i32
      %add3A_66 = arith.constant 0 : i32
      %add3A_67 = arith.addi %add3A_66, %add3A_11 : i32
      %jit3A = arith.constant 64 : i32
      %div3A = arith.divsi %add3A_67, %jit3A : i32
      %sign3A = arith.constant 0 : i32
      %sign3A_68 = arith.cmpi sgt, %add3A_67, %sign3A : i32
      %sign3A_69 = arith.extui %sign3A_68 : i1 to i32
      %sign3A_70 = arith.constant 0 : i32
      %sign3A_71 = arith.cmpi slt, %add3A_67, %sign3A_70 : i32
      %sign3A_72 = arith.extui %sign3A_71 : i1 to i32
      %sign3A_73 = arith.subi %sign3A_69, %sign3A_72 : i32
      %sign3A_74 = arith.constant 0 : i32
      %sign3A_75 = arith.cmpi sgt, %jit3A, %sign3A_74 : i32
      %sign3A_76 = arith.extui %sign3A_75 : i1 to i32
      %sign3A_77 = arith.constant 0 : i32
      %sign3A_78 = arith.cmpi slt, %jit3A, %sign3A_77 : i32
      %sign3A_79 = arith.extui %sign3A_78 : i1 to i32
      %sign3A_80 = arith.subi %sign3A_76, %sign3A_79 : i32
      %ne3A = arith.cmpi ne, %sign3A_73, %sign3A_80 : i32
      %rem3A_81 = arith.remsi %add3A_67, %jit3A : i32
      %ne3A_82 = arith.constant 0 : i32
      %ne3A_83 = arith.cmpi ne, %rem3A_81, %ne3A_82 : i32
      %and3A = arith.andi %ne3A, %ne3A_83 : i1
      %sub3A = arith.constant 1 : i32
      %sub3A_84 = arith.subi %div3A, %sub3A : i32
      %select_n3A_85 = arith.select %and3A, %sub3A_84, %div3A : i32
      %add3A_86 = arith.constant 0 : i32
      %add3A_87 = arith.addi %add3A_86, %add3A_11 : i32
      %jit3A_88 = arith.constant 64 : i32
      %eq3A_89 = arith.constant 0 : i32
      %eq3A_90 = arith.cmpi eq, %jit3A_88, %eq3A_89 : i32
      %jit3A_91 = arith.constant 1 : i32
      %select_n3A_92 = arith.select %eq3A_90, %jit3A_91, %jit3A_88 : i32
      %rem3A_93 = arith.remsi %add3A_87, %select_n3A_92 : i32
      %ne3A_94 = arith.constant 0 : i32
      %ne3A_95 = arith.cmpi ne, %rem3A_93, %ne3A_94 : i32
      %lt3A = arith.constant 0 : i32
      %lt3A_96 = arith.cmpi slt, %rem3A_93, %lt3A : i32
      %lt3A_97 = arith.constant 0 : i32
      %lt3A_98 = arith.cmpi slt, %select_n3A_92, %lt3A_97 : i32
      %ne3A_99 = arith.xori %lt3A_96, %lt3A_98 : i1
      %and3A_100 = arith.andi %ne3A_99, %ne3A_95 : i1
      %add3A_101 = arith.addi %rem3A_93, %select_n3A_92 : i32
      %select_n3A_102 = arith.select %and3A_100, %add3A_101, %rem3A_93 : i32
      %mul3A_103 = arith.constant 1 : i32
      %mul3A_104 = arith.muli %mul3A_103, %select_n3A_85 : i32
      %mul3A_105 = arith.constant 1 : i32
      %mul3A_106 = arith.muli %mul3A_105, %select_n3A_102 : i32
      %dma_start3A = arith.constant 0 : i32
      %dma_start3A_107 = arith.constant 0 : i32
      %dma_start3A_108 = arith.constant 0 : i32
      %dma_start3A_109 = tpu.memref_slice %run_scoped3A[%rem3A_65, %dma_start3A, %dma_start3A_107, %dma_start3A_108] : memref<2x1x1x128xi32, #tpu.memory_space<vmem>> -> memref<1x1x1x128xi32, #tpu.memory_space<vmem>>
      %dma_start3A_110 = tpu.memref_squeeze %dma_start3A_109 : memref<1x1x1x128xi32, #tpu.memory_space<vmem>> -> memref<1x1x128xi32, #tpu.memory_space<vmem>>
      %dma_start3A_111 = arith.constant 0 : i32
      %dma_start3A_112 = tpu.memref_slice %arg3[%mul3A_104, %mul3A_106, %dma_start3A_111] : memref<4x64x128xi32, #tpu.memory_space<hbm>> -> memref<1x1x128xi32, #tpu.memory_space<hbm>>
      %dma_start3A_113 = tpu.memref_slice %run_scoped3A_7[%rem3A_65] : memref<2x!tpu.dma_semaphore, #tpu.memory_space<semaphore_mem>> -> memref<1x!tpu.dma_semaphore, #tpu.memory_space<semaphore_mem>>
      %dma_start3A_114 = tpu.memref_squeeze %dma_start3A_113 : memref<1x!tpu.dma_semaphore, #tpu.memory_space<semaphore_mem>> -> memref<!tpu.dma_semaphore, #tpu.memory_space<semaphore_mem>>
      %dma_start3A_115 = arith.constant 0 : i32
      %dma_start3A_116 = arith.constant 0 : i32
      %dma_start3A_117 = arith.constant 0 : i32
      %dma_start3A_118 = tpu.memref_slice %run_scoped3A[%rem3A_65, %dma_start3A_115, %dma_start3A_116, %dma_start3A_117] : memref<2x1x1x128xi32, #tpu.memory_space<vmem>> -> memref<1x1x1x128xi32, #tpu.memory_space<vmem>>
      %dma_start3A_119 = tpu.memref_squeeze %dma_start3A_118 : memref<1x1x1x128xi32, #tpu.memory_space<vmem>> -> memref<1x1x128xi32, #tpu.memory_space<vmem>>
      %dma_start3A_120 = arith.constant 0 : i32
      %dma_start3A_121 = tpu.memref_slice %arg3[%mul3A_104, %mul3A_106, %dma_start3A_120] : memref<4x64x128xi32, #tpu.memory_space<hbm>> -> memref<1x1x128xi32, #tpu.memory_space<hbm>>
      tpu.enqueue_dma source(%dma_start3A_121 : memref<1x1x128xi32, #tpu.memory_space<hbm>>) target(%dma_start3A_119 : memref<1x1x128xi32, #tpu.memory_space<vmem>>) target_semaphore(%dma_start3A_114 : memref<!tpu.dma_semaphore, #tpu.memory_space<semaphore_mem>>)
      %add3A_122 = arith.constant 0 : i32
      %add3A_123 = arith.constant 1 : i32
      %add3A_124 = arith.addi %add3A_122, %add3A_123 : i32
      %select_n3A_125 = arith.constant true
      %select_n3A_126 = arith.constant 0 : i32
      %select_n3A_127 = arith.select %select_n3A_125, %add3A_124, %select_n3A_126 : i32
      "tpu.trace_stop"() : () -> ()
      %scan3A = arith.constant 0 : i32
      %scan3A_128 = arith.constant 0 : i32
      %scan3A_129 = arith.constant 0 : i32
      %scan3A_130 = arith.constant 0 : i32
      %scan3A_131 = arith.constant 0 : i32
      %scan3A_132 = arith.constant 0 : i32
      %scan3A_133 = arith.constant 8 : i32
      %scan3A_134 = arith.addi %scan3A_132, %scan3A_133 : i32
      %scan3A_135 = arith.constant 1 : i32
      %scan3A_136:6 = scf.for %scan3A_273 = %scan3A_132 to %scan3A_134 step %scan3A_135 iter_args(%scan3A_274 = %select_n3A_127, %scan3A_275 = %scan3A, %scan3A_276 = %scan3A_128, %scan3A_277 = %scan3A_129, %scan3A_278 = %scan3A_130, %scan3A_279 = %scan3A_131) -> (i32, i32, i32, i32, i32, i32)  : i32 {
        %eq3A_280 = arith.constant 0 : i32
        %eq3A_281 = arith.cmpi eq, %scan3A_273, %eq3A_280 : i32
        %eq3A_282 = arith.constant 7 : i32
        %eq3A_283 = arith.cmpi eq, %scan3A_273, %eq3A_282 : i32
        %add3A_284 = arith.constant 0 : i32
        %add3A_285 = arith.addi %scan3A_278, %add3A_284 : i32
        %add3A_286 = arith.addi %scan3A_279, %mul3A_6 : i32
        %sub3A_287 = arith.constant 1 : i32
        %sub3A_288 = arith.subi %scan3A_279, %sub3A_287 : i32
        %select_n3A_289 = arith.constant true
        %select_n3A_290 = arith.select %select_n3A_289, %sub3A_288, %scan3A_279 : i32
        %eq3A_291 = arith.constant -1 : i32
        %eq3A_292 = arith.cmpi eq, %select_n3A_290, %eq3A_291 : i32
        %select_n3A_293 = arith.constant 3 : i32
        %select_n3A_294 = arith.select %eq3A_292, %select_n3A_293, %select_n3A_290 : i32
        %sub3A_295 = arith.constant 1 : i32
        %sub3A_296 = arith.subi %scan3A_278, %sub3A_295 : i32
        %select_n3A_297 = arith.select %eq3A_292, %sub3A_296, %scan3A_278 : i32
        %eq3A_298 = arith.constant -1 : i32
        %eq3A_299 = arith.cmpi eq, %select_n3A_297, %eq3A_298 : i32
        %select_n3A_300 = arith.constant 1 : i32
        %select_n3A_301 = arith.select %eq3A_299, %select_n3A_300, %select_n3A_297 : i32
        %add3A_302 = arith.constant 0 : i32
        %add3A_303 = arith.addi %select_n3A_301, %add3A_302 : i32
        %add3A_304 = arith.addi %select_n3A_294, %mul3A_6 : i32
        %add3A_305 = arith.constant 1 : i32
        %add3A_306 = arith.addi %scan3A_279, %add3A_305 : i32
        %select_n3A_307 = arith.constant true
        %select_n3A_308 = arith.select %select_n3A_307, %add3A_306, %scan3A_279 : i32
        %eq3A_309 = arith.constant 4 : i32
        %eq3A_310 = arith.cmpi eq, %select_n3A_308, %eq3A_309 : i32
        %select_n3A_311 = arith.constant 0 : i32
        %select_n3A_312 = arith.select %eq3A_310, %select_n3A_311, %select_n3A_308 : i32
        %add3A_313 = arith.constant 1 : i32
        %add3A_314 = arith.addi %scan3A_278, %add3A_313 : i32
        %select_n3A_315 = arith.select %eq3A_310, %add3A_314, %scan3A_278 : i32
        %eq3A_316 = arith.constant 2 : i32
        %eq3A_317 = arith.cmpi eq, %select_n3A_315, %eq3A_316 : i32
        %select_n3A_318 = arith.constant 0 : i32
        %select_n3A_319 = arith.select %eq3A_317, %select_n3A_318, %select_n3A_315 : i32
        %add3A_320 = arith.constant 0 : i32
        %add3A_321 = arith.addi %select_n3A_319, %add3A_320 : i32
        %add3A_322 = arith.addi %select_n3A_312, %mul3A_6 : i32
        %add3A_323 = arith.constant 1 : i32
        %add3A_324 = arith.addi %select_n3A_312, %add3A_323 : i32
        %select_n3A_325 = arith.constant true
        %select_n3A_326 = arith.select %select_n3A_325, %add3A_324, %select_n3A_312 : i32
        %eq3A_327 = arith.constant 4 : i32
        %eq3A_328 = arith.cmpi eq, %select_n3A_326, %eq3A_327 : i32
        %select_n3A_329 = arith.constant 0 : i32
        %select_n3A_330 = arith.select %eq3A_328, %select_n3A_329, %select_n3A_326 : i32
        %add3A_331 = arith.constant 1 : i32
        %add3A_332 = arith.addi %select_n3A_319, %add3A_331 : i32
        %select_n3A_333 = arith.select %eq3A_328, %add3A_332, %select_n3A_319 : i32
        %eq3A_334 = arith.constant 2 : i32
        %eq3A_335 = arith.cmpi eq, %select_n3A_333, %eq3A_334 : i32
        %select_n3A_336 = arith.constant 0 : i32
        %select_n3A_337 = arith.select %eq3A_335, %select_n3A_336, %select_n3A_333 : i32
        %add3A_338 = arith.constant 0 : i32
        %add3A_339 = arith.addi %select_n3A_337, %add3A_338 : i32
        %add3A_340 = arith.addi %select_n3A_330, %mul3A_6 : i32
        %mul3A_341 = arith.constant 128 : i32
        %mul3A_342 = arith.muli %add3A_285, %mul3A_341 : i32
        %add3A_343 = arith.addi %mul3A_342, %add3A_286 : i32
        %jit3A_344 = arith.constant 64 : i32
        %div3A_345 = arith.divsi %add3A_343, %jit3A_344 : i32
        %sign3A_346 = arith.constant 0 : i32
        %sign3A_347 = arith.cmpi sgt, %add3A_343, %sign3A_346 : i32
        %sign3A_348 = arith.extui %sign3A_347 : i1 to i32
        %sign3A_349 = arith.constant 0 : i32
        %sign3A_350 = arith.cmpi slt, %add3A_343, %sign3A_349 : i32
        %sign3A_351 = arith.extui %sign3A_350 : i1 to i32
        %sign3A_352 = arith.subi %sign3A_348, %sign3A_351 : i32
        %sign3A_353 = arith.constant 0 : i32
        %sign3A_354 = arith.cmpi sgt, %jit3A_344, %sign3A_353 : i32
        %sign3A_355 = arith.extui %sign3A_354 : i1 to i32
        %sign3A_356 = arith.constant 0 : i32
        %sign3A_357 = arith.cmpi slt, %jit3A_344, %sign3A_356 : i32
        %sign3A_358 = arith.extui %sign3A_357 : i1 to i32
        %sign3A_359 = arith.subi %sign3A_355, %sign3A_358 : i32
        %ne3A_360 = arith.cmpi ne, %sign3A_352, %sign3A_359 : i32
        %rem3A_361 = arith.remsi %add3A_343, %jit3A_344 : i32
        %ne3A_362 = arith.constant 0 : i32
        %ne3A_363 = arith.cmpi ne, %rem3A_361, %ne3A_362 : i32
        %and3A_364 = arith.andi %ne3A_360, %ne3A_363 : i1
        %sub3A_365 = arith.constant 1 : i32
        %sub3A_366 = arith.subi %div3A_345, %sub3A_365 : i32
        %select_n3A_367 = arith.select %and3A_364, %sub3A_366, %div3A_345 : i32
        %mul3A_368 = arith.constant 128 : i32
        %mul3A_369 = arith.muli %add3A_285, %mul3A_368 : i32
        %add3A_370 = arith.addi %mul3A_369, %add3A_286 : i32
        %jit3A_371 = arith.constant 64 : i32
        %eq3A_372 = arith.constant 0 : i32
        %eq3A_373 = arith.cmpi eq, %jit3A_371, %eq3A_372 : i32
        %jit3A_374 = arith.constant 1 : i32
        %select_n3A_375 = arith.select %eq3A_373, %jit3A_374, %jit3A_371 : i32
        %rem3A_376 = arith.remsi %add3A_370, %select_n3A_375 : i32
        %ne3A_377 = arith.constant 0 : i32
        %ne3A_378 = arith.cmpi ne, %rem3A_376, %ne3A_377 : i32
        %lt3A_379 = arith.constant 0 : i32
        %lt3A_380 = arith.cmpi slt, %rem3A_376, %lt3A_379 : i32
        %lt3A_381 = arith.constant 0 : i32
        %lt3A_382 = arith.cmpi slt, %select_n3A_375, %lt3A_381 : i32
        %ne3A_383 = arith.xori %lt3A_380, %lt3A_382 : i1
        %and3A_384 = arith.andi %ne3A_383, %ne3A_378 : i1
        %add3A_385 = arith.addi %rem3A_376, %select_n3A_375 : i32
        %select_n3A_386 = arith.select %and3A_384, %add3A_385, %rem3A_376 : i32
        %mul3A_387 = arith.constant 128 : i32
        %mul3A_388 = arith.muli %add3A_321, %mul3A_387 : i32
        %add3A_389 = arith.addi %mul3A_388, %add3A_322 : i32
        %jit3A_390 = arith.constant 64 : i32
        %div3A_391 = arith.divsi %add3A_389, %jit3A_390 : i32
        %sign3A_392 = arith.constant 0 : i32
        %sign3A_393 = arith.cmpi sgt, %add3A_389, %sign3A_392 : i32
        %sign3A_394 = arith.extui %sign3A_393 : i1 to i32
        %sign3A_395 = arith.constant 0 : i32
        %sign3A_396 = arith.cmpi slt, %add3A_389, %sign3A_395 : i32
        %sign3A_397 = arith.extui %sign3A_396 : i1 to i32
        %sign3A_398 = arith.subi %sign3A_394, %sign3A_397 : i32
        %sign3A_399 = arith.constant 0 : i32
        %sign3A_400 = arith.cmpi sgt, %jit3A_390, %sign3A_399 : i32
        %sign3A_401 = arith.extui %sign3A_400 : i1 to i32
        %sign3A_402 = arith.constant 0 : i32
        %sign3A_403 = arith.cmpi slt, %jit3A_390, %sign3A_402 : i32
        %sign3A_404 = arith.extui %sign3A_403 : i1 to i32
        %sign3A_405 = arith.subi %sign3A_401, %sign3A_404 : i32
        %ne3A_406 = arith.cmpi ne, %sign3A_398, %sign3A_405 : i32
        %rem3A_407 = arith.remsi %add3A_389, %jit3A_390 : i32
        %ne3A_408 = arith.constant 0 : i32
        %ne3A_409 = arith.cmpi ne, %rem3A_407, %ne3A_408 : i32
        %and3A_410 = arith.andi %ne3A_406, %ne3A_409 : i1
        %sub3A_411 = arith.constant 1 : i32
        %sub3A_412 = arith.subi %div3A_391, %sub3A_411 : i32
        %select_n3A_413 = arith.select %and3A_410, %sub3A_412, %div3A_391 : i32
        %mul3A_414 = arith.constant 128 : i32
        %mul3A_415 = arith.muli %add3A_321, %mul3A_414 : i32
        %add3A_416 = arith.addi %mul3A_415, %add3A_322 : i32
        %jit3A_417 = arith.constant 64 : i32
        %eq3A_418 = arith.constant 0 : i32
        %eq3A_419 = arith.cmpi eq, %jit3A_417, %eq3A_418 : i32
        %jit3A_420 = arith.constant 1 : i32
        %select_n3A_421 = arith.select %eq3A_419, %jit3A_420, %jit3A_417 : i32
        %rem3A_422 = arith.remsi %add3A_416, %select_n3A_421 : i32
        %ne3A_423 = arith.constant 0 : i32
        %ne3A_424 = arith.cmpi ne, %rem3A_422, %ne3A_423 : i32
        %lt3A_425 = arith.constant 0 : i32
        %lt3A_426 = arith.cmpi slt, %rem3A_422, %lt3A_425 : i32
        %lt3A_427 = arith.constant 0 : i32
        %lt3A_428 = arith.cmpi slt, %select_n3A_421, %lt3A_427 : i32
        %ne3A_429 = arith.xori %lt3A_426, %lt3A_428 : i1
        %and3A_430 = arith.andi %ne3A_429, %ne3A_424 : i1
        %add3A_431 = arith.addi %rem3A_422, %select_n3A_421 : i32
        %select_n3A_432 = arith.select %and3A_430, %add3A_431, %rem3A_422 : i32
        %ne3A_433 = arith.cmpi ne, %select_n3A_367, %select_n3A_413 : i32
        %ne3A_434 = arith.cmpi ne, %select_n3A_386, %select_n3A_432 : i32
        %or3A = arith.constant false
        %or3A_435 = arith.ori %or3A, %ne3A_433 : i1
        %or3A_436 = arith.ori %or3A_435, %ne3A_434 : i1
        %or3A_437 = arith.constant false
        %or3A_438 = arith.ori %or3A_436, %or3A_437 : i1
        %ge3A = arith.constant 7 : i32
        %ge3A_439 = arith.cmpi sge, %scan3A_273, %ge3A : i32
        %not3A = arith.constant true
        %not3A_440 = arith.xori %ge3A_439, %not3A : i1
        %and3A_441 = arith.andi %or3A_438, %not3A_440 : i1
        %convert_element_type3A = arith.extui %and3A_441 : i1 to i32
        %cond3A = arith.constant 0 : i32
        %cond3A_442 = arith.cmpi ne, %convert_element_type3A, %cond3A : i32
        scf.if %cond3A_442 {
          "tpu.trace_start"() <{level = 10 : i32, message = "ep_copy_in"}> : () -> ()
          %rem3A_1304 = arith.constant 2 : i32
          %rem3A_1305 = arith.remui %scan3A_274, %rem3A_1304 : i32
          %mul3A_1306 = arith.constant 128 : i32
          %mul3A_1307 = arith.muli %add3A_321, %mul3A_1306 : i32
          %add3A_1308 = arith.addi %mul3A_1307, %add3A_322 : i32
          %jit3A_1309 = arith.constant 64 : i32
          %div3A_1310 = arith.divsi %add3A_1308, %jit3A_1309 : i32
          %sign3A_1311 = arith.constant 0 : i32
          %sign3A_1312 = arith.cmpi sgt, %add3A_1308, %sign3A_1311 : i32
          %sign3A_1313 = arith.extui %sign3A_1312 : i1 to i32
          %sign3A_1314 = arith.constant 0 : i32
          %sign3A_1315 = arith.cmpi slt, %add3A_1308, %sign3A_1314 : i32
          %sign3A_1316 = arith.extui %sign3A_1315 : i1 to i32
          %sign3A_1317 = arith.subi %sign3A_1313, %sign3A_1316 : i32
          %sign3A_1318 = arith.constant 0 : i32
          %sign3A_1319 = arith.cmpi sgt, %jit3A_1309, %sign3A_1318 : i32
          %sign3A_1320 = arith.extui %sign3A_1319 : i1 to i32
          %sign3A_1321 = arith.constant 0 : i32
          %sign3A_1322 = arith.cmpi slt, %jit3A_1309, %sign3A_1321 : i32
          %sign3A_1323 = arith.extui %sign3A_1322 : i1 to i32
          %sign3A_1324 = arith.subi %sign3A_1320, %sign3A_1323 : i32
          %ne3A_1325 = arith.cmpi ne, %sign3A_1317, %sign3A_1324 : i32
          %rem3A_1326 = arith.remsi %add3A_1308, %jit3A_1309 : i32
          %ne3A_1327 = arith.constant 0 : i32
          %ne3A_1328 = arith.cmpi ne, %rem3A_1326, %ne3A_1327 : i32
          %and3A_1329 = arith.andi %ne3A_1325, %ne3A_1328 : i1
          %sub3A_1330 = arith.constant 1 : i32
          %sub3A_1331 = arith.subi %div3A_1310, %sub3A_1330 : i32
          %select_n3A_1332 = arith.select %and3A_1329, %sub3A_1331, %div3A_1310 : i32
          %mul3A_1333 = arith.constant 128 : i32
          %mul3A_1334 = arith.muli %add3A_321, %mul3A_1333 : i32
          %add3A_1335 = arith.addi %mul3A_1334, %add3A_322 : i32
          %jit3A_1336 = arith.constant 64 : i32
          %eq3A_1337 = arith.constant 0 : i32
          %eq3A_1338 = arith.cmpi eq, %jit3A_1336, %eq3A_1337 : i32
          %jit3A_1339 = arith.constant 1 : i32
          %select_n3A_1340 = arith.select %eq3A_1338, %jit3A_1339, %jit3A_1336 : i32
          %rem3A_1341 = arith.remsi %add3A_1335, %select_n3A_1340 : i32
          %ne3A_1342 = arith.constant 0 : i32
          %ne3A_1343 = arith.cmpi ne, %rem3A_1341, %ne3A_1342 : i32
          %lt3A_1344 = arith.constant 0 : i32
          %lt3A_1345 = arith.cmpi slt, %rem3A_1341, %lt3A_1344 : i32
          %lt3A_1346 = arith.constant 0 : i32
          %lt3A_1347 = arith.cmpi slt, %select_n3A_1340, %lt3A_1346 : i32
          %ne3A_1348 = arith.xori %lt3A_1345, %lt3A_1347 : i1
          %and3A_1349 = arith.andi %ne3A_1348, %ne3A_1343 : i1
          %add3A_1350 = arith.addi %rem3A_1341, %select_n3A_1340 : i32
          %select_n3A_1351 = arith.select %and3A_1349, %add3A_1350, %rem3A_1341 : i32
          %mul3A_1352 = arith.constant 1 : i32
          %mul3A_1353 = arith.muli %mul3A_1352, %select_n3A_1332 : i32
          %mul3A_1354 = arith.constant 1 : i32
          %mul3A_1355 = arith.muli %mul3A_1354, %select_n3A_1351 : i32
          %dma_start3A_1356 = arith.constant 0 : i32
          %dma_start3A_1357 = arith.constant 0 : i32
          %dma_start3A_1358 = arith.constant 0 : i32
          %dma_start3A_1359 = tpu.memref_slice %run_scoped3A[%rem3A_1305, %dma_start3A_1356, %dma_start3A_1357, %dma_start3A_1358] : memref<2x1x1x128xi32, #tpu.memory_space<vmem>> -> memref<1x1x1x128xi32, #tpu.memory_space<vmem>>
          %dma_start3A_1360 = tpu.memref_squeeze %dma_start3A_1359 : memref<1x1x1x128xi32, #tpu.memory_space<vmem>> -> memref<1x1x128xi32, #tpu.memory_space<vmem>>
          %dma_start3A_1361 = arith.constant 0 : i32
          %dma_start3A_1362 = tpu.memref_slice %arg3[%mul3A_1353, %mul3A_1355, %dma_start3A_1361] : memref<4x64x128xi32, #tpu.memory_space<hbm>> -> memref<1x1x128xi32, #tpu.memory_space<hbm>>
          %dma_start3A_1363 = tpu.memref_slice %run_scoped3A_7[%rem3A_1305] : memref<2x!tpu.dma_semaphore, #tpu.memory_space<semaphore_mem>> -> memref<1x!tpu.dma_semaphore, #tpu.memory_space<semaphore_mem>>
          %dma_start3A_1364 = tpu.memref_squeeze %dma_start3A_1363 : memref<1x!tpu.dma_semaphore, #tpu.memory_space<semaphore_mem>> -> memref<!tpu.dma_semaphore, #tpu.memory_space<semaphore_mem>>
          %dma_start3A_1365 = arith.constant 0 : i32
          %dma_start3A_1366 = arith.constant 0 : i32
          %dma_start3A_1367 = arith.constant 0 : i32
          %dma_start3A_1368 = tpu.memref_slice %run_scoped3A[%rem3A_1305, %dma_start3A_1365, %dma_start3A_1366, %dma_start3A_1367] : memref<2x1x1x128xi32, #tpu.memory_space<vmem>> -> memref<1x1x1x128xi32, #tpu.memory_space<vmem>>
          %dma_start3A_1369 = tpu.memref_squeeze %dma_start3A_1368 : memref<1x1x1x128xi32, #tpu.memory_space<vmem>> -> memref<1x1x128xi32, #tpu.memory_space<vmem>>
          %dma_start3A_1370 = arith.constant 0 : i32
          %dma_start3A_1371 = tpu.memref_slice %arg3[%mul3A_1353, %mul3A_1355, %dma_start3A_1370] : memref<4x64x128xi32, #tpu.memory_space<hbm>> -> memref<1x1x128xi32, #tpu.memory_space<hbm>>
          tpu.enqueue_dma source(%dma_start3A_1371 : memref<1x1x128xi32, #tpu.memory_space<hbm>>) target(%dma_start3A_1369 : memref<1x1x128xi32, #tpu.memory_space<vmem>>) target_semaphore(%dma_start3A_1364 : memref<!tpu.dma_semaphore, #tpu.memory_space<semaphore_mem>>)
          "tpu.trace_stop"() : () -> ()
        } else {
        }
        %and3A_443 = arith.constant true
        %and3A_444 = arith.andi %and3A_441, %and3A_443 : i1
        %add3A_445 = arith.constant 1 : i32
        %add3A_446 = arith.addi %scan3A_274, %add3A_445 : i32
        %select_n3A_447 = arith.select %and3A_444, %add3A_446, %scan3A_274 : i32
        %mul3A_448 = arith.constant 128 : i32
        %mul3A_449 = arith.muli %add3A_285, %mul3A_448 : i32
        %add3A_450 = arith.addi %mul3A_449, %add3A_286 : i32
        %jit3A_451 = arith.constant 64 : i32
        %eq3A_452 = arith.constant 0 : i32
        %eq3A_453 = arith.cmpi eq, %jit3A_451, %eq3A_452 : i32
        %jit3A_454 = arith.constant 1 : i32
        %select_n3A_455 = arith.select %eq3A_453, %jit3A_454, %jit3A_451 : i32
        %rem3A_456 = arith.remsi %add3A_450, %select_n3A_455 : i32
        %ne3A_457 = arith.constant 0 : i32
        %ne3A_458 = arith.cmpi ne, %rem3A_456, %ne3A_457 : i32
        %lt3A_459 = arith.constant 0 : i32
        %lt3A_460 = arith.cmpi slt, %rem3A_456, %lt3A_459 : i32
        %lt3A_461 = arith.constant 0 : i32
        %lt3A_462 = arith.cmpi slt, %select_n3A_455, %lt3A_461 : i32
        %ne3A_463 = arith.xori %lt3A_460, %lt3A_462 : i1
        %and3A_464 = arith.andi %ne3A_463, %ne3A_458 : i1
        %add3A_465 = arith.addi %rem3A_456, %select_n3A_455 : i32
        %select_n3A_466 = arith.select %and3A_464, %add3A_465, %rem3A_456 : i32
        %mul3A_467 = arith.constant 128 : i32
        %mul3A_468 = arith.muli %add3A_285, %mul3A_467 : i32
        %add3A_469 = arith.addi %mul3A_468, %add3A_286 : i32
        %jit3A_470 = arith.constant 64 : i32
        %div3A_471 = arith.divsi %add3A_469, %jit3A_470 : i32
        %sign3A_472 = arith.constant 0 : i32
        %sign3A_473 = arith.cmpi sgt, %add3A_469, %sign3A_472 : i32
        %sign3A_474 = arith.extui %sign3A_473 : i1 to i32
        %sign3A_475 = arith.constant 0 : i32
        %sign3A_476 = arith.cmpi slt, %add3A_469, %sign3A_475 : i32
        %sign3A_477 = arith.extui %sign3A_476 : i1 to i32
        %sign3A_478 = arith.subi %sign3A_474, %sign3A_477 : i32
        %sign3A_479 = arith.constant 0 : i32
        %sign3A_480 = arith.cmpi sgt, %jit3A_470, %sign3A_479 : i32
        %sign3A_481 = arith.extui %sign3A_480 : i1 to i32
        %sign3A_482 = arith.constant 0 : i32
        %sign3A_483 = arith.cmpi slt, %jit3A_470, %sign3A_482 : i32
        %sign3A_484 = arith.extui %sign3A_483 : i1 to i32
        %sign3A_485 = arith.subi %sign3A_481, %sign3A_484 : i32
        %ne3A_486 = arith.cmpi ne, %sign3A_478, %sign3A_485 : i32
        %rem3A_487 = arith.remsi %add3A_469, %jit3A_470 : i32
        %ne3A_488 = arith.constant 0 : i32
        %ne3A_489 = arith.cmpi ne, %rem3A_487, %ne3A_488 : i32
        %and3A_490 = arith.andi %ne3A_486, %ne3A_489 : i1
        %sub3A_491 = arith.constant 1 : i32
        %sub3A_492 = arith.subi %div3A_471, %sub3A_491 : i32
        %select_n3A_493 = arith.select %and3A_490, %sub3A_492, %div3A_471 : i32
        %mul3A_494 = arith.constant 128 : i32
        %mul3A_495 = arith.muli %add3A_321, %mul3A_494 : i32
        %add3A_496 = arith.addi %mul3A_495, %add3A_322 : i32
        %jit3A_497 = arith.constant 64 : i32
        %eq3A_498 = arith.constant 0 : i32
        %eq3A_499 = arith.cmpi eq, %jit3A_497, %eq3A_498 : i32
        %jit3A_500 = arith.constant 1 : i32
        %select_n3A_501 = arith.select %eq3A_499, %jit3A_500, %jit3A_497 : i32
        %rem3A_502 = arith.remsi %add3A_496, %select_n3A_501 : i32
        %ne3A_503 = arith.constant 0 : i32
        %ne3A_504 = arith.cmpi ne, %rem3A_502, %ne3A_503 : i32
        %lt3A_505 = arith.constant 0 : i32
        %lt3A_506 = arith.cmpi slt, %rem3A_502, %lt3A_505 : i32
        %lt3A_507 = arith.constant 0 : i32
        %lt3A_508 = arith.cmpi slt, %select_n3A_501, %lt3A_507 : i32
        %ne3A_509 = arith.xori %lt3A_506, %lt3A_508 : i1
        %and3A_510 = arith.andi %ne3A_509, %ne3A_504 : i1
        %add3A_511 = arith.addi %rem3A_502, %select_n3A_501 : i32
        %select_n3A_512 = arith.select %and3A_510, %add3A_511, %rem3A_502 : i32
        %mul3A_513 = arith.constant 128 : i32
        %mul3A_514 = arith.muli %add3A_321, %mul3A_513 : i32
        %add3A_515 = arith.addi %mul3A_514, %add3A_322 : i32
        %jit3A_516 = arith.constant 64 : i32
        %div3A_517 = arith.divsi %add3A_515, %jit3A_516 : i32
        %sign3A_518 = arith.constant 0 : i32
        %sign3A_519 = arith.cmpi sgt, %add3A_515, %sign3A_518 : i32
        %sign3A_520 = arith.extui %sign3A_519 : i1 to i32
        %sign3A_521 = arith.constant 0 : i32
        %sign3A_522 = arith.cmpi slt, %add3A_515, %sign3A_521 : i32
        %sign3A_523 = arith.extui %sign3A_522 : i1 to i32
        %sign3A_524 = arith.subi %sign3A_520, %sign3A_523 : i32
        %sign3A_525 = arith.constant 0 : i32
        %sign3A_526 = arith.cmpi sgt, %jit3A_516, %sign3A_525 : i32
        %sign3A_527 = arith.extui %sign3A_526 : i1 to i32
        %sign3A_528 = arith.constant 0 : i32
        %sign3A_529 = arith.cmpi slt, %jit3A_516, %sign3A_528 : i32
        %sign3A_530 = arith.extui %sign3A_529 : i1 to i32
        %sign3A_531 = arith.subi %sign3A_527, %sign3A_530 : i32
        %ne3A_532 = arith.cmpi ne, %sign3A_524, %sign3A_531 : i32
        %rem3A_533 = arith.remsi %add3A_515, %jit3A_516 : i32
        %ne3A_534 = arith.constant 0 : i32
        %ne3A_535 = arith.cmpi ne, %rem3A_533, %ne3A_534 : i32
        %and3A_536 = arith.andi %ne3A_532, %ne3A_535 : i1
        %sub3A_537 = arith.constant 1 : i32
        %sub3A_538 = arith.subi %div3A_517, %sub3A_537 : i32
        %select_n3A_539 = arith.select %and3A_536, %sub3A_538, %div3A_517 : i32
        %ne3A_540 = arith.cmpi ne, %select_n3A_466, %select_n3A_512 : i32
        %ne3A_541 = arith.cmpi ne, %select_n3A_493, %select_n3A_539 : i32
        %or3A_542 = arith.constant false
        %or3A_543 = arith.ori %or3A_542, %ne3A_540 : i1
        %or3A_544 = arith.ori %or3A_543, %ne3A_541 : i1
        %ge3A_545 = arith.constant 7 : i32
        %ge3A_546 = arith.cmpi sge, %scan3A_273, %ge3A_545 : i32
        %not3A_547 = arith.constant true
        %not3A_548 = arith.xori %ge3A_546, %not3A_547 : i1
        %and3A_549 = arith.andi %or3A_544, %not3A_548 : i1
        %mul3A_550 = arith.constant 128 : i32
        %mul3A_551 = arith.muli %add3A_285, %mul3A_550 : i32
        %add3A_552 = arith.addi %mul3A_551, %add3A_286 : i32
        %jit3A_553 = arith.constant 64 : i32
        %div3A_554 = arith.divsi %add3A_552, %jit3A_553 : i32
        %sign3A_555 = arith.constant 0 : i32
        %sign3A_556 = arith.cmpi sgt, %add3A_552, %sign3A_555 : i32
        %sign3A_557 = arith.extui %sign3A_556 : i1 to i32
        %sign3A_558 = arith.constant 0 : i32
        %sign3A_559 = arith.cmpi slt, %add3A_552, %sign3A_558 : i32
        %sign3A_560 = arith.extui %sign3A_559 : i1 to i32
        %sign3A_561 = arith.subi %sign3A_557, %sign3A_560 : i32
        %sign3A_562 = arith.constant 0 : i32
        %sign3A_563 = arith.cmpi sgt, %jit3A_553, %sign3A_562 : i32
        %sign3A_564 = arith.extui %sign3A_563 : i1 to i32
        %sign3A_565 = arith.constant 0 : i32
        %sign3A_566 = arith.cmpi slt, %jit3A_553, %sign3A_565 : i32
        %sign3A_567 = arith.extui %sign3A_566 : i1 to i32
        %sign3A_568 = arith.subi %sign3A_564, %sign3A_567 : i32
        %ne3A_569 = arith.cmpi ne, %sign3A_561, %sign3A_568 : i32
        %rem3A_570 = arith.remsi %add3A_552, %jit3A_553 : i32
        %ne3A_571 = arith.constant 0 : i32
        %ne3A_572 = arith.cmpi ne, %rem3A_570, %ne3A_571 : i32
        %and3A_573 = arith.andi %ne3A_569, %ne3A_572 : i1
        %sub3A_574 = arith.constant 1 : i32
        %sub3A_575 = arith.subi %div3A_554, %sub3A_574 : i32
        %select_n3A_576 = arith.select %and3A_573, %sub3A_575, %div3A_554 : i32
        %mul3A_577 = arith.constant 128 : i32
        %mul3A_578 = arith.muli %add3A_285, %mul3A_577 : i32
        %add3A_579 = arith.addi %mul3A_578, %add3A_286 : i32
        %jit3A_580 = arith.constant 64 : i32
        %eq3A_581 = arith.constant 0 : i32
        %eq3A_582 = arith.cmpi eq, %jit3A_580, %eq3A_581 : i32
        %jit3A_583 = arith.constant 1 : i32
        %select_n3A_584 = arith.select %eq3A_582, %jit3A_583, %jit3A_580 : i32
        %rem3A_585 = arith.remsi %add3A_579, %select_n3A_584 : i32
        %ne3A_586 = arith.constant 0 : i32
        %ne3A_587 = arith.cmpi ne, %rem3A_585, %ne3A_586 : i32
        %lt3A_588 = arith.constant 0 : i32
        %lt3A_589 = arith.cmpi slt, %rem3A_585, %lt3A_588 : i32
        %lt3A_590 = arith.constant 0 : i32
        %lt3A_591 = arith.cmpi slt, %select_n3A_584, %lt3A_590 : i32
        %ne3A_592 = arith.xori %lt3A_589, %lt3A_591 : i1
        %and3A_593 = arith.andi %ne3A_592, %ne3A_587 : i1
        %add3A_594 = arith.addi %rem3A_585, %select_n3A_584 : i32
        %select_n3A_595 = arith.select %and3A_593, %add3A_594, %rem3A_585 : i32
        %mul3A_596 = arith.constant 128 : i32
        %mul3A_597 = arith.muli %add3A_303, %mul3A_596 : i32
        %add3A_598 = arith.addi %mul3A_597, %add3A_304 : i32
        %jit3A_599 = arith.constant 64 : i32
        %div3A_600 = arith.divsi %add3A_598, %jit3A_599 : i32
        %sign3A_601 = arith.constant 0 : i32
        %sign3A_602 = arith.cmpi sgt, %add3A_598, %sign3A_601 : i32
        %sign3A_603 = arith.extui %sign3A_602 : i1 to i32
        %sign3A_604 = arith.constant 0 : i32
        %sign3A_605 = arith.cmpi slt, %add3A_598, %sign3A_604 : i32
        %sign3A_606 = arith.extui %sign3A_605 : i1 to i32
        %sign3A_607 = arith.subi %sign3A_603, %sign3A_606 : i32
        %sign3A_608 = arith.constant 0 : i32
        %sign3A_609 = arith.cmpi sgt, %jit3A_599, %sign3A_608 : i32
        %sign3A_610 = arith.extui %sign3A_609 : i1 to i32
        %sign3A_611 = arith.constant 0 : i32
        %sign3A_612 = arith.cmpi slt, %jit3A_599, %sign3A_611 : i32
        %sign3A_613 = arith.extui %sign3A_612 : i1 to i32
        %sign3A_614 = arith.subi %sign3A_610, %sign3A_613 : i32
        %ne3A_615 = arith.cmpi ne, %sign3A_607, %sign3A_614 : i32
        %rem3A_616 = arith.remsi %add3A_598, %jit3A_599 : i32
        %ne3A_617 = arith.constant 0 : i32
        %ne3A_618 = arith.cmpi ne, %rem3A_616, %ne3A_617 : i32
        %and3A_619 = arith.andi %ne3A_615, %ne3A_618 : i1
        %sub3A_620 = arith.constant 1 : i32
        %sub3A_621 = arith.subi %div3A_600, %sub3A_620 : i32
        %select_n3A_622 = arith.select %and3A_619, %sub3A_621, %div3A_600 : i32
        %mul3A_623 = arith.constant 128 : i32
        %mul3A_624 = arith.muli %add3A_303, %mul3A_623 : i32
        %add3A_625 = arith.addi %mul3A_624, %add3A_304 : i32
        %jit3A_626 = arith.constant 64 : i32
        %eq3A_627 = arith.constant 0 : i32
        %eq3A_628 = arith.cmpi eq, %jit3A_626, %eq3A_627 : i32
        %jit3A_629 = arith.constant 1 : i32
        %select_n3A_630 = arith.select %eq3A_628, %jit3A_629, %jit3A_626 : i32
        %rem3A_631 = arith.remsi %add3A_625, %select_n3A_630 : i32
        %ne3A_632 = arith.constant 0 : i32
        %ne3A_633 = arith.cmpi ne, %rem3A_631, %ne3A_632 : i32
        %lt3A_634 = arith.constant 0 : i32
        %lt3A_635 = arith.cmpi slt, %rem3A_631, %lt3A_634 : i32
        %lt3A_636 = arith.constant 0 : i32
        %lt3A_637 = arith.cmpi slt, %select_n3A_630, %lt3A_636 : i32
        %ne3A_638 = arith.xori %lt3A_635, %lt3A_637 : i1
        %and3A_639 = arith.andi %ne3A_638, %ne3A_633 : i1
        %add3A_640 = arith.addi %rem3A_631, %select_n3A_630 : i32
        %select_n3A_641 = arith.select %and3A_639, %add3A_640, %rem3A_631 : i32
        %ne3A_642 = arith.cmpi ne, %select_n3A_576, %select_n3A_622 : i32
        %ne3A_643 = arith.cmpi ne, %select_n3A_595, %select_n3A_641 : i32
        %or3A_644 = arith.constant false
        %or3A_645 = arith.ori %or3A_644, %ne3A_642 : i1
        %or3A_646 = arith.ori %or3A_645, %ne3A_643 : i1
        %or3A_647 = arith.constant false
        %or3A_648 = arith.ori %or3A_646, %or3A_647 : i1
        %or3A_649 = arith.ori %or3A_648, %eq3A_281 : i1
        %convert_element_type3A_650 = arith.extui %or3A_649 : i1 to i32
        %cond3A_651 = arith.constant 0 : i32
        %cond3A_652 = arith.cmpi ne, %convert_element_type3A_650, %cond3A_651 : i32
        scf.if %cond3A_652 {
          "tpu.trace_start"() <{level = 10 : i32, message = "ep_wait_in"}> : () -> ()
          %mul3A_1304 = arith.constant 128 : i32
          %mul3A_1305 = arith.muli %add3A_285, %mul3A_1304 : i32
          %add3A_1306 = arith.addi %mul3A_1305, %add3A_286 : i32
          %jit3A_1307 = arith.constant 64 : i32
          %div3A_1308 = arith.divsi %add3A_1306, %jit3A_1307 : i32
          %sign3A_1309 = arith.constant 0 : i32
          %sign3A_1310 = arith.cmpi sgt, %add3A_1306, %sign3A_1309 : i32
          %sign3A_1311 = arith.extui %sign3A_1310 : i1 to i32
          %sign3A_1312 = arith.constant 0 : i32
          %sign3A_1313 = arith.cmpi slt, %add3A_1306, %sign3A_1312 : i32
          %sign3A_1314 = arith.extui %sign3A_1313 : i1 to i32
          %sign3A_1315 = arith.subi %sign3A_1311, %sign3A_1314 : i32
          %sign3A_1316 = arith.constant 0 : i32
          %sign3A_1317 = arith.cmpi sgt, %jit3A_1307, %sign3A_1316 : i32
          %sign3A_1318 = arith.extui %sign3A_1317 : i1 to i32
          %sign3A_1319 = arith.constant 0 : i32
          %sign3A_1320 = arith.cmpi slt, %jit3A_1307, %sign3A_1319 : i32
          %sign3A_1321 = arith.extui %sign3A_1320 : i1 to i32
          %sign3A_1322 = arith.subi %sign3A_1318, %sign3A_1321 : i32
          %ne3A_1323 = arith.cmpi ne, %sign3A_1315, %sign3A_1322 : i32
          %rem3A_1324 = arith.remsi %add3A_1306, %jit3A_1307 : i32
          %ne3A_1325 = arith.constant 0 : i32
          %ne3A_1326 = arith.cmpi ne, %rem3A_1324, %ne3A_1325 : i32
          %and3A_1327 = arith.andi %ne3A_1323, %ne3A_1326 : i1
          %sub3A_1328 = arith.constant 1 : i32
          %sub3A_1329 = arith.subi %div3A_1308, %sub3A_1328 : i32
          %select_n3A_1330 = arith.select %and3A_1327, %sub3A_1329, %div3A_1308 : i32
          %mul3A_1331 = arith.constant 128 : i32
          %mul3A_1332 = arith.muli %add3A_285, %mul3A_1331 : i32
          %add3A_1333 = arith.addi %mul3A_1332, %add3A_286 : i32
          %jit3A_1334 = arith.constant 64 : i32
          %eq3A_1335 = arith.constant 0 : i32
          %eq3A_1336 = arith.cmpi eq, %jit3A_1334, %eq3A_1335 : i32
          %jit3A_1337 = arith.constant 1 : i32
          %select_n3A_1338 = arith.select %eq3A_1336, %jit3A_1337, %jit3A_1334 : i32
          %rem3A_1339 = arith.remsi %add3A_1333, %select_n3A_1338 : i32
          %ne3A_1340 = arith.constant 0 : i32
          %ne3A_1341 = arith.cmpi ne, %rem3A_1339, %ne3A_1340 : i32
          %lt3A_1342 = arith.constant 0 : i32
          %lt3A_1343 = arith.cmpi slt, %rem3A_1339, %lt3A_1342 : i32
          %lt3A_1344 = arith.constant 0 : i32
          %lt3A_1345 = arith.cmpi slt, %select_n3A_1338, %lt3A_1344 : i32
          %ne3A_1346 = arith.xori %lt3A_1343, %lt3A_1345 : i1
          %and3A_1347 = arith.andi %ne3A_1346, %ne3A_1341 : i1
          %add3A_1348 = arith.addi %rem3A_1339, %select_n3A_1338 : i32
          %select_n3A_1349 = arith.select %and3A_1347, %add3A_1348, %rem3A_1339 : i32
          %mul3A_1350 = arith.constant 1 : i32
          %mul3A_1351 = arith.muli %mul3A_1350, %select_n3A_1330 : i32
          %mul3A_1352 = arith.constant 1 : i32
          %mul3A_1353 = arith.muli %mul3A_1352, %select_n3A_1349 : i32
          %rem3A_1354 = arith.constant 2 : i32
          %rem3A_1355 = arith.remui %scan3A_275, %rem3A_1354 : i32
          %dma_wait3A_1356 = arith.constant 0 : i32
          %dma_wait3A_1357 = arith.constant 0 : i32
          %dma_wait3A_1358 = arith.constant 0 : i32
          %dma_wait3A_1359 = tpu.memref_slice %run_scoped3A[%rem3A_1355, %dma_wait3A_1356, %dma_wait3A_1357, %dma_wait3A_1358] : memref<2x1x1x128xi32, #tpu.memory_space<vmem>> -> memref<1x1x1x128xi32, #tpu.memory_space<vmem>>
          %dma_wait3A_1360 = tpu.memref_squeeze %dma_wait3A_1359 : memref<1x1x1x128xi32, #tpu.memory_space<vmem>> -> memref<1x1x128xi32, #tpu.memory_space<vmem>>
          %dma_wait3A_1361 = arith.constant 0 : i32
          %dma_wait3A_1362 = tpu.memref_slice %arg3[%mul3A_1351, %mul3A_1353, %dma_wait3A_1361] : memref<4x64x128xi32, #tpu.memory_space<hbm>> -> memref<1x1x128xi32, #tpu.memory_space<hbm>>
          %dma_wait3A_1363 = tpu.memref_slice %run_scoped3A_7[%rem3A_1355] : memref<2x!tpu.dma_semaphore, #tpu.memory_space<semaphore_mem>> -> memref<1x!tpu.dma_semaphore, #tpu.memory_space<semaphore_mem>>
          %dma_wait3A_1364 = tpu.memref_squeeze %dma_wait3A_1363 : memref<1x!tpu.dma_semaphore, #tpu.memory_space<semaphore_mem>> -> memref<!tpu.dma_semaphore, #tpu.memory_space<semaphore_mem>>
          %dma_wait3A_1365 = arith.constant 0 : i32
          %dma_wait3A_1366 = arith.constant 0 : i32
          %dma_wait3A_1367 = arith.constant 0 : i32
          %dma_wait3A_1368 = tpu.memref_slice %run_scoped3A[%rem3A_1355, %dma_wait3A_1365, %dma_wait3A_1366, %dma_wait3A_1367] : memref<2x1x1x128xi32, #tpu.memory_space<vmem>> -> memref<1x1x1x128xi32, #tpu.memory_space<vmem>>
          %dma_wait3A_1369 = tpu.memref_squeeze %dma_wait3A_1368 : memref<1x1x1x128xi32, #tpu.memory_space<vmem>> -> memref<1x1x128xi32, #tpu.memory_space<vmem>>
          %dma_wait3A_1370 = arith.constant 0 : i32
          %dma_wait3A_1371 = tpu.memref_slice %arg3[%mul3A_1351, %mul3A_1353, %dma_wait3A_1370] : memref<4x64x128xi32, #tpu.memory_space<hbm>> -> memref<1x1x128xi32, #tpu.memory_space<hbm>>
          tpu.wait_dma2 semaphore(%dma_wait3A_1364 : memref<!tpu.dma_semaphore, #tpu.memory_space<semaphore_mem>>) src(%dma_wait3A_1371 : memref<1x1x128xi32, #tpu.memory_space<hbm>>) dst(%dma_wait3A_1369 : memref<1x1x128xi32, #tpu.memory_space<vmem>>)
          "tpu.trace_stop"() : () -> ()
        } else {
        }
        %mul3A_653 = arith.constant 128 : i32
        %mul3A_654 = arith.muli %add3A_285, %mul3A_653 : i32
        %add3A_655 = arith.addi %mul3A_654, %add3A_286 : i32
        %jit3A_656 = arith.constant 64 : i32
        %eq3A_657 = arith.constant 0 : i32
        %eq3A_658 = arith.cmpi eq, %jit3A_656, %eq3A_657 : i32
        %jit3A_659 = arith.constant 1 : i32
        %select_n3A_660 = arith.select %eq3A_658, %jit3A_659, %jit3A_656 : i32
        %rem3A_661 = arith.remsi %add3A_655, %select_n3A_660 : i32
        %ne3A_662 = arith.constant 0 : i32
        %ne3A_663 = arith.cmpi ne, %rem3A_661, %ne3A_662 : i32
        %lt3A_664 = arith.constant 0 : i32
        %lt3A_665 = arith.cmpi slt, %rem3A_661, %lt3A_664 : i32
        %lt3A_666 = arith.constant 0 : i32
        %lt3A_667 = arith.cmpi slt, %select_n3A_660, %lt3A_666 : i32
        %ne3A_668 = arith.xori %lt3A_665, %lt3A_667 : i1
        %and3A_669 = arith.andi %ne3A_668, %ne3A_663 : i1
        %add3A_670 = arith.addi %rem3A_661, %select_n3A_660 : i32
        %select_n3A_671 = arith.select %and3A_669, %add3A_670, %rem3A_661 : i32
        %mul3A_672 = arith.constant 128 : i32
        %mul3A_673 = arith.muli %add3A_285, %mul3A_672 : i32
        %add3A_674 = arith.addi %mul3A_673, %add3A_286 : i32
        %jit3A_675 = arith.constant 64 : i32
        %div3A_676 = arith.divsi %add3A_674, %jit3A_675 : i32
        %sign3A_677 = arith.constant 0 : i32
        %sign3A_678 = arith.cmpi sgt, %add3A_674, %sign3A_677 : i32
        %sign3A_679 = arith.extui %sign3A_678 : i1 to i32
        %sign3A_680 = arith.constant 0 : i32
        %sign3A_681 = arith.cmpi slt, %add3A_674, %sign3A_680 : i32
        %sign3A_682 = arith.extui %sign3A_681 : i1 to i32
        %sign3A_683 = arith.subi %sign3A_679, %sign3A_682 : i32
        %sign3A_684 = arith.constant 0 : i32
        %sign3A_685 = arith.cmpi sgt, %jit3A_675, %sign3A_684 : i32
        %sign3A_686 = arith.extui %sign3A_685 : i1 to i32
        %sign3A_687 = arith.constant 0 : i32
        %sign3A_688 = arith.cmpi slt, %jit3A_675, %sign3A_687 : i32
        %sign3A_689 = arith.extui %sign3A_688 : i1 to i32
        %sign3A_690 = arith.subi %sign3A_686, %sign3A_689 : i32
        %ne3A_691 = arith.cmpi ne, %sign3A_683, %sign3A_690 : i32
        %rem3A_692 = arith.remsi %add3A_674, %jit3A_675 : i32
        %ne3A_693 = arith.constant 0 : i32
        %ne3A_694 = arith.cmpi ne, %rem3A_692, %ne3A_693 : i32
        %and3A_695 = arith.andi %ne3A_691, %ne3A_694 : i1
        %sub3A_696 = arith.constant 1 : i32
        %sub3A_697 = arith.subi %div3A_676, %sub3A_696 : i32
        %select_n3A_698 = arith.select %and3A_695, %sub3A_697, %div3A_676 : i32
        %mul3A_699 = arith.constant 128 : i32
        %mul3A_700 = arith.muli %add3A_303, %mul3A_699 : i32
        %add3A_701 = arith.addi %mul3A_700, %add3A_304 : i32
        %jit3A_702 = arith.constant 64 : i32
        %eq3A_703 = arith.constant 0 : i32
        %eq3A_704 = arith.cmpi eq, %jit3A_702, %eq3A_703 : i32
        %jit3A_705 = arith.constant 1 : i32
        %select_n3A_706 = arith.select %eq3A_704, %jit3A_705, %jit3A_702 : i32
        %rem3A_707 = arith.remsi %add3A_701, %select_n3A_706 : i32
        %ne3A_708 = arith.constant 0 : i32
        %ne3A_709 = arith.cmpi ne, %rem3A_707, %ne3A_708 : i32
        %lt3A_710 = arith.constant 0 : i32
        %lt3A_711 = arith.cmpi slt, %rem3A_707, %lt3A_710 : i32
        %lt3A_712 = arith.constant 0 : i32
        %lt3A_713 = arith.cmpi slt, %select_n3A_706, %lt3A_712 : i32
        %ne3A_714 = arith.xori %lt3A_711, %lt3A_713 : i1
        %and3A_715 = arith.andi %ne3A_714, %ne3A_709 : i1
        %add3A_716 = arith.addi %rem3A_707, %select_n3A_706 : i32
        %select_n3A_717 = arith.select %and3A_715, %add3A_716, %rem3A_707 : i32
        %mul3A_718 = arith.constant 128 : i32
        %mul3A_719 = arith.muli %add3A_303, %mul3A_718 : i32
        %add3A_720 = arith.addi %mul3A_719, %add3A_304 : i32
        %jit3A_721 = arith.constant 64 : i32
        %div3A_722 = arith.divsi %add3A_720, %jit3A_721 : i32
        %sign3A_723 = arith.constant 0 : i32
        %sign3A_724 = arith.cmpi sgt, %add3A_720, %sign3A_723 : i32
        %sign3A_725 = arith.extui %sign3A_724 : i1 to i32
        %sign3A_726 = arith.constant 0 : i32
        %sign3A_727 = arith.cmpi slt, %add3A_720, %sign3A_726 : i32
        %sign3A_728 = arith.extui %sign3A_727 : i1 to i32
        %sign3A_729 = arith.subi %sign3A_725, %sign3A_728 : i32
        %sign3A_730 = arith.constant 0 : i32
        %sign3A_731 = arith.cmpi sgt, %jit3A_721, %sign3A_730 : i32
        %sign3A_732 = arith.extui %sign3A_731 : i1 to i32
        %sign3A_733 = arith.constant 0 : i32
        %sign3A_734 = arith.cmpi slt, %jit3A_721, %sign3A_733 : i32
        %sign3A_735 = arith.extui %sign3A_734 : i1 to i32
        %sign3A_736 = arith.subi %sign3A_732, %sign3A_735 : i32
        %ne3A_737 = arith.cmpi ne, %sign3A_729, %sign3A_736 : i32
        %rem3A_738 = arith.remsi %add3A_720, %jit3A_721 : i32
        %ne3A_739 = arith.constant 0 : i32
        %ne3A_740 = arith.cmpi ne, %rem3A_738, %ne3A_739 : i32
        %and3A_741 = arith.andi %ne3A_737, %ne3A_740 : i1
        %sub3A_742 = arith.constant 1 : i32
        %sub3A_743 = arith.subi %div3A_722, %sub3A_742 : i32
        %select_n3A_744 = arith.select %and3A_741, %sub3A_743, %div3A_722 : i32
        %ne3A_745 = arith.cmpi ne, %select_n3A_671, %select_n3A_717 : i32
        %ne3A_746 = arith.cmpi ne, %select_n3A_698, %select_n3A_744 : i32
        %or3A_747 = arith.constant false
        %or3A_748 = arith.ori %or3A_747, %ne3A_745 : i1
        %or3A_749 = arith.ori %or3A_748, %ne3A_746 : i1
        %or3A_750 = arith.ori %or3A_749, %eq3A_281 : i1
        %convert_element_type3A_751 = arith.extui %or3A_750 : i1 to i32
        %cond3A_752 = arith.constant 0 : i32
        %cond3A_753 = arith.cmpi ne, %convert_element_type3A_751, %cond3A_752 : i32
        scf.if %cond3A_753 {
        } else {
        }
        %rem3A_754 = arith.constant 2 : i32
        %rem3A_755 = arith.remui %scan3A_275, %rem3A_754 : i32
        %rem3A_756 = arith.constant 2 : i32
        %rem3A_757 = arith.remui %scan3A_276, %rem3A_756 : i32
        %run_scoped3A_758 = arith.constant 0 : i32
        %run_scoped3A_759 = arith.constant 0 : i32
        "tpu.trace_start"() <{level = 10 : i32, message = "ep_run_kernel"}> : () -> ()
        "tpu.region"() ({
          %run_scoped3A_1304 = tpu.sem_alloc : memref<!tpu.dma_semaphore, #tpu.memory_space<semaphore_mem>>
          %dma_start3A_1305 = arith.constant 0 : i32
          %dma_start3A_1306 = arith.constant 0 : i32
          %dma_start3A_1307 = tpu.memref_slice %run_scoped3A_8[%rem3A_757, %dma_start3A_1305, %dma_start3A_1306] : memref<2x128x256xf32, #tpu.memory_space<vmem>> -> memref<1x128x256xf32, #tpu.memory_space<vmem>>
          %dma_start3A_1308 = tpu.memref_squeeze %dma_start3A_1307 : memref<1x128x256xf32, #tpu.memory_space<vmem>> -> memref<128x256xf32, #tpu.memory_space<vmem>>
          %dma_start3A_1309 = arith.constant 0 : i32
          %dma_start3A_1310 = arith.constant 0 : i32
          %dma_start3A_1311 = arith.constant 0 : i32
          %dma_start3A_1312 = tpu.memref_slice %run_scoped3A[%rem3A_755, %dma_start3A_1309, %dma_start3A_1310, %dma_start3A_1311] : memref<2x1x1x128xi32, #tpu.memory_space<vmem>> -> memref<1x1x1x128xi32, #tpu.memory_space<vmem>>
          %dma_start3A_1313 = tpu.memref_squeeze %dma_start3A_1312 : memref<1x1x1x128xi32, #tpu.memory_space<vmem>> -> memref<1x1x128xi32, #tpu.memory_space<vmem>>
          %dma_start3A_1314 = arith.constant 0 : i32
          %dma_start3A_1315 = tpu.memref_slice %dma_start3A_1313[%run_scoped3A_758, %run_scoped3A_759, %dma_start3A_1314] : memref<1x1x128xi32, #tpu.memory_space<vmem>> -> memref<1x1x128xi32, #tpu.memory_space<vmem>>
          %dma_start3A_1316 = tpu.memref_squeeze %dma_start3A_1315 : memref<1x1x128xi32, #tpu.memory_space<vmem>> -> memref<128xi32, #tpu.memory_space<vmem>>
          %dma_start3A_1317 = arith.constant 0 : i32
          %dma_start3A_1318 = arith.constant 0 : i32
          %dma_start3A_1319 = tpu.memref_slice %arg2[%dma_start3A_1317, %dma_start3A_1318] : memref<36864x256xf32, #tpu.memory_space<hbm>> -> memref<36864x256xf32, #tpu.memory_space<hbm>>
          tpu.enqueue_indirect_dma source(%dma_start3A_1319 : memref<36864x256xf32, #tpu.memory_space<hbm>>) target(%dma_start3A_1308 : memref<128x256xf32, #tpu.memory_space<vmem>>) offsets(%dma_start3A_1316 : memref<128xi32, #tpu.memory_space<vmem>>) semaphore(%run_scoped3A_1304 : memref<!tpu.dma_semaphore, #tpu.memory_space<semaphore_mem>>)
          %dma_wait3A_1320 = arith.constant 0 : i32
          %dma_wait3A_1321 = arith.constant 0 : i32
          %dma_wait3A_1322 = tpu.memref_slice %run_scoped3A_8[%rem3A_757, %dma_wait3A_1320, %dma_wait3A_1321] : memref<2x128x256xf32, #tpu.memory_space<vmem>> -> memref<1x128x256xf32, #tpu.memory_space<vmem>>
          %dma_wait3A_1323 = tpu.memref_squeeze %dma_wait3A_1322 : memref<1x128x256xf32, #tpu.memory_space<vmem>> -> memref<128x256xf32, #tpu.memory_space<vmem>>
          %dma_wait3A_1324 = arith.constant 0 : i32
          %dma_wait3A_1325 = arith.constant 0 : i32
          %dma_wait3A_1326 = arith.constant 0 : i32
          %dma_wait3A_1327 = tpu.memref_slice %run_scoped3A[%rem3A_755, %dma_wait3A_1324, %dma_wait3A_1325, %dma_wait3A_1326] : memref<2x1x1x128xi32, #tpu.memory_space<vmem>> -> memref<1x1x1x128xi32, #tpu.memory_space<vmem>>
          %dma_wait3A_1328 = tpu.memref_squeeze %dma_wait3A_1327 : memref<1x1x1x128xi32, #tpu.memory_space<vmem>> -> memref<1x1x128xi32, #tpu.memory_space<vmem>>
          %dma_wait3A_1329 = arith.constant 0 : i32
          %dma_wait3A_1330 = tpu.memref_slice %dma_wait3A_1328[%run_scoped3A_758, %run_scoped3A_759, %dma_wait3A_1329] : memref<1x1x128xi32, #tpu.memory_space<vmem>> -> memref<1x1x128xi32, #tpu.memory_space<vmem>>
          %dma_wait3A_1331 = tpu.memref_squeeze %dma_wait3A_1330 : memref<1x1x128xi32, #tpu.memory_space<vmem>> -> memref<128xi32, #tpu.memory_space<vmem>>
          %dma_wait3A_1332 = arith.constant 0 : i32
          %dma_wait3A_1333 = arith.constant 0 : i32
          %dma_wait3A_1334 = tpu.memref_slice %arg2[%dma_wait3A_1332, %dma_wait3A_1333] : memref<36864x256xf32, #tpu.memory_space<hbm>> -> memref<36864x256xf32, #tpu.memory_space<hbm>>
          tpu.wait_indirect_dma semaphore(%run_scoped3A_1304 : memref<!tpu.dma_semaphore, #tpu.memory_space<semaphore_mem>>) src(%dma_wait3A_1334 : memref<36864x256xf32, #tpu.memory_space<hbm>>) dst(%dma_wait3A_1323 : memref<128x256xf32, #tpu.memory_space<vmem>>)
          tpu.yield
        }) : () -> ()
        "tpu.trace_stop"() : () -> ()
        %mul3A_760 = arith.constant 128 : i32
        %mul3A_761 = arith.muli %add3A_285, %mul3A_760 : i32
        %add3A_762 = arith.addi %mul3A_761, %add3A_286 : i32
        %jit3A_763 = arith.constant 64 : i32
        %div3A_764 = arith.divsi %add3A_762, %jit3A_763 : i32
        %sign3A_765 = arith.constant 0 : i32
        %sign3A_766 = arith.cmpi sgt, %add3A_762, %sign3A_765 : i32
        %sign3A_767 = arith.extui %sign3A_766 : i1 to i32
        %sign3A_768 = arith.constant 0 : i32
        %sign3A_769 = arith.cmpi slt, %add3A_762, %sign3A_768 : i32
        %sign3A_770 = arith.extui %sign3A_769 : i1 to i32
        %sign3A_771 = arith.subi %sign3A_767, %sign3A_770 : i32
        %sign3A_772 = arith.constant 0 : i32
        %sign3A_773 = arith.cmpi sgt, %jit3A_763, %sign3A_772 : i32
        %sign3A_774 = arith.extui %sign3A_773 : i1 to i32
        %sign3A_775 = arith.constant 0 : i32
        %sign3A_776 = arith.cmpi slt, %jit3A_763, %sign3A_775 : i32
        %sign3A_777 = arith.extui %sign3A_776 : i1 to i32
        %sign3A_778 = arith.subi %sign3A_774, %sign3A_777 : i32
        %ne3A_779 = arith.cmpi ne, %sign3A_771, %sign3A_778 : i32
        %rem3A_780 = arith.remsi %add3A_762, %jit3A_763 : i32
        %ne3A_781 = arith.constant 0 : i32
        %ne3A_782 = arith.cmpi ne, %rem3A_780, %ne3A_781 : i32
        %and3A_783 = arith.andi %ne3A_779, %ne3A_782 : i1
        %sub3A_784 = arith.constant 1 : i32
        %sub3A_785 = arith.subi %div3A_764, %sub3A_784 : i32
        %select_n3A_786 = arith.select %and3A_783, %sub3A_785, %div3A_764 : i32
        %mul3A_787 = arith.constant 128 : i32
        %mul3A_788 = arith.muli %add3A_285, %mul3A_787 : i32
        %add3A_789 = arith.addi %mul3A_788, %add3A_286 : i32
        %jit3A_790 = arith.constant 64 : i32
        %eq3A_791 = arith.constant 0 : i32
        %eq3A_792 = arith.cmpi eq, %jit3A_790, %eq3A_791 : i32
        %jit3A_793 = arith.constant 1 : i32
        %select_n3A_794 = arith.select %eq3A_792, %jit3A_793, %jit3A_790 : i32
        %rem3A_795 = arith.remsi %add3A_789, %select_n3A_794 : i32
        %ne3A_796 = arith.constant 0 : i32
        %ne3A_797 = arith.cmpi ne, %rem3A_795, %ne3A_796 : i32
        %lt3A_798 = arith.constant 0 : i32
        %lt3A_799 = arith.cmpi slt, %rem3A_795, %lt3A_798 : i32
        %lt3A_800 = arith.constant 0 : i32
        %lt3A_801 = arith.cmpi slt, %select_n3A_794, %lt3A_800 : i32
        %ne3A_802 = arith.xori %lt3A_799, %lt3A_801 : i1
        %and3A_803 = arith.andi %ne3A_802, %ne3A_797 : i1
        %add3A_804 = arith.addi %rem3A_795, %select_n3A_794 : i32
        %select_n3A_805 = arith.select %and3A_803, %add3A_804, %rem3A_795 : i32
        %mul3A_806 = arith.constant 128 : i32
        %mul3A_807 = arith.muli %add3A_321, %mul3A_806 : i32
        %add3A_808 = arith.addi %mul3A_807, %add3A_322 : i32
        %jit3A_809 = arith.constant 64 : i32
        %div3A_810 = arith.divsi %add3A_808, %jit3A_809 : i32
        %sign3A_811 = arith.constant 0 : i32
        %sign3A_812 = arith.cmpi sgt, %add3A_808, %sign3A_811 : i32
        %sign3A_813 = arith.extui %sign3A_812 : i1 to i32
        %sign3A_814 = arith.constant 0 : i32
        %sign3A_815 = arith.cmpi slt, %add3A_808, %sign3A_814 : i32
        %sign3A_816 = arith.extui %sign3A_815 : i1 to i32
        %sign3A_817 = arith.subi %sign3A_813, %sign3A_816 : i32
        %sign3A_818 = arith.constant 0 : i32
        %sign3A_819 = arith.cmpi sgt, %jit3A_809, %sign3A_818 : i32
        %sign3A_820 = arith.extui %sign3A_819 : i1 to i32
        %sign3A_821 = arith.constant 0 : i32
        %sign3A_822 = arith.cmpi slt, %jit3A_809, %sign3A_821 : i32
        %sign3A_823 = arith.extui %sign3A_822 : i1 to i32
        %sign3A_824 = arith.subi %sign3A_820, %sign3A_823 : i32
        %ne3A_825 = arith.cmpi ne, %sign3A_817, %sign3A_824 : i32
        %rem3A_826 = arith.remsi %add3A_808, %jit3A_809 : i32
        %ne3A_827 = arith.constant 0 : i32
        %ne3A_828 = arith.cmpi ne, %rem3A_826, %ne3A_827 : i32
        %and3A_829 = arith.andi %ne3A_825, %ne3A_828 : i1
        %sub3A_830 = arith.constant 1 : i32
        %sub3A_831 = arith.subi %div3A_810, %sub3A_830 : i32
        %select_n3A_832 = arith.select %and3A_829, %sub3A_831, %div3A_810 : i32
        %mul3A_833 = arith.constant 128 : i32
        %mul3A_834 = arith.muli %add3A_321, %mul3A_833 : i32
        %add3A_835 = arith.addi %mul3A_834, %add3A_322 : i32
        %jit3A_836 = arith.constant 64 : i32
        %eq3A_837 = arith.constant 0 : i32
        %eq3A_838 = arith.cmpi eq, %jit3A_836, %eq3A_837 : i32
        %jit3A_839 = arith.constant 1 : i32
        %select_n3A_840 = arith.select %eq3A_838, %jit3A_839, %jit3A_836 : i32
        %rem3A_841 = arith.remsi %add3A_835, %select_n3A_840 : i32
        %ne3A_842 = arith.constant 0 : i32
        %ne3A_843 = arith.cmpi ne, %rem3A_841, %ne3A_842 : i32
        %lt3A_844 = arith.constant 0 : i32
        %lt3A_845 = arith.cmpi slt, %rem3A_841, %lt3A_844 : i32
        %lt3A_846 = arith.constant 0 : i32
        %lt3A_847 = arith.cmpi slt, %select_n3A_840, %lt3A_846 : i32
        %ne3A_848 = arith.xori %lt3A_845, %lt3A_847 : i1
        %and3A_849 = arith.andi %ne3A_848, %ne3A_843 : i1
        %add3A_850 = arith.addi %rem3A_841, %select_n3A_840 : i32
        %select_n3A_851 = arith.select %and3A_849, %add3A_850, %rem3A_841 : i32
        %ne3A_852 = arith.cmpi ne, %select_n3A_786, %select_n3A_832 : i32
        %ne3A_853 = arith.cmpi ne, %select_n3A_805, %select_n3A_851 : i32
        %or3A_854 = arith.constant false
        %or3A_855 = arith.ori %or3A_854, %ne3A_852 : i1
        %or3A_856 = arith.ori %or3A_855, %ne3A_853 : i1
        %or3A_857 = arith.constant false
        %or3A_858 = arith.ori %or3A_856, %or3A_857 : i1
        %or3A_859 = arith.ori %or3A_858, %eq3A_283 : i1
        %convert_element_type3A_860 = arith.extui %or3A_859 : i1 to i32
        %cond3A_861 = arith.constant 0 : i32
        %cond3A_862 = arith.cmpi ne, %convert_element_type3A_860, %cond3A_861 : i32
        scf.if %cond3A_862 {
        } else {
        }
        %and3A_863 = arith.constant false
        %and3A_864 = arith.andi %or3A_859, %and3A_863 : i1
        %mul3A_865 = arith.constant 128 : i32
        %mul3A_866 = arith.muli %add3A_285, %mul3A_865 : i32
        %add3A_867 = arith.addi %mul3A_866, %add3A_286 : i32
        %jit3A_868 = arith.constant 64 : i32
        %eq3A_869 = arith.constant 0 : i32
        %eq3A_870 = arith.cmpi eq, %jit3A_868, %eq3A_869 : i32
        %jit3A_871 = arith.constant 1 : i32
        %select_n3A_872 = arith.select %eq3A_870, %jit3A_871, %jit3A_868 : i32
        %rem3A_873 = arith.remsi %add3A_867, %select_n3A_872 : i32
        %ne3A_874 = arith.constant 0 : i32
        %ne3A_875 = arith.cmpi ne, %rem3A_873, %ne3A_874 : i32
        %lt3A_876 = arith.constant 0 : i32
        %lt3A_877 = arith.cmpi slt, %rem3A_873, %lt3A_876 : i32
        %lt3A_878 = arith.constant 0 : i32
        %lt3A_879 = arith.cmpi slt, %select_n3A_872, %lt3A_878 : i32
        %ne3A_880 = arith.xori %lt3A_877, %lt3A_879 : i1
        %and3A_881 = arith.andi %ne3A_880, %ne3A_875 : i1
        %add3A_882 = arith.addi %rem3A_873, %select_n3A_872 : i32
        %select_n3A_883 = arith.select %and3A_881, %add3A_882, %rem3A_873 : i32
        %mul3A_884 = arith.constant 128 : i32
        %mul3A_885 = arith.muli %add3A_285, %mul3A_884 : i32
        %add3A_886 = arith.addi %mul3A_885, %add3A_286 : i32
        %jit3A_887 = arith.constant 64 : i32
        %div3A_888 = arith.divsi %add3A_886, %jit3A_887 : i32
        %sign3A_889 = arith.constant 0 : i32
        %sign3A_890 = arith.cmpi sgt, %add3A_886, %sign3A_889 : i32
        %sign3A_891 = arith.extui %sign3A_890 : i1 to i32
        %sign3A_892 = arith.constant 0 : i32
        %sign3A_893 = arith.cmpi slt, %add3A_886, %sign3A_892 : i32
        %sign3A_894 = arith.extui %sign3A_893 : i1 to i32
        %sign3A_895 = arith.subi %sign3A_891, %sign3A_894 : i32
        %sign3A_896 = arith.constant 0 : i32
        %sign3A_897 = arith.cmpi sgt, %jit3A_887, %sign3A_896 : i32
        %sign3A_898 = arith.extui %sign3A_897 : i1 to i32
        %sign3A_899 = arith.constant 0 : i32
        %sign3A_900 = arith.cmpi slt, %jit3A_887, %sign3A_899 : i32
        %sign3A_901 = arith.extui %sign3A_900 : i1 to i32
        %sign3A_902 = arith.subi %sign3A_898, %sign3A_901 : i32
        %ne3A_903 = arith.cmpi ne, %sign3A_895, %sign3A_902 : i32
        %rem3A_904 = arith.remsi %add3A_886, %jit3A_887 : i32
        %ne3A_905 = arith.constant 0 : i32
        %ne3A_906 = arith.cmpi ne, %rem3A_904, %ne3A_905 : i32
        %and3A_907 = arith.andi %ne3A_903, %ne3A_906 : i1
        %sub3A_908 = arith.constant 1 : i32
        %sub3A_909 = arith.subi %div3A_888, %sub3A_908 : i32
        %select_n3A_910 = arith.select %and3A_907, %sub3A_909, %div3A_888 : i32
        %mul3A_911 = arith.constant 128 : i32
        %mul3A_912 = arith.muli %add3A_321, %mul3A_911 : i32
        %add3A_913 = arith.addi %mul3A_912, %add3A_322 : i32
        %jit3A_914 = arith.constant 64 : i32
        %eq3A_915 = arith.constant 0 : i32
        %eq3A_916 = arith.cmpi eq, %jit3A_914, %eq3A_915 : i32
        %jit3A_917 = arith.constant 1 : i32
        %select_n3A_918 = arith.select %eq3A_916, %jit3A_917, %jit3A_914 : i32
        %rem3A_919 = arith.remsi %add3A_913, %select_n3A_918 : i32
        %ne3A_920 = arith.constant 0 : i32
        %ne3A_921 = arith.cmpi ne, %rem3A_919, %ne3A_920 : i32
        %lt3A_922 = arith.constant 0 : i32
        %lt3A_923 = arith.cmpi slt, %rem3A_919, %lt3A_922 : i32
        %lt3A_924 = arith.constant 0 : i32
        %lt3A_925 = arith.cmpi slt, %select_n3A_918, %lt3A_924 : i32
        %ne3A_926 = arith.xori %lt3A_923, %lt3A_925 : i1
        %and3A_927 = arith.andi %ne3A_926, %ne3A_921 : i1
        %add3A_928 = arith.addi %rem3A_919, %select_n3A_918 : i32
        %select_n3A_929 = arith.select %and3A_927, %add3A_928, %rem3A_919 : i32
        %mul3A_930 = arith.constant 128 : i32
        %mul3A_931 = arith.muli %add3A_321, %mul3A_930 : i32
        %add3A_932 = arith.addi %mul3A_931, %add3A_322 : i32
        %jit3A_933 = arith.constant 64 : i32
        %div3A_934 = arith.divsi %add3A_932, %jit3A_933 : i32
        %sign3A_935 = arith.constant 0 : i32
        %sign3A_936 = arith.cmpi sgt, %add3A_932, %sign3A_935 : i32
        %sign3A_937 = arith.extui %sign3A_936 : i1 to i32
        %sign3A_938 = arith.constant 0 : i32
        %sign3A_939 = arith.cmpi slt, %add3A_932, %sign3A_938 : i32
        %sign3A_940 = arith.extui %sign3A_939 : i1 to i32
        %sign3A_941 = arith.subi %sign3A_937, %sign3A_940 : i32
        %sign3A_942 = arith.constant 0 : i32
        %sign3A_943 = arith.cmpi sgt, %jit3A_933, %sign3A_942 : i32
        %sign3A_944 = arith.extui %sign3A_943 : i1 to i32
        %sign3A_945 = arith.constant 0 : i32
        %sign3A_946 = arith.cmpi slt, %jit3A_933, %sign3A_945 : i32
        %sign3A_947 = arith.extui %sign3A_946 : i1 to i32
        %sign3A_948 = arith.subi %sign3A_944, %sign3A_947 : i32
        %ne3A_949 = arith.cmpi ne, %sign3A_941, %sign3A_948 : i32
        %rem3A_950 = arith.remsi %add3A_932, %jit3A_933 : i32
        %ne3A_951 = arith.constant 0 : i32
        %ne3A_952 = arith.cmpi ne, %rem3A_950, %ne3A_951 : i32
        %and3A_953 = arith.andi %ne3A_949, %ne3A_952 : i1
        %sub3A_954 = arith.constant 1 : i32
        %sub3A_955 = arith.subi %div3A_934, %sub3A_954 : i32
        %select_n3A_956 = arith.select %and3A_953, %sub3A_955, %div3A_934 : i32
        %ne3A_957 = arith.cmpi ne, %select_n3A_883, %select_n3A_929 : i32
        %ne3A_958 = arith.cmpi ne, %select_n3A_910, %select_n3A_956 : i32
        %or3A_959 = arith.constant false
        %or3A_960 = arith.ori %or3A_959, %ne3A_957 : i1
        %or3A_961 = arith.ori %or3A_960, %ne3A_958 : i1
        %or3A_962 = arith.ori %or3A_961, %eq3A_283 : i1
        %convert_element_type3A_963 = arith.extui %or3A_962 : i1 to i32
        %cond3A_964 = arith.constant 0 : i32
        %cond3A_965 = arith.cmpi ne, %convert_element_type3A_963, %cond3A_964 : i32
        scf.if %cond3A_965 {
          "tpu.trace_start"() <{level = 10 : i32, message = "ep_copy_out"}> : () -> ()
          %rem3A_1304 = arith.constant 2 : i32
          %rem3A_1305 = arith.remui %scan3A_276, %rem3A_1304 : i32
          %mul3A_1306 = arith.constant 128 : i32
          %mul3A_1307 = arith.muli %add3A_285, %mul3A_1306 : i32
          %add3A_1308 = arith.addi %mul3A_1307, %add3A_286 : i32
          %jit3A_1309 = arith.constant 64 : i32
          %eq3A_1310 = arith.constant 0 : i32
          %eq3A_1311 = arith.cmpi eq, %jit3A_1309, %eq3A_1310 : i32
          %jit3A_1312 = arith.constant 1 : i32
          %select_n3A_1313 = arith.select %eq3A_1311, %jit3A_1312, %jit3A_1309 : i32
          %rem3A_1314 = arith.remsi %add3A_1308, %select_n3A_1313 : i32
          %ne3A_1315 = arith.constant 0 : i32
          %ne3A_1316 = arith.cmpi ne, %rem3A_1314, %ne3A_1315 : i32
          %lt3A_1317 = arith.constant 0 : i32
          %lt3A_1318 = arith.cmpi slt, %rem3A_1314, %lt3A_1317 : i32
          %lt3A_1319 = arith.constant 0 : i32
          %lt3A_1320 = arith.cmpi slt, %select_n3A_1313, %lt3A_1319 : i32
          %ne3A_1321 = arith.xori %lt3A_1318, %lt3A_1320 : i1
          %and3A_1322 = arith.andi %ne3A_1321, %ne3A_1316 : i1
          %add3A_1323 = arith.addi %rem3A_1314, %select_n3A_1313 : i32
          %select_n3A_1324 = arith.select %and3A_1322, %add3A_1323, %rem3A_1314 : i32
          %mul3A_1325 = arith.constant 128 : i32
          %mul3A_1326 = arith.muli %add3A_285, %mul3A_1325 : i32
          %add3A_1327 = arith.addi %mul3A_1326, %add3A_286 : i32
          %jit3A_1328 = arith.constant 64 : i32
          %div3A_1329 = arith.divsi %add3A_1327, %jit3A_1328 : i32
          %sign3A_1330 = arith.constant 0 : i32
          %sign3A_1331 = arith.cmpi sgt, %add3A_1327, %sign3A_1330 : i32
          %sign3A_1332 = arith.extui %sign3A_1331 : i1 to i32
          %sign3A_1333 = arith.constant 0 : i32
          %sign3A_1334 = arith.cmpi slt, %add3A_1327, %sign3A_1333 : i32
          %sign3A_1335 = arith.extui %sign3A_1334 : i1 to i32
          %sign3A_1336 = arith.subi %sign3A_1332, %sign3A_1335 : i32
          %sign3A_1337 = arith.constant 0 : i32
          %sign3A_1338 = arith.cmpi sgt, %jit3A_1328, %sign3A_1337 : i32
          %sign3A_1339 = arith.extui %sign3A_1338 : i1 to i32
          %sign3A_1340 = arith.constant 0 : i32
          %sign3A_1341 = arith.cmpi slt, %jit3A_1328, %sign3A_1340 : i32
          %sign3A_1342 = arith.extui %sign3A_1341 : i1 to i32
          %sign3A_1343 = arith.subi %sign3A_1339, %sign3A_1342 : i32
          %ne3A_1344 = arith.cmpi ne, %sign3A_1336, %sign3A_1343 : i32
          %rem3A_1345 = arith.remsi %add3A_1327, %jit3A_1328 : i32
          %ne3A_1346 = arith.constant 0 : i32
          %ne3A_1347 = arith.cmpi ne, %rem3A_1345, %ne3A_1346 : i32
          %and3A_1348 = arith.andi %ne3A_1344, %ne3A_1347 : i1
          %sub3A_1349 = arith.constant 1 : i32
          %sub3A_1350 = arith.subi %div3A_1329, %sub3A_1349 : i32
          %select_n3A_1351 = arith.select %and3A_1348, %sub3A_1350, %div3A_1329 : i32
          %mul3A_1352 = arith.constant 128 : i32
          %mul3A_1353 = arith.muli %mul3A_1352, %select_n3A_1324 : i32
          %mul3A_1354 = arith.constant 256 : i32
          %mul3A_1355 = arith.muli %mul3A_1354, %select_n3A_1351 : i32
          %dma_start3A_1356 = arith.constant 0 : i32
          %dma_start3A_1357 = arith.constant 0 : i32
          %dma_start3A_1358 = tpu.memref_slice %run_scoped3A_8[%rem3A_1305, %dma_start3A_1356, %dma_start3A_1357] : memref<2x128x256xf32, #tpu.memory_space<vmem>> -> memref<1x128x256xf32, #tpu.memory_space<vmem>>
          %dma_start3A_1359 = tpu.memref_squeeze %dma_start3A_1358 : memref<1x128x256xf32, #tpu.memory_space<vmem>> -> memref<128x256xf32, #tpu.memory_space<vmem>>
          %dma_start3A_1360 = tpu.memref_slice %arg4[%mul3A_1353, %mul3A_1355] : memref<8192x1024xf32, #tpu.memory_space<hbm>> -> memref<128x256xf32, #tpu.memory_space<hbm>>
          %dma_start3A_1361 = tpu.memref_slice %run_scoped3A_9[%rem3A_1305] : memref<2x!tpu.dma_semaphore, #tpu.memory_space<semaphore_mem>> -> memref<1x!tpu.dma_semaphore, #tpu.memory_space<semaphore_mem>>
          %dma_start3A_1362 = tpu.memref_squeeze %dma_start3A_1361 : memref<1x!tpu.dma_semaphore, #tpu.memory_space<semaphore_mem>> -> memref<!tpu.dma_semaphore, #tpu.memory_space<semaphore_mem>>
          %dma_start3A_1363 = tpu.memref_slice %arg4[%mul3A_1353, %mul3A_1355] : memref<8192x1024xf32, #tpu.memory_space<hbm>> -> memref<128x256xf32, #tpu.memory_space<hbm>>
          %dma_start3A_1364 = arith.constant 0 : i32
          %dma_start3A_1365 = arith.constant 0 : i32
          %dma_start3A_1366 = tpu.memref_slice %run_scoped3A_8[%rem3A_1305, %dma_start3A_1364, %dma_start3A_1365] : memref<2x128x256xf32, #tpu.memory_space<vmem>> -> memref<1x128x256xf32, #tpu.memory_space<vmem>>
          %dma_start3A_1367 = tpu.memref_squeeze %dma_start3A_1366 : memref<1x128x256xf32, #tpu.memory_space<vmem>> -> memref<128x256xf32, #tpu.memory_space<vmem>>
          tpu.enqueue_dma source(%dma_start3A_1367 : memref<128x256xf32, #tpu.memory_space<vmem>>) target(%dma_start3A_1363 : memref<128x256xf32, #tpu.memory_space<hbm>>) target_semaphore(%dma_start3A_1362 : memref<!tpu.dma_semaphore, #tpu.memory_space<semaphore_mem>>)
          "tpu.trace_stop"() : () -> ()
        } else {
        }
        %and3A_966 = arith.constant true
        %and3A_967 = arith.andi %or3A_962, %and3A_966 : i1
        %add3A_968 = arith.constant 1 : i32
        %add3A_969 = arith.addi %scan3A_276, %add3A_968 : i32
        %select_n3A_970 = arith.select %and3A_967, %add3A_969, %scan3A_276 : i32
        %mul3A_971 = arith.constant 128 : i32
        %mul3A_972 = arith.muli %add3A_285, %mul3A_971 : i32
        %add3A_973 = arith.addi %mul3A_972, %add3A_286 : i32
        %jit3A_974 = arith.constant 64 : i32
        %div3A_975 = arith.divsi %add3A_973, %jit3A_974 : i32
        %sign3A_976 = arith.constant 0 : i32
        %sign3A_977 = arith.cmpi sgt, %add3A_973, %sign3A_976 : i32
        %sign3A_978 = arith.extui %sign3A_977 : i1 to i32
        %sign3A_979 = arith.constant 0 : i32
        %sign3A_980 = arith.cmpi slt, %add3A_973, %sign3A_979 : i32
        %sign3A_981 = arith.extui %sign3A_980 : i1 to i32
        %sign3A_982 = arith.subi %sign3A_978, %sign3A_981 : i32
        %sign3A_983 = arith.constant 0 : i32
        %sign3A_984 = arith.cmpi sgt, %jit3A_974, %sign3A_983 : i32
        %sign3A_985 = arith.extui %sign3A_984 : i1 to i32
        %sign3A_986 = arith.constant 0 : i32
        %sign3A_987 = arith.cmpi slt, %jit3A_974, %sign3A_986 : i32
        %sign3A_988 = arith.extui %sign3A_987 : i1 to i32
        %sign3A_989 = arith.subi %sign3A_985, %sign3A_988 : i32
        %ne3A_990 = arith.cmpi ne, %sign3A_982, %sign3A_989 : i32
        %rem3A_991 = arith.remsi %add3A_973, %jit3A_974 : i32
        %ne3A_992 = arith.constant 0 : i32
        %ne3A_993 = arith.cmpi ne, %rem3A_991, %ne3A_992 : i32
        %and3A_994 = arith.andi %ne3A_990, %ne3A_993 : i1
        %sub3A_995 = arith.constant 1 : i32
        %sub3A_996 = arith.subi %div3A_975, %sub3A_995 : i32
        %select_n3A_997 = arith.select %and3A_994, %sub3A_996, %div3A_975 : i32
        %mul3A_998 = arith.constant 128 : i32
        %mul3A_999 = arith.muli %add3A_285, %mul3A_998 : i32
        %add3A_1000 = arith.addi %mul3A_999, %add3A_286 : i32
        %jit3A_1001 = arith.constant 64 : i32
        %eq3A_1002 = arith.constant 0 : i32
        %eq3A_1003 = arith.cmpi eq, %jit3A_1001, %eq3A_1002 : i32
        %jit3A_1004 = arith.constant 1 : i32
        %select_n3A_1005 = arith.select %eq3A_1003, %jit3A_1004, %jit3A_1001 : i32
        %rem3A_1006 = arith.remsi %add3A_1000, %select_n3A_1005 : i32
        %ne3A_1007 = arith.constant 0 : i32
        %ne3A_1008 = arith.cmpi ne, %rem3A_1006, %ne3A_1007 : i32
        %lt3A_1009 = arith.constant 0 : i32
        %lt3A_1010 = arith.cmpi slt, %rem3A_1006, %lt3A_1009 : i32
        %lt3A_1011 = arith.constant 0 : i32
        %lt3A_1012 = arith.cmpi slt, %select_n3A_1005, %lt3A_1011 : i32
        %ne3A_1013 = arith.xori %lt3A_1010, %lt3A_1012 : i1
        %and3A_1014 = arith.andi %ne3A_1013, %ne3A_1008 : i1
        %add3A_1015 = arith.addi %rem3A_1006, %select_n3A_1005 : i32
        %select_n3A_1016 = arith.select %and3A_1014, %add3A_1015, %rem3A_1006 : i32
        %mul3A_1017 = arith.constant 128 : i32
        %mul3A_1018 = arith.muli %add3A_303, %mul3A_1017 : i32
        %add3A_1019 = arith.addi %mul3A_1018, %add3A_304 : i32
        %jit3A_1020 = arith.constant 64 : i32
        %div3A_1021 = arith.divsi %add3A_1019, %jit3A_1020 : i32
        %sign3A_1022 = arith.constant 0 : i32
        %sign3A_1023 = arith.cmpi sgt, %add3A_1019, %sign3A_1022 : i32
        %sign3A_1024 = arith.extui %sign3A_1023 : i1 to i32
        %sign3A_1025 = arith.constant 0 : i32
        %sign3A_1026 = arith.cmpi slt, %add3A_1019, %sign3A_1025 : i32
        %sign3A_1027 = arith.extui %sign3A_1026 : i1 to i32
        %sign3A_1028 = arith.subi %sign3A_1024, %sign3A_1027 : i32
        %sign3A_1029 = arith.constant 0 : i32
        %sign3A_1030 = arith.cmpi sgt, %jit3A_1020, %sign3A_1029 : i32
        %sign3A_1031 = arith.extui %sign3A_1030 : i1 to i32
        %sign3A_1032 = arith.constant 0 : i32
        %sign3A_1033 = arith.cmpi slt, %jit3A_1020, %sign3A_1032 : i32
        %sign3A_1034 = arith.extui %sign3A_1033 : i1 to i32
        %sign3A_1035 = arith.subi %sign3A_1031, %sign3A_1034 : i32
        %ne3A_1036 = arith.cmpi ne, %sign3A_1028, %sign3A_1035 : i32
        %rem3A_1037 = arith.remsi %add3A_1019, %jit3A_1020 : i32
        %ne3A_1038 = arith.constant 0 : i32
        %ne3A_1039 = arith.cmpi ne, %rem3A_1037, %ne3A_1038 : i32
        %and3A_1040 = arith.andi %ne3A_1036, %ne3A_1039 : i1
        %sub3A_1041 = arith.constant 1 : i32
        %sub3A_1042 = arith.subi %div3A_1021, %sub3A_1041 : i32
        %select_n3A_1043 = arith.select %and3A_1040, %sub3A_1042, %div3A_1021 : i32
        %mul3A_1044 = arith.constant 128 : i32
        %mul3A_1045 = arith.muli %add3A_303, %mul3A_1044 : i32
        %add3A_1046 = arith.addi %mul3A_1045, %add3A_304 : i32
        %jit3A_1047 = arith.constant 64 : i32
        %eq3A_1048 = arith.constant 0 : i32
        %eq3A_1049 = arith.cmpi eq, %jit3A_1047, %eq3A_1048 : i32
        %jit3A_1050 = arith.constant 1 : i32
        %select_n3A_1051 = arith.select %eq3A_1049, %jit3A_1050, %jit3A_1047 : i32
        %rem3A_1052 = arith.remsi %add3A_1046, %select_n3A_1051 : i32
        %ne3A_1053 = arith.constant 0 : i32
        %ne3A_1054 = arith.cmpi ne, %rem3A_1052, %ne3A_1053 : i32
        %lt3A_1055 = arith.constant 0 : i32
        %lt3A_1056 = arith.cmpi slt, %rem3A_1052, %lt3A_1055 : i32
        %lt3A_1057 = arith.constant 0 : i32
        %lt3A_1058 = arith.cmpi slt, %select_n3A_1051, %lt3A_1057 : i32
        %ne3A_1059 = arith.xori %lt3A_1056, %lt3A_1058 : i1
        %and3A_1060 = arith.andi %ne3A_1059, %ne3A_1054 : i1
        %add3A_1061 = arith.addi %rem3A_1052, %select_n3A_1051 : i32
        %select_n3A_1062 = arith.select %and3A_1060, %add3A_1061, %rem3A_1052 : i32
        %ne3A_1063 = arith.cmpi ne, %select_n3A_997, %select_n3A_1043 : i32
        %ne3A_1064 = arith.cmpi ne, %select_n3A_1016, %select_n3A_1062 : i32
        %or3A_1065 = arith.constant false
        %or3A_1066 = arith.ori %or3A_1065, %ne3A_1063 : i1
        %or3A_1067 = arith.ori %or3A_1066, %ne3A_1064 : i1
        %or3A_1068 = arith.constant false
        %or3A_1069 = arith.ori %or3A_1067, %or3A_1068 : i1
        %not3A_1070 = arith.constant true
        %not3A_1071 = arith.xori %eq3A_281, %not3A_1070 : i1
        %and3A_1072 = arith.andi %or3A_1069, %not3A_1071 : i1
        %convert_element_type3A_1073 = arith.extui %and3A_1072 : i1 to i32
        %cond3A_1074 = arith.constant 0 : i32
        %cond3A_1075 = arith.cmpi ne, %convert_element_type3A_1073, %cond3A_1074 : i32
        scf.if %cond3A_1075 {
        } else {
        }
        %and3A_1076 = arith.constant false
        %and3A_1077 = arith.andi %and3A_1072, %and3A_1076 : i1
        %mul3A_1078 = arith.constant 128 : i32
        %mul3A_1079 = arith.muli %add3A_285, %mul3A_1078 : i32
        %add3A_1080 = arith.addi %mul3A_1079, %add3A_286 : i32
        %jit3A_1081 = arith.constant 64 : i32
        %eq3A_1082 = arith.constant 0 : i32
        %eq3A_1083 = arith.cmpi eq, %jit3A_1081, %eq3A_1082 : i32
        %jit3A_1084 = arith.constant 1 : i32
        %select_n3A_1085 = arith.select %eq3A_1083, %jit3A_1084, %jit3A_1081 : i32
        %rem3A_1086 = arith.remsi %add3A_1080, %select_n3A_1085 : i32
        %ne3A_1087 = arith.constant 0 : i32
        %ne3A_1088 = arith.cmpi ne, %rem3A_1086, %ne3A_1087 : i32
        %lt3A_1089 = arith.constant 0 : i32
        %lt3A_1090 = arith.cmpi slt, %rem3A_1086, %lt3A_1089 : i32
        %lt3A_1091 = arith.constant 0 : i32
        %lt3A_1092 = arith.cmpi slt, %select_n3A_1085, %lt3A_1091 : i32
        %ne3A_1093 = arith.xori %lt3A_1090, %lt3A_1092 : i1
        %and3A_1094 = arith.andi %ne3A_1093, %ne3A_1088 : i1
        %add3A_1095 = arith.addi %rem3A_1086, %select_n3A_1085 : i32
        %select_n3A_1096 = arith.select %and3A_1094, %add3A_1095, %rem3A_1086 : i32
        %mul3A_1097 = arith.constant 128 : i32
        %mul3A_1098 = arith.muli %add3A_285, %mul3A_1097 : i32
        %add3A_1099 = arith.addi %mul3A_1098, %add3A_286 : i32
        %jit3A_1100 = arith.constant 64 : i32
        %div3A_1101 = arith.divsi %add3A_1099, %jit3A_1100 : i32
        %sign3A_1102 = arith.constant 0 : i32
        %sign3A_1103 = arith.cmpi sgt, %add3A_1099, %sign3A_1102 : i32
        %sign3A_1104 = arith.extui %sign3A_1103 : i1 to i32
        %sign3A_1105 = arith.constant 0 : i32
        %sign3A_1106 = arith.cmpi slt, %add3A_1099, %sign3A_1105 : i32
        %sign3A_1107 = arith.extui %sign3A_1106 : i1 to i32
        %sign3A_1108 = arith.subi %sign3A_1104, %sign3A_1107 : i32
        %sign3A_1109 = arith.constant 0 : i32
        %sign3A_1110 = arith.cmpi sgt, %jit3A_1100, %sign3A_1109 : i32
        %sign3A_1111 = arith.extui %sign3A_1110 : i1 to i32
        %sign3A_1112 = arith.constant 0 : i32
        %sign3A_1113 = arith.cmpi slt, %jit3A_1100, %sign3A_1112 : i32
        %sign3A_1114 = arith.extui %sign3A_1113 : i1 to i32
        %sign3A_1115 = arith.subi %sign3A_1111, %sign3A_1114 : i32
        %ne3A_1116 = arith.cmpi ne, %sign3A_1108, %sign3A_1115 : i32
        %rem3A_1117 = arith.remsi %add3A_1099, %jit3A_1100 : i32
        %ne3A_1118 = arith.constant 0 : i32
        %ne3A_1119 = arith.cmpi ne, %rem3A_1117, %ne3A_1118 : i32
        %and3A_1120 = arith.andi %ne3A_1116, %ne3A_1119 : i1
        %sub3A_1121 = arith.constant 1 : i32
        %sub3A_1122 = arith.subi %div3A_1101, %sub3A_1121 : i32
        %select_n3A_1123 = arith.select %and3A_1120, %sub3A_1122, %div3A_1101 : i32
        %mul3A_1124 = arith.constant 128 : i32
        %mul3A_1125 = arith.muli %add3A_303, %mul3A_1124 : i32
        %add3A_1126 = arith.addi %mul3A_1125, %add3A_304 : i32
        %jit3A_1127 = arith.constant 64 : i32
        %eq3A_1128 = arith.constant 0 : i32
        %eq3A_1129 = arith.cmpi eq, %jit3A_1127, %eq3A_1128 : i32
        %jit3A_1130 = arith.constant 1 : i32
        %select_n3A_1131 = arith.select %eq3A_1129, %jit3A_1130, %jit3A_1127 : i32
        %rem3A_1132 = arith.remsi %add3A_1126, %select_n3A_1131 : i32
        %ne3A_1133 = arith.constant 0 : i32
        %ne3A_1134 = arith.cmpi ne, %rem3A_1132, %ne3A_1133 : i32
        %lt3A_1135 = arith.constant 0 : i32
        %lt3A_1136 = arith.cmpi slt, %rem3A_1132, %lt3A_1135 : i32
        %lt3A_1137 = arith.constant 0 : i32
        %lt3A_1138 = arith.cmpi slt, %select_n3A_1131, %lt3A_1137 : i32
        %ne3A_1139 = arith.xori %lt3A_1136, %lt3A_1138 : i1
        %and3A_1140 = arith.andi %ne3A_1139, %ne3A_1134 : i1
        %add3A_1141 = arith.addi %rem3A_1132, %select_n3A_1131 : i32
        %select_n3A_1142 = arith.select %and3A_1140, %add3A_1141, %rem3A_1132 : i32
        %mul3A_1143 = arith.constant 128 : i32
        %mul3A_1144 = arith.muli %add3A_303, %mul3A_1143 : i32
        %add3A_1145 = arith.addi %mul3A_1144, %add3A_304 : i32
        %jit3A_1146 = arith.constant 64 : i32
        %div3A_1147 = arith.divsi %add3A_1145, %jit3A_1146 : i32
        %sign3A_1148 = arith.constant 0 : i32
        %sign3A_1149 = arith.cmpi sgt, %add3A_1145, %sign3A_1148 : i32
        %sign3A_1150 = arith.extui %sign3A_1149 : i1 to i32
        %sign3A_1151 = arith.constant 0 : i32
        %sign3A_1152 = arith.cmpi slt, %add3A_1145, %sign3A_1151 : i32
        %sign3A_1153 = arith.extui %sign3A_1152 : i1 to i32
        %sign3A_1154 = arith.subi %sign3A_1150, %sign3A_1153 : i32
        %sign3A_1155 = arith.constant 0 : i32
        %sign3A_1156 = arith.cmpi sgt, %jit3A_1146, %sign3A_1155 : i32
        %sign3A_1157 = arith.extui %sign3A_1156 : i1 to i32
        %sign3A_1158 = arith.constant 0 : i32
        %sign3A_1159 = arith.cmpi slt, %jit3A_1146, %sign3A_1158 : i32
        %sign3A_1160 = arith.extui %sign3A_1159 : i1 to i32
        %sign3A_1161 = arith.subi %sign3A_1157, %sign3A_1160 : i32
        %ne3A_1162 = arith.cmpi ne, %sign3A_1154, %sign3A_1161 : i32
        %rem3A_1163 = arith.remsi %add3A_1145, %jit3A_1146 : i32
        %ne3A_1164 = arith.constant 0 : i32
        %ne3A_1165 = arith.cmpi ne, %rem3A_1163, %ne3A_1164 : i32
        %and3A_1166 = arith.andi %ne3A_1162, %ne3A_1165 : i1
        %sub3A_1167 = arith.constant 1 : i32
        %sub3A_1168 = arith.subi %div3A_1147, %sub3A_1167 : i32
        %select_n3A_1169 = arith.select %and3A_1166, %sub3A_1168, %div3A_1147 : i32
        %ne3A_1170 = arith.cmpi ne, %select_n3A_1096, %select_n3A_1142 : i32
        %ne3A_1171 = arith.cmpi ne, %select_n3A_1123, %select_n3A_1169 : i32
        %or3A_1172 = arith.constant false
        %or3A_1173 = arith.ori %or3A_1172, %ne3A_1170 : i1
        %or3A_1174 = arith.ori %or3A_1173, %ne3A_1171 : i1
        %not3A_1175 = arith.constant true
        %not3A_1176 = arith.xori %eq3A_281, %not3A_1175 : i1
        %and3A_1177 = arith.andi %or3A_1174, %not3A_1176 : i1
        %convert_element_type3A_1178 = arith.extui %and3A_1177 : i1 to i32
        %cond3A_1179 = arith.constant 0 : i32
        %cond3A_1180 = arith.cmpi ne, %convert_element_type3A_1178, %cond3A_1179 : i32
        scf.if %cond3A_1180 {
          "tpu.trace_start"() <{level = 10 : i32, message = "ep_wait_out"}> : () -> ()
          %rem3A_1304 = arith.constant 2 : i32
          %rem3A_1305 = arith.remui %scan3A_277, %rem3A_1304 : i32
          %mul3A_1306 = arith.constant 128 : i32
          %mul3A_1307 = arith.muli %add3A_303, %mul3A_1306 : i32
          %add3A_1308 = arith.addi %mul3A_1307, %add3A_304 : i32
          %jit3A_1309 = arith.constant 64 : i32
          %eq3A_1310 = arith.constant 0 : i32
          %eq3A_1311 = arith.cmpi eq, %jit3A_1309, %eq3A_1310 : i32
          %jit3A_1312 = arith.constant 1 : i32
          %select_n3A_1313 = arith.select %eq3A_1311, %jit3A_1312, %jit3A_1309 : i32
          %rem3A_1314 = arith.remsi %add3A_1308, %select_n3A_1313 : i32
          %ne3A_1315 = arith.constant 0 : i32
          %ne3A_1316 = arith.cmpi ne, %rem3A_1314, %ne3A_1315 : i32
          %lt3A_1317 = arith.constant 0 : i32
          %lt3A_1318 = arith.cmpi slt, %rem3A_1314, %lt3A_1317 : i32
          %lt3A_1319 = arith.constant 0 : i32
          %lt3A_1320 = arith.cmpi slt, %select_n3A_1313, %lt3A_1319 : i32
          %ne3A_1321 = arith.xori %lt3A_1318, %lt3A_1320 : i1
          %and3A_1322 = arith.andi %ne3A_1321, %ne3A_1316 : i1
          %add3A_1323 = arith.addi %rem3A_1314, %select_n3A_1313 : i32
          %select_n3A_1324 = arith.select %and3A_1322, %add3A_1323, %rem3A_1314 : i32
          %mul3A_1325 = arith.constant 128 : i32
          %mul3A_1326 = arith.muli %add3A_303, %mul3A_1325 : i32
          %add3A_1327 = arith.addi %mul3A_1326, %add3A_304 : i32
          %jit3A_1328 = arith.constant 64 : i32
          %div3A_1329 = arith.divsi %add3A_1327, %jit3A_1328 : i32
          %sign3A_1330 = arith.constant 0 : i32
          %sign3A_1331 = arith.cmpi sgt, %add3A_1327, %sign3A_1330 : i32
          %sign3A_1332 = arith.extui %sign3A_1331 : i1 to i32
          %sign3A_1333 = arith.constant 0 : i32
          %sign3A_1334 = arith.cmpi slt, %add3A_1327, %sign3A_1333 : i32
          %sign3A_1335 = arith.extui %sign3A_1334 : i1 to i32
          %sign3A_1336 = arith.subi %sign3A_1332, %sign3A_1335 : i32
          %sign3A_1337 = arith.constant 0 : i32
          %sign3A_1338 = arith.cmpi sgt, %jit3A_1328, %sign3A_1337 : i32
          %sign3A_1339 = arith.extui %sign3A_1338 : i1 to i32
          %sign3A_1340 = arith.constant 0 : i32
          %sign3A_1341 = arith.cmpi slt, %jit3A_1328, %sign3A_1340 : i32
          %sign3A_1342 = arith.extui %sign3A_1341 : i1 to i32
          %sign3A_1343 = arith.subi %sign3A_1339, %sign3A_1342 : i32
          %ne3A_1344 = arith.cmpi ne, %sign3A_1336, %sign3A_1343 : i32
          %rem3A_1345 = arith.remsi %add3A_1327, %jit3A_1328 : i32
          %ne3A_1346 = arith.constant 0 : i32
          %ne3A_1347 = arith.cmpi ne, %rem3A_1345, %ne3A_1346 : i32
          %and3A_1348 = arith.andi %ne3A_1344, %ne3A_1347 : i1
          %sub3A_1349 = arith.constant 1 : i32
          %sub3A_1350 = arith.subi %div3A_1329, %sub3A_1349 : i32
          %select_n3A_1351 = arith.select %and3A_1348, %sub3A_1350, %div3A_1329 : i32
          %mul3A_1352 = arith.constant 128 : i32
          %mul3A_1353 = arith.muli %mul3A_1352, %select_n3A_1324 : i32
          %mul3A_1354 = arith.constant 256 : i32
          %mul3A_1355 = arith.muli %mul3A_1354, %select_n3A_1351 : i32
          %dma_wait3A_1356 = arith.constant 0 : i32
          %dma_wait3A_1357 = arith.constant 0 : i32
          %dma_wait3A_1358 = tpu.memref_slice %run_scoped3A_8[%rem3A_1305, %dma_wait3A_1356, %dma_wait3A_1357] : memref<2x128x256xf32, #tpu.memory_space<vmem>> -> memref<1x128x256xf32, #tpu.memory_space<vmem>>
          %dma_wait3A_1359 = tpu.memref_squeeze %dma_wait3A_1358 : memref<1x128x256xf32, #tpu.memory_space<vmem>> -> memref<128x256xf32, #tpu.memory_space<vmem>>
          %dma_wait3A_1360 = tpu.memref_slice %arg4[%mul3A_1353, %mul3A_1355] : memref<8192x1024xf32, #tpu.memory_space<hbm>> -> memref<128x256xf32, #tpu.memory_space<hbm>>
          %dma_wait3A_1361 = tpu.memref_slice %run_scoped3A_9[%rem3A_1305] : memref<2x!tpu.dma_semaphore, #tpu.memory_space<semaphore_mem>> -> memref<1x!tpu.dma_semaphore, #tpu.memory_space<semaphore_mem>>
          %dma_wait3A_1362 = tpu.memref_squeeze %dma_wait3A_1361 : memref<1x!tpu.dma_semaphore, #tpu.memory_space<semaphore_mem>> -> memref<!tpu.dma_semaphore, #tpu.memory_space<semaphore_mem>>
          %dma_wait3A_1363 = tpu.memref_slice %arg4[%mul3A_1353, %mul3A_1355] : memref<8192x1024xf32, #tpu.memory_space<hbm>> -> memref<128x256xf32, #tpu.memory_space<hbm>>
          %dma_wait3A_1364 = arith.constant 0 : i32
          %dma_wait3A_1365 = arith.constant 0 : i32
          %dma_wait3A_1366 = tpu.memref_slice %run_scoped3A_8[%rem3A_1305, %dma_wait3A_1364, %dma_wait3A_1365] : memref<2x128x256xf32, #tpu.memory_space<vmem>> -> memref<1x128x256xf32, #tpu.memory_space<vmem>>
          %dma_wait3A_1367 = tpu.memref_squeeze %dma_wait3A_1366 : memref<1x128x256xf32, #tpu.memory_space<vmem>> -> memref<128x256xf32, #tpu.memory_space<vmem>>
          tpu.wait_dma2 semaphore(%dma_wait3A_1362 : memref<!tpu.dma_semaphore, #tpu.memory_space<semaphore_mem>>) src(%dma_wait3A_1367 : memref<128x256xf32, #tpu.memory_space<vmem>>) dst(%dma_wait3A_1363 : memref<128x256xf32, #tpu.memory_space<hbm>>)
          "tpu.trace_stop"() : () -> ()
        } else {
        }
        %and3A_1181 = arith.constant true
        %and3A_1182 = arith.andi %and3A_1177, %and3A_1181 : i1
        %add3A_1183 = arith.constant 1 : i32
        %add3A_1184 = arith.addi %scan3A_277, %add3A_1183 : i32
        %select_n3A_1185 = arith.select %and3A_1182, %add3A_1184, %scan3A_277 : i32
        %mul3A_1186 = arith.constant 128 : i32
        %mul3A_1187 = arith.muli %add3A_285, %mul3A_1186 : i32
        %add3A_1188 = arith.addi %mul3A_1187, %add3A_286 : i32
        %jit3A_1189 = arith.constant 64 : i32
        %div3A_1190 = arith.divsi %add3A_1188, %jit3A_1189 : i32
        %sign3A_1191 = arith.constant 0 : i32
        %sign3A_1192 = arith.cmpi sgt, %add3A_1188, %sign3A_1191 : i32
        %sign3A_1193 = arith.extui %sign3A_1192 : i1 to i32
        %sign3A_1194 = arith.constant 0 : i32
        %sign3A_1195 = arith.cmpi slt, %add3A_1188, %sign3A_1194 : i32
        %sign3A_1196 = arith.extui %sign3A_1195 : i1 to i32
        %sign3A_1197 = arith.subi %sign3A_1193, %sign3A_1196 : i32
        %sign3A_1198 = arith.constant 0 : i32
        %sign3A_1199 = arith.cmpi sgt, %jit3A_1189, %sign3A_1198 : i32
        %sign3A_1200 = arith.extui %sign3A_1199 : i1 to i32
        %sign3A_1201 = arith.constant 0 : i32
        %sign3A_1202 = arith.cmpi slt, %jit3A_1189, %sign3A_1201 : i32
        %sign3A_1203 = arith.extui %sign3A_1202 : i1 to i32
        %sign3A_1204 = arith.subi %sign3A_1200, %sign3A_1203 : i32
        %ne3A_1205 = arith.cmpi ne, %sign3A_1197, %sign3A_1204 : i32
        %rem3A_1206 = arith.remsi %add3A_1188, %jit3A_1189 : i32
        %ne3A_1207 = arith.constant 0 : i32
        %ne3A_1208 = arith.cmpi ne, %rem3A_1206, %ne3A_1207 : i32
        %and3A_1209 = arith.andi %ne3A_1205, %ne3A_1208 : i1
        %sub3A_1210 = arith.constant 1 : i32
        %sub3A_1211 = arith.subi %div3A_1190, %sub3A_1210 : i32
        %select_n3A_1212 = arith.select %and3A_1209, %sub3A_1211, %div3A_1190 : i32
        %mul3A_1213 = arith.constant 128 : i32
        %mul3A_1214 = arith.muli %add3A_285, %mul3A_1213 : i32
        %add3A_1215 = arith.addi %mul3A_1214, %add3A_286 : i32
        %jit3A_1216 = arith.constant 64 : i32
        %eq3A_1217 = arith.constant 0 : i32
        %eq3A_1218 = arith.cmpi eq, %jit3A_1216, %eq3A_1217 : i32
        %jit3A_1219 = arith.constant 1 : i32
        %select_n3A_1220 = arith.select %eq3A_1218, %jit3A_1219, %jit3A_1216 : i32
        %rem3A_1221 = arith.remsi %add3A_1215, %select_n3A_1220 : i32
        %ne3A_1222 = arith.constant 0 : i32
        %ne3A_1223 = arith.cmpi ne, %rem3A_1221, %ne3A_1222 : i32
        %lt3A_1224 = arith.constant 0 : i32
        %lt3A_1225 = arith.cmpi slt, %rem3A_1221, %lt3A_1224 : i32
        %lt3A_1226 = arith.constant 0 : i32
        %lt3A_1227 = arith.cmpi slt, %select_n3A_1220, %lt3A_1226 : i32
        %ne3A_1228 = arith.xori %lt3A_1225, %lt3A_1227 : i1
        %and3A_1229 = arith.andi %ne3A_1228, %ne3A_1223 : i1
        %add3A_1230 = arith.addi %rem3A_1221, %select_n3A_1220 : i32
        %select_n3A_1231 = arith.select %and3A_1229, %add3A_1230, %rem3A_1221 : i32
        %mul3A_1232 = arith.constant 128 : i32
        %mul3A_1233 = arith.muli %add3A_321, %mul3A_1232 : i32
        %add3A_1234 = arith.addi %mul3A_1233, %add3A_322 : i32
        %jit3A_1235 = arith.constant 64 : i32
        %div3A_1236 = arith.divsi %add3A_1234, %jit3A_1235 : i32
        %sign3A_1237 = arith.constant 0 : i32
        %sign3A_1238 = arith.cmpi sgt, %add3A_1234, %sign3A_1237 : i32
        %sign3A_1239 = arith.extui %sign3A_1238 : i1 to i32
        %sign3A_1240 = arith.constant 0 : i32
        %sign3A_1241 = arith.cmpi slt, %add3A_1234, %sign3A_1240 : i32
        %sign3A_1242 = arith.extui %sign3A_1241 : i1 to i32
        %sign3A_1243 = arith.subi %sign3A_1239, %sign3A_1242 : i32
        %sign3A_1244 = arith.constant 0 : i32
        %sign3A_1245 = arith.cmpi sgt, %jit3A_1235, %sign3A_1244 : i32
        %sign3A_1246 = arith.extui %sign3A_1245 : i1 to i32
        %sign3A_1247 = arith.constant 0 : i32
        %sign3A_1248 = arith.cmpi slt, %jit3A_1235, %sign3A_1247 : i32
        %sign3A_1249 = arith.extui %sign3A_1248 : i1 to i32
        %sign3A_1250 = arith.subi %sign3A_1246, %sign3A_1249 : i32
        %ne3A_1251 = arith.cmpi ne, %sign3A_1243, %sign3A_1250 : i32
        %rem3A_1252 = arith.remsi %add3A_1234, %jit3A_1235 : i32
        %ne3A_1253 = arith.constant 0 : i32
        %ne3A_1254 = arith.cmpi ne, %rem3A_1252, %ne3A_1253 : i32
        %and3A_1255 = arith.andi %ne3A_1251, %ne3A_1254 : i1
        %sub3A_1256 = arith.constant 1 : i32
        %sub3A_1257 = arith.subi %div3A_1236, %sub3A_1256 : i32
        %select_n3A_1258 = arith.select %and3A_1255, %sub3A_1257, %div3A_1236 : i32
        %mul3A_1259 = arith.constant 128 : i32
        %mul3A_1260 = arith.muli %add3A_321, %mul3A_1259 : i32
        %add3A_1261 = arith.addi %mul3A_1260, %add3A_322 : i32
        %jit3A_1262 = arith.constant 64 : i32
        %eq3A_1263 = arith.constant 0 : i32
        %eq3A_1264 = arith.cmpi eq, %jit3A_1262, %eq3A_1263 : i32
        %jit3A_1265 = arith.constant 1 : i32
        %select_n3A_1266 = arith.select %eq3A_1264, %jit3A_1265, %jit3A_1262 : i32
        %rem3A_1267 = arith.remsi %add3A_1261, %select_n3A_1266 : i32
        %ne3A_1268 = arith.constant 0 : i32
        %ne3A_1269 = arith.cmpi ne, %rem3A_1267, %ne3A_1268 : i32
        %lt3A_1270 = arith.constant 0 : i32
        %lt3A_1271 = arith.cmpi slt, %rem3A_1267, %lt3A_1270 : i32
        %lt3A_1272 = arith.constant 0 : i32
        %lt3A_1273 = arith.cmpi slt, %select_n3A_1266, %lt3A_1272 : i32
        %ne3A_1274 = arith.xori %lt3A_1271, %lt3A_1273 : i1
        %and3A_1275 = arith.andi %ne3A_1274, %ne3A_1269 : i1
        %add3A_1276 = arith.addi %rem3A_1267, %select_n3A_1266 : i32
        %select_n3A_1277 = arith.select %and3A_1275, %add3A_1276, %rem3A_1267 : i32
        %ne3A_1278 = arith.cmpi ne, %select_n3A_1212, %select_n3A_1258 : i32
        %ne3A_1279 = arith.cmpi ne, %select_n3A_1231, %select_n3A_1277 : i32
        %or3A_1280 = arith.constant false
        %or3A_1281 = arith.ori %or3A_1280, %ne3A_1278 : i1
        %or3A_1282 = arith.ori %or3A_1281, %ne3A_1279 : i1
        %or3A_1283 = arith.constant false
        %or3A_1284 = arith.ori %or3A_1282, %or3A_1283 : i1
        %or3A_1285 = arith.ori %or3A_1284, %eq3A_283 : i1
        %add3A_1286 = arith.constant 1 : i32
        %add3A_1287 = arith.addi %scan3A_275, %add3A_1286 : i32
        %select_n3A_1288 = arith.select %or3A_1285, %add3A_1287, %scan3A_275 : i32
        %add3A_1289 = arith.constant 1 : i32
        %add3A_1290 = arith.addi %scan3A_279, %add3A_1289 : i32
        %select_n3A_1291 = arith.constant true
        %select_n3A_1292 = arith.select %select_n3A_1291, %add3A_1290, %scan3A_279 : i32
        %eq3A_1293 = arith.constant 4 : i32
        %eq3A_1294 = arith.cmpi eq, %select_n3A_1292, %eq3A_1293 : i32
        %select_n3A_1295 = arith.constant 0 : i32
        %select_n3A_1296 = arith.select %eq3A_1294, %select_n3A_1295, %select_n3A_1292 : i32
        %add3A_1297 = arith.constant 1 : i32
        %add3A_1298 = arith.addi %scan3A_278, %add3A_1297 : i32
        %select_n3A_1299 = arith.select %eq3A_1294, %add3A_1298, %scan3A_278 : i32
        %eq3A_1300 = arith.constant 2 : i32
        %eq3A_1301 = arith.cmpi eq, %select_n3A_1299, %eq3A_1300 : i32
        %select_n3A_1302 = arith.constant 0 : i32
        %select_n3A_1303 = arith.select %eq3A_1301, %select_n3A_1302, %select_n3A_1299 : i32
        scf.yield %select_n3A_447, %select_n3A_1288, %select_n3A_970, %select_n3A_1185, %select_n3A_1303, %select_n3A_1296 : i32, i32, i32, i32, i32, i32
      }
      %scan3A_137 = arith.constant 8 : i32
      %sub3A_138 = arith.constant 1 : i32
      %sub3A_139 = arith.subi %scan3A_136#5, %sub3A_138 : i32
      %select_n3A_140 = arith.constant true
      %select_n3A_141 = arith.select %select_n3A_140, %sub3A_139, %scan3A_136#5 : i32
      %eq3A_142 = arith.constant -1 : i32
      %eq3A_143 = arith.cmpi eq, %select_n3A_141, %eq3A_142 : i32
      %select_n3A_144 = arith.constant 3 : i32
      %select_n3A_145 = arith.select %eq3A_143, %select_n3A_144, %select_n3A_141 : i32
      %sub3A_146 = arith.constant 1 : i32
      %sub3A_147 = arith.subi %scan3A_136#4, %sub3A_146 : i32
      %select_n3A_148 = arith.select %eq3A_143, %sub3A_147, %scan3A_136#4 : i32
      %eq3A_149 = arith.constant -1 : i32
      %eq3A_150 = arith.cmpi eq, %select_n3A_148, %eq3A_149 : i32
      %select_n3A_151 = arith.constant 1 : i32
      %select_n3A_152 = arith.select %eq3A_150, %select_n3A_151, %select_n3A_148 : i32
      %add3A_153 = arith.constant 0 : i32
      %add3A_154 = arith.addi %select_n3A_152, %add3A_153 : i32
      %add3A_155 = arith.addi %select_n3A_145, %mul3A_6 : i32
      %sub3A_156 = arith.constant 1 : i32
      %sub3A_157 = arith.subi %select_n3A_145, %sub3A_156 : i32
      %select_n3A_158 = arith.constant true
      %select_n3A_159 = arith.select %select_n3A_158, %sub3A_157, %select_n3A_145 : i32
      %eq3A_160 = arith.constant -1 : i32
      %eq3A_161 = arith.cmpi eq, %select_n3A_159, %eq3A_160 : i32
      %select_n3A_162 = arith.constant 3 : i32
      %select_n3A_163 = arith.select %eq3A_161, %select_n3A_162, %select_n3A_159 : i32
      %sub3A_164 = arith.constant 1 : i32
      %sub3A_165 = arith.subi %select_n3A_152, %sub3A_164 : i32
      %select_n3A_166 = arith.select %eq3A_161, %sub3A_165, %select_n3A_152 : i32
      %eq3A_167 = arith.constant -1 : i32
      %eq3A_168 = arith.cmpi eq, %select_n3A_166, %eq3A_167 : i32
      %select_n3A_169 = arith.constant 1 : i32
      %select_n3A_170 = arith.select %eq3A_168, %select_n3A_169, %select_n3A_166 : i32
      %add3A_171 = arith.constant 0 : i32
      %add3A_172 = arith.addi %select_n3A_170, %add3A_171 : i32
      %add3A_173 = arith.addi %select_n3A_163, %mul3A_6 : i32
      %add3A_174 = arith.constant 1 : i32
      %add3A_175 = arith.addi %select_n3A_145, %add3A_174 : i32
      %select_n3A_176 = arith.constant true
      %select_n3A_177 = arith.select %select_n3A_176, %add3A_175, %select_n3A_145 : i32
      %eq3A_178 = arith.constant 4 : i32
      %eq3A_179 = arith.cmpi eq, %select_n3A_177, %eq3A_178 : i32
      %select_n3A_180 = arith.constant 0 : i32
      %select_n3A_181 = arith.select %eq3A_179, %select_n3A_180, %select_n3A_177 : i32
      %add3A_182 = arith.constant 1 : i32
      %add3A_183 = arith.addi %select_n3A_152, %add3A_182 : i32
      %select_n3A_184 = arith.select %eq3A_179, %add3A_183, %select_n3A_152 : i32
      %eq3A_185 = arith.constant 2 : i32
      %eq3A_186 = arith.cmpi eq, %select_n3A_184, %eq3A_185 : i32
      %select_n3A_187 = arith.constant 0 : i32
      %select_n3A_188 = arith.select %eq3A_186, %select_n3A_187, %select_n3A_184 : i32
      %add3A_189 = arith.constant 0 : i32
      %add3A_190 = arith.addi %select_n3A_188, %add3A_189 : i32
      %add3A_191 = arith.addi %select_n3A_181, %mul3A_6 : i32
      %add3A_192 = arith.constant 1 : i32
      %add3A_193 = arith.addi %select_n3A_181, %add3A_192 : i32
      %select_n3A_194 = arith.constant true
      %select_n3A_195 = arith.select %select_n3A_194, %add3A_193, %select_n3A_181 : i32
      %eq3A_196 = arith.constant 4 : i32
      %eq3A_197 = arith.cmpi eq, %select_n3A_195, %eq3A_196 : i32
      %select_n3A_198 = arith.constant 0 : i32
      %select_n3A_199 = arith.select %eq3A_197, %select_n3A_198, %select_n3A_195 : i32
      %add3A_200 = arith.constant 1 : i32
      %add3A_201 = arith.addi %select_n3A_188, %add3A_200 : i32
      %select_n3A_202 = arith.select %eq3A_197, %add3A_201, %select_n3A_188 : i32
      %eq3A_203 = arith.constant 2 : i32
      %eq3A_204 = arith.cmpi eq, %select_n3A_202, %eq3A_203 : i32
      %select_n3A_205 = arith.constant 0 : i32
      %select_n3A_206 = arith.select %eq3A_204, %select_n3A_205, %select_n3A_202 : i32
      %add3A_207 = arith.constant 0 : i32
      %add3A_208 = arith.addi %select_n3A_206, %add3A_207 : i32
      %add3A_209 = arith.addi %select_n3A_199, %mul3A_6 : i32
      "tpu.trace_start"() <{level = 10 : i32, message = "ep_finalize"}> : () -> ()
      %rem3A_210 = arith.constant 2 : i32
      %rem3A_211 = arith.remui %scan3A_136#3, %rem3A_210 : i32
      %mul3A_212 = arith.constant 128 : i32
      %mul3A_213 = arith.muli %add3A_154, %mul3A_212 : i32
      %add3A_214 = arith.addi %mul3A_213, %add3A_155 : i32
      %jit3A_215 = arith.constant 64 : i32
      %eq3A_216 = arith.constant 0 : i32
      %eq3A_217 = arith.cmpi eq, %jit3A_215, %eq3A_216 : i32
      %jit3A_218 = arith.constant 1 : i32
      %select_n3A_219 = arith.select %eq3A_217, %jit3A_218, %jit3A_215 : i32
      %rem3A_220 = arith.remsi %add3A_214, %select_n3A_219 : i32
      %ne3A_221 = arith.constant 0 : i32
      %ne3A_222 = arith.cmpi ne, %rem3A_220, %ne3A_221 : i32
      %lt3A_223 = arith.constant 0 : i32
      %lt3A_224 = arith.cmpi slt, %rem3A_220, %lt3A_223 : i32
      %lt3A_225 = arith.constant 0 : i32
      %lt3A_226 = arith.cmpi slt, %select_n3A_219, %lt3A_225 : i32
      %ne3A_227 = arith.xori %lt3A_224, %lt3A_226 : i1
      %and3A_228 = arith.andi %ne3A_227, %ne3A_222 : i1
      %add3A_229 = arith.addi %rem3A_220, %select_n3A_219 : i32
      %select_n3A_230 = arith.select %and3A_228, %add3A_229, %rem3A_220 : i32
      %mul3A_231 = arith.constant 128 : i32
      %mul3A_232 = arith.muli %add3A_154, %mul3A_231 : i32
      %add3A_233 = arith.addi %mul3A_232, %add3A_155 : i32
      %jit3A_234 = arith.constant 64 : i32
      %div3A_235 = arith.divsi %add3A_233, %jit3A_234 : i32
      %sign3A_236 = arith.constant 0 : i32
      %sign3A_237 = arith.cmpi sgt, %add3A_233, %sign3A_236 : i32
      %sign3A_238 = arith.extui %sign3A_237 : i1 to i32
      %sign3A_239 = arith.constant 0 : i32
      %sign3A_240 = arith.cmpi slt, %add3A_233, %sign3A_239 : i32
      %sign3A_241 = arith.extui %sign3A_240 : i1 to i32
      %sign3A_242 = arith.subi %sign3A_238, %sign3A_241 : i32
      %sign3A_243 = arith.constant 0 : i32
      %sign3A_244 = arith.cmpi sgt, %jit3A_234, %sign3A_243 : i32
      %sign3A_245 = arith.extui %sign3A_244 : i1 to i32
      %sign3A_246 = arith.constant 0 : i32
      %sign3A_247 = arith.cmpi slt, %jit3A_234, %sign3A_246 : i32
      %sign3A_248 = arith.extui %sign3A_247 : i1 to i32
      %sign3A_249 = arith.subi %sign3A_245, %sign3A_248 : i32
      %ne3A_250 = arith.cmpi ne, %sign3A_242, %sign3A_249 : i32
      %rem3A_251 = arith.remsi %add3A_233, %jit3A_234 : i32
      %ne3A_252 = arith.constant 0 : i32
      %ne3A_253 = arith.cmpi ne, %rem3A_251, %ne3A_252 : i32
      %and3A_254 = arith.andi %ne3A_250, %ne3A_253 : i1
      %sub3A_255 = arith.constant 1 : i32
      %sub3A_256 = arith.subi %div3A_235, %sub3A_255 : i32
      %select_n3A_257 = arith.select %and3A_254, %sub3A_256, %div3A_235 : i32
      %mul3A_258 = arith.constant 128 : i32
      %mul3A_259 = arith.muli %mul3A_258, %select_n3A_230 : i32
      %mul3A_260 = arith.constant 256 : i32
      %mul3A_261 = arith.muli %mul3A_260, %select_n3A_257 : i32
      %dma_wait3A = arith.constant 0 : i32
      %dma_wait3A_262 = arith.constant 0 : i32
      %dma_wait3A_263 = tpu.memref_slice %run_scoped3A_8[%rem3A_211, %dma_wait3A, %dma_wait3A_262] : memref<2x128x256xf32, #tpu.memory_space<vmem>> -> memref<1x128x256xf32, #tpu.memory_space<vmem>>
      %dma_wait3A_264 = tpu.memref_squeeze %dma_wait3A_263 : memref<1x128x256xf32, #tpu.memory_space<vmem>> -> memref<128x256xf32, #tpu.memory_space<vmem>>
      %dma_wait3A_265 = tpu.memref_slice %arg4[%mul3A_259, %mul3A_261] : memref<8192x1024xf32, #tpu.memory_space<hbm>> -> memref<128x256xf32, #tpu.memory_space<hbm>>
      %dma_wait3A_266 = tpu.memref_slice %run_scoped3A_9[%rem3A_211] : memref<2x!tpu.dma_semaphore, #tpu.memory_space<semaphore_mem>> -> memref<1x!tpu.dma_semaphore, #tpu.memory_space<semaphore_mem>>
      %dma_wait3A_267 = tpu.memref_squeeze %dma_wait3A_266 : memref<1x!tpu.dma_semaphore, #tpu.memory_space<semaphore_mem>> -> memref<!tpu.dma_semaphore, #tpu.memory_space<semaphore_mem>>
      %dma_wait3A_268 = tpu.memref_slice %arg4[%mul3A_259, %mul3A_261] : memref<8192x1024xf32, #tpu.memory_space<hbm>> -> memref<128x256xf32, #tpu.memory_space<hbm>>
      %dma_wait3A_269 = arith.constant 0 : i32
      %dma_wait3A_270 = arith.constant 0 : i32
      %dma_wait3A_271 = tpu.memref_slice %run_scoped3A_8[%rem3A_211, %dma_wait3A_269, %dma_wait3A_270] : memref<2x128x256xf32, #tpu.memory_space<vmem>> -> memref<1x128x256xf32, #tpu.memory_space<vmem>>
      %dma_wait3A_272 = tpu.memref_squeeze %dma_wait3A_271 : memref<1x128x256xf32, #tpu.memory_space<vmem>> -> memref<128x256xf32, #tpu.memory_space<vmem>>
      tpu.wait_dma2 semaphore(%dma_wait3A_267 : memref<!tpu.dma_semaphore, #tpu.memory_space<semaphore_mem>>) src(%dma_wait3A_272 : memref<128x256xf32, #tpu.memory_space<vmem>>) dst(%dma_wait3A_268 : memref<128x256xf32, #tpu.memory_space<hbm>>)
      "tpu.trace_stop"() : () -> ()
      tpu.yield
    }) : () -> ()
    return
  }
}

#map = affine_map<(d0, d1) -> (0, 0)>
#map1 = affine_map<(d0, d1) -> (0, 0, 0)>
module attributes {stable_mosaic.version = 14 : i64} {
  func.func @k(%arg0: i32, %arg1: i32, %arg2: memref<32768x256xf32, #tpu.memory_space<hbm>>, %arg3: memref<8192x128xf32, #tpu.memory_space<hbm>>, %arg4: memref<4x64x128xi32, #tpu.memory_space<hbm>>, %arg5: memref<64x128xi32, #tpu.memory_space<hbm>>, %arg6: memref<36864x256xf32, #tpu.memory_space<hbm>>, %arg7: memref<9216x128xf32, #tpu.memory_space<hbm>>) attributes {dimension_semantics = [#tpu.dimension_semantics<core_parallel>, #tpu.dimension_semantics<subcore_parallel>], iteration_bounds = array<i64: 2, 16>, scalar_prefetch = 0 : i64, scratch_operands = 0 : i64, tpu.core_type = #tpu.core_type<sc_vector_subcore>, window_params = [{transform_indices = #map}, {transform_indices = #map}, {transform_indices = #map1}, {transform_indices = #map}, {transform_indices = #map}, {transform_indices = #map}]} {
    %mul3A = arith.constant 1 : i32
    %mul3A_0 = arith.muli %arg1, %mul3A : i32
    %add3A = arith.constant 0 : i32
    %add3A_1 = arith.addi %add3A, %mul3A_0 : i32
    %mul3A_2 = arith.constant 16 : i32
    %mul3A_3 = arith.muli %arg0, %mul3A_2 : i32
    %add3A_4 = arith.addi %add3A_1, %mul3A_3 : i32
    %mul3A_5 = arith.constant 4 : i32
    %mul3A_6 = arith.muli %add3A_4, %mul3A_5 : i32
    "tpu.region"() ({
      %run_scoped3A = memref.alloca() : memref<2x128x256xf32, #tpu.memory_space<vmem>>
      %run_scoped3A_16 = tpu.sem_alloc : memref<2x!tpu.dma_semaphore, #tpu.memory_space<semaphore_mem>>
      %run_scoped3A_17 = memref.alloca() : memref<2x1x1x128xi32, #tpu.memory_space<vmem>>
      %run_scoped3A_18 = tpu.sem_alloc : memref<2x!tpu.dma_semaphore, #tpu.memory_space<semaphore_mem>>
      %add3A_19 = arith.constant 0 : i32
      %add3A_20 = arith.addi %add3A_19, %mul3A_6 : i32
      %select_n3A = arith.constant true
      %select_n3A_21 = arith.constant 0 : i32
      %select_n3A_22 = arith.constant -1 : i32
      %select_n3A_23 = arith.select %select_n3A, %select_n3A_22, %select_n3A_21 : i32
      %eq3A = arith.constant -1 : i32
      %eq3A_24 = arith.cmpi eq, %select_n3A_23, %eq3A : i32
      %select_n3A_25 = arith.constant 3 : i32
      %select_n3A_26 = arith.select %eq3A_24, %select_n3A_25, %select_n3A_23 : i32
      %select_n3A_27 = arith.constant 0 : i32
      %select_n3A_28 = arith.constant -1 : i32
      %select_n3A_29 = arith.select %eq3A_24, %select_n3A_28, %select_n3A_27 : i32
      %eq3A_30 = arith.constant -1 : i32
      %eq3A_31 = arith.cmpi eq, %select_n3A_29, %eq3A_30 : i32
      %select_n3A_32 = arith.constant 1 : i32
      %select_n3A_33 = arith.select %eq3A_31, %select_n3A_32, %select_n3A_29 : i32
      %add3A_34 = arith.constant 0 : i32
      %add3A_35 = arith.addi %select_n3A_33, %add3A_34 : i32
      %add3A_36 = arith.addi %select_n3A_26, %mul3A_6 : i32
      %select_n3A_37 = arith.constant true
      %select_n3A_38 = arith.constant 0 : i32
      %select_n3A_39 = arith.constant 1 : i32
      %select_n3A_40 = arith.select %select_n3A_37, %select_n3A_39, %select_n3A_38 : i32
      %eq3A_41 = arith.constant 4 : i32
      %eq3A_42 = arith.cmpi eq, %select_n3A_40, %eq3A_41 : i32
      %select_n3A_43 = arith.constant 0 : i32
      %select_n3A_44 = arith.select %eq3A_42, %select_n3A_43, %select_n3A_40 : i32
      %select_n3A_45 = arith.constant 0 : i32
      %select_n3A_46 = arith.constant 1 : i32
      %select_n3A_47 = arith.select %eq3A_42, %select_n3A_46, %select_n3A_45 : i32
      %eq3A_48 = arith.constant 2 : i32
      %eq3A_49 = arith.cmpi eq, %select_n3A_47, %eq3A_48 : i32
      %select_n3A_50 = arith.constant 0 : i32
      %select_n3A_51 = arith.select %eq3A_49, %select_n3A_50, %select_n3A_47 : i32
      %add3A_52 = arith.constant 0 : i32
      %add3A_53 = arith.addi %select_n3A_51, %add3A_52 : i32
      %add3A_54 = arith.addi %select_n3A_44, %mul3A_6 : i32
      %add3A_55 = arith.constant 1 : i32
      %add3A_56 = arith.addi %select_n3A_44, %add3A_55 : i32
      %select_n3A_57 = arith.constant true
      %select_n3A_58 = arith.select %select_n3A_57, %add3A_56, %select_n3A_44 : i32
      %eq3A_59 = arith.constant 4 : i32
      %eq3A_60 = arith.cmpi eq, %select_n3A_58, %eq3A_59 : i32
      %select_n3A_61 = arith.constant 0 : i32
      %select_n3A_62 = arith.select %eq3A_60, %select_n3A_61, %select_n3A_58 : i32
      %add3A_63 = arith.constant 1 : i32
      %add3A_64 = arith.addi %select_n3A_51, %add3A_63 : i32
      %select_n3A_65 = arith.select %eq3A_60, %add3A_64, %select_n3A_51 : i32
      %eq3A_66 = arith.constant 2 : i32
      %eq3A_67 = arith.cmpi eq, %select_n3A_65, %eq3A_66 : i32
      %select_n3A_68 = arith.constant 0 : i32
      %select_n3A_69 = arith.select %eq3A_67, %select_n3A_68, %select_n3A_65 : i32
      %add3A_70 = arith.constant 0 : i32
      %add3A_71 = arith.addi %select_n3A_69, %add3A_70 : i32
      %add3A_72 = arith.addi %select_n3A_62, %mul3A_6 : i32
      "tpu.trace_start"() <{level = 10 : i32, message = "ep_initialize_0"}> : () -> ()
      %rem3A = arith.constant 0 : i32
      %rem3A_73 = arith.constant 2 : i32
      %rem3A_74 = arith.remui %rem3A, %rem3A_73 : i32
      %add3A_75 = arith.constant 0 : i32
      %add3A_76 = arith.addi %add3A_75, %add3A_20 : i32
      %mul3A_77 = arith.constant 128 : i32
      %mul3A_78 = arith.muli %mul3A_77, %add3A_76 : i32
      %dma_start3A = arith.constant 0 : i32
      %dma_start3A_79 = arith.constant 0 : i32
      %dma_start3A_80 = tpu.memref_slice %run_scoped3A[%rem3A_74, %dma_start3A, %dma_start3A_79] : memref<2x128x256xf32, #tpu.memory_space<vmem>> -> memref<1x128x256xf32, #tpu.memory_space<vmem>>
      %dma_start3A_81 = tpu.memref_squeeze %dma_start3A_80 : memref<1x128x256xf32, #tpu.memory_space<vmem>> -> memref<128x256xf32, #tpu.memory_space<vmem>>
      %dma_start3A_82 = arith.constant 0 : i32
      %dma_start3A_83 = tpu.memref_slice %arg2[%mul3A_78, %dma_start3A_82] : memref<32768x256xf32, #tpu.memory_space<hbm>> -> memref<128x256xf32, #tpu.memory_space<hbm>>
      %dma_start3A_84 = tpu.memref_slice %run_scoped3A_16[%rem3A_74] : memref<2x!tpu.dma_semaphore, #tpu.memory_space<semaphore_mem>> -> memref<1x!tpu.dma_semaphore, #tpu.memory_space<semaphore_mem>>
      %dma_start3A_85 = tpu.memref_squeeze %dma_start3A_84 : memref<1x!tpu.dma_semaphore, #tpu.memory_space<semaphore_mem>> -> memref<!tpu.dma_semaphore, #tpu.memory_space<semaphore_mem>>
      %dma_start3A_86 = arith.constant 0 : i32
      %dma_start3A_87 = arith.constant 0 : i32
      %dma_start3A_88 = tpu.memref_slice %run_scoped3A[%rem3A_74, %dma_start3A_86, %dma_start3A_87] : memref<2x128x256xf32, #tpu.memory_space<vmem>> -> memref<1x128x256xf32, #tpu.memory_space<vmem>>
      %dma_start3A_89 = tpu.memref_squeeze %dma_start3A_88 : memref<1x128x256xf32, #tpu.memory_space<vmem>> -> memref<128x256xf32, #tpu.memory_space<vmem>>
      %dma_start3A_90 = arith.constant 0 : i32
      %dma_start3A_91 = tpu.memref_slice %arg2[%mul3A_78, %dma_start3A_90] : memref<32768x256xf32, #tpu.memory_space<hbm>> -> memref<128x256xf32, #tpu.memory_space<hbm>>
      tpu.enqueue_dma source(%dma_start3A_91 : memref<128x256xf32, #tpu.memory_space<hbm>>) target(%dma_start3A_89 : memref<128x256xf32, #tpu.memory_space<vmem>>) target_semaphore(%dma_start3A_85 : memref<!tpu.dma_semaphore, #tpu.memory_space<semaphore_mem>>)
      %add3A_92 = arith.constant 0 : i32
      %add3A_93 = arith.constant 1 : i32
      %add3A_94 = arith.addi %add3A_92, %add3A_93 : i32
      %select_n3A_95 = arith.constant true
      %select_n3A_96 = arith.constant 0 : i32
      %select_n3A_97 = arith.select %select_n3A_95, %add3A_94, %select_n3A_96 : i32
      %rem3A_98 = arith.constant 0 : i32
      %rem3A_99 = arith.constant 2 : i32
      %rem3A_100 = arith.remui %rem3A_98, %rem3A_99 : i32
      %add3A_101 = arith.constant 0 : i32
      %add3A_102 = arith.addi %add3A_101, %add3A_20 : i32
      %jit3A = arith.constant 64 : i32
      %div3A = arith.divsi %add3A_102, %jit3A : i32
      %sign3A = arith.constant 0 : i32
      %sign3A_103 = arith.cmpi sgt, %add3A_102, %sign3A : i32
      %sign3A_104 = arith.extui %sign3A_103 : i1 to i32
      %sign3A_105 = arith.constant 0 : i32
      %sign3A_106 = arith.cmpi slt, %add3A_102, %sign3A_105 : i32
      %sign3A_107 = arith.extui %sign3A_106 : i1 to i32
      %sign3A_108 = arith.subi %sign3A_104, %sign3A_107 : i32
      %sign3A_109 = arith.constant 0 : i32
      %sign3A_110 = arith.cmpi sgt, %jit3A, %sign3A_109 : i32
      %sign3A_111 = arith.extui %sign3A_110 : i1 to i32
      %sign3A_112 = arith.constant 0 : i32
      %sign3A_113 = arith.cmpi slt, %jit3A, %sign3A_112 : i32
      %sign3A_114 = arith.extui %sign3A_113 : i1 to i32
      %sign3A_115 = arith.subi %sign3A_111, %sign3A_114 : i32
      %ne3A = arith.cmpi ne, %sign3A_108, %sign3A_115 : i32
      %rem3A_116 = arith.remsi %add3A_102, %jit3A : i32
      %ne3A_117 = arith.constant 0 : i32
      %ne3A_118 = arith.cmpi ne, %rem3A_116, %ne3A_117 : i32
      %and3A = arith.andi %ne3A, %ne3A_118 : i1
      %sub3A = arith.constant 1 : i32
      %sub3A_119 = arith.subi %div3A, %sub3A : i32
      %select_n3A_120 = arith.select %and3A, %sub3A_119, %div3A : i32
      %add3A_121 = arith.constant 0 : i32
      %add3A_122 = arith.addi %add3A_121, %add3A_20 : i32
      %jit3A_123 = arith.constant 64 : i32
      %eq3A_124 = arith.constant 0 : i32
      %eq3A_125 = arith.cmpi eq, %jit3A_123, %eq3A_124 : i32
      %jit3A_126 = arith.constant 1 : i32
      %select_n3A_127 = arith.select %eq3A_125, %jit3A_126, %jit3A_123 : i32
      %rem3A_128 = arith.remsi %add3A_122, %select_n3A_127 : i32
      %ne3A_129 = arith.constant 0 : i32
      %ne3A_130 = arith.cmpi ne, %rem3A_128, %ne3A_129 : i32
      %lt3A = arith.constant 0 : i32
      %lt3A_131 = arith.cmpi slt, %rem3A_128, %lt3A : i32
      %lt3A_132 = arith.constant 0 : i32
      %lt3A_133 = arith.cmpi slt, %select_n3A_127, %lt3A_132 : i32
      %ne3A_134 = arith.xori %lt3A_131, %lt3A_133 : i1
      %and3A_135 = arith.andi %ne3A_134, %ne3A_130 : i1
      %add3A_136 = arith.addi %rem3A_128, %select_n3A_127 : i32
      %select_n3A_137 = arith.select %and3A_135, %add3A_136, %rem3A_128 : i32
      %mul3A_138 = arith.constant 1 : i32
      %mul3A_139 = arith.muli %mul3A_138, %select_n3A_120 : i32
      %mul3A_140 = arith.constant 1 : i32
      %mul3A_141 = arith.muli %mul3A_140, %select_n3A_137 : i32
      %dma_start3A_142 = arith.constant 0 : i32
      %dma_start3A_143 = arith.constant 0 : i32
      %dma_start3A_144 = arith.constant 0 : i32
      %dma_start3A_145 = tpu.memref_slice %run_scoped3A_17[%rem3A_100, %dma_start3A_142, %dma_start3A_143, %dma_start3A_144] : memref<2x1x1x128xi32, #tpu.memory_space<vmem>> -> memref<1x1x1x128xi32, #tpu.memory_space<vmem>>
      %dma_start3A_146 = tpu.memref_squeeze %dma_start3A_145 : memref<1x1x1x128xi32, #tpu.memory_space<vmem>> -> memref<1x1x128xi32, #tpu.memory_space<vmem>>
      %dma_start3A_147 = arith.constant 0 : i32
      %dma_start3A_148 = tpu.memref_slice %arg4[%mul3A_139, %mul3A_141, %dma_start3A_147] : memref<4x64x128xi32, #tpu.memory_space<hbm>> -> memref<1x1x128xi32, #tpu.memory_space<hbm>>
      %dma_start3A_149 = tpu.memref_slice %run_scoped3A_18[%rem3A_100] : memref<2x!tpu.dma_semaphore, #tpu.memory_space<semaphore_mem>> -> memref<1x!tpu.dma_semaphore, #tpu.memory_space<semaphore_mem>>
      %dma_start3A_150 = tpu.memref_squeeze %dma_start3A_149 : memref<1x!tpu.dma_semaphore, #tpu.memory_space<semaphore_mem>> -> memref<!tpu.dma_semaphore, #tpu.memory_space<semaphore_mem>>
      %dma_start3A_151 = arith.constant 0 : i32
      %dma_start3A_152 = arith.constant 0 : i32
      %dma_start3A_153 = arith.constant 0 : i32
      %dma_start3A_154 = tpu.memref_slice %run_scoped3A_17[%rem3A_100, %dma_start3A_151, %dma_start3A_152, %dma_start3A_153] : memref<2x1x1x128xi32, #tpu.memory_space<vmem>> -> memref<1x1x1x128xi32, #tpu.memory_space<vmem>>
      %dma_start3A_155 = tpu.memref_squeeze %dma_start3A_154 : memref<1x1x1x128xi32, #tpu.memory_space<vmem>> -> memref<1x1x128xi32, #tpu.memory_space<vmem>>
      %dma_start3A_156 = arith.constant 0 : i32
      %dma_start3A_157 = tpu.memref_slice %arg4[%mul3A_139, %mul3A_141, %dma_start3A_156] : memref<4x64x128xi32, #tpu.memory_space<hbm>> -> memref<1x1x128xi32, #tpu.memory_space<hbm>>
      tpu.enqueue_dma source(%dma_start3A_157 : memref<1x1x128xi32, #tpu.memory_space<hbm>>) target(%dma_start3A_155 : memref<1x1x128xi32, #tpu.memory_space<vmem>>) target_semaphore(%dma_start3A_150 : memref<!tpu.dma_semaphore, #tpu.memory_space<semaphore_mem>>)
      %add3A_158 = arith.constant 0 : i32
      %add3A_159 = arith.constant 1 : i32
      %add3A_160 = arith.addi %add3A_158, %add3A_159 : i32
      %select_n3A_161 = arith.constant true
      %select_n3A_162 = arith.constant 0 : i32
      %select_n3A_163 = arith.select %select_n3A_161, %add3A_160, %select_n3A_162 : i32
      "tpu.trace_stop"() : () -> ()
      %scan3A = arith.constant 0 : i32
      %scan3A_164 = arith.constant 0 : i32
      %scan3A_165 = arith.constant 0 : i32
      %scan3A_166 = arith.constant 0 : i32
      %scan3A_167 = arith.constant 0 : i32
      %scan3A_168 = arith.constant 8 : i32
      %scan3A_169 = arith.addi %scan3A_167, %scan3A_168 : i32
      %scan3A_170 = arith.constant 1 : i32
      %scan3A_171:6 = scf.for %scan3A_245 = %scan3A_167 to %scan3A_169 step %scan3A_170 iter_args(%scan3A_246 = %select_n3A_97, %scan3A_247 = %scan3A, %scan3A_248 = %select_n3A_163, %scan3A_249 = %scan3A_164, %scan3A_250 = %scan3A_165, %scan3A_251 = %scan3A_166) -> (i32, i32, i32, i32, i32, i32)  : i32 {
        %eq3A_252 = arith.constant 0 : i32
        %eq3A_253 = arith.cmpi eq, %scan3A_245, %eq3A_252 : i32
        %eq3A_254 = arith.constant 7 : i32
        %eq3A_255 = arith.cmpi eq, %scan3A_245, %eq3A_254 : i32
        %add3A_256 = arith.constant 0 : i32
        %add3A_257 = arith.addi %scan3A_250, %add3A_256 : i32
        %add3A_258 = arith.addi %scan3A_251, %mul3A_6 : i32
        %sub3A_259 = arith.constant 1 : i32
        %sub3A_260 = arith.subi %scan3A_251, %sub3A_259 : i32
        %select_n3A_261 = arith.constant true
        %select_n3A_262 = arith.select %select_n3A_261, %sub3A_260, %scan3A_251 : i32
        %eq3A_263 = arith.constant -1 : i32
        %eq3A_264 = arith.cmpi eq, %select_n3A_262, %eq3A_263 : i32
        %select_n3A_265 = arith.constant 3 : i32
        %select_n3A_266 = arith.select %eq3A_264, %select_n3A_265, %select_n3A_262 : i32
        %sub3A_267 = arith.constant 1 : i32
        %sub3A_268 = arith.subi %scan3A_250, %sub3A_267 : i32
        %select_n3A_269 = arith.select %eq3A_264, %sub3A_268, %scan3A_250 : i32
        %eq3A_270 = arith.constant -1 : i32
        %eq3A_271 = arith.cmpi eq, %select_n3A_269, %eq3A_270 : i32
        %select_n3A_272 = arith.constant 1 : i32
        %select_n3A_273 = arith.select %eq3A_271, %select_n3A_272, %select_n3A_269 : i32
        %add3A_274 = arith.constant 0 : i32
        %add3A_275 = arith.addi %select_n3A_273, %add3A_274 : i32
        %add3A_276 = arith.addi %select_n3A_266, %mul3A_6 : i32
        %add3A_277 = arith.constant 1 : i32
        %add3A_278 = arith.addi %scan3A_251, %add3A_277 : i32
        %select_n3A_279 = arith.constant true
        %select_n3A_280 = arith.select %select_n3A_279, %add3A_278, %scan3A_251 : i32
        %eq3A_281 = arith.constant 4 : i32
        %eq3A_282 = arith.cmpi eq, %select_n3A_280, %eq3A_281 : i32
        %select_n3A_283 = arith.constant 0 : i32
        %select_n3A_284 = arith.select %eq3A_282, %select_n3A_283, %select_n3A_280 : i32
        %add3A_285 = arith.constant 1 : i32
        %add3A_286 = arith.addi %scan3A_250, %add3A_285 : i32
        %select_n3A_287 = arith.select %eq3A_282, %add3A_286, %scan3A_250 : i32
        %eq3A_288 = arith.constant 2 : i32
        %eq3A_289 = arith.cmpi eq, %select_n3A_287, %eq3A_288 : i32
        %select_n3A_290 = arith.constant 0 : i32
        %select_n3A_291 = arith.select %eq3A_289, %select_n3A_290, %select_n3A_287 : i32
        %add3A_292 = arith.constant 0 : i32
        %add3A_293 = arith.addi %select_n3A_291, %add3A_292 : i32
        %add3A_294 = arith.addi %select_n3A_284, %mul3A_6 : i32
        %add3A_295 = arith.constant 1 : i32
        %add3A_296 = arith.addi %select_n3A_284, %add3A_295 : i32
        %select_n3A_297 = arith.constant true
        %select_n3A_298 = arith.select %select_n3A_297, %add3A_296, %select_n3A_284 : i32
        %eq3A_299 = arith.constant 4 : i32
        %eq3A_300 = arith.cmpi eq, %select_n3A_298, %eq3A_299 : i32
        %select_n3A_301 = arith.constant 0 : i32
        %select_n3A_302 = arith.select %eq3A_300, %select_n3A_301, %select_n3A_298 : i32
        %add3A_303 = arith.constant 1 : i32
        %add3A_304 = arith.addi %select_n3A_291, %add3A_303 : i32
        %select_n3A_305 = arith.select %eq3A_300, %add3A_304, %select_n3A_291 : i32
        %eq3A_306 = arith.constant 2 : i32
        %eq3A_307 = arith.cmpi eq, %select_n3A_305, %eq3A_306 : i32
        %select_n3A_308 = arith.constant 0 : i32
        %select_n3A_309 = arith.select %eq3A_307, %select_n3A_308, %select_n3A_305 : i32
        %add3A_310 = arith.constant 0 : i32
        %add3A_311 = arith.addi %select_n3A_309, %add3A_310 : i32
        %add3A_312 = arith.addi %select_n3A_302, %mul3A_6 : i32
        %mul3A_313 = arith.constant 128 : i32
        %mul3A_314 = arith.muli %add3A_257, %mul3A_313 : i32
        %add3A_315 = arith.addi %mul3A_314, %add3A_258 : i32
        %mul3A_316 = arith.constant 128 : i32
        %mul3A_317 = arith.muli %add3A_293, %mul3A_316 : i32
        %add3A_318 = arith.addi %mul3A_317, %add3A_294 : i32
        %ne3A_319 = arith.cmpi ne, %add3A_315, %add3A_318 : i32
        %or3A = arith.constant false
        %or3A_320 = arith.ori %or3A, %ne3A_319 : i1
        %or3A_321 = arith.constant false
        %or3A_322 = arith.ori %or3A_320, %or3A_321 : i1
        %ge3A = arith.constant 7 : i32
        %ge3A_323 = arith.cmpi sge, %scan3A_245, %ge3A : i32
        %not3A = arith.constant true
        %not3A_324 = arith.xori %ge3A_323, %not3A : i1
        %and3A_325 = arith.andi %or3A_322, %not3A_324 : i1
        %convert_element_type3A = arith.extui %and3A_325 : i1 to i32
        %cond3A = arith.constant 0 : i32
        %cond3A_326 = arith.cmpi ne, %convert_element_type3A, %cond3A : i32
        scf.if %cond3A_326 {
          "tpu.trace_start"() <{level = 10 : i32, message = "ep_copy_in"}> : () -> ()
          %rem3A_949 = arith.constant 2 : i32
          %rem3A_950 = arith.remui %scan3A_246, %rem3A_949 : i32
          %mul3A_951 = arith.constant 128 : i32
          %mul3A_952 = arith.muli %add3A_293, %mul3A_951 : i32
          %add3A_953 = arith.addi %mul3A_952, %add3A_294 : i32
          %mul3A_954 = arith.constant 128 : i32
          %mul3A_955 = arith.muli %mul3A_954, %add3A_953 : i32
          %dma_start3A_956 = arith.constant 0 : i32
          %dma_start3A_957 = arith.constant 0 : i32
          %dma_start3A_958 = tpu.memref_slice %run_scoped3A[%rem3A_950, %dma_start3A_956, %dma_start3A_957] : memref<2x128x256xf32, #tpu.memory_space<vmem>> -> memref<1x128x256xf32, #tpu.memory_space<vmem>>
          %dma_start3A_959 = tpu.memref_squeeze %dma_start3A_958 : memref<1x128x256xf32, #tpu.memory_space<vmem>> -> memref<128x256xf32, #tpu.memory_space<vmem>>
          %dma_start3A_960 = arith.constant 0 : i32
          %dma_start3A_961 = tpu.memref_slice %arg2[%mul3A_955, %dma_start3A_960] : memref<32768x256xf32, #tpu.memory_space<hbm>> -> memref<128x256xf32, #tpu.memory_space<hbm>>
          %dma_start3A_962 = tpu.memref_slice %run_scoped3A_16[%rem3A_950] : memref<2x!tpu.dma_semaphore, #tpu.memory_space<semaphore_mem>> -> memref<1x!tpu.dma_semaphore, #tpu.memory_space<semaphore_mem>>
          %dma_start3A_963 = tpu.memref_squeeze %dma_start3A_962 : memref<1x!tpu.dma_semaphore, #tpu.memory_space<semaphore_mem>> -> memref<!tpu.dma_semaphore, #tpu.memory_space<semaphore_mem>>
          %dma_start3A_964 = arith.constant 0 : i32
          %dma_start3A_965 = arith.constant 0 : i32
          %dma_start3A_966 = tpu.memref_slice %run_scoped3A[%rem3A_950, %dma_start3A_964, %dma_start3A_965] : memref<2x128x256xf32, #tpu.memory_space<vmem>> -> memref<1x128x256xf32, #tpu.memory_space<vmem>>
          %dma_start3A_967 = tpu.memref_squeeze %dma_start3A_966 : memref<1x128x256xf32, #tpu.memory_space<vmem>> -> memref<128x256xf32, #tpu.memory_space<vmem>>
          %dma_start3A_968 = arith.constant 0 : i32
          %dma_start3A_969 = tpu.memref_slice %arg2[%mul3A_955, %dma_start3A_968] : memref<32768x256xf32, #tpu.memory_space<hbm>> -> memref<128x256xf32, #tpu.memory_space<hbm>>
          tpu.enqueue_dma source(%dma_start3A_969 : memref<128x256xf32, #tpu.memory_space<hbm>>) target(%dma_start3A_967 : memref<128x256xf32, #tpu.memory_space<vmem>>) target_semaphore(%dma_start3A_963 : memref<!tpu.dma_semaphore, #tpu.memory_space<semaphore_mem>>)
          "tpu.trace_stop"() : () -> ()
        } else {
        }
        %and3A_327 = arith.constant true
        %and3A_328 = arith.andi %and3A_325, %and3A_327 : i1
        %add3A_329 = arith.constant 1 : i32
        %add3A_330 = arith.addi %scan3A_246, %add3A_329 : i32
        %select_n3A_331 = arith.select %and3A_328, %add3A_330, %scan3A_246 : i32
        %mul3A_332 = arith.constant 128 : i32
        %mul3A_333 = arith.muli %add3A_257, %mul3A_332 : i32
        %add3A_334 = arith.addi %mul3A_333, %add3A_258 : i32
        %jit3A_335 = arith.constant 64 : i32
        %div3A_336 = arith.divsi %add3A_334, %jit3A_335 : i32
        %sign3A_337 = arith.constant 0 : i32
        %sign3A_338 = arith.cmpi sgt, %add3A_334, %sign3A_337 : i32
        %sign3A_339 = arith.extui %sign3A_338 : i1 to i32
        %sign3A_340 = arith.constant 0 : i32
        %sign3A_341 = arith.cmpi slt, %add3A_334, %sign3A_340 : i32
        %sign3A_342 = arith.extui %sign3A_341 : i1 to i32
        %sign3A_343 = arith.subi %sign3A_339, %sign3A_342 : i32
        %sign3A_344 = arith.constant 0 : i32
        %sign3A_345 = arith.cmpi sgt, %jit3A_335, %sign3A_344 : i32
        %sign3A_346 = arith.extui %sign3A_345 : i1 to i32
        %sign3A_347 = arith.constant 0 : i32
        %sign3A_348 = arith.cmpi slt, %jit3A_335, %sign3A_347 : i32
        %sign3A_349 = arith.extui %sign3A_348 : i1 to i32
        %sign3A_350 = arith.subi %sign3A_346, %sign3A_349 : i32
        %ne3A_351 = arith.cmpi ne, %sign3A_343, %sign3A_350 : i32
        %rem3A_352 = arith.remsi %add3A_334, %jit3A_335 : i32
        %ne3A_353 = arith.constant 0 : i32
        %ne3A_354 = arith.cmpi ne, %rem3A_352, %ne3A_353 : i32
        %and3A_355 = arith.andi %ne3A_351, %ne3A_354 : i1
        %sub3A_356 = arith.constant 1 : i32
        %sub3A_357 = arith.subi %div3A_336, %sub3A_356 : i32
        %select_n3A_358 = arith.select %and3A_355, %sub3A_357, %div3A_336 : i32
        %mul3A_359 = arith.constant 128 : i32
        %mul3A_360 = arith.muli %add3A_257, %mul3A_359 : i32
        %add3A_361 = arith.addi %mul3A_360, %add3A_258 : i32
        %jit3A_362 = arith.constant 64 : i32
        %eq3A_363 = arith.constant 0 : i32
        %eq3A_364 = arith.cmpi eq, %jit3A_362, %eq3A_363 : i32
        %jit3A_365 = arith.constant 1 : i32
        %select_n3A_366 = arith.select %eq3A_364, %jit3A_365, %jit3A_362 : i32
        %rem3A_367 = arith.remsi %add3A_361, %select_n3A_366 : i32
        %ne3A_368 = arith.constant 0 : i32
        %ne3A_369 = arith.cmpi ne, %rem3A_367, %ne3A_368 : i32
        %lt3A_370 = arith.constant 0 : i32
        %lt3A_371 = arith.cmpi slt, %rem3A_367, %lt3A_370 : i32
        %lt3A_372 = arith.constant 0 : i32
        %lt3A_373 = arith.cmpi slt, %select_n3A_366, %lt3A_372 : i32
        %ne3A_374 = arith.xori %lt3A_371, %lt3A_373 : i1
        %and3A_375 = arith.andi %ne3A_374, %ne3A_369 : i1
        %add3A_376 = arith.addi %rem3A_367, %select_n3A_366 : i32
        %select_n3A_377 = arith.select %and3A_375, %add3A_376, %rem3A_367 : i32
        %mul3A_378 = arith.constant 128 : i32
        %mul3A_379 = arith.muli %add3A_293, %mul3A_378 : i32
        %add3A_380 = arith.addi %mul3A_379, %add3A_294 : i32
        %jit3A_381 = arith.constant 64 : i32
        %div3A_382 = arith.divsi %add3A_380, %jit3A_381 : i32
        %sign3A_383 = arith.constant 0 : i32
        %sign3A_384 = arith.cmpi sgt, %add3A_380, %sign3A_383 : i32
        %sign3A_385 = arith.extui %sign3A_384 : i1 to i32
        %sign3A_386 = arith.constant 0 : i32
        %sign3A_387 = arith.cmpi slt, %add3A_380, %sign3A_386 : i32
        %sign3A_388 = arith.extui %sign3A_387 : i1 to i32
        %sign3A_389 = arith.subi %sign3A_385, %sign3A_388 : i32
        %sign3A_390 = arith.constant 0 : i32
        %sign3A_391 = arith.cmpi sgt, %jit3A_381, %sign3A_390 : i32
        %sign3A_392 = arith.extui %sign3A_391 : i1 to i32
        %sign3A_393 = arith.constant 0 : i32
        %sign3A_394 = arith.cmpi slt, %jit3A_381, %sign3A_393 : i32
        %sign3A_395 = arith.extui %sign3A_394 : i1 to i32
        %sign3A_396 = arith.subi %sign3A_392, %sign3A_395 : i32
        %ne3A_397 = arith.cmpi ne, %sign3A_389, %sign3A_396 : i32
        %rem3A_398 = arith.remsi %add3A_380, %jit3A_381 : i32
        %ne3A_399 = arith.constant 0 : i32
        %ne3A_400 = arith.cmpi ne, %rem3A_398, %ne3A_399 : i32
        %and3A_401 = arith.andi %ne3A_397, %ne3A_400 : i1
        %sub3A_402 = arith.constant 1 : i32
        %sub3A_403 = arith.subi %div3A_382, %sub3A_402 : i32
        %select_n3A_404 = arith.select %and3A_401, %sub3A_403, %div3A_382 : i32
        %mul3A_405 = arith.constant 128 : i32
        %mul3A_406 = arith.muli %add3A_293, %mul3A_405 : i32
        %add3A_407 = arith.addi %mul3A_406, %add3A_294 : i32
        %jit3A_408 = arith.constant 64 : i32
        %eq3A_409 = arith.constant 0 : i32
        %eq3A_410 = arith.cmpi eq, %jit3A_408, %eq3A_409 : i32
        %jit3A_411 = arith.constant 1 : i32
        %select_n3A_412 = arith.select %eq3A_410, %jit3A_411, %jit3A_408 : i32
        %rem3A_413 = arith.remsi %add3A_407, %select_n3A_412 : i32
        %ne3A_414 = arith.constant 0 : i32
        %ne3A_415 = arith.cmpi ne, %rem3A_413, %ne3A_414 : i32
        %lt3A_416 = arith.constant 0 : i32
        %lt3A_417 = arith.cmpi slt, %rem3A_413, %lt3A_416 : i32
        %lt3A_418 = arith.constant 0 : i32
        %lt3A_419 = arith.cmpi slt, %select_n3A_412, %lt3A_418 : i32
        %ne3A_420 = arith.xori %lt3A_417, %lt3A_419 : i1
        %and3A_421 = arith.andi %ne3A_420, %ne3A_415 : i1
        %add3A_422 = arith.addi %rem3A_413, %select_n3A_412 : i32
        %select_n3A_423 = arith.select %and3A_421, %add3A_422, %rem3A_413 : i32
        %ne3A_424 = arith.cmpi ne, %select_n3A_358, %select_n3A_404 : i32
        %ne3A_425 = arith.cmpi ne, %select_n3A_377, %select_n3A_423 : i32
        %or3A_426 = arith.constant false
        %or3A_427 = arith.ori %or3A_426, %ne3A_424 : i1
        %or3A_428 = arith.ori %or3A_427, %ne3A_425 : i1
        %or3A_429 = arith.constant false
        %or3A_430 = arith.ori %or3A_428, %or3A_429 : i1
        %ge3A_431 = arith.constant 7 : i32
        %ge3A_432 = arith.cmpi sge, %scan3A_245, %ge3A_431 : i32
        %not3A_433 = arith.constant true
        %not3A_434 = arith.xori %ge3A_432, %not3A_433 : i1
        %and3A_435 = arith.andi %or3A_430, %not3A_434 : i1
        %convert_element_type3A_436 = arith.extui %and3A_435 : i1 to i32
        %cond3A_437 = arith.constant 0 : i32
        %cond3A_438 = arith.cmpi ne, %convert_element_type3A_436, %cond3A_437 : i32
        scf.if %cond3A_438 {
          "tpu.trace_start"() <{level = 10 : i32, message = "ep_copy_in"}> : () -> ()
          %rem3A_949 = arith.constant 2 : i32
          %rem3A_950 = arith.remui %scan3A_248, %rem3A_949 : i32
          %mul3A_951 = arith.constant 128 : i32
          %mul3A_952 = arith.muli %add3A_293, %mul3A_951 : i32
          %add3A_953 = arith.addi %mul3A_952, %add3A_294 : i32
          %jit3A_954 = arith.constant 64 : i32
          %div3A_955 = arith.divsi %add3A_953, %jit3A_954 : i32
          %sign3A_956 = arith.constant 0 : i32
          %sign3A_957 = arith.cmpi sgt, %add3A_953, %sign3A_956 : i32
          %sign3A_958 = arith.extui %sign3A_957 : i1 to i32
          %sign3A_959 = arith.constant 0 : i32
          %sign3A_960 = arith.cmpi slt, %add3A_953, %sign3A_959 : i32
          %sign3A_961 = arith.extui %sign3A_960 : i1 to i32
          %sign3A_962 = arith.subi %sign3A_958, %sign3A_961 : i32
          %sign3A_963 = arith.constant 0 : i32
          %sign3A_964 = arith.cmpi sgt, %jit3A_954, %sign3A_963 : i32
          %sign3A_965 = arith.extui %sign3A_964 : i1 to i32
          %sign3A_966 = arith.constant 0 : i32
          %sign3A_967 = arith.cmpi slt, %jit3A_954, %sign3A_966 : i32
          %sign3A_968 = arith.extui %sign3A_967 : i1 to i32
          %sign3A_969 = arith.subi %sign3A_965, %sign3A_968 : i32
          %ne3A_970 = arith.cmpi ne, %sign3A_962, %sign3A_969 : i32
          %rem3A_971 = arith.remsi %add3A_953, %jit3A_954 : i32
          %ne3A_972 = arith.constant 0 : i32
          %ne3A_973 = arith.cmpi ne, %rem3A_971, %ne3A_972 : i32
          %and3A_974 = arith.andi %ne3A_970, %ne3A_973 : i1
          %sub3A_975 = arith.constant 1 : i32
          %sub3A_976 = arith.subi %div3A_955, %sub3A_975 : i32
          %select_n3A_977 = arith.select %and3A_974, %sub3A_976, %div3A_955 : i32
          %mul3A_978 = arith.constant 128 : i32
          %mul3A_979 = arith.muli %add3A_293, %mul3A_978 : i32
          %add3A_980 = arith.addi %mul3A_979, %add3A_294 : i32
          %jit3A_981 = arith.constant 64 : i32
          %eq3A_982 = arith.constant 0 : i32
          %eq3A_983 = arith.cmpi eq, %jit3A_981, %eq3A_982 : i32
          %jit3A_984 = arith.constant 1 : i32
          %select_n3A_985 = arith.select %eq3A_983, %jit3A_984, %jit3A_981 : i32
          %rem3A_986 = arith.remsi %add3A_980, %select_n3A_985 : i32
          %ne3A_987 = arith.constant 0 : i32
          %ne3A_988 = arith.cmpi ne, %rem3A_986, %ne3A_987 : i32
          %lt3A_989 = arith.constant 0 : i32
          %lt3A_990 = arith.cmpi slt, %rem3A_986, %lt3A_989 : i32
          %lt3A_991 = arith.constant 0 : i32
          %lt3A_992 = arith.cmpi slt, %select_n3A_985, %lt3A_991 : i32
          %ne3A_993 = arith.xori %lt3A_990, %lt3A_992 : i1
          %and3A_994 = arith.andi %ne3A_993, %ne3A_988 : i1
          %add3A_995 = arith.addi %rem3A_986, %select_n3A_985 : i32
          %select_n3A_996 = arith.select %and3A_994, %add3A_995, %rem3A_986 : i32
          %mul3A_997 = arith.constant 1 : i32
          %mul3A_998 = arith.muli %mul3A_997, %select_n3A_977 : i32
          %mul3A_999 = arith.constant 1 : i32
          %mul3A_1000 = arith.muli %mul3A_999, %select_n3A_996 : i32
          %dma_start3A_1001 = arith.constant 0 : i32
          %dma_start3A_1002 = arith.constant 0 : i32
          %dma_start3A_1003 = arith.constant 0 : i32
          %dma_start3A_1004 = tpu.memref_slice %run_scoped3A_17[%rem3A_950, %dma_start3A_1001, %dma_start3A_1002, %dma_start3A_1003] : memref<2x1x1x128xi32, #tpu.memory_space<vmem>> -> memref<1x1x1x128xi32, #tpu.memory_space<vmem>>
          %dma_start3A_1005 = tpu.memref_squeeze %dma_start3A_1004 : memref<1x1x1x128xi32, #tpu.memory_space<vmem>> -> memref<1x1x128xi32, #tpu.memory_space<vmem>>
          %dma_start3A_1006 = arith.constant 0 : i32
          %dma_start3A_1007 = tpu.memref_slice %arg4[%mul3A_998, %mul3A_1000, %dma_start3A_1006] : memref<4x64x128xi32, #tpu.memory_space<hbm>> -> memref<1x1x128xi32, #tpu.memory_space<hbm>>
          %dma_start3A_1008 = tpu.memref_slice %run_scoped3A_18[%rem3A_950] : memref<2x!tpu.dma_semaphore, #tpu.memory_space<semaphore_mem>> -> memref<1x!tpu.dma_semaphore, #tpu.memory_space<semaphore_mem>>
          %dma_start3A_1009 = tpu.memref_squeeze %dma_start3A_1008 : memref<1x!tpu.dma_semaphore, #tpu.memory_space<semaphore_mem>> -> memref<!tpu.dma_semaphore, #tpu.memory_space<semaphore_mem>>
          %dma_start3A_1010 = arith.constant 0 : i32
          %dma_start3A_1011 = arith.constant 0 : i32
          %dma_start3A_1012 = arith.constant 0 : i32
          %dma_start3A_1013 = tpu.memref_slice %run_scoped3A_17[%rem3A_950, %dma_start3A_1010, %dma_start3A_1011, %dma_start3A_1012] : memref<2x1x1x128xi32, #tpu.memory_space<vmem>> -> memref<1x1x1x128xi32, #tpu.memory_space<vmem>>
          %dma_start3A_1014 = tpu.memref_squeeze %dma_start3A_1013 : memref<1x1x1x128xi32, #tpu.memory_space<vmem>> -> memref<1x1x128xi32, #tpu.memory_space<vmem>>
          %dma_start3A_1015 = arith.constant 0 : i32
          %dma_start3A_1016 = tpu.memref_slice %arg4[%mul3A_998, %mul3A_1000, %dma_start3A_1015] : memref<4x64x128xi32, #tpu.memory_space<hbm>> -> memref<1x1x128xi32, #tpu.memory_space<hbm>>
          tpu.enqueue_dma source(%dma_start3A_1016 : memref<1x1x128xi32, #tpu.memory_space<hbm>>) target(%dma_start3A_1014 : memref<1x1x128xi32, #tpu.memory_space<vmem>>) target_semaphore(%dma_start3A_1009 : memref<!tpu.dma_semaphore, #tpu.memory_space<semaphore_mem>>)
          "tpu.trace_stop"() : () -> ()
        } else {
        }
        %and3A_439 = arith.constant true
        %and3A_440 = arith.andi %and3A_435, %and3A_439 : i1
        %add3A_441 = arith.constant 1 : i32
        %add3A_442 = arith.addi %scan3A_248, %add3A_441 : i32
        %select_n3A_443 = arith.select %and3A_440, %add3A_442, %scan3A_248 : i32
        %mul3A_444 = arith.constant 128 : i32
        %mul3A_445 = arith.muli %add3A_257, %mul3A_444 : i32
        %add3A_446 = arith.addi %mul3A_445, %add3A_258 : i32
        %mul3A_447 = arith.constant 128 : i32
        %mul3A_448 = arith.muli %add3A_275, %mul3A_447 : i32
        %add3A_449 = arith.addi %mul3A_448, %add3A_276 : i32
        %ne3A_450 = arith.cmpi ne, %add3A_446, %add3A_449 : i32
        %or3A_451 = arith.constant false
        %or3A_452 = arith.ori %or3A_451, %ne3A_450 : i1
        %or3A_453 = arith.constant false
        %or3A_454 = arith.ori %or3A_452, %or3A_453 : i1
        %or3A_455 = arith.ori %or3A_454, %eq3A_253 : i1
        %convert_element_type3A_456 = arith.extui %or3A_455 : i1 to i32
        %cond3A_457 = arith.constant 0 : i32
        %cond3A_458 = arith.cmpi ne, %convert_element_type3A_456, %cond3A_457 : i32
        scf.if %cond3A_458 {
          "tpu.trace_start"() <{level = 10 : i32, message = "ep_wait_in"}> : () -> ()
          %mul3A_949 = arith.constant 128 : i32
          %mul3A_950 = arith.muli %add3A_257, %mul3A_949 : i32
          %add3A_951 = arith.addi %mul3A_950, %add3A_258 : i32
          %mul3A_952 = arith.constant 128 : i32
          %mul3A_953 = arith.muli %mul3A_952, %add3A_951 : i32
          %rem3A_954 = arith.constant 2 : i32
          %rem3A_955 = arith.remui %scan3A_247, %rem3A_954 : i32
          %dma_wait3A = arith.constant 0 : i32
          %dma_wait3A_956 = arith.constant 0 : i32
          %dma_wait3A_957 = tpu.memref_slice %run_scoped3A[%rem3A_955, %dma_wait3A, %dma_wait3A_956] : memref<2x128x256xf32, #tpu.memory_space<vmem>> -> memref<1x128x256xf32, #tpu.memory_space<vmem>>
          %dma_wait3A_958 = tpu.memref_squeeze %dma_wait3A_957 : memref<1x128x256xf32, #tpu.memory_space<vmem>> -> memref<128x256xf32, #tpu.memory_space<vmem>>
          %dma_wait3A_959 = arith.constant 0 : i32
          %dma_wait3A_960 = tpu.memref_slice %arg2[%mul3A_953, %dma_wait3A_959] : memref<32768x256xf32, #tpu.memory_space<hbm>> -> memref<128x256xf32, #tpu.memory_space<hbm>>
          %dma_wait3A_961 = tpu.memref_slice %run_scoped3A_16[%rem3A_955] : memref<2x!tpu.dma_semaphore, #tpu.memory_space<semaphore_mem>> -> memref<1x!tpu.dma_semaphore, #tpu.memory_space<semaphore_mem>>
          %dma_wait3A_962 = tpu.memref_squeeze %dma_wait3A_961 : memref<1x!tpu.dma_semaphore, #tpu.memory_space<semaphore_mem>> -> memref<!tpu.dma_semaphore, #tpu.memory_space<semaphore_mem>>
          %dma_wait3A_963 = arith.constant 0 : i32
          %dma_wait3A_964 = arith.constant 0 : i32
          %dma_wait3A_965 = tpu.memref_slice %run_scoped3A[%rem3A_955, %dma_wait3A_963, %dma_wait3A_964] : memref<2x128x256xf32, #tpu.memory_space<vmem>> -> memref<1x128x256xf32, #tpu.memory_space<vmem>>
          %dma_wait3A_966 = tpu.memref_squeeze %dma_wait3A_965 : memref<1x128x256xf32, #tpu.memory_space<vmem>> -> memref<128x256xf32, #tpu.memory_space<vmem>>
          %dma_wait3A_967 = arith.constant 0 : i32
          %dma_wait3A_968 = tpu.memref_slice %arg2[%mul3A_953, %dma_wait3A_967] : memref<32768x256xf32, #tpu.memory_space<hbm>> -> memref<128x256xf32, #tpu.memory_space<hbm>>
          tpu.wait_dma2 semaphore(%dma_wait3A_962 : memref<!tpu.dma_semaphore, #tpu.memory_space<semaphore_mem>>) src(%dma_wait3A_968 : memref<128x256xf32, #tpu.memory_space<hbm>>) dst(%dma_wait3A_966 : memref<128x256xf32, #tpu.memory_space<vmem>>)
          "tpu.trace_stop"() : () -> ()
        } else {
        }
        %mul3A_459 = arith.constant 128 : i32
        %mul3A_460 = arith.muli %add3A_257, %mul3A_459 : i32
        %add3A_461 = arith.addi %mul3A_460, %add3A_258 : i32
        %jit3A_462 = arith.constant 64 : i32
        %div3A_463 = arith.divsi %add3A_461, %jit3A_462 : i32
        %sign3A_464 = arith.constant 0 : i32
        %sign3A_465 = arith.cmpi sgt, %add3A_461, %sign3A_464 : i32
        %sign3A_466 = arith.extui %sign3A_465 : i1 to i32
        %sign3A_467 = arith.constant 0 : i32
        %sign3A_468 = arith.cmpi slt, %add3A_461, %sign3A_467 : i32
        %sign3A_469 = arith.extui %sign3A_468 : i1 to i32
        %sign3A_470 = arith.subi %sign3A_466, %sign3A_469 : i32
        %sign3A_471 = arith.constant 0 : i32
        %sign3A_472 = arith.cmpi sgt, %jit3A_462, %sign3A_471 : i32
        %sign3A_473 = arith.extui %sign3A_472 : i1 to i32
        %sign3A_474 = arith.constant 0 : i32
        %sign3A_475 = arith.cmpi slt, %jit3A_462, %sign3A_474 : i32
        %sign3A_476 = arith.extui %sign3A_475 : i1 to i32
        %sign3A_477 = arith.subi %sign3A_473, %sign3A_476 : i32
        %ne3A_478 = arith.cmpi ne, %sign3A_470, %sign3A_477 : i32
        %rem3A_479 = arith.remsi %add3A_461, %jit3A_462 : i32
        %ne3A_480 = arith.constant 0 : i32
        %ne3A_481 = arith.cmpi ne, %rem3A_479, %ne3A_480 : i32
        %and3A_482 = arith.andi %ne3A_478, %ne3A_481 : i1
        %sub3A_483 = arith.constant 1 : i32
        %sub3A_484 = arith.subi %div3A_463, %sub3A_483 : i32
        %select_n3A_485 = arith.select %and3A_482, %sub3A_484, %div3A_463 : i32
        %mul3A_486 = arith.constant 128 : i32
        %mul3A_487 = arith.muli %add3A_257, %mul3A_486 : i32
        %add3A_488 = arith.addi %mul3A_487, %add3A_258 : i32
        %jit3A_489 = arith.constant 64 : i32
        %eq3A_490 = arith.constant 0 : i32
        %eq3A_491 = arith.cmpi eq, %jit3A_489, %eq3A_490 : i32
        %jit3A_492 = arith.constant 1 : i32
        %select_n3A_493 = arith.select %eq3A_491, %jit3A_492, %jit3A_489 : i32
        %rem3A_494 = arith.remsi %add3A_488, %select_n3A_493 : i32
        %ne3A_495 = arith.constant 0 : i32
        %ne3A_496 = arith.cmpi ne, %rem3A_494, %ne3A_495 : i32
        %lt3A_497 = arith.constant 0 : i32
        %lt3A_498 = arith.cmpi slt, %rem3A_494, %lt3A_497 : i32
        %lt3A_499 = arith.constant 0 : i32
        %lt3A_500 = arith.cmpi slt, %select_n3A_493, %lt3A_499 : i32
        %ne3A_501 = arith.xori %lt3A_498, %lt3A_500 : i1
        %and3A_502 = arith.andi %ne3A_501, %ne3A_496 : i1
        %add3A_503 = arith.addi %rem3A_494, %select_n3A_493 : i32
        %select_n3A_504 = arith.select %and3A_502, %add3A_503, %rem3A_494 : i32
        %mul3A_505 = arith.constant 128 : i32
        %mul3A_506 = arith.muli %add3A_275, %mul3A_505 : i32
        %add3A_507 = arith.addi %mul3A_506, %add3A_276 : i32
        %jit3A_508 = arith.constant 64 : i32
        %div3A_509 = arith.divsi %add3A_507, %jit3A_508 : i32
        %sign3A_510 = arith.constant 0 : i32
        %sign3A_511 = arith.cmpi sgt, %add3A_507, %sign3A_510 : i32
        %sign3A_512 = arith.extui %sign3A_511 : i1 to i32
        %sign3A_513 = arith.constant 0 : i32
        %sign3A_514 = arith.cmpi slt, %add3A_507, %sign3A_513 : i32
        %sign3A_515 = arith.extui %sign3A_514 : i1 to i32
        %sign3A_516 = arith.subi %sign3A_512, %sign3A_515 : i32
        %sign3A_517 = arith.constant 0 : i32
        %sign3A_518 = arith.cmpi sgt, %jit3A_508, %sign3A_517 : i32
        %sign3A_519 = arith.extui %sign3A_518 : i1 to i32
        %sign3A_520 = arith.constant 0 : i32
        %sign3A_521 = arith.cmpi slt, %jit3A_508, %sign3A_520 : i32
        %sign3A_522 = arith.extui %sign3A_521 : i1 to i32
        %sign3A_523 = arith.subi %sign3A_519, %sign3A_522 : i32
        %ne3A_524 = arith.cmpi ne, %sign3A_516, %sign3A_523 : i32
        %rem3A_525 = arith.remsi %add3A_507, %jit3A_508 : i32
        %ne3A_526 = arith.constant 0 : i32
        %ne3A_527 = arith.cmpi ne, %rem3A_525, %ne3A_526 : i32
        %and3A_528 = arith.andi %ne3A_524, %ne3A_527 : i1
        %sub3A_529 = arith.constant 1 : i32
        %sub3A_530 = arith.subi %div3A_509, %sub3A_529 : i32
        %select_n3A_531 = arith.select %and3A_528, %sub3A_530, %div3A_509 : i32
        %mul3A_532 = arith.constant 128 : i32
        %mul3A_533 = arith.muli %add3A_275, %mul3A_532 : i32
        %add3A_534 = arith.addi %mul3A_533, %add3A_276 : i32
        %jit3A_535 = arith.constant 64 : i32
        %eq3A_536 = arith.constant 0 : i32
        %eq3A_537 = arith.cmpi eq, %jit3A_535, %eq3A_536 : i32
        %jit3A_538 = arith.constant 1 : i32
        %select_n3A_539 = arith.select %eq3A_537, %jit3A_538, %jit3A_535 : i32
        %rem3A_540 = arith.remsi %add3A_534, %select_n3A_539 : i32
        %ne3A_541 = arith.constant 0 : i32
        %ne3A_542 = arith.cmpi ne, %rem3A_540, %ne3A_541 : i32
        %lt3A_543 = arith.constant 0 : i32
        %lt3A_544 = arith.cmpi slt, %rem3A_540, %lt3A_543 : i32
        %lt3A_545 = arith.constant 0 : i32
        %lt3A_546 = arith.cmpi slt, %select_n3A_539, %lt3A_545 : i32
        %ne3A_547 = arith.xori %lt3A_544, %lt3A_546 : i1
        %and3A_548 = arith.andi %ne3A_547, %ne3A_542 : i1
        %add3A_549 = arith.addi %rem3A_540, %select_n3A_539 : i32
        %select_n3A_550 = arith.select %and3A_548, %add3A_549, %rem3A_540 : i32
        %ne3A_551 = arith.cmpi ne, %select_n3A_485, %select_n3A_531 : i32
        %ne3A_552 = arith.cmpi ne, %select_n3A_504, %select_n3A_550 : i32
        %or3A_553 = arith.constant false
        %or3A_554 = arith.ori %or3A_553, %ne3A_551 : i1
        %or3A_555 = arith.ori %or3A_554, %ne3A_552 : i1
        %or3A_556 = arith.constant false
        %or3A_557 = arith.ori %or3A_555, %or3A_556 : i1
        %or3A_558 = arith.ori %or3A_557, %eq3A_253 : i1
        %convert_element_type3A_559 = arith.extui %or3A_558 : i1 to i32
        %cond3A_560 = arith.constant 0 : i32
        %cond3A_561 = arith.cmpi ne, %convert_element_type3A_559, %cond3A_560 : i32
        scf.if %cond3A_561 {
          "tpu.trace_start"() <{level = 10 : i32, message = "ep_wait_in"}> : () -> ()
          %mul3A_949 = arith.constant 128 : i32
          %mul3A_950 = arith.muli %add3A_257, %mul3A_949 : i32
          %add3A_951 = arith.addi %mul3A_950, %add3A_258 : i32
          %jit3A_952 = arith.constant 64 : i32
          %div3A_953 = arith.divsi %add3A_951, %jit3A_952 : i32
          %sign3A_954 = arith.constant 0 : i32
          %sign3A_955 = arith.cmpi sgt, %add3A_951, %sign3A_954 : i32
          %sign3A_956 = arith.extui %sign3A_955 : i1 to i32
          %sign3A_957 = arith.constant 0 : i32
          %sign3A_958 = arith.cmpi slt, %add3A_951, %sign3A_957 : i32
          %sign3A_959 = arith.extui %sign3A_958 : i1 to i32
          %sign3A_960 = arith.subi %sign3A_956, %sign3A_959 : i32
          %sign3A_961 = arith.constant 0 : i32
          %sign3A_962 = arith.cmpi sgt, %jit3A_952, %sign3A_961 : i32
          %sign3A_963 = arith.extui %sign3A_962 : i1 to i32
          %sign3A_964 = arith.constant 0 : i32
          %sign3A_965 = arith.cmpi slt, %jit3A_952, %sign3A_964 : i32
          %sign3A_966 = arith.extui %sign3A_965 : i1 to i32
          %sign3A_967 = arith.subi %sign3A_963, %sign3A_966 : i32
          %ne3A_968 = arith.cmpi ne, %sign3A_960, %sign3A_967 : i32
          %rem3A_969 = arith.remsi %add3A_951, %jit3A_952 : i32
          %ne3A_970 = arith.constant 0 : i32
          %ne3A_971 = arith.cmpi ne, %rem3A_969, %ne3A_970 : i32
          %and3A_972 = arith.andi %ne3A_968, %ne3A_971 : i1
          %sub3A_973 = arith.constant 1 : i32
          %sub3A_974 = arith.subi %div3A_953, %sub3A_973 : i32
          %select_n3A_975 = arith.select %and3A_972, %sub3A_974, %div3A_953 : i32
          %mul3A_976 = arith.constant 128 : i32
          %mul3A_977 = arith.muli %add3A_257, %mul3A_976 : i32
          %add3A_978 = arith.addi %mul3A_977, %add3A_258 : i32
          %jit3A_979 = arith.constant 64 : i32
          %eq3A_980 = arith.constant 0 : i32
          %eq3A_981 = arith.cmpi eq, %jit3A_979, %eq3A_980 : i32
          %jit3A_982 = arith.constant 1 : i32
          %select_n3A_983 = arith.select %eq3A_981, %jit3A_982, %jit3A_979 : i32
          %rem3A_984 = arith.remsi %add3A_978, %select_n3A_983 : i32
          %ne3A_985 = arith.constant 0 : i32
          %ne3A_986 = arith.cmpi ne, %rem3A_984, %ne3A_985 : i32
          %lt3A_987 = arith.constant 0 : i32
          %lt3A_988 = arith.cmpi slt, %rem3A_984, %lt3A_987 : i32
          %lt3A_989 = arith.constant 0 : i32
          %lt3A_990 = arith.cmpi slt, %select_n3A_983, %lt3A_989 : i32
          %ne3A_991 = arith.xori %lt3A_988, %lt3A_990 : i1
          %and3A_992 = arith.andi %ne3A_991, %ne3A_986 : i1
          %add3A_993 = arith.addi %rem3A_984, %select_n3A_983 : i32
          %select_n3A_994 = arith.select %and3A_992, %add3A_993, %rem3A_984 : i32
          %mul3A_995 = arith.constant 1 : i32
          %mul3A_996 = arith.muli %mul3A_995, %select_n3A_975 : i32
          %mul3A_997 = arith.constant 1 : i32
          %mul3A_998 = arith.muli %mul3A_997, %select_n3A_994 : i32
          %rem3A_999 = arith.constant 2 : i32
          %rem3A_1000 = arith.remui %scan3A_249, %rem3A_999 : i32
          %dma_wait3A = arith.constant 0 : i32
          %dma_wait3A_1001 = arith.constant 0 : i32
          %dma_wait3A_1002 = arith.constant 0 : i32
          %dma_wait3A_1003 = tpu.memref_slice %run_scoped3A_17[%rem3A_1000, %dma_wait3A, %dma_wait3A_1001, %dma_wait3A_1002] : memref<2x1x1x128xi32, #tpu.memory_space<vmem>> -> memref<1x1x1x128xi32, #tpu.memory_space<vmem>>
          %dma_wait3A_1004 = tpu.memref_squeeze %dma_wait3A_1003 : memref<1x1x1x128xi32, #tpu.memory_space<vmem>> -> memref<1x1x128xi32, #tpu.memory_space<vmem>>
          %dma_wait3A_1005 = arith.constant 0 : i32
          %dma_wait3A_1006 = tpu.memref_slice %arg4[%mul3A_996, %mul3A_998, %dma_wait3A_1005] : memref<4x64x128xi32, #tpu.memory_space<hbm>> -> memref<1x1x128xi32, #tpu.memory_space<hbm>>
          %dma_wait3A_1007 = tpu.memref_slice %run_scoped3A_18[%rem3A_1000] : memref<2x!tpu.dma_semaphore, #tpu.memory_space<semaphore_mem>> -> memref<1x!tpu.dma_semaphore, #tpu.memory_space<semaphore_mem>>
          %dma_wait3A_1008 = tpu.memref_squeeze %dma_wait3A_1007 : memref<1x!tpu.dma_semaphore, #tpu.memory_space<semaphore_mem>> -> memref<!tpu.dma_semaphore, #tpu.memory_space<semaphore_mem>>
          %dma_wait3A_1009 = arith.constant 0 : i32
          %dma_wait3A_1010 = arith.constant 0 : i32
          %dma_wait3A_1011 = arith.constant 0 : i32
          %dma_wait3A_1012 = tpu.memref_slice %run_scoped3A_17[%rem3A_1000, %dma_wait3A_1009, %dma_wait3A_1010, %dma_wait3A_1011] : memref<2x1x1x128xi32, #tpu.memory_space<vmem>> -> memref<1x1x1x128xi32, #tpu.memory_space<vmem>>
          %dma_wait3A_1013 = tpu.memref_squeeze %dma_wait3A_1012 : memref<1x1x1x128xi32, #tpu.memory_space<vmem>> -> memref<1x1x128xi32, #tpu.memory_space<vmem>>
          %dma_wait3A_1014 = arith.constant 0 : i32
          %dma_wait3A_1015 = tpu.memref_slice %arg4[%mul3A_996, %mul3A_998, %dma_wait3A_1014] : memref<4x64x128xi32, #tpu.memory_space<hbm>> -> memref<1x1x128xi32, #tpu.memory_space<hbm>>
          tpu.wait_dma2 semaphore(%dma_wait3A_1008 : memref<!tpu.dma_semaphore, #tpu.memory_space<semaphore_mem>>) src(%dma_wait3A_1015 : memref<1x1x128xi32, #tpu.memory_space<hbm>>) dst(%dma_wait3A_1013 : memref<1x1x128xi32, #tpu.memory_space<vmem>>)
          "tpu.trace_stop"() : () -> ()
        } else {
        }
        %rem3A_562 = arith.constant 2 : i32
        %rem3A_563 = arith.remui %scan3A_247, %rem3A_562 : i32
        %rem3A_564 = arith.constant 2 : i32
        %rem3A_565 = arith.remui %scan3A_249, %rem3A_564 : i32
        %run_scoped3A_566 = arith.constant 0 : i32
        %run_scoped3A_567 = arith.constant 0 : i32
        "tpu.trace_start"() <{level = 10 : i32, message = "ep_run_kernel"}> : () -> ()
        "tpu.region"() ({
          %run_scoped3A_949 = tpu.sem_alloc : memref<!tpu.dma_semaphore, #tpu.memory_space<semaphore_mem>>
          %dma_start3A_950 = arith.constant 0 : i32
          %dma_start3A_951 = arith.constant 0 : i32
          %dma_start3A_952 = tpu.memref_slice %run_scoped3A[%rem3A_563, %dma_start3A_950, %dma_start3A_951] : memref<2x128x256xf32, #tpu.memory_space<vmem>> -> memref<1x128x256xf32, #tpu.memory_space<vmem>>
          %dma_start3A_953 = tpu.memref_squeeze %dma_start3A_952 : memref<1x128x256xf32, #tpu.memory_space<vmem>> -> memref<128x256xf32, #tpu.memory_space<vmem>>
          %dma_start3A_954 = arith.constant 0 : i32
          %dma_start3A_955 = arith.constant 0 : i32
          %dma_start3A_956 = arith.constant 0 : i32
          %dma_start3A_957 = tpu.memref_slice %run_scoped3A_17[%rem3A_565, %dma_start3A_954, %dma_start3A_955, %dma_start3A_956] : memref<2x1x1x128xi32, #tpu.memory_space<vmem>> -> memref<1x1x1x128xi32, #tpu.memory_space<vmem>>
          %dma_start3A_958 = tpu.memref_squeeze %dma_start3A_957 : memref<1x1x1x128xi32, #tpu.memory_space<vmem>> -> memref<1x1x128xi32, #tpu.memory_space<vmem>>
          %dma_start3A_959 = arith.constant 0 : i32
          %dma_start3A_960 = tpu.memref_slice %dma_start3A_958[%run_scoped3A_566, %run_scoped3A_567, %dma_start3A_959] : memref<1x1x128xi32, #tpu.memory_space<vmem>> -> memref<1x1x128xi32, #tpu.memory_space<vmem>>
          %dma_start3A_961 = tpu.memref_squeeze %dma_start3A_960 : memref<1x1x128xi32, #tpu.memory_space<vmem>> -> memref<128xi32, #tpu.memory_space<vmem>>
          %dma_start3A_962 = arith.constant 0 : i32
          %dma_start3A_963 = arith.constant 0 : i32
          %dma_start3A_964 = tpu.memref_slice %arg6[%dma_start3A_962, %dma_start3A_963] : memref<36864x256xf32, #tpu.memory_space<hbm>> -> memref<36864x256xf32, #tpu.memory_space<hbm>>
          tpu.enqueue_indirect_dma source(%dma_start3A_953 : memref<128x256xf32, #tpu.memory_space<vmem>>) target(%dma_start3A_964 : memref<36864x256xf32, #tpu.memory_space<hbm>>) offsets(%dma_start3A_961 : memref<128xi32, #tpu.memory_space<vmem>>) semaphore(%run_scoped3A_949 : memref<!tpu.dma_semaphore, #tpu.memory_space<semaphore_mem>>)
          %dma_wait3A = arith.constant 0 : i32
          %dma_wait3A_965 = arith.constant 0 : i32
          %dma_wait3A_966 = tpu.memref_slice %run_scoped3A[%rem3A_563, %dma_wait3A, %dma_wait3A_965] : memref<2x128x256xf32, #tpu.memory_space<vmem>> -> memref<1x128x256xf32, #tpu.memory_space<vmem>>
          %dma_wait3A_967 = tpu.memref_squeeze %dma_wait3A_966 : memref<1x128x256xf32, #tpu.memory_space<vmem>> -> memref<128x256xf32, #tpu.memory_space<vmem>>
          %dma_wait3A_968 = arith.constant 0 : i32
          %dma_wait3A_969 = arith.constant 0 : i32
          %dma_wait3A_970 = arith.constant 0 : i32
          %dma_wait3A_971 = tpu.memref_slice %run_scoped3A_17[%rem3A_565, %dma_wait3A_968, %dma_wait3A_969, %dma_wait3A_970] : memref<2x1x1x128xi32, #tpu.memory_space<vmem>> -> memref<1x1x1x128xi32, #tpu.memory_space<vmem>>
          %dma_wait3A_972 = tpu.memref_squeeze %dma_wait3A_971 : memref<1x1x1x128xi32, #tpu.memory_space<vmem>> -> memref<1x1x128xi32, #tpu.memory_space<vmem>>
          %dma_wait3A_973 = arith.constant 0 : i32
          %dma_wait3A_974 = tpu.memref_slice %dma_wait3A_972[%run_scoped3A_566, %run_scoped3A_567, %dma_wait3A_973] : memref<1x1x128xi32, #tpu.memory_space<vmem>> -> memref<1x1x128xi32, #tpu.memory_space<vmem>>
          %dma_wait3A_975 = tpu.memref_squeeze %dma_wait3A_974 : memref<1x1x128xi32, #tpu.memory_space<vmem>> -> memref<128xi32, #tpu.memory_space<vmem>>
          %dma_wait3A_976 = arith.constant 0 : i32
          %dma_wait3A_977 = arith.constant 0 : i32
          %dma_wait3A_978 = tpu.memref_slice %arg6[%dma_wait3A_976, %dma_wait3A_977] : memref<36864x256xf32, #tpu.memory_space<hbm>> -> memref<36864x256xf32, #tpu.memory_space<hbm>>
          tpu.wait_indirect_dma semaphore(%run_scoped3A_949 : memref<!tpu.dma_semaphore, #tpu.memory_space<semaphore_mem>>) src(%dma_wait3A_967 : memref<128x256xf32, #tpu.memory_space<vmem>>) dst(%dma_wait3A_978 : memref<36864x256xf32, #tpu.memory_space<hbm>>)
          tpu.yield
        }) : () -> ()
        "tpu.trace_stop"() : () -> ()
        %mul3A_568 = arith.constant 128 : i32
        %mul3A_569 = arith.muli %add3A_257, %mul3A_568 : i32
        %add3A_570 = arith.addi %mul3A_569, %add3A_258 : i32
        %mul3A_571 = arith.constant 128 : i32
        %mul3A_572 = arith.muli %add3A_293, %mul3A_571 : i32
        %add3A_573 = arith.addi %mul3A_572, %add3A_294 : i32
        %ne3A_574 = arith.cmpi ne, %add3A_570, %add3A_573 : i32
        %or3A_575 = arith.constant false
        %or3A_576 = arith.ori %or3A_575, %ne3A_574 : i1
        %or3A_577 = arith.constant false
        %or3A_578 = arith.ori %or3A_576, %or3A_577 : i1
        %or3A_579 = arith.ori %or3A_578, %eq3A_255 : i1
        %convert_element_type3A_580 = arith.extui %or3A_579 : i1 to i32
        %cond3A_581 = arith.constant 0 : i32
        %cond3A_582 = arith.cmpi ne, %convert_element_type3A_580, %cond3A_581 : i32
        scf.if %cond3A_582 {
        } else {
        }
        %and3A_583 = arith.constant false
        %and3A_584 = arith.andi %or3A_579, %and3A_583 : i1
        %mul3A_585 = arith.constant 128 : i32
        %mul3A_586 = arith.muli %add3A_257, %mul3A_585 : i32
        %add3A_587 = arith.addi %mul3A_586, %add3A_258 : i32
        %jit3A_588 = arith.constant 64 : i32
        %div3A_589 = arith.divsi %add3A_587, %jit3A_588 : i32
        %sign3A_590 = arith.constant 0 : i32
        %sign3A_591 = arith.cmpi sgt, %add3A_587, %sign3A_590 : i32
        %sign3A_592 = arith.extui %sign3A_591 : i1 to i32
        %sign3A_593 = arith.constant 0 : i32
        %sign3A_594 = arith.cmpi slt, %add3A_587, %sign3A_593 : i32
        %sign3A_595 = arith.extui %sign3A_594 : i1 to i32
        %sign3A_596 = arith.subi %sign3A_592, %sign3A_595 : i32
        %sign3A_597 = arith.constant 0 : i32
        %sign3A_598 = arith.cmpi sgt, %jit3A_588, %sign3A_597 : i32
        %sign3A_599 = arith.extui %sign3A_598 : i1 to i32
        %sign3A_600 = arith.constant 0 : i32
        %sign3A_601 = arith.cmpi slt, %jit3A_588, %sign3A_600 : i32
        %sign3A_602 = arith.extui %sign3A_601 : i1 to i32
        %sign3A_603 = arith.subi %sign3A_599, %sign3A_602 : i32
        %ne3A_604 = arith.cmpi ne, %sign3A_596, %sign3A_603 : i32
        %rem3A_605 = arith.remsi %add3A_587, %jit3A_588 : i32
        %ne3A_606 = arith.constant 0 : i32
        %ne3A_607 = arith.cmpi ne, %rem3A_605, %ne3A_606 : i32
        %and3A_608 = arith.andi %ne3A_604, %ne3A_607 : i1
        %sub3A_609 = arith.constant 1 : i32
        %sub3A_610 = arith.subi %div3A_589, %sub3A_609 : i32
        %select_n3A_611 = arith.select %and3A_608, %sub3A_610, %div3A_589 : i32
        %mul3A_612 = arith.constant 128 : i32
        %mul3A_613 = arith.muli %add3A_257, %mul3A_612 : i32
        %add3A_614 = arith.addi %mul3A_613, %add3A_258 : i32
        %jit3A_615 = arith.constant 64 : i32
        %eq3A_616 = arith.constant 0 : i32
        %eq3A_617 = arith.cmpi eq, %jit3A_615, %eq3A_616 : i32
        %jit3A_618 = arith.constant 1 : i32
        %select_n3A_619 = arith.select %eq3A_617, %jit3A_618, %jit3A_615 : i32
        %rem3A_620 = arith.remsi %add3A_614, %select_n3A_619 : i32
        %ne3A_621 = arith.constant 0 : i32
        %ne3A_622 = arith.cmpi ne, %rem3A_620, %ne3A_621 : i32
        %lt3A_623 = arith.constant 0 : i32
        %lt3A_624 = arith.cmpi slt, %rem3A_620, %lt3A_623 : i32
        %lt3A_625 = arith.constant 0 : i32
        %lt3A_626 = arith.cmpi slt, %select_n3A_619, %lt3A_625 : i32
        %ne3A_627 = arith.xori %lt3A_624, %lt3A_626 : i1
        %and3A_628 = arith.andi %ne3A_627, %ne3A_622 : i1
        %add3A_629 = arith.addi %rem3A_620, %select_n3A_619 : i32
        %select_n3A_630 = arith.select %and3A_628, %add3A_629, %rem3A_620 : i32
        %mul3A_631 = arith.constant 128 : i32
        %mul3A_632 = arith.muli %add3A_293, %mul3A_631 : i32
        %add3A_633 = arith.addi %mul3A_632, %add3A_294 : i32
        %jit3A_634 = arith.constant 64 : i32
        %div3A_635 = arith.divsi %add3A_633, %jit3A_634 : i32
        %sign3A_636 = arith.constant 0 : i32
        %sign3A_637 = arith.cmpi sgt, %add3A_633, %sign3A_636 : i32
        %sign3A_638 = arith.extui %sign3A_637 : i1 to i32
        %sign3A_639 = arith.constant 0 : i32
        %sign3A_640 = arith.cmpi slt, %add3A_633, %sign3A_639 : i32
        %sign3A_641 = arith.extui %sign3A_640 : i1 to i32
        %sign3A_642 = arith.subi %sign3A_638, %sign3A_641 : i32
        %sign3A_643 = arith.constant 0 : i32
        %sign3A_644 = arith.cmpi sgt, %jit3A_634, %sign3A_643 : i32
        %sign3A_645 = arith.extui %sign3A_644 : i1 to i32
        %sign3A_646 = arith.constant 0 : i32
        %sign3A_647 = arith.cmpi slt, %jit3A_634, %sign3A_646 : i32
        %sign3A_648 = arith.extui %sign3A_647 : i1 to i32
        %sign3A_649 = arith.subi %sign3A_645, %sign3A_648 : i32
        %ne3A_650 = arith.cmpi ne, %sign3A_642, %sign3A_649 : i32
        %rem3A_651 = arith.remsi %add3A_633, %jit3A_634 : i32
        %ne3A_652 = arith.constant 0 : i32
        %ne3A_653 = arith.cmpi ne, %rem3A_651, %ne3A_652 : i32
        %and3A_654 = arith.andi %ne3A_650, %ne3A_653 : i1
        %sub3A_655 = arith.constant 1 : i32
        %sub3A_656 = arith.subi %div3A_635, %sub3A_655 : i32
        %select_n3A_657 = arith.select %and3A_654, %sub3A_656, %div3A_635 : i32
        %mul3A_658 = arith.constant 128 : i32
        %mul3A_659 = arith.muli %add3A_293, %mul3A_658 : i32
        %add3A_660 = arith.addi %mul3A_659, %add3A_294 : i32
        %jit3A_661 = arith.constant 64 : i32
        %eq3A_662 = arith.constant 0 : i32
        %eq3A_663 = arith.cmpi eq, %jit3A_661, %eq3A_662 : i32
        %jit3A_664 = arith.constant 1 : i32
        %select_n3A_665 = arith.select %eq3A_663, %jit3A_664, %jit3A_661 : i32
        %rem3A_666 = arith.remsi %add3A_660, %select_n3A_665 : i32
        %ne3A_667 = arith.constant 0 : i32
        %ne3A_668 = arith.cmpi ne, %rem3A_666, %ne3A_667 : i32
        %lt3A_669 = arith.constant 0 : i32
        %lt3A_670 = arith.cmpi slt, %rem3A_666, %lt3A_669 : i32
        %lt3A_671 = arith.constant 0 : i32
        %lt3A_672 = arith.cmpi slt, %select_n3A_665, %lt3A_671 : i32
        %ne3A_673 = arith.xori %lt3A_670, %lt3A_672 : i1
        %and3A_674 = arith.andi %ne3A_673, %ne3A_668 : i1
        %add3A_675 = arith.addi %rem3A_666, %select_n3A_665 : i32
        %select_n3A_676 = arith.select %and3A_674, %add3A_675, %rem3A_666 : i32
        %ne3A_677 = arith.cmpi ne, %select_n3A_611, %select_n3A_657 : i32
        %ne3A_678 = arith.cmpi ne, %select_n3A_630, %select_n3A_676 : i32
        %or3A_679 = arith.constant false
        %or3A_680 = arith.ori %or3A_679, %ne3A_677 : i1
        %or3A_681 = arith.ori %or3A_680, %ne3A_678 : i1
        %or3A_682 = arith.constant false
        %or3A_683 = arith.ori %or3A_681, %or3A_682 : i1
        %or3A_684 = arith.ori %or3A_683, %eq3A_255 : i1
        %convert_element_type3A_685 = arith.extui %or3A_684 : i1 to i32
        %cond3A_686 = arith.constant 0 : i32
        %cond3A_687 = arith.cmpi ne, %convert_element_type3A_685, %cond3A_686 : i32
        scf.if %cond3A_687 {
        } else {
        }
        %and3A_688 = arith.constant false
        %and3A_689 = arith.andi %or3A_684, %and3A_688 : i1
        %mul3A_690 = arith.constant 128 : i32
        %mul3A_691 = arith.muli %add3A_257, %mul3A_690 : i32
        %add3A_692 = arith.addi %mul3A_691, %add3A_258 : i32
        %mul3A_693 = arith.constant 128 : i32
        %mul3A_694 = arith.muli %add3A_275, %mul3A_693 : i32
        %add3A_695 = arith.addi %mul3A_694, %add3A_276 : i32
        %ne3A_696 = arith.cmpi ne, %add3A_692, %add3A_695 : i32
        %or3A_697 = arith.constant false
        %or3A_698 = arith.ori %or3A_697, %ne3A_696 : i1
        %or3A_699 = arith.constant false
        %or3A_700 = arith.ori %or3A_698, %or3A_699 : i1
        %not3A_701 = arith.constant true
        %not3A_702 = arith.xori %eq3A_253, %not3A_701 : i1
        %and3A_703 = arith.andi %or3A_700, %not3A_702 : i1
        %convert_element_type3A_704 = arith.extui %and3A_703 : i1 to i32
        %cond3A_705 = arith.constant 0 : i32
        %cond3A_706 = arith.cmpi ne, %convert_element_type3A_704, %cond3A_705 : i32
        scf.if %cond3A_706 {
        } else {
        }
        %and3A_707 = arith.constant false
        %and3A_708 = arith.andi %and3A_703, %and3A_707 : i1
        %mul3A_709 = arith.constant 128 : i32
        %mul3A_710 = arith.muli %add3A_257, %mul3A_709 : i32
        %add3A_711 = arith.addi %mul3A_710, %add3A_258 : i32
        %jit3A_712 = arith.constant 64 : i32
        %div3A_713 = arith.divsi %add3A_711, %jit3A_712 : i32
        %sign3A_714 = arith.constant 0 : i32
        %sign3A_715 = arith.cmpi sgt, %add3A_711, %sign3A_714 : i32
        %sign3A_716 = arith.extui %sign3A_715 : i1 to i32
        %sign3A_717 = arith.constant 0 : i32
        %sign3A_718 = arith.cmpi slt, %add3A_711, %sign3A_717 : i32
        %sign3A_719 = arith.extui %sign3A_718 : i1 to i32
        %sign3A_720 = arith.subi %sign3A_716, %sign3A_719 : i32
        %sign3A_721 = arith.constant 0 : i32
        %sign3A_722 = arith.cmpi sgt, %jit3A_712, %sign3A_721 : i32
        %sign3A_723 = arith.extui %sign3A_722 : i1 to i32
        %sign3A_724 = arith.constant 0 : i32
        %sign3A_725 = arith.cmpi slt, %jit3A_712, %sign3A_724 : i32
        %sign3A_726 = arith.extui %sign3A_725 : i1 to i32
        %sign3A_727 = arith.subi %sign3A_723, %sign3A_726 : i32
        %ne3A_728 = arith.cmpi ne, %sign3A_720, %sign3A_727 : i32
        %rem3A_729 = arith.remsi %add3A_711, %jit3A_712 : i32
        %ne3A_730 = arith.constant 0 : i32
        %ne3A_731 = arith.cmpi ne, %rem3A_729, %ne3A_730 : i32
        %and3A_732 = arith.andi %ne3A_728, %ne3A_731 : i1
        %sub3A_733 = arith.constant 1 : i32
        %sub3A_734 = arith.subi %div3A_713, %sub3A_733 : i32
        %select_n3A_735 = arith.select %and3A_732, %sub3A_734, %div3A_713 : i32
        %mul3A_736 = arith.constant 128 : i32
        %mul3A_737 = arith.muli %add3A_257, %mul3A_736 : i32
        %add3A_738 = arith.addi %mul3A_737, %add3A_258 : i32
        %jit3A_739 = arith.constant 64 : i32
        %eq3A_740 = arith.constant 0 : i32
        %eq3A_741 = arith.cmpi eq, %jit3A_739, %eq3A_740 : i32
        %jit3A_742 = arith.constant 1 : i32
        %select_n3A_743 = arith.select %eq3A_741, %jit3A_742, %jit3A_739 : i32
        %rem3A_744 = arith.remsi %add3A_738, %select_n3A_743 : i32
        %ne3A_745 = arith.constant 0 : i32
        %ne3A_746 = arith.cmpi ne, %rem3A_744, %ne3A_745 : i32
        %lt3A_747 = arith.constant 0 : i32
        %lt3A_748 = arith.cmpi slt, %rem3A_744, %lt3A_747 : i32
        %lt3A_749 = arith.constant 0 : i32
        %lt3A_750 = arith.cmpi slt, %select_n3A_743, %lt3A_749 : i32
        %ne3A_751 = arith.xori %lt3A_748, %lt3A_750 : i1
        %and3A_752 = arith.andi %ne3A_751, %ne3A_746 : i1
        %add3A_753 = arith.addi %rem3A_744, %select_n3A_743 : i32
        %select_n3A_754 = arith.select %and3A_752, %add3A_753, %rem3A_744 : i32
        %mul3A_755 = arith.constant 128 : i32
        %mul3A_756 = arith.muli %add3A_275, %mul3A_755 : i32
        %add3A_757 = arith.addi %mul3A_756, %add3A_276 : i32
        %jit3A_758 = arith.constant 64 : i32
        %div3A_759 = arith.divsi %add3A_757, %jit3A_758 : i32
        %sign3A_760 = arith.constant 0 : i32
        %sign3A_761 = arith.cmpi sgt, %add3A_757, %sign3A_760 : i32
        %sign3A_762 = arith.extui %sign3A_761 : i1 to i32
        %sign3A_763 = arith.constant 0 : i32
        %sign3A_764 = arith.cmpi slt, %add3A_757, %sign3A_763 : i32
        %sign3A_765 = arith.extui %sign3A_764 : i1 to i32
        %sign3A_766 = arith.subi %sign3A_762, %sign3A_765 : i32
        %sign3A_767 = arith.constant 0 : i32
        %sign3A_768 = arith.cmpi sgt, %jit3A_758, %sign3A_767 : i32
        %sign3A_769 = arith.extui %sign3A_768 : i1 to i32
        %sign3A_770 = arith.constant 0 : i32
        %sign3A_771 = arith.cmpi slt, %jit3A_758, %sign3A_770 : i32
        %sign3A_772 = arith.extui %sign3A_771 : i1 to i32
        %sign3A_773 = arith.subi %sign3A_769, %sign3A_772 : i32
        %ne3A_774 = arith.cmpi ne, %sign3A_766, %sign3A_773 : i32
        %rem3A_775 = arith.remsi %add3A_757, %jit3A_758 : i32
        %ne3A_776 = arith.constant 0 : i32
        %ne3A_777 = arith.cmpi ne, %rem3A_775, %ne3A_776 : i32
        %and3A_778 = arith.andi %ne3A_774, %ne3A_777 : i1
        %sub3A_779 = arith.constant 1 : i32
        %sub3A_780 = arith.subi %div3A_759, %sub3A_779 : i32
        %select_n3A_781 = arith.select %and3A_778, %sub3A_780, %div3A_759 : i32
        %mul3A_782 = arith.constant 128 : i32
        %mul3A_783 = arith.muli %add3A_275, %mul3A_782 : i32
        %add3A_784 = arith.addi %mul3A_783, %add3A_276 : i32
        %jit3A_785 = arith.constant 64 : i32
        %eq3A_786 = arith.constant 0 : i32
        %eq3A_787 = arith.cmpi eq, %jit3A_785, %eq3A_786 : i32
        %jit3A_788 = arith.constant 1 : i32
        %select_n3A_789 = arith.select %eq3A_787, %jit3A_788, %jit3A_785 : i32
        %rem3A_790 = arith.remsi %add3A_784, %select_n3A_789 : i32
        %ne3A_791 = arith.constant 0 : i32
        %ne3A_792 = arith.cmpi ne, %rem3A_790, %ne3A_791 : i32
        %lt3A_793 = arith.constant 0 : i32
        %lt3A_794 = arith.cmpi slt, %rem3A_790, %lt3A_793 : i32
        %lt3A_795 = arith.constant 0 : i32
        %lt3A_796 = arith.cmpi slt, %select_n3A_789, %lt3A_795 : i32
        %ne3A_797 = arith.xori %lt3A_794, %lt3A_796 : i1
        %and3A_798 = arith.andi %ne3A_797, %ne3A_792 : i1
        %add3A_799 = arith.addi %rem3A_790, %select_n3A_789 : i32
        %select_n3A_800 = arith.select %and3A_798, %add3A_799, %rem3A_790 : i32
        %ne3A_801 = arith.cmpi ne, %select_n3A_735, %select_n3A_781 : i32
        %ne3A_802 = arith.cmpi ne, %select_n3A_754, %select_n3A_800 : i32
        %or3A_803 = arith.constant false
        %or3A_804 = arith.ori %or3A_803, %ne3A_801 : i1
        %or3A_805 = arith.ori %or3A_804, %ne3A_802 : i1
        %or3A_806 = arith.constant false
        %or3A_807 = arith.ori %or3A_805, %or3A_806 : i1
        %not3A_808 = arith.constant true
        %not3A_809 = arith.xori %eq3A_253, %not3A_808 : i1
        %and3A_810 = arith.andi %or3A_807, %not3A_809 : i1
        %convert_element_type3A_811 = arith.extui %and3A_810 : i1 to i32
        %cond3A_812 = arith.constant 0 : i32
        %cond3A_813 = arith.cmpi ne, %convert_element_type3A_811, %cond3A_812 : i32
        scf.if %cond3A_813 {
        } else {
        }
        %and3A_814 = arith.constant false
        %and3A_815 = arith.andi %and3A_810, %and3A_814 : i1
        %mul3A_816 = arith.constant 128 : i32
        %mul3A_817 = arith.muli %add3A_257, %mul3A_816 : i32
        %add3A_818 = arith.addi %mul3A_817, %add3A_258 : i32
        %mul3A_819 = arith.constant 128 : i32
        %mul3A_820 = arith.muli %add3A_293, %mul3A_819 : i32
        %add3A_821 = arith.addi %mul3A_820, %add3A_294 : i32
        %ne3A_822 = arith.cmpi ne, %add3A_818, %add3A_821 : i32
        %or3A_823 = arith.constant false
        %or3A_824 = arith.ori %or3A_823, %ne3A_822 : i1
        %or3A_825 = arith.constant false
        %or3A_826 = arith.ori %or3A_824, %or3A_825 : i1
        %or3A_827 = arith.ori %or3A_826, %eq3A_255 : i1
        %add3A_828 = arith.constant 1 : i32
        %add3A_829 = arith.addi %scan3A_247, %add3A_828 : i32
        %select_n3A_830 = arith.select %or3A_827, %add3A_829, %scan3A_247 : i32
        %mul3A_831 = arith.constant 128 : i32
        %mul3A_832 = arith.muli %add3A_257, %mul3A_831 : i32
        %add3A_833 = arith.addi %mul3A_832, %add3A_258 : i32
        %jit3A_834 = arith.constant 64 : i32
        %div3A_835 = arith.divsi %add3A_833, %jit3A_834 : i32
        %sign3A_836 = arith.constant 0 : i32
        %sign3A_837 = arith.cmpi sgt, %add3A_833, %sign3A_836 : i32
        %sign3A_838 = arith.extui %sign3A_837 : i1 to i32
        %sign3A_839 = arith.constant 0 : i32
        %sign3A_840 = arith.cmpi slt, %add3A_833, %sign3A_839 : i32
        %sign3A_841 = arith.extui %sign3A_840 : i1 to i32
        %sign3A_842 = arith.subi %sign3A_838, %sign3A_841 : i32
        %sign3A_843 = arith.constant 0 : i32
        %sign3A_844 = arith.cmpi sgt, %jit3A_834, %sign3A_843 : i32
        %sign3A_845 = arith.extui %sign3A_844 : i1 to i32
        %sign3A_846 = arith.constant 0 : i32
        %sign3A_847 = arith.cmpi slt, %jit3A_834, %sign3A_846 : i32
        %sign3A_848 = arith.extui %sign3A_847 : i1 to i32
        %sign3A_849 = arith.subi %sign3A_845, %sign3A_848 : i32
        %ne3A_850 = arith.cmpi ne, %sign3A_842, %sign3A_849 : i32
        %rem3A_851 = arith.remsi %add3A_833, %jit3A_834 : i32
        %ne3A_852 = arith.constant 0 : i32
        %ne3A_853 = arith.cmpi ne, %rem3A_851, %ne3A_852 : i32
        %and3A_854 = arith.andi %ne3A_850, %ne3A_853 : i1
        %sub3A_855 = arith.constant 1 : i32
        %sub3A_856 = arith.subi %div3A_835, %sub3A_855 : i32
        %select_n3A_857 = arith.select %and3A_854, %sub3A_856, %div3A_835 : i32
        %mul3A_858 = arith.constant 128 : i32
        %mul3A_859 = arith.muli %add3A_257, %mul3A_858 : i32
        %add3A_860 = arith.addi %mul3A_859, %add3A_258 : i32
        %jit3A_861 = arith.constant 64 : i32
        %eq3A_862 = arith.constant 0 : i32
        %eq3A_863 = arith.cmpi eq, %jit3A_861, %eq3A_862 : i32
        %jit3A_864 = arith.constant 1 : i32
        %select_n3A_865 = arith.select %eq3A_863, %jit3A_864, %jit3A_861 : i32
        %rem3A_866 = arith.remsi %add3A_860, %select_n3A_865 : i32
        %ne3A_867 = arith.constant 0 : i32
        %ne3A_868 = arith.cmpi ne, %rem3A_866, %ne3A_867 : i32
        %lt3A_869 = arith.constant 0 : i32
        %lt3A_870 = arith.cmpi slt, %rem3A_866, %lt3A_869 : i32
        %lt3A_871 = arith.constant 0 : i32
        %lt3A_872 = arith.cmpi slt, %select_n3A_865, %lt3A_871 : i32
        %ne3A_873 = arith.xori %lt3A_870, %lt3A_872 : i1
        %and3A_874 = arith.andi %ne3A_873, %ne3A_868 : i1
        %add3A_875 = arith.addi %rem3A_866, %select_n3A_865 : i32
        %select_n3A_876 = arith.select %and3A_874, %add3A_875, %rem3A_866 : i32
        %mul3A_877 = arith.constant 128 : i32
        %mul3A_878 = arith.muli %add3A_293, %mul3A_877 : i32
        %add3A_879 = arith.addi %mul3A_878, %add3A_294 : i32
        %jit3A_880 = arith.constant 64 : i32
        %div3A_881 = arith.divsi %add3A_879, %jit3A_880 : i32
        %sign3A_882 = arith.constant 0 : i32
        %sign3A_883 = arith.cmpi sgt, %add3A_879, %sign3A_882 : i32
        %sign3A_884 = arith.extui %sign3A_883 : i1 to i32
        %sign3A_885 = arith.constant 0 : i32
        %sign3A_886 = arith.cmpi slt, %add3A_879, %sign3A_885 : i32
        %sign3A_887 = arith.extui %sign3A_886 : i1 to i32
        %sign3A_888 = arith.subi %sign3A_884, %sign3A_887 : i32
        %sign3A_889 = arith.constant 0 : i32
        %sign3A_890 = arith.cmpi sgt, %jit3A_880, %sign3A_889 : i32
        %sign3A_891 = arith.extui %sign3A_890 : i1 to i32
        %sign3A_892 = arith.constant 0 : i32
        %sign3A_893 = arith.cmpi slt, %jit3A_880, %sign3A_892 : i32
        %sign3A_894 = arith.extui %sign3A_893 : i1 to i32
        %sign3A_895 = arith.subi %sign3A_891, %sign3A_894 : i32
        %ne3A_896 = arith.cmpi ne, %sign3A_888, %sign3A_895 : i32
        %rem3A_897 = arith.remsi %add3A_879, %jit3A_880 : i32
        %ne3A_898 = arith.constant 0 : i32
        %ne3A_899 = arith.cmpi ne, %rem3A_897, %ne3A_898 : i32
        %and3A_900 = arith.andi %ne3A_896, %ne3A_899 : i1
        %sub3A_901 = arith.constant 1 : i32
        %sub3A_902 = arith.subi %div3A_881, %sub3A_901 : i32
        %select_n3A_903 = arith.select %and3A_900, %sub3A_902, %div3A_881 : i32
        %mul3A_904 = arith.constant 128 : i32
        %mul3A_905 = arith.muli %add3A_293, %mul3A_904 : i32
        %add3A_906 = arith.addi %mul3A_905, %add3A_294 : i32
        %jit3A_907 = arith.constant 64 : i32
        %eq3A_908 = arith.constant 0 : i32
        %eq3A_909 = arith.cmpi eq, %jit3A_907, %eq3A_908 : i32
        %jit3A_910 = arith.constant 1 : i32
        %select_n3A_911 = arith.select %eq3A_909, %jit3A_910, %jit3A_907 : i32
        %rem3A_912 = arith.remsi %add3A_906, %select_n3A_911 : i32
        %ne3A_913 = arith.constant 0 : i32
        %ne3A_914 = arith.cmpi ne, %rem3A_912, %ne3A_913 : i32
        %lt3A_915 = arith.constant 0 : i32
        %lt3A_916 = arith.cmpi slt, %rem3A_912, %lt3A_915 : i32
        %lt3A_917 = arith.constant 0 : i32
        %lt3A_918 = arith.cmpi slt, %select_n3A_911, %lt3A_917 : i32
        %ne3A_919 = arith.xori %lt3A_916, %lt3A_918 : i1
        %and3A_920 = arith.andi %ne3A_919, %ne3A_914 : i1
        %add3A_921 = arith.addi %rem3A_912, %select_n3A_911 : i32
        %select_n3A_922 = arith.select %and3A_920, %add3A_921, %rem3A_912 : i32
        %ne3A_923 = arith.cmpi ne, %select_n3A_857, %select_n3A_903 : i32
        %ne3A_924 = arith.cmpi ne, %select_n3A_876, %select_n3A_922 : i32
        %or3A_925 = arith.constant false
        %or3A_926 = arith.ori %or3A_925, %ne3A_923 : i1
        %or3A_927 = arith.ori %or3A_926, %ne3A_924 : i1
        %or3A_928 = arith.constant false
        %or3A_929 = arith.ori %or3A_927, %or3A_928 : i1
        %or3A_930 = arith.ori %or3A_929, %eq3A_255 : i1
        %add3A_931 = arith.constant 1 : i32
        %add3A_932 = arith.addi %scan3A_249, %add3A_931 : i32
        %select_n3A_933 = arith.select %or3A_930, %add3A_932, %scan3A_249 : i32
        %add3A_934 = arith.constant 1 : i32
        %add3A_935 = arith.addi %scan3A_251, %add3A_934 : i32
        %select_n3A_936 = arith.constant true
        %select_n3A_937 = arith.select %select_n3A_936, %add3A_935, %scan3A_251 : i32
        %eq3A_938 = arith.constant 4 : i32
        %eq3A_939 = arith.cmpi eq, %select_n3A_937, %eq3A_938 : i32
        %select_n3A_940 = arith.constant 0 : i32
        %select_n3A_941 = arith.select %eq3A_939, %select_n3A_940, %select_n3A_937 : i32
        %add3A_942 = arith.constant 1 : i32
        %add3A_943 = arith.addi %scan3A_250, %add3A_942 : i32
        %select_n3A_944 = arith.select %eq3A_939, %add3A_943, %scan3A_250 : i32
        %eq3A_945 = arith.constant 2 : i32
        %eq3A_946 = arith.cmpi eq, %select_n3A_944, %eq3A_945 : i32
        %select_n3A_947 = arith.constant 0 : i32
        %select_n3A_948 = arith.select %eq3A_946, %select_n3A_947, %select_n3A_944 : i32
        scf.yield %select_n3A_331, %select_n3A_830, %select_n3A_443, %select_n3A_933, %select_n3A_948, %select_n3A_941 : i32, i32, i32, i32, i32, i32
      }
      %scan3A_172 = arith.constant 8 : i32
      %sub3A_173 = arith.constant 1 : i32
      %sub3A_174 = arith.subi %scan3A_171#5, %sub3A_173 : i32
      %select_n3A_175 = arith.constant true
      %select_n3A_176 = arith.select %select_n3A_175, %sub3A_174, %scan3A_171#5 : i32
      %eq3A_177 = arith.constant -1 : i32
      %eq3A_178 = arith.cmpi eq, %select_n3A_176, %eq3A_177 : i32
      %select_n3A_179 = arith.constant 3 : i32
      %select_n3A_180 = arith.select %eq3A_178, %select_n3A_179, %select_n3A_176 : i32
      %sub3A_181 = arith.constant 1 : i32
      %sub3A_182 = arith.subi %scan3A_171#4, %sub3A_181 : i32
      %select_n3A_183 = arith.select %eq3A_178, %sub3A_182, %scan3A_171#4 : i32
      %eq3A_184 = arith.constant -1 : i32
      %eq3A_185 = arith.cmpi eq, %select_n3A_183, %eq3A_184 : i32
      %select_n3A_186 = arith.constant 1 : i32
      %select_n3A_187 = arith.select %eq3A_185, %select_n3A_186, %select_n3A_183 : i32
      %add3A_188 = arith.constant 0 : i32
      %add3A_189 = arith.addi %select_n3A_187, %add3A_188 : i32
      %add3A_190 = arith.addi %select_n3A_180, %mul3A_6 : i32
      %sub3A_191 = arith.constant 1 : i32
      %sub3A_192 = arith.subi %select_n3A_180, %sub3A_191 : i32
      %select_n3A_193 = arith.constant true
      %select_n3A_194 = arith.select %select_n3A_193, %sub3A_192, %select_n3A_180 : i32
      %eq3A_195 = arith.constant -1 : i32
      %eq3A_196 = arith.cmpi eq, %select_n3A_194, %eq3A_195 : i32
      %select_n3A_197 = arith.constant 3 : i32
      %select_n3A_198 = arith.select %eq3A_196, %select_n3A_197, %select_n3A_194 : i32
      %sub3A_199 = arith.constant 1 : i32
      %sub3A_200 = arith.subi %select_n3A_187, %sub3A_199 : i32
      %select_n3A_201 = arith.select %eq3A_196, %sub3A_200, %select_n3A_187 : i32
      %eq3A_202 = arith.constant -1 : i32
      %eq3A_203 = arith.cmpi eq, %select_n3A_201, %eq3A_202 : i32
      %select_n3A_204 = arith.constant 1 : i32
      %select_n3A_205 = arith.select %eq3A_203, %select_n3A_204, %select_n3A_201 : i32
      %add3A_206 = arith.constant 0 : i32
      %add3A_207 = arith.addi %select_n3A_205, %add3A_206 : i32
      %add3A_208 = arith.addi %select_n3A_198, %mul3A_6 : i32
      %add3A_209 = arith.constant 1 : i32
      %add3A_210 = arith.addi %select_n3A_180, %add3A_209 : i32
      %select_n3A_211 = arith.constant true
      %select_n3A_212 = arith.select %select_n3A_211, %add3A_210, %select_n3A_180 : i32
      %eq3A_213 = arith.constant 4 : i32
      %eq3A_214 = arith.cmpi eq, %select_n3A_212, %eq3A_213 : i32
      %select_n3A_215 = arith.constant 0 : i32
      %select_n3A_216 = arith.select %eq3A_214, %select_n3A_215, %select_n3A_212 : i32
      %add3A_217 = arith.constant 1 : i32
      %add3A_218 = arith.addi %select_n3A_187, %add3A_217 : i32
      %select_n3A_219 = arith.select %eq3A_214, %add3A_218, %select_n3A_187 : i32
      %eq3A_220 = arith.constant 2 : i32
      %eq3A_221 = arith.cmpi eq, %select_n3A_219, %eq3A_220 : i32
      %select_n3A_222 = arith.constant 0 : i32
      %select_n3A_223 = arith.select %eq3A_221, %select_n3A_222, %select_n3A_219 : i32
      %add3A_224 = arith.constant 0 : i32
      %add3A_225 = arith.addi %select_n3A_223, %add3A_224 : i32
      %add3A_226 = arith.addi %select_n3A_216, %mul3A_6 : i32
      %add3A_227 = arith.constant 1 : i32
      %add3A_228 = arith.addi %select_n3A_216, %add3A_227 : i32
      %select_n3A_229 = arith.constant true
      %select_n3A_230 = arith.select %select_n3A_229, %add3A_228, %select_n3A_216 : i32
      %eq3A_231 = arith.constant 4 : i32
      %eq3A_232 = arith.cmpi eq, %select_n3A_230, %eq3A_231 : i32
      %select_n3A_233 = arith.constant 0 : i32
      %select_n3A_234 = arith.select %eq3A_232, %select_n3A_233, %select_n3A_230 : i32
      %add3A_235 = arith.constant 1 : i32
      %add3A_236 = arith.addi %select_n3A_223, %add3A_235 : i32
      %select_n3A_237 = arith.select %eq3A_232, %add3A_236, %select_n3A_223 : i32
      %eq3A_238 = arith.constant 2 : i32
      %eq3A_239 = arith.cmpi eq, %select_n3A_237, %eq3A_238 : i32
      %select_n3A_240 = arith.constant 0 : i32
      %select_n3A_241 = arith.select %eq3A_239, %select_n3A_240, %select_n3A_237 : i32
      %add3A_242 = arith.constant 0 : i32
      %add3A_243 = arith.addi %select_n3A_241, %add3A_242 : i32
      %add3A_244 = arith.addi %select_n3A_234, %mul3A_6 : i32
      tpu.yield
    }) : () -> ()
    %mul3A_7 = arith.constant 1 : i32
    %mul3A_8 = arith.muli %arg1, %mul3A_7 : i32
    %add3A_9 = arith.constant 0 : i32
    %add3A_10 = arith.addi %add3A_9, %mul3A_8 : i32
    %mul3A_11 = arith.constant 16 : i32
    %mul3A_12 = arith.muli %arg0, %mul3A_11 : i32
    %add3A_13 = arith.addi %add3A_10, %mul3A_12 : i32
    %mul3A_14 = arith.constant 1 : i32
    %mul3A_15 = arith.muli %add3A_13, %mul3A_14 : i32
    "tpu.region"() ({
      %run_scoped3A = memref.alloca() : memref<2x128x128xf32, #tpu.memory_space<vmem>>
      %run_scoped3A_16 = tpu.sem_alloc : memref<2x!tpu.dma_semaphore, #tpu.memory_space<semaphore_mem>>
      %run_scoped3A_17 = memref.alloca() : memref<2x1x128xi32, #tpu.memory_space<vmem>>
      %run_scoped3A_18 = tpu.sem_alloc : memref<2x!tpu.dma_semaphore, #tpu.memory_space<semaphore_mem>>
      %add3A_19 = arith.constant 0 : i32
      %add3A_20 = arith.addi %add3A_19, %mul3A_15 : i32
      %select_n3A = arith.constant true
      %select_n3A_21 = arith.constant 0 : i32
      %select_n3A_22 = arith.constant -1 : i32
      %select_n3A_23 = arith.select %select_n3A, %select_n3A_22, %select_n3A_21 : i32
      %eq3A = arith.constant -1 : i32
      %eq3A_24 = arith.cmpi eq, %select_n3A_23, %eq3A : i32
      %select_n3A_25 = arith.constant 0 : i32
      %select_n3A_26 = arith.select %eq3A_24, %select_n3A_25, %select_n3A_23 : i32
      %select_n3A_27 = arith.constant 0 : i32
      %select_n3A_28 = arith.constant -1 : i32
      %select_n3A_29 = arith.select %eq3A_24, %select_n3A_28, %select_n3A_27 : i32
      %eq3A_30 = arith.constant -1 : i32
      %eq3A_31 = arith.cmpi eq, %select_n3A_29, %eq3A_30 : i32
      %select_n3A_32 = arith.constant 1 : i32
      %select_n3A_33 = arith.select %eq3A_31, %select_n3A_32, %select_n3A_29 : i32
      %add3A_34 = arith.constant 0 : i32
      %add3A_35 = arith.addi %select_n3A_33, %add3A_34 : i32
      %add3A_36 = arith.constant 0 : i32
      %add3A_37 = arith.addi %add3A_36, %mul3A_15 : i32
      %select_n3A_38 = arith.constant true
      %select_n3A_39 = arith.constant 0 : i32
      %select_n3A_40 = arith.constant 1 : i32
      %select_n3A_41 = arith.select %select_n3A_38, %select_n3A_40, %select_n3A_39 : i32
      %eq3A_42 = arith.constant 1 : i32
      %eq3A_43 = arith.cmpi eq, %select_n3A_41, %eq3A_42 : i32
      %select_n3A_44 = arith.constant 0 : i32
      %select_n3A_45 = arith.select %eq3A_43, %select_n3A_44, %select_n3A_41 : i32
      %select_n3A_46 = arith.constant 0 : i32
      %select_n3A_47 = arith.constant 1 : i32
      %select_n3A_48 = arith.select %eq3A_43, %select_n3A_47, %select_n3A_46 : i32
      %eq3A_49 = arith.constant 2 : i32
      %eq3A_50 = arith.cmpi eq, %select_n3A_48, %eq3A_49 : i32
      %select_n3A_51 = arith.constant 0 : i32
      %select_n3A_52 = arith.select %eq3A_50, %select_n3A_51, %select_n3A_48 : i32
      %add3A_53 = arith.constant 0 : i32
      %add3A_54 = arith.addi %select_n3A_52, %add3A_53 : i32
      %add3A_55 = arith.constant 0 : i32
      %add3A_56 = arith.addi %add3A_55, %mul3A_15 : i32
      %select_n3A_57 = arith.constant true
      %select_n3A_58 = arith.constant 0 : i32
      %select_n3A_59 = arith.constant 1 : i32
      %select_n3A_60 = arith.select %select_n3A_57, %select_n3A_59, %select_n3A_58 : i32
      %eq3A_61 = arith.constant 1 : i32
      %eq3A_62 = arith.cmpi eq, %select_n3A_60, %eq3A_61 : i32
      %select_n3A_63 = arith.constant 0 : i32
      %select_n3A_64 = arith.select %eq3A_62, %select_n3A_63, %select_n3A_60 : i32
      %add3A_65 = arith.constant 1 : i32
      %add3A_66 = arith.addi %select_n3A_52, %add3A_65 : i32
      %select_n3A_67 = arith.select %eq3A_62, %add3A_66, %select_n3A_52 : i32
      %eq3A_68 = arith.constant 2 : i32
      %eq3A_69 = arith.cmpi eq, %select_n3A_67, %eq3A_68 : i32
      %select_n3A_70 = arith.constant 0 : i32
      %select_n3A_71 = arith.select %eq3A_69, %select_n3A_70, %select_n3A_67 : i32
      %add3A_72 = arith.constant 0 : i32
      %add3A_73 = arith.addi %select_n3A_71, %add3A_72 : i32
      %add3A_74 = arith.constant 0 : i32
      %add3A_75 = arith.addi %add3A_74, %mul3A_15 : i32
      "tpu.trace_start"() <{level = 10 : i32, message = "ep_initialize_0"}> : () -> ()
      %rem3A = arith.constant 0 : i32
      %rem3A_76 = arith.constant 2 : i32
      %rem3A_77 = arith.remui %rem3A, %rem3A_76 : i32
      %add3A_78 = arith.constant 0 : i32
      %add3A_79 = arith.addi %add3A_78, %add3A_20 : i32
      %mul3A_80 = arith.constant 128 : i32
      %mul3A_81 = arith.muli %mul3A_80, %add3A_79 : i32
      %dma_start3A = arith.constant 0 : i32
      %dma_start3A_82 = arith.constant 0 : i32
      %dma_start3A_83 = tpu.memref_slice %run_scoped3A[%rem3A_77, %dma_start3A, %dma_start3A_82] : memref<2x128x128xf32, #tpu.memory_space<vmem>> -> memref<1x128x128xf32, #tpu.memory_space<vmem>>
      %dma_start3A_84 = tpu.memref_squeeze %dma_start3A_83 : memref<1x128x128xf32, #tpu.memory_space<vmem>> -> memref<128x128xf32, #tpu.memory_space<vmem>>
      %dma_start3A_85 = arith.constant 0 : i32
      %dma_start3A_86 = tpu.memref_slice %arg3[%mul3A_81, %dma_start3A_85] : memref<8192x128xf32, #tpu.memory_space<hbm>> -> memref<128x128xf32, #tpu.memory_space<hbm>>
      %dma_start3A_87 = tpu.memref_slice %run_scoped3A_16[%rem3A_77] : memref<2x!tpu.dma_semaphore, #tpu.memory_space<semaphore_mem>> -> memref<1x!tpu.dma_semaphore, #tpu.memory_space<semaphore_mem>>
      %dma_start3A_88 = tpu.memref_squeeze %dma_start3A_87 : memref<1x!tpu.dma_semaphore, #tpu.memory_space<semaphore_mem>> -> memref<!tpu.dma_semaphore, #tpu.memory_space<semaphore_mem>>
      %dma_start3A_89 = arith.constant 0 : i32
      %dma_start3A_90 = arith.constant 0 : i32
      %dma_start3A_91 = tpu.memref_slice %run_scoped3A[%rem3A_77, %dma_start3A_89, %dma_start3A_90] : memref<2x128x128xf32, #tpu.memory_space<vmem>> -> memref<1x128x128xf32, #tpu.memory_space<vmem>>
      %dma_start3A_92 = tpu.memref_squeeze %dma_start3A_91 : memref<1x128x128xf32, #tpu.memory_space<vmem>> -> memref<128x128xf32, #tpu.memory_space<vmem>>
      %dma_start3A_93 = arith.constant 0 : i32
      %dma_start3A_94 = tpu.memref_slice %arg3[%mul3A_81, %dma_start3A_93] : memref<8192x128xf32, #tpu.memory_space<hbm>> -> memref<128x128xf32, #tpu.memory_space<hbm>>
      tpu.enqueue_dma source(%dma_start3A_94 : memref<128x128xf32, #tpu.memory_space<hbm>>) target(%dma_start3A_92 : memref<128x128xf32, #tpu.memory_space<vmem>>) target_semaphore(%dma_start3A_88 : memref<!tpu.dma_semaphore, #tpu.memory_space<semaphore_mem>>)
      %add3A_95 = arith.constant 0 : i32
      %add3A_96 = arith.constant 1 : i32
      %add3A_97 = arith.addi %add3A_95, %add3A_96 : i32
      %select_n3A_98 = arith.constant true
      %select_n3A_99 = arith.constant 0 : i32
      %select_n3A_100 = arith.select %select_n3A_98, %add3A_97, %select_n3A_99 : i32
      %rem3A_101 = arith.constant 0 : i32
      %rem3A_102 = arith.constant 2 : i32
      %rem3A_103 = arith.remui %rem3A_101, %rem3A_102 : i32
      %add3A_104 = arith.constant 0 : i32
      %add3A_105 = arith.addi %add3A_104, %add3A_20 : i32
      %mul3A_106 = arith.constant 1 : i32
      %mul3A_107 = arith.muli %mul3A_106, %add3A_105 : i32
      %dma_start3A_108 = arith.constant 0 : i32
      %dma_start3A_109 = arith.constant 0 : i32
      %dma_start3A_110 = tpu.memref_slice %run_scoped3A_17[%rem3A_103, %dma_start3A_108, %dma_start3A_109] : memref<2x1x128xi32, #tpu.memory_space<vmem>> -> memref<1x1x128xi32, #tpu.memory_space<vmem>>
      %dma_start3A_111 = tpu.memref_squeeze %dma_start3A_110 : memref<1x1x128xi32, #tpu.memory_space<vmem>> -> memref<1x128xi32, #tpu.memory_space<vmem>>
      %dma_start3A_112 = arith.constant 0 : i32
      %dma_start3A_113 = tpu.memref_slice %arg5[%mul3A_107, %dma_start3A_112] : memref<64x128xi32, #tpu.memory_space<hbm>> -> memref<1x128xi32, #tpu.memory_space<hbm>>
      %dma_start3A_114 = tpu.memref_slice %run_scoped3A_18[%rem3A_103] : memref<2x!tpu.dma_semaphore, #tpu.memory_space<semaphore_mem>> -> memref<1x!tpu.dma_semaphore, #tpu.memory_space<semaphore_mem>>
      %dma_start3A_115 = tpu.memref_squeeze %dma_start3A_114 : memref<1x!tpu.dma_semaphore, #tpu.memory_space<semaphore_mem>> -> memref<!tpu.dma_semaphore, #tpu.memory_space<semaphore_mem>>
      %dma_start3A_116 = arith.constant 0 : i32
      %dma_start3A_117 = arith.constant 0 : i32
      %dma_start3A_118 = tpu.memref_slice %run_scoped3A_17[%rem3A_103, %dma_start3A_116, %dma_start3A_117] : memref<2x1x128xi32, #tpu.memory_space<vmem>> -> memref<1x1x128xi32, #tpu.memory_space<vmem>>
      %dma_start3A_119 = tpu.memref_squeeze %dma_start3A_118 : memref<1x1x128xi32, #tpu.memory_space<vmem>> -> memref<1x128xi32, #tpu.memory_space<vmem>>
      %dma_start3A_120 = arith.constant 0 : i32
      %dma_start3A_121 = tpu.memref_slice %arg5[%mul3A_107, %dma_start3A_120] : memref<64x128xi32, #tpu.memory_space<hbm>> -> memref<1x128xi32, #tpu.memory_space<hbm>>
      tpu.enqueue_dma source(%dma_start3A_121 : memref<1x128xi32, #tpu.memory_space<hbm>>) target(%dma_start3A_119 : memref<1x128xi32, #tpu.memory_space<vmem>>) target_semaphore(%dma_start3A_115 : memref<!tpu.dma_semaphore, #tpu.memory_space<semaphore_mem>>)
      %add3A_122 = arith.constant 0 : i32
      %add3A_123 = arith.constant 1 : i32
      %add3A_124 = arith.addi %add3A_122, %add3A_123 : i32
      %select_n3A_125 = arith.constant true
      %select_n3A_126 = arith.constant 0 : i32
      %select_n3A_127 = arith.select %select_n3A_125, %add3A_124, %select_n3A_126 : i32
      "tpu.trace_stop"() : () -> ()
      %scan3A = arith.constant 0 : i32
      %scan3A_128 = arith.constant 0 : i32
      %scan3A_129 = arith.constant 0 : i32
      %scan3A_130 = arith.constant 0 : i32
      %scan3A_131 = arith.constant 0 : i32
      %scan3A_132 = arith.constant 2 : i32
      %scan3A_133 = arith.addi %scan3A_131, %scan3A_132 : i32
      %scan3A_134 = arith.constant 1 : i32
      %scan3A_135:6 = scf.for %scan3A_212 = %scan3A_131 to %scan3A_133 step %scan3A_134 iter_args(%scan3A_213 = %select_n3A_100, %scan3A_214 = %scan3A, %scan3A_215 = %select_n3A_127, %scan3A_216 = %scan3A_128, %scan3A_217 = %scan3A_129, %scan3A_218 = %scan3A_130) -> (i32, i32, i32, i32, i32, i32)  : i32 {
        %eq3A_219 = arith.constant 0 : i32
        %eq3A_220 = arith.cmpi eq, %scan3A_212, %eq3A_219 : i32
        %eq3A_221 = arith.constant 1 : i32
        %eq3A_222 = arith.cmpi eq, %scan3A_212, %eq3A_221 : i32
        %add3A_223 = arith.constant 0 : i32
        %add3A_224 = arith.addi %scan3A_217, %add3A_223 : i32
        %add3A_225 = arith.constant 0 : i32
        %add3A_226 = arith.addi %add3A_225, %mul3A_15 : i32
        %select_n3A_227 = arith.constant true
        %select_n3A_228 = arith.constant 0 : i32
        %select_n3A_229 = arith.constant -1 : i32
        %select_n3A_230 = arith.select %select_n3A_227, %select_n3A_229, %select_n3A_228 : i32
        %eq3A_231 = arith.constant -1 : i32
        %eq3A_232 = arith.cmpi eq, %select_n3A_230, %eq3A_231 : i32
        %select_n3A_233 = arith.constant 0 : i32
        %select_n3A_234 = arith.select %eq3A_232, %select_n3A_233, %select_n3A_230 : i32
        %sub3A_235 = arith.constant 1 : i32
        %sub3A_236 = arith.subi %scan3A_217, %sub3A_235 : i32
        %select_n3A_237 = arith.select %eq3A_232, %sub3A_236, %scan3A_217 : i32
        %eq3A_238 = arith.constant -1 : i32
        %eq3A_239 = arith.cmpi eq, %select_n3A_237, %eq3A_238 : i32
        %select_n3A_240 = arith.constant 1 : i32
        %select_n3A_241 = arith.select %eq3A_239, %select_n3A_240, %select_n3A_237 : i32
        %add3A_242 = arith.constant 0 : i32
        %add3A_243 = arith.addi %select_n3A_241, %add3A_242 : i32
        %add3A_244 = arith.constant 0 : i32
        %add3A_245 = arith.addi %add3A_244, %mul3A_15 : i32
        %select_n3A_246 = arith.constant true
        %select_n3A_247 = arith.constant 0 : i32
        %select_n3A_248 = arith.constant 1 : i32
        %select_n3A_249 = arith.select %select_n3A_246, %select_n3A_248, %select_n3A_247 : i32
        %eq3A_250 = arith.constant 1 : i32
        %eq3A_251 = arith.cmpi eq, %select_n3A_249, %eq3A_250 : i32
        %select_n3A_252 = arith.constant 0 : i32
        %select_n3A_253 = arith.select %eq3A_251, %select_n3A_252, %select_n3A_249 : i32
        %add3A_254 = arith.constant 1 : i32
        %add3A_255 = arith.addi %scan3A_217, %add3A_254 : i32
        %select_n3A_256 = arith.select %eq3A_251, %add3A_255, %scan3A_217 : i32
        %eq3A_257 = arith.constant 2 : i32
        %eq3A_258 = arith.cmpi eq, %select_n3A_256, %eq3A_257 : i32
        %select_n3A_259 = arith.constant 0 : i32
        %select_n3A_260 = arith.select %eq3A_258, %select_n3A_259, %select_n3A_256 : i32
        %add3A_261 = arith.constant 0 : i32
        %add3A_262 = arith.addi %select_n3A_260, %add3A_261 : i32
        %add3A_263 = arith.constant 0 : i32
        %add3A_264 = arith.addi %add3A_263, %mul3A_15 : i32
        %select_n3A_265 = arith.constant true
        %select_n3A_266 = arith.constant 0 : i32
        %select_n3A_267 = arith.constant 1 : i32
        %select_n3A_268 = arith.select %select_n3A_265, %select_n3A_267, %select_n3A_266 : i32
        %eq3A_269 = arith.constant 1 : i32
        %eq3A_270 = arith.cmpi eq, %select_n3A_268, %eq3A_269 : i32
        %select_n3A_271 = arith.constant 0 : i32
        %select_n3A_272 = arith.select %eq3A_270, %select_n3A_271, %select_n3A_268 : i32
        %add3A_273 = arith.constant 1 : i32
        %add3A_274 = arith.addi %select_n3A_260, %add3A_273 : i32
        %select_n3A_275 = arith.select %eq3A_270, %add3A_274, %select_n3A_260 : i32
        %eq3A_276 = arith.constant 2 : i32
        %eq3A_277 = arith.cmpi eq, %select_n3A_275, %eq3A_276 : i32
        %select_n3A_278 = arith.constant 0 : i32
        %select_n3A_279 = arith.select %eq3A_277, %select_n3A_278, %select_n3A_275 : i32
        %add3A_280 = arith.constant 0 : i32
        %add3A_281 = arith.addi %select_n3A_279, %add3A_280 : i32
        %add3A_282 = arith.constant 0 : i32
        %add3A_283 = arith.addi %add3A_282, %mul3A_15 : i32
        %mul3A_284 = arith.constant 32 : i32
        %mul3A_285 = arith.muli %add3A_224, %mul3A_284 : i32
        %add3A_286 = arith.addi %mul3A_285, %add3A_226 : i32
        %mul3A_287 = arith.constant 32 : i32
        %mul3A_288 = arith.muli %add3A_262, %mul3A_287 : i32
        %add3A_289 = arith.addi %mul3A_288, %add3A_264 : i32
        %ne3A = arith.cmpi ne, %add3A_286, %add3A_289 : i32
        %or3A = arith.constant false
        %or3A_290 = arith.ori %or3A, %ne3A : i1
        %or3A_291 = arith.constant false
        %or3A_292 = arith.ori %or3A_290, %or3A_291 : i1
        %ge3A = arith.constant 1 : i32
        %ge3A_293 = arith.cmpi sge, %scan3A_212, %ge3A : i32
        %not3A = arith.constant true
        %not3A_294 = arith.xori %ge3A_293, %not3A : i1
        %and3A = arith.andi %or3A_292, %not3A_294 : i1
        %convert_element_type3A = arith.extui %and3A : i1 to i32
        %cond3A = arith.constant 0 : i32
        %cond3A_295 = arith.cmpi ne, %convert_element_type3A, %cond3A : i32
        scf.if %cond3A_295 {
          "tpu.trace_start"() <{level = 10 : i32, message = "ep_copy_in"}> : () -> ()
          %rem3A_478 = arith.constant 2 : i32
          %rem3A_479 = arith.remui %scan3A_213, %rem3A_478 : i32
          %mul3A_480 = arith.constant 32 : i32
          %mul3A_481 = arith.muli %add3A_262, %mul3A_480 : i32
          %add3A_482 = arith.addi %mul3A_481, %add3A_264 : i32
          %mul3A_483 = arith.constant 128 : i32
          %mul3A_484 = arith.muli %mul3A_483, %add3A_482 : i32
          %dma_start3A_485 = arith.constant 0 : i32
          %dma_start3A_486 = arith.constant 0 : i32
          %dma_start3A_487 = tpu.memref_slice %run_scoped3A[%rem3A_479, %dma_start3A_485, %dma_start3A_486] : memref<2x128x128xf32, #tpu.memory_space<vmem>> -> memref<1x128x128xf32, #tpu.memory_space<vmem>>
          %dma_start3A_488 = tpu.memref_squeeze %dma_start3A_487 : memref<1x128x128xf32, #tpu.memory_space<vmem>> -> memref<128x128xf32, #tpu.memory_space<vmem>>
          %dma_start3A_489 = arith.constant 0 : i32
          %dma_start3A_490 = tpu.memref_slice %arg3[%mul3A_484, %dma_start3A_489] : memref<8192x128xf32, #tpu.memory_space<hbm>> -> memref<128x128xf32, #tpu.memory_space<hbm>>
          %dma_start3A_491 = tpu.memref_slice %run_scoped3A_16[%rem3A_479] : memref<2x!tpu.dma_semaphore, #tpu.memory_space<semaphore_mem>> -> memref<1x!tpu.dma_semaphore, #tpu.memory_space<semaphore_mem>>
          %dma_start3A_492 = tpu.memref_squeeze %dma_start3A_491 : memref<1x!tpu.dma_semaphore, #tpu.memory_space<semaphore_mem>> -> memref<!tpu.dma_semaphore, #tpu.memory_space<semaphore_mem>>
          %dma_start3A_493 = arith.constant 0 : i32
          %dma_start3A_494 = arith.constant 0 : i32
          %dma_start3A_495 = tpu.memref_slice %run_scoped3A[%rem3A_479, %dma_start3A_493, %dma_start3A_494] : memref<2x128x128xf32, #tpu.memory_space<vmem>> -> memref<1x128x128xf32, #tpu.memory_space<vmem>>
          %dma_start3A_496 = tpu.memref_squeeze %dma_start3A_495 : memref<1x128x128xf32, #tpu.memory_space<vmem>> -> memref<128x128xf32, #tpu.memory_space<vmem>>
          %dma_start3A_497 = arith.constant 0 : i32
          %dma_start3A_498 = tpu.memref_slice %arg3[%mul3A_484, %dma_start3A_497] : memref<8192x128xf32, #tpu.memory_space<hbm>> -> memref<128x128xf32, #tpu.memory_space<hbm>>
          tpu.enqueue_dma source(%dma_start3A_498 : memref<128x128xf32, #tpu.memory_space<hbm>>) target(%dma_start3A_496 : memref<128x128xf32, #tpu.memory_space<vmem>>) target_semaphore(%dma_start3A_492 : memref<!tpu.dma_semaphore, #tpu.memory_space<semaphore_mem>>)
          "tpu.trace_stop"() : () -> ()
        } else {
        }
        %and3A_296 = arith.constant true
        %and3A_297 = arith.andi %and3A, %and3A_296 : i1
        %add3A_298 = arith.constant 1 : i32
        %add3A_299 = arith.addi %scan3A_213, %add3A_298 : i32
        %select_n3A_300 = arith.select %and3A_297, %add3A_299, %scan3A_213 : i32
        %mul3A_301 = arith.constant 32 : i32
        %mul3A_302 = arith.muli %add3A_224, %mul3A_301 : i32
        %add3A_303 = arith.addi %mul3A_302, %add3A_226 : i32
        %mul3A_304 = arith.constant 32 : i32
        %mul3A_305 = arith.muli %add3A_262, %mul3A_304 : i32
        %add3A_306 = arith.addi %mul3A_305, %add3A_264 : i32
        %ne3A_307 = arith.cmpi ne, %add3A_303, %add3A_306 : i32
        %or3A_308 = arith.constant false
        %or3A_309 = arith.ori %or3A_308, %ne3A_307 : i1
        %or3A_310 = arith.constant false
        %or3A_311 = arith.ori %or3A_309, %or3A_310 : i1
        %ge3A_312 = arith.constant 1 : i32
        %ge3A_313 = arith.cmpi sge, %scan3A_212, %ge3A_312 : i32
        %not3A_314 = arith.constant true
        %not3A_315 = arith.xori %ge3A_313, %not3A_314 : i1
        %and3A_316 = arith.andi %or3A_311, %not3A_315 : i1
        %convert_element_type3A_317 = arith.extui %and3A_316 : i1 to i32
        %cond3A_318 = arith.constant 0 : i32
        %cond3A_319 = arith.cmpi ne, %convert_element_type3A_317, %cond3A_318 : i32
        scf.if %cond3A_319 {
          "tpu.trace_start"() <{level = 10 : i32, message = "ep_copy_in"}> : () -> ()
          %rem3A_478 = arith.constant 2 : i32
          %rem3A_479 = arith.remui %scan3A_215, %rem3A_478 : i32
          %mul3A_480 = arith.constant 32 : i32
          %mul3A_481 = arith.muli %add3A_262, %mul3A_480 : i32
          %add3A_482 = arith.addi %mul3A_481, %add3A_264 : i32
          %mul3A_483 = arith.constant 1 : i32
          %mul3A_484 = arith.muli %mul3A_483, %add3A_482 : i32
          %dma_start3A_485 = arith.constant 0 : i32
          %dma_start3A_486 = arith.constant 0 : i32
          %dma_start3A_487 = tpu.memref_slice %run_scoped3A_17[%rem3A_479, %dma_start3A_485, %dma_start3A_486] : memref<2x1x128xi32, #tpu.memory_space<vmem>> -> memref<1x1x128xi32, #tpu.memory_space<vmem>>
          %dma_start3A_488 = tpu.memref_squeeze %dma_start3A_487 : memref<1x1x128xi32, #tpu.memory_space<vmem>> -> memref<1x128xi32, #tpu.memory_space<vmem>>
          %dma_start3A_489 = arith.constant 0 : i32
          %dma_start3A_490 = tpu.memref_slice %arg5[%mul3A_484, %dma_start3A_489] : memref<64x128xi32, #tpu.memory_space<hbm>> -> memref<1x128xi32, #tpu.memory_space<hbm>>
          %dma_start3A_491 = tpu.memref_slice %run_scoped3A_18[%rem3A_479] : memref<2x!tpu.dma_semaphore, #tpu.memory_space<semaphore_mem>> -> memref<1x!tpu.dma_semaphore, #tpu.memory_space<semaphore_mem>>
          %dma_start3A_492 = tpu.memref_squeeze %dma_start3A_491 : memref<1x!tpu.dma_semaphore, #tpu.memory_space<semaphore_mem>> -> memref<!tpu.dma_semaphore, #tpu.memory_space<semaphore_mem>>
          %dma_start3A_493 = arith.constant 0 : i32
          %dma_start3A_494 = arith.constant 0 : i32
          %dma_start3A_495 = tpu.memref_slice %run_scoped3A_17[%rem3A_479, %dma_start3A_493, %dma_start3A_494] : memref<2x1x128xi32, #tpu.memory_space<vmem>> -> memref<1x1x128xi32, #tpu.memory_space<vmem>>
          %dma_start3A_496 = tpu.memref_squeeze %dma_start3A_495 : memref<1x1x128xi32, #tpu.memory_space<vmem>> -> memref<1x128xi32, #tpu.memory_space<vmem>>
          %dma_start3A_497 = arith.constant 0 : i32
          %dma_start3A_498 = tpu.memref_slice %arg5[%mul3A_484, %dma_start3A_497] : memref<64x128xi32, #tpu.memory_space<hbm>> -> memref<1x128xi32, #tpu.memory_space<hbm>>
          tpu.enqueue_dma source(%dma_start3A_498 : memref<1x128xi32, #tpu.memory_space<hbm>>) target(%dma_start3A_496 : memref<1x128xi32, #tpu.memory_space<vmem>>) target_semaphore(%dma_start3A_492 : memref<!tpu.dma_semaphore, #tpu.memory_space<semaphore_mem>>)
          "tpu.trace_stop"() : () -> ()
        } else {
        }
        %and3A_320 = arith.constant true
        %and3A_321 = arith.andi %and3A_316, %and3A_320 : i1
        %add3A_322 = arith.constant 1 : i32
        %add3A_323 = arith.addi %scan3A_215, %add3A_322 : i32
        %select_n3A_324 = arith.select %and3A_321, %add3A_323, %scan3A_215 : i32
        %mul3A_325 = arith.constant 32 : i32
        %mul3A_326 = arith.muli %add3A_224, %mul3A_325 : i32
        %add3A_327 = arith.addi %mul3A_326, %add3A_226 : i32
        %mul3A_328 = arith.constant 32 : i32
        %mul3A_329 = arith.muli %add3A_243, %mul3A_328 : i32
        %add3A_330 = arith.addi %mul3A_329, %add3A_245 : i32
        %ne3A_331 = arith.cmpi ne, %add3A_327, %add3A_330 : i32
        %or3A_332 = arith.constant false
        %or3A_333 = arith.ori %or3A_332, %ne3A_331 : i1
        %or3A_334 = arith.constant false
        %or3A_335 = arith.ori %or3A_333, %or3A_334 : i1
        %or3A_336 = arith.ori %or3A_335, %eq3A_220 : i1
        %convert_element_type3A_337 = arith.extui %or3A_336 : i1 to i32
        %cond3A_338 = arith.constant 0 : i32
        %cond3A_339 = arith.cmpi ne, %convert_element_type3A_337, %cond3A_338 : i32
        scf.if %cond3A_339 {
          "tpu.trace_start"() <{level = 10 : i32, message = "ep_wait_in"}> : () -> ()
          %mul3A_478 = arith.constant 32 : i32
          %mul3A_479 = arith.muli %add3A_224, %mul3A_478 : i32
          %add3A_480 = arith.addi %mul3A_479, %add3A_226 : i32
          %mul3A_481 = arith.constant 128 : i32
          %mul3A_482 = arith.muli %mul3A_481, %add3A_480 : i32
          %rem3A_483 = arith.constant 2 : i32
          %rem3A_484 = arith.remui %scan3A_214, %rem3A_483 : i32
          %dma_wait3A = arith.constant 0 : i32
          %dma_wait3A_485 = arith.constant 0 : i32
          %dma_wait3A_486 = tpu.memref_slice %run_scoped3A[%rem3A_484, %dma_wait3A, %dma_wait3A_485] : memref<2x128x128xf32, #tpu.memory_space<vmem>> -> memref<1x128x128xf32, #tpu.memory_space<vmem>>
          %dma_wait3A_487 = tpu.memref_squeeze %dma_wait3A_486 : memref<1x128x128xf32, #tpu.memory_space<vmem>> -> memref<128x128xf32, #tpu.memory_space<vmem>>
          %dma_wait3A_488 = arith.constant 0 : i32
          %dma_wait3A_489 = tpu.memref_slice %arg3[%mul3A_482, %dma_wait3A_488] : memref<8192x128xf32, #tpu.memory_space<hbm>> -> memref<128x128xf32, #tpu.memory_space<hbm>>
          %dma_wait3A_490 = tpu.memref_slice %run_scoped3A_16[%rem3A_484] : memref<2x!tpu.dma_semaphore, #tpu.memory_space<semaphore_mem>> -> memref<1x!tpu.dma_semaphore, #tpu.memory_space<semaphore_mem>>
          %dma_wait3A_491 = tpu.memref_squeeze %dma_wait3A_490 : memref<1x!tpu.dma_semaphore, #tpu.memory_space<semaphore_mem>> -> memref<!tpu.dma_semaphore, #tpu.memory_space<semaphore_mem>>
          %dma_wait3A_492 = arith.constant 0 : i32
          %dma_wait3A_493 = arith.constant 0 : i32
          %dma_wait3A_494 = tpu.memref_slice %run_scoped3A[%rem3A_484, %dma_wait3A_492, %dma_wait3A_493] : memref<2x128x128xf32, #tpu.memory_space<vmem>> -> memref<1x128x128xf32, #tpu.memory_space<vmem>>
          %dma_wait3A_495 = tpu.memref_squeeze %dma_wait3A_494 : memref<1x128x128xf32, #tpu.memory_space<vmem>> -> memref<128x128xf32, #tpu.memory_space<vmem>>
          %dma_wait3A_496 = arith.constant 0 : i32
          %dma_wait3A_497 = tpu.memref_slice %arg3[%mul3A_482, %dma_wait3A_496] : memref<8192x128xf32, #tpu.memory_space<hbm>> -> memref<128x128xf32, #tpu.memory_space<hbm>>
          tpu.wait_dma2 semaphore(%dma_wait3A_491 : memref<!tpu.dma_semaphore, #tpu.memory_space<semaphore_mem>>) src(%dma_wait3A_497 : memref<128x128xf32, #tpu.memory_space<hbm>>) dst(%dma_wait3A_495 : memref<128x128xf32, #tpu.memory_space<vmem>>)
          "tpu.trace_stop"() : () -> ()
        } else {
        }
        %mul3A_340 = arith.constant 32 : i32
        %mul3A_341 = arith.muli %add3A_224, %mul3A_340 : i32
        %add3A_342 = arith.addi %mul3A_341, %add3A_226 : i32
        %mul3A_343 = arith.constant 32 : i32
        %mul3A_344 = arith.muli %add3A_243, %mul3A_343 : i32
        %add3A_345 = arith.addi %mul3A_344, %add3A_245 : i32
        %ne3A_346 = arith.cmpi ne, %add3A_342, %add3A_345 : i32
        %or3A_347 = arith.constant false
        %or3A_348 = arith.ori %or3A_347, %ne3A_346 : i1
        %or3A_349 = arith.constant false
        %or3A_350 = arith.ori %or3A_348, %or3A_349 : i1
        %or3A_351 = arith.ori %or3A_350, %eq3A_220 : i1
        %convert_element_type3A_352 = arith.extui %or3A_351 : i1 to i32
        %cond3A_353 = arith.constant 0 : i32
        %cond3A_354 = arith.cmpi ne, %convert_element_type3A_352, %cond3A_353 : i32
        scf.if %cond3A_354 {
          "tpu.trace_start"() <{level = 10 : i32, message = "ep_wait_in"}> : () -> ()
          %mul3A_478 = arith.constant 32 : i32
          %mul3A_479 = arith.muli %add3A_224, %mul3A_478 : i32
          %add3A_480 = arith.addi %mul3A_479, %add3A_226 : i32
          %mul3A_481 = arith.constant 1 : i32
          %mul3A_482 = arith.muli %mul3A_481, %add3A_480 : i32
          %rem3A_483 = arith.constant 2 : i32
          %rem3A_484 = arith.remui %scan3A_216, %rem3A_483 : i32
          %dma_wait3A = arith.constant 0 : i32
          %dma_wait3A_485 = arith.constant 0 : i32
          %dma_wait3A_486 = tpu.memref_slice %run_scoped3A_17[%rem3A_484, %dma_wait3A, %dma_wait3A_485] : memref<2x1x128xi32, #tpu.memory_space<vmem>> -> memref<1x1x128xi32, #tpu.memory_space<vmem>>
          %dma_wait3A_487 = tpu.memref_squeeze %dma_wait3A_486 : memref<1x1x128xi32, #tpu.memory_space<vmem>> -> memref<1x128xi32, #tpu.memory_space<vmem>>
          %dma_wait3A_488 = arith.constant 0 : i32
          %dma_wait3A_489 = tpu.memref_slice %arg5[%mul3A_482, %dma_wait3A_488] : memref<64x128xi32, #tpu.memory_space<hbm>> -> memref<1x128xi32, #tpu.memory_space<hbm>>
          %dma_wait3A_490 = tpu.memref_slice %run_scoped3A_18[%rem3A_484] : memref<2x!tpu.dma_semaphore, #tpu.memory_space<semaphore_mem>> -> memref<1x!tpu.dma_semaphore, #tpu.memory_space<semaphore_mem>>
          %dma_wait3A_491 = tpu.memref_squeeze %dma_wait3A_490 : memref<1x!tpu.dma_semaphore, #tpu.memory_space<semaphore_mem>> -> memref<!tpu.dma_semaphore, #tpu.memory_space<semaphore_mem>>
          %dma_wait3A_492 = arith.constant 0 : i32
          %dma_wait3A_493 = arith.constant 0 : i32
          %dma_wait3A_494 = tpu.memref_slice %run_scoped3A_17[%rem3A_484, %dma_wait3A_492, %dma_wait3A_493] : memref<2x1x128xi32, #tpu.memory_space<vmem>> -> memref<1x1x128xi32, #tpu.memory_space<vmem>>
          %dma_wait3A_495 = tpu.memref_squeeze %dma_wait3A_494 : memref<1x1x128xi32, #tpu.memory_space<vmem>> -> memref<1x128xi32, #tpu.memory_space<vmem>>
          %dma_wait3A_496 = arith.constant 0 : i32
          %dma_wait3A_497 = tpu.memref_slice %arg5[%mul3A_482, %dma_wait3A_496] : memref<64x128xi32, #tpu.memory_space<hbm>> -> memref<1x128xi32, #tpu.memory_space<hbm>>
          tpu.wait_dma2 semaphore(%dma_wait3A_491 : memref<!tpu.dma_semaphore, #tpu.memory_space<semaphore_mem>>) src(%dma_wait3A_497 : memref<1x128xi32, #tpu.memory_space<hbm>>) dst(%dma_wait3A_495 : memref<1x128xi32, #tpu.memory_space<vmem>>)
          "tpu.trace_stop"() : () -> ()
        } else {
        }
        %rem3A_355 = arith.constant 2 : i32
        %rem3A_356 = arith.remui %scan3A_214, %rem3A_355 : i32
        %rem3A_357 = arith.constant 2 : i32
        %rem3A_358 = arith.remui %scan3A_216, %rem3A_357 : i32
        %run_scoped3A_359 = arith.constant 0 : i32
        "tpu.trace_start"() <{level = 10 : i32, message = "ep_run_kernel"}> : () -> ()
        "tpu.region"() ({
          %run_scoped3A_478 = tpu.sem_alloc : memref<!tpu.dma_semaphore, #tpu.memory_space<semaphore_mem>>
          %dma_start3A_479 = arith.constant 0 : i32
          %dma_start3A_480 = arith.constant 0 : i32
          %dma_start3A_481 = tpu.memref_slice %run_scoped3A[%rem3A_356, %dma_start3A_479, %dma_start3A_480] : memref<2x128x128xf32, #tpu.memory_space<vmem>> -> memref<1x128x128xf32, #tpu.memory_space<vmem>>
          %dma_start3A_482 = tpu.memref_squeeze %dma_start3A_481 : memref<1x128x128xf32, #tpu.memory_space<vmem>> -> memref<128x128xf32, #tpu.memory_space<vmem>>
          %dma_start3A_483 = arith.constant 0 : i32
          %dma_start3A_484 = arith.constant 0 : i32
          %dma_start3A_485 = tpu.memref_slice %run_scoped3A_17[%rem3A_358, %dma_start3A_483, %dma_start3A_484] : memref<2x1x128xi32, #tpu.memory_space<vmem>> -> memref<1x1x128xi32, #tpu.memory_space<vmem>>
          %dma_start3A_486 = tpu.memref_squeeze %dma_start3A_485 : memref<1x1x128xi32, #tpu.memory_space<vmem>> -> memref<1x128xi32, #tpu.memory_space<vmem>>
          %dma_start3A_487 = arith.constant 0 : i32
          %dma_start3A_488 = tpu.memref_slice %dma_start3A_486[%run_scoped3A_359, %dma_start3A_487] : memref<1x128xi32, #tpu.memory_space<vmem>> -> memref<1x128xi32, #tpu.memory_space<vmem>>
          %dma_start3A_489 = tpu.memref_squeeze %dma_start3A_488 : memref<1x128xi32, #tpu.memory_space<vmem>> -> memref<128xi32, #tpu.memory_space<vmem>>
          %dma_start3A_490 = arith.constant 0 : i32
          %dma_start3A_491 = arith.constant 0 : i32
          %dma_start3A_492 = tpu.memref_slice %arg7[%dma_start3A_490, %dma_start3A_491] : memref<9216x128xf32, #tpu.memory_space<hbm>> -> memref<9216x128xf32, #tpu.memory_space<hbm>>
          tpu.enqueue_indirect_dma source(%dma_start3A_482 : memref<128x128xf32, #tpu.memory_space<vmem>>) target(%dma_start3A_492 : memref<9216x128xf32, #tpu.memory_space<hbm>>) offsets(%dma_start3A_489 : memref<128xi32, #tpu.memory_space<vmem>>) semaphore(%run_scoped3A_478 : memref<!tpu.dma_semaphore, #tpu.memory_space<semaphore_mem>>)
          %dma_wait3A = arith.constant 0 : i32
          %dma_wait3A_493 = arith.constant 0 : i32
          %dma_wait3A_494 = tpu.memref_slice %run_scoped3A[%rem3A_356, %dma_wait3A, %dma_wait3A_493] : memref<2x128x128xf32, #tpu.memory_space<vmem>> -> memref<1x128x128xf32, #tpu.memory_space<vmem>>
          %dma_wait3A_495 = tpu.memref_squeeze %dma_wait3A_494 : memref<1x128x128xf32, #tpu.memory_space<vmem>> -> memref<128x128xf32, #tpu.memory_space<vmem>>
          %dma_wait3A_496 = arith.constant 0 : i32
          %dma_wait3A_497 = arith.constant 0 : i32
          %dma_wait3A_498 = tpu.memref_slice %run_scoped3A_17[%rem3A_358, %dma_wait3A_496, %dma_wait3A_497] : memref<2x1x128xi32, #tpu.memory_space<vmem>> -> memref<1x1x128xi32, #tpu.memory_space<vmem>>
          %dma_wait3A_499 = tpu.memref_squeeze %dma_wait3A_498 : memref<1x1x128xi32, #tpu.memory_space<vmem>> -> memref<1x128xi32, #tpu.memory_space<vmem>>
          %dma_wait3A_500 = arith.constant 0 : i32
          %dma_wait3A_501 = tpu.memref_slice %dma_wait3A_499[%run_scoped3A_359, %dma_wait3A_500] : memref<1x128xi32, #tpu.memory_space<vmem>> -> memref<1x128xi32, #tpu.memory_space<vmem>>
          %dma_wait3A_502 = tpu.memref_squeeze %dma_wait3A_501 : memref<1x128xi32, #tpu.memory_space<vmem>> -> memref<128xi32, #tpu.memory_space<vmem>>
          %dma_wait3A_503 = arith.constant 0 : i32
          %dma_wait3A_504 = arith.constant 0 : i32
          %dma_wait3A_505 = tpu.memref_slice %arg7[%dma_wait3A_503, %dma_wait3A_504] : memref<9216x128xf32, #tpu.memory_space<hbm>> -> memref<9216x128xf32, #tpu.memory_space<hbm>>
          tpu.wait_indirect_dma semaphore(%run_scoped3A_478 : memref<!tpu.dma_semaphore, #tpu.memory_space<semaphore_mem>>) src(%dma_wait3A_495 : memref<128x128xf32, #tpu.memory_space<vmem>>) dst(%dma_wait3A_505 : memref<9216x128xf32, #tpu.memory_space<hbm>>)
          tpu.yield
        }) : () -> ()
        "tpu.trace_stop"() : () -> ()
        %mul3A_360 = arith.constant 32 : i32
        %mul3A_361 = arith.muli %add3A_224, %mul3A_360 : i32
        %add3A_362 = arith.addi %mul3A_361, %add3A_226 : i32
        %mul3A_363 = arith.constant 32 : i32
        %mul3A_364 = arith.muli %add3A_262, %mul3A_363 : i32
        %add3A_365 = arith.addi %mul3A_364, %add3A_264 : i32
        %ne3A_366 = arith.cmpi ne, %add3A_362, %add3A_365 : i32
        %or3A_367 = arith.constant false
        %or3A_368 = arith.ori %or3A_367, %ne3A_366 : i1
        %or3A_369 = arith.constant false
        %or3A_370 = arith.ori %or3A_368, %or3A_369 : i1
        %or3A_371 = arith.ori %or3A_370, %eq3A_222 : i1
        %convert_element_type3A_372 = arith.extui %or3A_371 : i1 to i32
        %cond3A_373 = arith.constant 0 : i32
        %cond3A_374 = arith.cmpi ne, %convert_element_type3A_372, %cond3A_373 : i32
        scf.if %cond3A_374 {
        } else {
        }
        %and3A_375 = arith.constant false
        %and3A_376 = arith.andi %or3A_371, %and3A_375 : i1
        %mul3A_377 = arith.constant 32 : i32
        %mul3A_378 = arith.muli %add3A_224, %mul3A_377 : i32
        %add3A_379 = arith.addi %mul3A_378, %add3A_226 : i32
        %mul3A_380 = arith.constant 32 : i32
        %mul3A_381 = arith.muli %add3A_262, %mul3A_380 : i32
        %add3A_382 = arith.addi %mul3A_381, %add3A_264 : i32
        %ne3A_383 = arith.cmpi ne, %add3A_379, %add3A_382 : i32
        %or3A_384 = arith.constant false
        %or3A_385 = arith.ori %or3A_384, %ne3A_383 : i1
        %or3A_386 = arith.constant false
        %or3A_387 = arith.ori %or3A_385, %or3A_386 : i1
        %or3A_388 = arith.ori %or3A_387, %eq3A_222 : i1
        %convert_element_type3A_389 = arith.extui %or3A_388 : i1 to i32
        %cond3A_390 = arith.constant 0 : i32
        %cond3A_391 = arith.cmpi ne, %convert_element_type3A_389, %cond3A_390 : i32
        scf.if %cond3A_391 {
        } else {
        }
        %and3A_392 = arith.constant false
        %and3A_393 = arith.andi %or3A_388, %and3A_392 : i1
        %mul3A_394 = arith.constant 32 : i32
        %mul3A_395 = arith.muli %add3A_224, %mul3A_394 : i32
        %add3A_396 = arith.addi %mul3A_395, %add3A_226 : i32
        %mul3A_397 = arith.constant 32 : i32
        %mul3A_398 = arith.muli %add3A_243, %mul3A_397 : i32
        %add3A_399 = arith.addi %mul3A_398, %add3A_245 : i32
        %ne3A_400 = arith.cmpi ne, %add3A_396, %add3A_399 : i32
        %or3A_401 = arith.constant false
        %or3A_402 = arith.ori %or3A_401, %ne3A_400 : i1
        %or3A_403 = arith.constant false
        %or3A_404 = arith.ori %or3A_402, %or3A_403 : i1
        %not3A_405 = arith.constant true
        %not3A_406 = arith.xori %eq3A_220, %not3A_405 : i1
        %and3A_407 = arith.andi %or3A_404, %not3A_406 : i1
        %convert_element_type3A_408 = arith.extui %and3A_407 : i1 to i32
        %cond3A_409 = arith.constant 0 : i32
        %cond3A_410 = arith.cmpi ne, %convert_element_type3A_408, %cond3A_409 : i32
        scf.if %cond3A_410 {
        } else {
        }
        %and3A_411 = arith.constant false
        %and3A_412 = arith.andi %and3A_407, %and3A_411 : i1
        %mul3A_413 = arith.constant 32 : i32
        %mul3A_414 = arith.muli %add3A_224, %mul3A_413 : i32
        %add3A_415 = arith.addi %mul3A_414, %add3A_226 : i32
        %mul3A_416 = arith.constant 32 : i32
        %mul3A_417 = arith.muli %add3A_243, %mul3A_416 : i32
        %add3A_418 = arith.addi %mul3A_417, %add3A_245 : i32
        %ne3A_419 = arith.cmpi ne, %add3A_415, %add3A_418 : i32
        %or3A_420 = arith.constant false
        %or3A_421 = arith.ori %or3A_420, %ne3A_419 : i1
        %or3A_422 = arith.constant false
        %or3A_423 = arith.ori %or3A_421, %or3A_422 : i1
        %not3A_424 = arith.constant true
        %not3A_425 = arith.xori %eq3A_220, %not3A_424 : i1
        %and3A_426 = arith.andi %or3A_423, %not3A_425 : i1
        %convert_element_type3A_427 = arith.extui %and3A_426 : i1 to i32
        %cond3A_428 = arith.constant 0 : i32
        %cond3A_429 = arith.cmpi ne, %convert_element_type3A_427, %cond3A_428 : i32
        scf.if %cond3A_429 {
        } else {
        }
        %and3A_430 = arith.constant false
        %and3A_431 = arith.andi %and3A_426, %and3A_430 : i1
        %mul3A_432 = arith.constant 32 : i32
        %mul3A_433 = arith.muli %add3A_224, %mul3A_432 : i32
        %add3A_434 = arith.addi %mul3A_433, %add3A_226 : i32
        %mul3A_435 = arith.constant 32 : i32
        %mul3A_436 = arith.muli %add3A_262, %mul3A_435 : i32
        %add3A_437 = arith.addi %mul3A_436, %add3A_264 : i32
        %ne3A_438 = arith.cmpi ne, %add3A_434, %add3A_437 : i32
        %or3A_439 = arith.constant false
        %or3A_440 = arith.ori %or3A_439, %ne3A_438 : i1
        %or3A_441 = arith.constant false
        %or3A_442 = arith.ori %or3A_440, %or3A_441 : i1
        %or3A_443 = arith.ori %or3A_442, %eq3A_222 : i1
        %add3A_444 = arith.constant 1 : i32
        %add3A_445 = arith.addi %scan3A_214, %add3A_444 : i32
        %select_n3A_446 = arith.select %or3A_443, %add3A_445, %scan3A_214 : i32
        %mul3A_447 = arith.constant 32 : i32
        %mul3A_448 = arith.muli %add3A_224, %mul3A_447 : i32
        %add3A_449 = arith.addi %mul3A_448, %add3A_226 : i32
        %mul3A_450 = arith.constant 32 : i32
        %mul3A_451 = arith.muli %add3A_262, %mul3A_450 : i32
        %add3A_452 = arith.addi %mul3A_451, %add3A_264 : i32
        %ne3A_453 = arith.cmpi ne, %add3A_449, %add3A_452 : i32
        %or3A_454 = arith.constant false
        %or3A_455 = arith.ori %or3A_454, %ne3A_453 : i1
        %or3A_456 = arith.constant false
        %or3A_457 = arith.ori %or3A_455, %or3A_456 : i1
        %or3A_458 = arith.ori %or3A_457, %eq3A_222 : i1
        %add3A_459 = arith.constant 1 : i32
        %add3A_460 = arith.addi %scan3A_216, %add3A_459 : i32
        %select_n3A_461 = arith.select %or3A_458, %add3A_460, %scan3A_216 : i32
        %select_n3A_462 = arith.constant true
        %select_n3A_463 = arith.constant 0 : i32
        %select_n3A_464 = arith.constant 1 : i32
        %select_n3A_465 = arith.select %select_n3A_462, %select_n3A_464, %select_n3A_463 : i32
        %eq3A_466 = arith.constant 1 : i32
        %eq3A_467 = arith.cmpi eq, %select_n3A_465, %eq3A_466 : i32
        %select_n3A_468 = arith.constant 0 : i32
        %select_n3A_469 = arith.select %eq3A_467, %select_n3A_468, %select_n3A_465 : i32
        %add3A_470 = arith.constant 1 : i32
        %add3A_471 = arith.addi %scan3A_217, %add3A_470 : i32
        %select_n3A_472 = arith.select %eq3A_467, %add3A_471, %scan3A_217 : i32
        %eq3A_473 = arith.constant 2 : i32
        %eq3A_474 = arith.cmpi eq, %select_n3A_472, %eq3A_473 : i32
        %select_n3A_475 = arith.constant 0 : i32
        %select_n3A_476 = arith.select %eq3A_474, %select_n3A_475, %select_n3A_472 : i32
        %scan3A_477 = arith.constant 0 : i32
        scf.yield %select_n3A_300, %select_n3A_446, %select_n3A_324, %select_n3A_461, %select_n3A_476, %scan3A_477 : i32, i32, i32, i32, i32, i32
      }
      %scan3A_136 = arith.constant 2 : i32
      %sub3A = arith.constant 1 : i32
      %sub3A_137 = arith.subi %scan3A_135#5, %sub3A : i32
      %select_n3A_138 = arith.constant true
      %select_n3A_139 = arith.select %select_n3A_138, %sub3A_137, %scan3A_135#5 : i32
      %eq3A_140 = arith.constant -1 : i32
      %eq3A_141 = arith.cmpi eq, %select_n3A_139, %eq3A_140 : i32
      %select_n3A_142 = arith.constant 0 : i32
      %select_n3A_143 = arith.select %eq3A_141, %select_n3A_142, %select_n3A_139 : i32
      %sub3A_144 = arith.constant 1 : i32
      %sub3A_145 = arith.subi %scan3A_135#4, %sub3A_144 : i32
      %select_n3A_146 = arith.select %eq3A_141, %sub3A_145, %scan3A_135#4 : i32
      %eq3A_147 = arith.constant -1 : i32
      %eq3A_148 = arith.cmpi eq, %select_n3A_146, %eq3A_147 : i32
      %select_n3A_149 = arith.constant 1 : i32
      %select_n3A_150 = arith.select %eq3A_148, %select_n3A_149, %select_n3A_146 : i32
      %add3A_151 = arith.constant 0 : i32
      %add3A_152 = arith.addi %select_n3A_150, %add3A_151 : i32
      %add3A_153 = arith.constant 0 : i32
      %add3A_154 = arith.addi %add3A_153, %mul3A_15 : i32
      %select_n3A_155 = arith.constant true
      %select_n3A_156 = arith.constant 0 : i32
      %select_n3A_157 = arith.constant -1 : i32
      %select_n3A_158 = arith.select %select_n3A_155, %select_n3A_157, %select_n3A_156 : i32
      %eq3A_159 = arith.constant -1 : i32
      %eq3A_160 = arith.cmpi eq, %select_n3A_158, %eq3A_159 : i32
      %select_n3A_161 = arith.constant 0 : i32
      %select_n3A_162 = arith.select %eq3A_160, %select_n3A_161, %select_n3A_158 : i32
      %sub3A_163 = arith.constant 1 : i32
      %sub3A_164 = arith.subi %select_n3A_150, %sub3A_163 : i32
      %select_n3A_165 = arith.select %eq3A_160, %sub3A_164, %select_n3A_150 : i32
      %eq3A_166 = arith.constant -1 : i32
      %eq3A_167 = arith.cmpi eq, %select_n3A_165, %eq3A_166 : i32
      %select_n3A_168 = arith.constant 1 : i32
      %select_n3A_169 = arith.select %eq3A_167, %select_n3A_168, %select_n3A_165 : i32
      %add3A_170 = arith.constant 0 : i32
      %add3A_171 = arith.addi %select_n3A_169, %add3A_170 : i32
      %add3A_172 = arith.constant 0 : i32
      %add3A_173 = arith.addi %add3A_172, %mul3A_15 : i32
      %select_n3A_174 = arith.constant true
      %select_n3A_175 = arith.constant 0 : i32
      %select_n3A_176 = arith.constant 1 : i32
      %select_n3A_177 = arith.select %select_n3A_174, %select_n3A_176, %select_n3A_175 : i32
      %eq3A_178 = arith.constant 1 : i32
      %eq3A_179 = arith.cmpi eq, %select_n3A_177, %eq3A_178 : i32
      %select_n3A_180 = arith.constant 0 : i32
      %select_n3A_181 = arith.select %eq3A_179, %select_n3A_180, %select_n3A_177 : i32
      %add3A_182 = arith.constant 1 : i32
      %add3A_183 = arith.addi %select_n3A_150, %add3A_182 : i32
      %select_n3A_184 = arith.select %eq3A_179, %add3A_183, %select_n3A_150 : i32
      %eq3A_185 = arith.constant 2 : i32
      %eq3A_186 = arith.cmpi eq, %select_n3A_184, %eq3A_185 : i32
      %select_n3A_187 = arith.constant 0 : i32
      %select_n3A_188 = arith.select %eq3A_186, %select_n3A_187, %select_n3A_184 : i32
      %add3A_189 = arith.constant 0 : i32
      %add3A_190 = arith.addi %select_n3A_188, %add3A_189 : i32
      %add3A_191 = arith.constant 0 : i32
      %add3A_192 = arith.addi %add3A_191, %mul3A_15 : i32
      %select_n3A_193 = arith.constant true
      %select_n3A_194 = arith.constant 0 : i32
      %select_n3A_195 = arith.constant 1 : i32
      %select_n3A_196 = arith.select %select_n3A_193, %select_n3A_195, %select_n3A_194 : i32
      %eq3A_197 = arith.constant 1 : i32
      %eq3A_198 = arith.cmpi eq, %select_n3A_196, %eq3A_197 : i32
      %select_n3A_199 = arith.constant 0 : i32
      %select_n3A_200 = arith.select %eq3A_198, %select_n3A_199, %select_n3A_196 : i32
      %add3A_201 = arith.constant 1 : i32
      %add3A_202 = arith.addi %select_n3A_188, %add3A_201 : i32
      %select_n3A_203 = arith.select %eq3A_198, %add3A_202, %select_n3A_188 : i32
      %eq3A_204 = arith.constant 2 : i32
      %eq3A_205 = arith.cmpi eq, %select_n3A_203, %eq3A_204 : i32
      %select_n3A_206 = arith.constant 0 : i32
      %select_n3A_207 = arith.select %eq3A_205, %select_n3A_206, %select_n3A_203 : i32
      %add3A_208 = arith.constant 0 : i32
      %add3A_209 = arith.addi %select_n3A_207, %add3A_208 : i32
      %add3A_210 = arith.constant 0 : i32
      %add3A_211 = arith.addi %add3A_210, %mul3A_15 : i32
      tpu.yield
    }) : () -> ()
    return
  }
}

module attributes {stable_mosaic.version = 14 : i64} {
  func.func @_proj_gate_body(%arg0: i32, %arg1: memref<256x768xf32, #tpu.memory_space<vmem>>, %arg2: memref<256x1024xf32, #tpu.memory_space<vmem>>, %arg3: memref<768x1024xf32, #tpu.memory_space<vmem>>, %arg4: memref<1x1024xf32, #tpu.memory_space<vmem>>, %arg5: memref<1024x1024xf32, #tpu.memory_space<vmem>>, %arg6: memref<1x1024xf32, #tpu.memory_space<vmem>>, %arg7: memref<2048x4xf32, #tpu.memory_space<vmem>>, %arg8: memref<1x4xf32, #tpu.memory_space<vmem>>, %arg9: memref<256x1xf32, #tpu.memory_space<vmem>>, %arg10: memref<4x256x256xf32, #tpu.memory_space<vmem>>, %arg11: memref<256x128xf32, #tpu.memory_space<vmem>>, %arg12: memref<1x2x128xi32, #tpu.memory_space<vmem>>) attributes {dimension_semantics = [#tpu.dimension_semantics<arbitrary>], iteration_bounds = array<i64: 32>, scalar_prefetch = 0 : i64, scratch_operands = 0 : i64, tpu.core_type = #tpu.core_type<tc>, window_params = [{transform_indices = @transform_0, window_bounds = array<i64: 256, 768>}, {transform_indices = @transform_1, window_bounds = array<i64: 256, 1024>}, {pipeline_mode = #tpu.pipeline_mode<synchronous>, transform_indices = @transform_2, window_bounds = array<i64: 768, 1024>}, {pipeline_mode = #tpu.pipeline_mode<synchronous>, transform_indices = @transform_3, window_bounds = array<i64: 1, 1024>}, {pipeline_mode = #tpu.pipeline_mode<synchronous>, transform_indices = @transform_4, window_bounds = array<i64: 1024, 1024>}, {pipeline_mode = #tpu.pipeline_mode<synchronous>, transform_indices = @transform_5, window_bounds = array<i64: 1, 1024>}, {pipeline_mode = #tpu.pipeline_mode<synchronous>, transform_indices = @transform_6, window_bounds = array<i64: 2048, 4>}, {pipeline_mode = #tpu.pipeline_mode<synchronous>, transform_indices = @transform_7, window_bounds = array<i64: 1, 4>}, {transform_indices = @transform_8, window_bounds = array<i64: 256, 1>}, {transform_indices = @transform_9, window_bounds = array<i64: 4, 256, 256>}, {transform_indices = @transform_10, window_bounds = array<i64: 256, 128>}, {transform_indices = @transform_11, window_bounds = array<i64: 1, 2, 128>}]} {
    %get3A = arith.constant 0 : index
    %get3A_0 = arith.constant 0 : index
    %get3A_1 = vector.load %arg1[%get3A, %get3A_0] : memref<256x768xf32, #tpu.memory_space<vmem>>, vector<256x768xf32>
    %get3A_2 = arith.constant 0 : index
    %get3A_3 = arith.constant 0 : index
    %get3A_4 = vector.load %arg3[%get3A_2, %get3A_3] : memref<768x1024xf32, #tpu.memory_space<vmem>>, vector<768x1024xf32>
    %dot_general3A = arith.constant dense<0.000000e+00> : vector<256x1024xf32>
    %dot_general3A_5 = tpu.matmul %get3A_1, %get3A_4, %dot_general3A {dimension_numbers = #tpu.dot_dimension_numbers<[1], [0], [0], [1], [0, 0, 1, 1], [], []>, transpose_lhs_hint = false} : vector<256x768xf32>, vector<768x1024xf32>, vector<256x1024xf32> -> vector<256x1024xf32>
    %get3A_6 = arith.constant 0 : index
    %get3A_7 = arith.constant 0 : index
    %get3A_8 = vector.load %arg4[%get3A_6, %get3A_7] : memref<1x1024xf32, #tpu.memory_space<vmem>>, vector<1x1024xf32>
    %add3A = vector.broadcast %get3A_8 : vector<1x1024xf32> to vector<256x1024xf32>
    %add3A_9 = arith.addf %dot_general3A_5, %add3A : vector<256x1024xf32>
    %get3A_10 = arith.constant 0 : index
    %get3A_11 = arith.constant 0 : index
    %get3A_12 = vector.load %arg2[%get3A_10, %get3A_11] : memref<256x1024xf32, #tpu.memory_space<vmem>>, vector<256x1024xf32>
    %get3A_13 = arith.constant 0 : index
    %get3A_14 = arith.constant 0 : index
    %get3A_15 = vector.load %arg5[%get3A_13, %get3A_14] : memref<1024x1024xf32, #tpu.memory_space<vmem>>, vector<1024x1024xf32>
    %dot_general3A_16 = arith.constant dense<0.000000e+00> : vector<256x1024xf32>
    %dot_general3A_17 = tpu.matmul %get3A_12, %get3A_15, %dot_general3A_16 {dimension_numbers = #tpu.dot_dimension_numbers<[1], [0], [0], [1], [0, 0, 1, 1], [], []>, transpose_lhs_hint = false} : vector<256x1024xf32>, vector<1024x1024xf32>, vector<256x1024xf32> -> vector<256x1024xf32>
    %get3A_18 = arith.constant 0 : index
    %get3A_19 = arith.constant 0 : index
    %get3A_20 = vector.load %arg6[%get3A_18, %get3A_19] : memref<1x1024xf32, #tpu.memory_space<vmem>>, vector<1x1024xf32>
    %add3A_21 = vector.broadcast %get3A_20 : vector<1x1024xf32> to vector<256x1024xf32>
    %add3A_22 = arith.addf %dot_general3A_17, %add3A_21 : vector<256x1024xf32>
    %concatenate3A = tpu.concatenate %add3A_9, %add3A_22 in 1 : vector<256x1024xf32>, vector<256x1024xf32> -> vector<256x2048xf32>
    %get3A_23 = arith.constant 0 : index
    %get3A_24 = arith.constant 0 : index
    %get3A_25 = vector.load %arg7[%get3A_23, %get3A_24] : memref<2048x4xf32, #tpu.memory_space<vmem>>, vector<2048x4xf32>
    %dot_general3A_26 = arith.constant dense<0.000000e+00> : vector<256x4xf32>
    %dot_general3A_27 = tpu.matmul %concatenate3A, %get3A_25, %dot_general3A_26 {dimension_numbers = #tpu.dot_dimension_numbers<[1], [0], [0], [1], [0, 0, 1, 1], [], []>, transpose_lhs_hint = false} : vector<256x2048xf32>, vector<2048x4xf32>, vector<256x4xf32> -> vector<256x4xf32>
    %get3A_28 = arith.constant 0 : index
    %get3A_29 = arith.constant 0 : index
    %get3A_30 = vector.load %arg8[%get3A_28, %get3A_29] : memref<1x4xf32, #tpu.memory_space<vmem>>, vector<1x4xf32>
    %add3A_31 = vector.broadcast %get3A_30 : vector<1x4xf32> to vector<256x4xf32>
    %add3A_32 = arith.addf %dot_general3A_27, %add3A_31 : vector<256x4xf32>
    %slice3A = vector.extract_strided_slice %add3A_32 {offsets = [0, 0], sizes = [256, 1], strides = [1, 1]} : vector<256x4xf32> to vector<256x1xf32>
    %div3A = arith.constant 1.200000e+00 : f32
    %div3A_33 = vector.broadcast %div3A : f32 to vector<256x1xf32>
    %div3A_34 = arith.divf %slice3A, %div3A_33 : vector<256x1xf32>
    %slice3A_35 = vector.extract_strided_slice %add3A_32 {offsets = [0, 1], sizes = [256, 1], strides = [1, 1]} : vector<256x4xf32> to vector<256x1xf32>
    %div3A_36 = arith.constant 1.200000e+00 : f32
    %div3A_37 = vector.broadcast %div3A_36 : f32 to vector<256x1xf32>
    %div3A_38 = arith.divf %slice3A_35, %div3A_37 : vector<256x1xf32>
    %slice3A_39 = vector.extract_strided_slice %add3A_32 {offsets = [0, 2], sizes = [256, 1], strides = [1, 1]} : vector<256x4xf32> to vector<256x1xf32>
    %div3A_40 = arith.constant 1.200000e+00 : f32
    %div3A_41 = vector.broadcast %div3A_40 : f32 to vector<256x1xf32>
    %div3A_42 = arith.divf %slice3A_39, %div3A_41 : vector<256x1xf32>
    %slice3A_43 = vector.extract_strided_slice %add3A_32 {offsets = [0, 3], sizes = [256, 1], strides = [1, 1]} : vector<256x4xf32> to vector<256x1xf32>
    %div3A_44 = arith.constant 1.200000e+00 : f32
    %div3A_45 = vector.broadcast %div3A_44 : f32 to vector<256x1xf32>
    %div3A_46 = arith.divf %slice3A_43, %div3A_45 : vector<256x1xf32>
    %max3A = arith.maximumf %div3A_34, %div3A_38 : vector<256x1xf32>
    %max3A_47 = arith.maximumf %max3A, %div3A_42 : vector<256x1xf32>
    %max3A_48 = arith.maximumf %max3A_47, %div3A_46 : vector<256x1xf32>
    %sub3A = arith.subf %div3A_34, %max3A_48 : vector<256x1xf32>
    %exp3A = math.exp %sub3A : vector<256x1xf32>
    %sub3A_49 = arith.subf %div3A_38, %max3A_48 : vector<256x1xf32>
    %exp3A_50 = math.exp %sub3A_49 : vector<256x1xf32>
    %sub3A_51 = arith.subf %div3A_42, %max3A_48 : vector<256x1xf32>
    %exp3A_52 = math.exp %sub3A_51 : vector<256x1xf32>
    %sub3A_53 = arith.subf %div3A_46, %max3A_48 : vector<256x1xf32>
    %exp3A_54 = math.exp %sub3A_53 : vector<256x1xf32>
    %add3A_55 = arith.addf %exp3A, %exp3A_50 : vector<256x1xf32>
    %add3A_56 = arith.addf %add3A_55, %exp3A_52 : vector<256x1xf32>
    %add3A_57 = arith.addf %add3A_56, %exp3A_54 : vector<256x1xf32>
    %div3A_58 = arith.divf %exp3A, %add3A_57 : vector<256x1xf32>
    %div3A_59 = arith.divf %exp3A_50, %add3A_57 : vector<256x1xf32>
    %div3A_60 = arith.divf %exp3A_52, %add3A_57 : vector<256x1xf32>
    %div3A_61 = arith.divf %exp3A_54, %add3A_57 : vector<256x1xf32>
    %broadcast_in_dim3A = arith.constant 0 : i32
    %broadcast_in_dim3A_62 = vector.broadcast %broadcast_in_dim3A : i32 to vector<256x1xi32>
    %gt3A = arith.cmpf ogt, %div3A_59, %div3A_58 : vector<256x1xf32>
    %select_n3A = arith.select %gt3A, %div3A_59, %div3A_58 : vector<256x1xi1>, vector<256x1xf32>
    %jit3A = arith.constant 1 : i32
    %broadcast_in_dim3A_63 = vector.broadcast %jit3A : i32 to vector<256x1xi32>
    %select_n3A_64 = arith.select %gt3A, %broadcast_in_dim3A_63, %broadcast_in_dim3A_62 : vector<256x1xi1>, vector<256x1xi32>
    %gt3A_65 = arith.cmpf ogt, %div3A_60, %select_n3A : vector<256x1xf32>
    %select_n3A_66 = arith.select %gt3A_65, %div3A_60, %select_n3A : vector<256x1xi1>, vector<256x1xf32>
    %jit3A_67 = arith.constant 2 : i32
    %broadcast_in_dim3A_68 = vector.broadcast %jit3A_67 : i32 to vector<256x1xi32>
    %select_n3A_69 = arith.select %gt3A_65, %broadcast_in_dim3A_68, %select_n3A_64 : vector<256x1xi1>, vector<256x1xi32>
    %gt3A_70 = arith.cmpf ogt, %div3A_61, %select_n3A_66 : vector<256x1xf32>
    %select_n3A_71 = arith.select %gt3A_70, %div3A_61, %select_n3A_66 : vector<256x1xi1>, vector<256x1xf32>
    %jit3A_72 = arith.constant 3 : i32
    %broadcast_in_dim3A_73 = vector.broadcast %jit3A_72 : i32 to vector<256x1xi32>
    %select_n3A_74 = arith.select %gt3A_70, %broadcast_in_dim3A_73, %select_n3A_69 : vector<256x1xi1>, vector<256x1xi32>
    %add3A_75 = arith.addf %add3A_9, %add3A_22 : vector<256x1024xf32>
    %mul3A = arith.constant 5.000000e-01 : f32
    %mul3A_76 = vector.broadcast %mul3A : f32 to vector<256x1024xf32>
    %mul3A_77 = arith.mulf %mul3A_76, %add3A_75 : vector<256x1024xf32>
    %eq3A = arith.constant 0 : i32
    %eq3A_78 = vector.broadcast %eq3A : i32 to vector<256x1xi32>
    %eq3A_79 = arith.cmpi eq, %select_n3A_74, %eq3A_78 : vector<256x1xi32>
    %eq3A_80 = arith.constant 1 : i32
    %eq3A_81 = vector.broadcast %eq3A_80 : i32 to vector<256x1xi32>
    %eq3A_82 = arith.cmpi eq, %select_n3A_74, %eq3A_81 : vector<256x1xi32>
    %broadcast_in_dim3A_83 = vector.shape_cast %eq3A_82 : vector<256x1xi1> to vector<256x1xi1>
    %broadcast_in_dim3A_84 = vector.broadcast %broadcast_in_dim3A_83 : vector<256x1xi1> to vector<256x1024xi1>
    %select_n3A_85 = arith.select %broadcast_in_dim3A_84, %add3A_22, %mul3A_77 : vector<256x1024xi1>, vector<256x1024xf32>
    %broadcast_in_dim3A_86 = vector.shape_cast %eq3A_79 : vector<256x1xi1> to vector<256x1xi1>
    %broadcast_in_dim3A_87 = vector.broadcast %broadcast_in_dim3A_86 : vector<256x1xi1> to vector<256x1024xi1>
    %select_n3A_88 = arith.select %broadcast_in_dim3A_87, %add3A_9, %select_n3A_85 : vector<256x1024xi1>, vector<256x1024xf32>
    %slice3A_89 = vector.extract_strided_slice %select_n3A_88 {offsets = [0, 0], sizes = [256, 256], strides = [1, 1]} : vector<256x1024xf32> to vector<256x256xf32>
    %swap3A = arith.constant 0 : index
    %swap3A_90 = arith.constant 0 : index
    %swap3A_91 = arith.constant 0 : index
    %swap3A_92 = vector.load %arg10[%swap3A, %swap3A_90, %swap3A_91] : memref<4x256x256xf32, #tpu.memory_space<vmem>>, vector<1x256x256xf32>
    %swap3A_93 = vector.shape_cast %swap3A_92 : vector<1x256x256xf32> to vector<256x256xf32>
    %swap3A_94 = vector.shape_cast %slice3A_89 : vector<256x256xf32> to vector<1x256x256xf32>
    tpu.vector_store %arg10[%swap3A, %swap3A_90, %swap3A_91], %swap3A_94 {strides = array<i32>} : memref<4x256x256xf32, #tpu.memory_space<vmem>>, vector<1x256x256xf32>,
    %slice3A_95 = vector.extract_strided_slice %select_n3A_88 {offsets = [0, 256], sizes = [256, 256], strides = [1, 1]} : vector<256x1024xf32> to vector<256x256xf32>
    %swap3A_96 = arith.constant 1 : index
    %swap3A_97 = arith.constant 0 : index
    %swap3A_98 = arith.constant 0 : index
    %swap3A_99 = vector.load %arg10[%swap3A_96, %swap3A_97, %swap3A_98] : memref<4x256x256xf32, #tpu.memory_space<vmem>>, vector<1x256x256xf32>
    %swap3A_100 = vector.shape_cast %swap3A_99 : vector<1x256x256xf32> to vector<256x256xf32>
    %swap3A_101 = vector.shape_cast %slice3A_95 : vector<256x256xf32> to vector<1x256x256xf32>
    tpu.vector_store %arg10[%swap3A_96, %swap3A_97, %swap3A_98], %swap3A_101 {strides = array<i32>} : memref<4x256x256xf32, #tpu.memory_space<vmem>>, vector<1x256x256xf32>,
    %slice3A_102 = vector.extract_strided_slice %select_n3A_88 {offsets = [0, 512], sizes = [256, 256], strides = [1, 1]} : vector<256x1024xf32> to vector<256x256xf32>
    %swap3A_103 = arith.constant 2 : index
    %swap3A_104 = arith.constant 0 : index
    %swap3A_105 = arith.constant 0 : index
    %swap3A_106 = vector.load %arg10[%swap3A_103, %swap3A_104, %swap3A_105] : memref<4x256x256xf32, #tpu.memory_space<vmem>>, vector<1x256x256xf32>
    %swap3A_107 = vector.shape_cast %swap3A_106 : vector<1x256x256xf32> to vector<256x256xf32>
    %swap3A_108 = vector.shape_cast %slice3A_102 : vector<256x256xf32> to vector<1x256x256xf32>
    tpu.vector_store %arg10[%swap3A_103, %swap3A_104, %swap3A_105], %swap3A_108 {strides = array<i32>} : memref<4x256x256xf32, #tpu.memory_space<vmem>>, vector<1x256x256xf32>,
    %slice3A_109 = vector.extract_strided_slice %select_n3A_88 {offsets = [0, 768], sizes = [256, 256], strides = [1, 1]} : vector<256x1024xf32> to vector<256x256xf32>
    %swap3A_110 = arith.constant 3 : index
    %swap3A_111 = arith.constant 0 : index
    %swap3A_112 = arith.constant 0 : index
    %swap3A_113 = vector.load %arg10[%swap3A_110, %swap3A_111, %swap3A_112] : memref<4x256x256xf32, #tpu.memory_space<vmem>>, vector<1x256x256xf32>
    %swap3A_114 = vector.shape_cast %swap3A_113 : vector<1x256x256xf32> to vector<256x256xf32>
    %swap3A_115 = vector.shape_cast %slice3A_109 : vector<256x256xf32> to vector<1x256x256xf32>
    tpu.vector_store %arg10[%swap3A_110, %swap3A_111, %swap3A_112], %swap3A_115 {strides = array<i32>} : memref<4x256x256xf32, #tpu.memory_space<vmem>>, vector<1x256x256xf32>,
    %get3A_116 = arith.constant 0 : index
    %get3A_117 = arith.constant 0 : index
    %get3A_118 = vector.load %arg9[%get3A_116, %get3A_117] : memref<256x1xf32, #tpu.memory_space<vmem>>, vector<256x1xf32>
    %mul3A_119 = arith.mulf %select_n3A_71, %get3A_118 : vector<256x1xf32>
    %broadcast_in_dim3A_120 = vector.shape_cast %mul3A_119 : vector<256x1xf32> to vector<256x1xf32>
    %broadcast_in_dim3A_121 = vector.broadcast %broadcast_in_dim3A_120 : vector<256x1xf32> to vector<256x128xf32>
    %swap3A_122 = arith.constant 0 : index
    %swap3A_123 = arith.constant 0 : index
    %swap3A_124 = vector.load %arg11[%swap3A_122, %swap3A_123] : memref<256x128xf32, #tpu.memory_space<vmem>>, vector<256x128xf32>
    tpu.vector_store %arg11[%swap3A_122, %swap3A_123], %broadcast_in_dim3A_121 {strides = array<i32>} : memref<256x128xf32, #tpu.memory_space<vmem>>, vector<256x128xf32>,
    %reshape3A = vector.shape_cast %select_n3A_74 : vector<256x1xi32> to vector<2x128xi32>
    %swap3A_125 = arith.constant 0 : index
    %swap3A_126 = arith.constant 0 : index
    %swap3A_127 = arith.constant 0 : index
    %swap3A_128 = vector.load %arg12[%swap3A_125, %swap3A_126, %swap3A_127] : memref<1x2x128xi32, #tpu.memory_space<vmem>>, vector<1x2x128xi32>
    %swap3A_129 = vector.shape_cast %swap3A_128 : vector<1x2x128xi32> to vector<2x128xi32>
    %swap3A_130 = vector.shape_cast %reshape3A : vector<2x128xi32> to vector<1x2x128xi32>
    tpu.vector_store %arg12[%swap3A_125, %swap3A_126, %swap3A_127], %swap3A_130 {strides = array<i32>} : memref<1x2x128xi32, #tpu.memory_space<vmem>>, vector<1x2x128xi32>,
    return
  }
  func.func @transform_0(%arg0: i32) -> (i32, i32) {
    %c0_i32 = arith.constant 0 : i32
    %c0_i32_0 = arith.constant 0 : i32
    return %arg0, %c0_i32 : i32, i32
  }
  func.func @transform_1(%arg0: i32) -> (i32, i32) {
    %c0_i32 = arith.constant 0 : i32
    %c0_i32_0 = arith.constant 0 : i32
    return %arg0, %c0_i32 : i32, i32
  }
  func.func @transform_2(%arg0: i32) -> (i32, i32) {
    %c0_i32 = arith.constant 0 : i32
    %c0_i32_0 = arith.constant 0 : i32
    %c0_i32_1 = arith.constant 0 : i32
    return %c0_i32, %c0_i32_0 : i32, i32
  }
  func.func @transform_3(%arg0: i32) -> (i32, i32) {
    %c0_i32 = arith.constant 0 : i32
    %c0_i32_0 = arith.constant 0 : i32
    %c0_i32_1 = arith.constant 0 : i32
    return %c0_i32, %c0_i32_0 : i32, i32
  }
  func.func @transform_4(%arg0: i32) -> (i32, i32) {
    %c0_i32 = arith.constant 0 : i32
    %c0_i32_0 = arith.constant 0 : i32
    %c0_i32_1 = arith.constant 0 : i32
    return %c0_i32, %c0_i32_0 : i32, i32
  }
  func.func @transform_5(%arg0: i32) -> (i32, i32) {
    %c0_i32 = arith.constant 0 : i32
    %c0_i32_0 = arith.constant 0 : i32
    %c0_i32_1 = arith.constant 0 : i32
    return %c0_i32, %c0_i32_0 : i32, i32
  }
  func.func @transform_6(%arg0: i32) -> (i32, i32) {
    %c0_i32 = arith.constant 0 : i32
    %c0_i32_0 = arith.constant 0 : i32
    %c0_i32_1 = arith.constant 0 : i32
    return %c0_i32, %c0_i32_0 : i32, i32
  }
  func.func @transform_7(%arg0: i32) -> (i32, i32) {
    %c0_i32 = arith.constant 0 : i32
    %c0_i32_0 = arith.constant 0 : i32
    %c0_i32_1 = arith.constant 0 : i32
    return %c0_i32, %c0_i32_0 : i32, i32
  }
  func.func @transform_8(%arg0: i32) -> (i32, i32) {
    %c0_i32 = arith.constant 0 : i32
    %c0_i32_0 = arith.constant 0 : i32
    return %arg0, %c0_i32 : i32, i32
  }
  func.func @transform_9(%arg0: i32) -> (i32, i32, i32) {
    %c0_i32 = arith.constant 0 : i32
    %c0_i32_0 = arith.constant 0 : i32
    %c0_i32_1 = arith.constant 0 : i32
    return %c0_i32, %arg0, %c0_i32_0 : i32, i32, i32
  }
  func.func @transform_10(%arg0: i32) -> (i32, i32) {
    %c0_i32 = arith.constant 0 : i32
    %c0_i32_0 = arith.constant 0 : i32
    return %arg0, %c0_i32 : i32, i32
  }
  func.func @transform_11(%arg0: i32) -> (i32, i32, i32) {
    %c0_i32 = arith.constant 0 : i32
    %c0_i32_0 = arith.constant 0 : i32
    %c0_i32_1 = arith.constant 0 : i32
    return %arg0, %c0_i32, %c0_i32_0 : i32, i32, i32
  }
}

module attributes {stable_mosaic.version = 14 : i64} {
  func.func @_ffn_body(%arg0: i32, %arg1: memref<36xi32, #tpu.memory_space<smem>>, %arg2: memref<4x256x256xf32, #tpu.memory_space<vmem>>, %arg3: memref<1x1024x1024xf32, #tpu.memory_space<vmem>>, %arg4: memref<1x1x1024xf32, #tpu.memory_space<vmem>>, %arg5: memref<1x1024x1024xf32, #tpu.memory_space<vmem>>, %arg6: memref<1x1x1024xf32, #tpu.memory_space<vmem>>, %arg7: memref<256x128xf32, #tpu.memory_space<vmem>>, %arg8: memref<4x256x256xf32, #tpu.memory_space<vmem>>) attributes {dimension_semantics = [#tpu.dimension_semantics<arbitrary>], iteration_bounds = array<i64: 36>, scalar_prefetch = 1 : i64, scratch_operands = 0 : i64, tpu.core_type = #tpu.core_type<tc>, window_params = [{transform_indices = @transform_0, window_bounds = array<i64: 4, 256, 256>}, {transform_indices = @transform_1, window_bounds = array<i64: 1, 1024, 1024>}, {transform_indices = @transform_2, window_bounds = array<i64: 1, 1, 1024>}, {transform_indices = @transform_3, window_bounds = array<i64: 1, 1024, 1024>}, {transform_indices = @transform_4, window_bounds = array<i64: 1, 1, 1024>}, {transform_indices = @transform_5, window_bounds = array<i64: 256, 128>}, {transform_indices = @transform_6, window_bounds = array<i64: 4, 256, 256>}]} {
    %get3A = arith.constant 0 : index
    %get3A_0 = arith.constant 0 : index
    %get3A_1 = arith.constant 0 : index
    %get3A_2 = vector.load %arg2[%get3A, %get3A_0, %get3A_1] : memref<4x256x256xf32, #tpu.memory_space<vmem>>, vector<1x256x256xf32>
    %get3A_3 = vector.shape_cast %get3A_2 : vector<1x256x256xf32> to vector<256x256xf32>
    %get3A_4 = arith.constant 1 : index
    %get3A_5 = arith.constant 0 : index
    %get3A_6 = arith.constant 0 : index
    %get3A_7 = vector.load %arg2[%get3A_4, %get3A_5, %get3A_6] : memref<4x256x256xf32, #tpu.memory_space<vmem>>, vector<1x256x256xf32>
    %get3A_8 = vector.shape_cast %get3A_7 : vector<1x256x256xf32> to vector<256x256xf32>
    %get3A_9 = arith.constant 2 : index
    %get3A_10 = arith.constant 0 : index
    %get3A_11 = arith.constant 0 : index
    %get3A_12 = vector.load %arg2[%get3A_9, %get3A_10, %get3A_11] : memref<4x256x256xf32, #tpu.memory_space<vmem>>, vector<1x256x256xf32>
    %get3A_13 = vector.shape_cast %get3A_12 : vector<1x256x256xf32> to vector<256x256xf32>
    %get3A_14 = arith.constant 3 : index
    %get3A_15 = arith.constant 0 : index
    %get3A_16 = arith.constant 0 : index
    %get3A_17 = vector.load %arg2[%get3A_14, %get3A_15, %get3A_16] : memref<4x256x256xf32, #tpu.memory_space<vmem>>, vector<1x256x256xf32>
    %get3A_18 = vector.shape_cast %get3A_17 : vector<1x256x256xf32> to vector<256x256xf32>
    %concatenate3A = tpu.concatenate %get3A_3, %get3A_8, %get3A_13, %get3A_18 in 1 : vector<256x256xf32>, vector<256x256xf32>, vector<256x256xf32>, vector<256x256xf32> -> vector<256x1024xf32>
    %get3A_19 = arith.constant 0 : index
    %get3A_20 = arith.constant 0 : index
    %get3A_21 = arith.constant 0 : index
    %get3A_22 = vector.load %arg3[%get3A_19, %get3A_20, %get3A_21] : memref<1x1024x1024xf32, #tpu.memory_space<vmem>>, vector<1x1024x1024xf32>
    %get3A_23 = vector.shape_cast %get3A_22 : vector<1x1024x1024xf32> to vector<1024x1024xf32>
    %dot_general3A = arith.constant dense<0.000000e+00> : vector<256x1024xf32>
    %dot_general3A_24 = tpu.matmul %concatenate3A, %get3A_23, %dot_general3A {dimension_numbers = #tpu.dot_dimension_numbers<[1], [0], [0], [1], [0, 0, 1, 1], [], []>, transpose_lhs_hint = false} : vector<256x1024xf32>, vector<1024x1024xf32>, vector<256x1024xf32> -> vector<256x1024xf32>
    %get3A_25 = arith.constant 0 : index
    %get3A_26 = arith.constant 0 : index
    %get3A_27 = arith.constant 0 : index
    %get3A_28 = vector.load %arg4[%get3A_25, %get3A_26, %get3A_27] : memref<1x1x1024xf32, #tpu.memory_space<vmem>>, vector<1x1x1024xf32>
    %get3A_29 = vector.shape_cast %get3A_28 : vector<1x1x1024xf32> to vector<1x1024xf32>
    %add3A = vector.broadcast %get3A_29 : vector<1x1024xf32> to vector<256x1024xf32>
    %add3A_30 = arith.addf %dot_general3A_24, %add3A : vector<256x1024xf32>
    %integer_pow3A = arith.mulf %add3A_30, %add3A_30 : vector<256x1024xf32>
    %integer_pow3A_31 = arith.mulf %add3A_30, %integer_pow3A : vector<256x1024xf32>
    %mul3A = arith.constant 4.471500e-02 : f32
    %mul3A_32 = vector.broadcast %mul3A : f32 to vector<256x1024xf32>
    %mul3A_33 = arith.mulf %mul3A_32, %integer_pow3A_31 : vector<256x1024xf32>
    %add3A_34 = arith.addf %add3A_30, %mul3A_33 : vector<256x1024xf32>
    %mul3A_35 = arith.constant 0.797884583 : f32
    %mul3A_36 = vector.broadcast %mul3A_35 : f32 to vector<256x1024xf32>
    %mul3A_37 = arith.mulf %mul3A_36, %add3A_34 : vector<256x1024xf32>
    %tanh3A = math.tanh %mul3A_37 : vector<256x1024xf32>
    %add3A_38 = arith.constant 1.000000e+00 : f32
    %add3A_39 = vector.broadcast %add3A_38 : f32 to vector<256x1024xf32>
    %add3A_40 = arith.addf %add3A_39, %tanh3A : vector<256x1024xf32>
    %mul3A_41 = arith.constant 5.000000e-01 : f32
    %mul3A_42 = vector.broadcast %mul3A_41 : f32 to vector<256x1024xf32>
    %mul3A_43 = arith.mulf %mul3A_42, %add3A_40 : vector<256x1024xf32>
    %mul3A_44 = arith.mulf %add3A_30, %mul3A_43 : vector<256x1024xf32>
    %get3A_45 = arith.constant 0 : index
    %get3A_46 = arith.constant 0 : index
    %get3A_47 = arith.constant 0 : index
    %get3A_48 = vector.load %arg5[%get3A_45, %get3A_46, %get3A_47] : memref<1x1024x1024xf32, #tpu.memory_space<vmem>>, vector<1x1024x1024xf32>
    %get3A_49 = vector.shape_cast %get3A_48 : vector<1x1024x1024xf32> to vector<1024x1024xf32>
    %dot_general3A_50 = arith.constant dense<0.000000e+00> : vector<256x1024xf32>
    %dot_general3A_51 = tpu.matmul %mul3A_44, %get3A_49, %dot_general3A_50 {dimension_numbers = #tpu.dot_dimension_numbers<[1], [0], [0], [1], [0, 0, 1, 1], [], []>, transpose_lhs_hint = false} : vector<256x1024xf32>, vector<1024x1024xf32>, vector<256x1024xf32> -> vector<256x1024xf32>
    %get3A_52 = arith.constant 0 : index
    %get3A_53 = arith.constant 0 : index
    %get3A_54 = arith.constant 0 : index
    %get3A_55 = vector.load %arg6[%get3A_52, %get3A_53, %get3A_54] : memref<1x1x1024xf32, #tpu.memory_space<vmem>>, vector<1x1x1024xf32>
    %get3A_56 = vector.shape_cast %get3A_55 : vector<1x1x1024xf32> to vector<1x1024xf32>
    %add3A_57 = vector.broadcast %get3A_56 : vector<1x1024xf32> to vector<256x1024xf32>
    %add3A_58 = arith.addf %dot_general3A_51, %add3A_57 : vector<256x1024xf32>
    %get3A_59 = arith.constant 0 : index
    %get3A_60 = arith.constant 0 : index
    %get3A_61 = vector.load %arg7[%get3A_59, %get3A_60] : memref<256x128xf32, #tpu.memory_space<vmem>>, vector<256x1xf32>
    %mul3A_62 = vector.broadcast %get3A_61 : vector<256x1xf32> to vector<256x1024xf32>
    %mul3A_63 = arith.mulf %add3A_58, %mul3A_62 : vector<256x1024xf32>
    %slice3A = vector.extract_strided_slice %mul3A_63 {offsets = [0, 0], sizes = [256, 256], strides = [1, 1]} : vector<256x1024xf32> to vector<256x256xf32>
    %swap3A = arith.constant 0 : index
    %swap3A_64 = arith.constant 0 : index
    %swap3A_65 = arith.constant 0 : index
    %swap3A_66 = vector.load %arg8[%swap3A, %swap3A_64, %swap3A_65] : memref<4x256x256xf32, #tpu.memory_space<vmem>>, vector<1x256x256xf32>
    %swap3A_67 = vector.shape_cast %swap3A_66 : vector<1x256x256xf32> to vector<256x256xf32>
    %swap3A_68 = vector.shape_cast %slice3A : vector<256x256xf32> to vector<1x256x256xf32>
    tpu.vector_store %arg8[%swap3A, %swap3A_64, %swap3A_65], %swap3A_68 {strides = array<i32>} : memref<4x256x256xf32, #tpu.memory_space<vmem>>, vector<1x256x256xf32>,
    %slice3A_69 = vector.extract_strided_slice %mul3A_63 {offsets = [0, 256], sizes = [256, 256], strides = [1, 1]} : vector<256x1024xf32> to vector<256x256xf32>
    %swap3A_70 = arith.constant 1 : index
    %swap3A_71 = arith.constant 0 : index
    %swap3A_72 = arith.constant 0 : index
    %swap3A_73 = vector.load %arg8[%swap3A_70, %swap3A_71, %swap3A_72] : memref<4x256x256xf32, #tpu.memory_space<vmem>>, vector<1x256x256xf32>
    %swap3A_74 = vector.shape_cast %swap3A_73 : vector<1x256x256xf32> to vector<256x256xf32>
    %swap3A_75 = vector.shape_cast %slice3A_69 : vector<256x256xf32> to vector<1x256x256xf32>
    tpu.vector_store %arg8[%swap3A_70, %swap3A_71, %swap3A_72], %swap3A_75 {strides = array<i32>} : memref<4x256x256xf32, #tpu.memory_space<vmem>>, vector<1x256x256xf32>,
    %slice3A_76 = vector.extract_strided_slice %mul3A_63 {offsets = [0, 512], sizes = [256, 256], strides = [1, 1]} : vector<256x1024xf32> to vector<256x256xf32>
    %swap3A_77 = arith.constant 2 : index
    %swap3A_78 = arith.constant 0 : index
    %swap3A_79 = arith.constant 0 : index
    %swap3A_80 = vector.load %arg8[%swap3A_77, %swap3A_78, %swap3A_79] : memref<4x256x256xf32, #tpu.memory_space<vmem>>, vector<1x256x256xf32>
    %swap3A_81 = vector.shape_cast %swap3A_80 : vector<1x256x256xf32> to vector<256x256xf32>
    %swap3A_82 = vector.shape_cast %slice3A_76 : vector<256x256xf32> to vector<1x256x256xf32>
    tpu.vector_store %arg8[%swap3A_77, %swap3A_78, %swap3A_79], %swap3A_82 {strides = array<i32>} : memref<4x256x256xf32, #tpu.memory_space<vmem>>, vector<1x256x256xf32>,
    %slice3A_83 = vector.extract_strided_slice %mul3A_63 {offsets = [0, 768], sizes = [256, 256], strides = [1, 1]} : vector<256x1024xf32> to vector<256x256xf32>
    %swap3A_84 = arith.constant 3 : index
    %swap3A_85 = arith.constant 0 : index
    %swap3A_86 = arith.constant 0 : index
    %swap3A_87 = vector.load %arg8[%swap3A_84, %swap3A_85, %swap3A_86] : memref<4x256x256xf32, #tpu.memory_space<vmem>>, vector<1x256x256xf32>
    %swap3A_88 = vector.shape_cast %swap3A_87 : vector<1x256x256xf32> to vector<256x256xf32>
    %swap3A_89 = vector.shape_cast %slice3A_83 : vector<256x256xf32> to vector<1x256x256xf32>
    tpu.vector_store %arg8[%swap3A_84, %swap3A_85, %swap3A_86], %swap3A_89 {strides = array<i32>} : memref<4x256x256xf32, #tpu.memory_space<vmem>>, vector<1x256x256xf32>,
    return
  }
  func.func @transform_0(%arg0: i32, %arg1: memref<36xi32, #tpu.memory_space<smem>>) -> (i32, i32, i32) {
    %c0_i32 = arith.constant 0 : i32
    %c0_i32_0 = arith.constant 0 : i32
    %c0_i32_1 = arith.constant 0 : i32
    return %c0_i32, %arg0, %c0_i32_0 : i32, i32, i32
  }
  func.func @transform_1(%arg0: i32, %arg1: memref<36xi32, #tpu.memory_space<smem>>) -> (i32, i32, i32) {
    %get3A = arith.index_cast %arg0 : i32 to index
    %get3A_0 = memref.load %arg1[%get3A] : memref<36xi32, #tpu.memory_space<smem>>
    %c0_i32 = arith.constant 0 : i32
    %c0_i32_1 = arith.constant 0 : i32
    %c0_i32_2 = arith.constant 0 : i32
    return %get3A_0, %c0_i32, %c0_i32_1 : i32, i32, i32
  }
  func.func @transform_2(%arg0: i32, %arg1: memref<36xi32, #tpu.memory_space<smem>>) -> (i32, i32, i32) {
    %get3A = arith.index_cast %arg0 : i32 to index
    %get3A_0 = memref.load %arg1[%get3A] : memref<36xi32, #tpu.memory_space<smem>>
    %c0_i32 = arith.constant 0 : i32
    %c0_i32_1 = arith.constant 0 : i32
    %c0_i32_2 = arith.constant 0 : i32
    return %get3A_0, %c0_i32, %c0_i32_1 : i32, i32, i32
  }
  func.func @transform_3(%arg0: i32, %arg1: memref<36xi32, #tpu.memory_space<smem>>) -> (i32, i32, i32) {
    %get3A = arith.index_cast %arg0 : i32 to index
    %get3A_0 = memref.load %arg1[%get3A] : memref<36xi32, #tpu.memory_space<smem>>
    %c0_i32 = arith.constant 0 : i32
    %c0_i32_1 = arith.constant 0 : i32
    %c0_i32_2 = arith.constant 0 : i32
    return %get3A_0, %c0_i32, %c0_i32_1 : i32, i32, i32
  }
  func.func @transform_4(%arg0: i32, %arg1: memref<36xi32, #tpu.memory_space<smem>>) -> (i32, i32, i32) {
    %get3A = arith.index_cast %arg0 : i32 to index
    %get3A_0 = memref.load %arg1[%get3A] : memref<36xi32, #tpu.memory_space<smem>>
    %c0_i32 = arith.constant 0 : i32
    %c0_i32_1 = arith.constant 0 : i32
    %c0_i32_2 = arith.constant 0 : i32
    return %get3A_0, %c0_i32, %c0_i32_1 : i32, i32, i32
  }
  func.func @transform_5(%arg0: i32, %arg1: memref<36xi32, #tpu.memory_space<smem>>) -> (i32, i32) {
    %c0_i32 = arith.constant 0 : i32
    %c0_i32_0 = arith.constant 0 : i32
    return %arg0, %c0_i32 : i32, i32
  }
  func.func @transform_6(%arg0: i32, %arg1: memref<36xi32, #tpu.memory_space<smem>>) -> (i32, i32, i32) {
    %c0_i32 = arith.constant 0 : i32
    %c0_i32_0 = arith.constant 0 : i32
    %c0_i32_1 = arith.constant 0 : i32
    return %c0_i32, %arg0, %c0_i32_0 : i32, i32, i32
  }
}

module attributes {stable_mosaic.version = 14 : i64} {
  func.func @_route_body(%arg0: memref<64x128xi32, #tpu.memory_space<vmem>>, %arg1: memref<64x128xi32, #tpu.memory_space<vmem>>, %arg2: memref<4x64x128xi32, #tpu.memory_space<vmem>>, %arg3: memref<8x128xi32, #tpu.memory_space<vmem>>) attributes {dimension_semantics = [], scalar_prefetch = 0 : i64, scratch_operands = 0 : i64, tpu.core_type = #tpu.core_type<tc>} {
    %get3A = arith.constant 0 : index
    %get3A_0 = arith.constant 0 : index
    %get3A_1 = vector.load %arg0[%get3A, %get3A_0] : memref<64x128xi32, #tpu.memory_space<vmem>>, vector<64x128xi32>
    %iota3A = tpu.iota {dimensions = array<i32: 0>} : vector<128x128xi32>
    %iota3A_2 = tpu.iota {dimensions = array<i32: 1>} : vector<128x128xi32>
    %lt3A = arith.cmpi slt, %iota3A, %iota3A_2 : vector<128x128xi32>
    %convert_element_type3A = arith.extui %lt3A : vector<128x128xi1> to vector<128x128xi32>
    %convert_element_type3A_3 = arith.sitofp %convert_element_type3A : vector<128x128xi32> to vector<128x128xf32>
    %iota3A_4 = tpu.iota {dimensions = array<i32: 0>} : vector<64x64xi32>
    %iota3A_5 = tpu.iota {dimensions = array<i32: 1>} : vector<64x64xi32>
    %lt3A_6 = arith.cmpi slt, %iota3A_5, %iota3A_4 : vector<64x64xi32>
    %convert_element_type3A_7 = arith.extui %lt3A_6 : vector<64x64xi1> to vector<64x64xi32>
    %convert_element_type3A_8 = arith.sitofp %convert_element_type3A_7 : vector<64x64xi32> to vector<64x64xf32>
    %broadcast_in_dim3A = arith.constant 0 : i32
    %broadcast_in_dim3A_9 = vector.broadcast %broadcast_in_dim3A : i32 to vector<64x128xi32>
    %broadcast_in_dim3A_10 = arith.constant 0.000000e+00 : f32
    %broadcast_in_dim3A_11 = vector.broadcast %broadcast_in_dim3A_10 : f32 to vector<1x1xf32>
    %eq3A = arith.constant 0 : i32
    %eq3A_12 = vector.broadcast %eq3A : i32 to vector<64x128xi32>
    %eq3A_13 = arith.cmpi eq, %get3A_1, %eq3A_12 : vector<64x128xi32>
    %convert_element_type3A_14 = arith.extui %eq3A_13 : vector<64x128xi1> to vector<64x128xi32>
    %convert_element_type3A_15 = arith.sitofp %convert_element_type3A_14 : vector<64x128xi32> to vector<64x128xf32>
    %dot_general3A = arith.constant dense<0.000000e+00> : vector<64x128xf32>
    %dot_general3A_16 = tpu.matmul %convert_element_type3A_15, %convert_element_type3A_3, %dot_general3A {dimension_numbers = #tpu.dot_dimension_numbers<[1], [0], [0], [1], [0, 0, 1, 1], [], []>, transpose_lhs_hint = false} : vector<64x128xf32>, vector<128x128xf32>, vector<64x128xf32> -> vector<64x128xf32>
    %dot_general3A_17 = arith.constant dense<0.000000e+00> : vector<64x128xf32>
    %dot_general3A_18 = tpu.matmul %convert_element_type3A_8, %convert_element_type3A_15, %dot_general3A_17 {dimension_numbers = #tpu.dot_dimension_numbers<[1], [0], [0], [1], [0, 0, 1, 1], [], []>, transpose_lhs_hint = false} : vector<64x64xf32>, vector<64x128xf32>, vector<64x128xf32> -> vector<64x128xf32>
    %reduce_sum3A = arith.constant dense<0.000000e+00> : vector<64xf32>
    %reduce_sum3A_19 = vector.multi_reduction <add>, %dot_general3A_18, %reduce_sum3A [1] : vector<64x128xf32> to vector<64xf32>
    %broadcast_in_dim3A_20 = vector.shape_cast %reduce_sum3A_19 : vector<64xf32> to vector<64x1xf32>
    %add3A = vector.broadcast %broadcast_in_dim3A_20 : vector<64x1xf32> to vector<64x128xf32>
    %add3A_21 = arith.addf %dot_general3A_16, %add3A : vector<64x128xf32>
    %eq3A_22 = arith.constant 0 : i32
    %eq3A_23 = vector.broadcast %eq3A_22 : i32 to vector<64x128xi32>
    %eq3A_24 = arith.cmpi eq, %get3A_1, %eq3A_23 : vector<64x128xi32>
    %add3A_25 = vector.broadcast %broadcast_in_dim3A_11 : vector<1x1xf32> to vector<64x128xf32>
    %add3A_26 = arith.addf %add3A_21, %add3A_25 : vector<64x128xf32>
    %convert_element_type3A_27 = arith.fptosi %add3A_26 : vector<64x128xf32> to vector<64x128xi32>
    %select_n3A = arith.select %eq3A_24, %convert_element_type3A_27, %broadcast_in_dim3A_9 : vector<64x128xi1>, vector<64x128xi32>
    %reduce_sum3A_28 = arith.constant dense<0.000000e+00> : vector<64xf32>
    %reduce_sum3A_29 = vector.multi_reduction <add>, %convert_element_type3A_15, %reduce_sum3A_28 [1] : vector<64x128xf32> to vector<64xf32>
    %broadcast_in_dim3A_30 = vector.shape_cast %reduce_sum3A_29 : vector<64xf32> to vector<64x1xf32>
    %reduce_sum3A_31 = arith.constant dense<0.000000e+00> : vector<1xf32>
    %reduce_sum3A_32 = vector.multi_reduction <add>, %broadcast_in_dim3A_30, %reduce_sum3A_31 [0] : vector<64x1xf32> to vector<1xf32>
    %broadcast_in_dim3A_33 = vector.shape_cast %reduce_sum3A_32 : vector<1xf32> to vector<1x1xf32>
    %div3A = arith.constant 2.560000e+02 : f32
    %div3A_34 = vector.broadcast %div3A : f32 to vector<1x1xf32>
    %div3A_35 = arith.divf %broadcast_in_dim3A_33, %div3A_34 : vector<1x1xf32>
    %ceil3A = math.ceil %div3A_35 : vector<1x1xf32>
    %mul3A = arith.constant 2.560000e+02 : f32
    %mul3A_36 = vector.broadcast %mul3A : f32 to vector<1x1xf32>
    %mul3A_37 = arith.mulf %ceil3A, %mul3A_36 : vector<1x1xf32>
    %add3A_38 = arith.addf %broadcast_in_dim3A_11, %mul3A_37 : vector<1x1xf32>
    %eq3A_39 = arith.constant 1 : i32
    %eq3A_40 = vector.broadcast %eq3A_39 : i32 to vector<64x128xi32>
    %eq3A_41 = arith.cmpi eq, %get3A_1, %eq3A_40 : vector<64x128xi32>
    %convert_element_type3A_42 = arith.extui %eq3A_41 : vector<64x128xi1> to vector<64x128xi32>
    %convert_element_type3A_43 = arith.sitofp %convert_element_type3A_42 : vector<64x128xi32> to vector<64x128xf32>
    %dot_general3A_44 = arith.constant dense<0.000000e+00> : vector<64x128xf32>
    %dot_general3A_45 = tpu.matmul %convert_element_type3A_43, %convert_element_type3A_3, %dot_general3A_44 {dimension_numbers = #tpu.dot_dimension_numbers<[1], [0], [0], [1], [0, 0, 1, 1], [], []>, transpose_lhs_hint = false} : vector<64x128xf32>, vector<128x128xf32>, vector<64x128xf32> -> vector<64x128xf32>
    %dot_general3A_46 = arith.constant dense<0.000000e+00> : vector<64x128xf32>
    %dot_general3A_47 = tpu.matmul %convert_element_type3A_8, %convert_element_type3A_43, %dot_general3A_46 {dimension_numbers = #tpu.dot_dimension_numbers<[1], [0], [0], [1], [0, 0, 1, 1], [], []>, transpose_lhs_hint = false} : vector<64x64xf32>, vector<64x128xf32>, vector<64x128xf32> -> vector<64x128xf32>
    %reduce_sum3A_48 = arith.constant dense<0.000000e+00> : vector<64xf32>
    %reduce_sum3A_49 = vector.multi_reduction <add>, %dot_general3A_47, %reduce_sum3A_48 [1] : vector<64x128xf32> to vector<64xf32>
    %broadcast_in_dim3A_50 = vector.shape_cast %reduce_sum3A_49 : vector<64xf32> to vector<64x1xf32>
    %add3A_51 = vector.broadcast %broadcast_in_dim3A_50 : vector<64x1xf32> to vector<64x128xf32>
    %add3A_52 = arith.addf %dot_general3A_45, %add3A_51 : vector<64x128xf32>
    %eq3A_53 = arith.constant 1 : i32
    %eq3A_54 = vector.broadcast %eq3A_53 : i32 to vector<64x128xi32>
    %eq3A_55 = arith.cmpi eq, %get3A_1, %eq3A_54 : vector<64x128xi32>
    %add3A_56 = vector.broadcast %add3A_38 : vector<1x1xf32> to vector<64x128xf32>
    %add3A_57 = arith.addf %add3A_52, %add3A_56 : vector<64x128xf32>
    %convert_element_type3A_58 = arith.fptosi %add3A_57 : vector<64x128xf32> to vector<64x128xi32>
    %select_n3A_59 = arith.select %eq3A_55, %convert_element_type3A_58, %select_n3A : vector<64x128xi1>, vector<64x128xi32>
    %reduce_sum3A_60 = arith.constant dense<0.000000e+00> : vector<64xf32>
    %reduce_sum3A_61 = vector.multi_reduction <add>, %convert_element_type3A_43, %reduce_sum3A_60 [1] : vector<64x128xf32> to vector<64xf32>
    %broadcast_in_dim3A_62 = vector.shape_cast %reduce_sum3A_61 : vector<64xf32> to vector<64x1xf32>
    %reduce_sum3A_63 = arith.constant dense<0.000000e+00> : vector<1xf32>
    %reduce_sum3A_64 = vector.multi_reduction <add>, %broadcast_in_dim3A_62, %reduce_sum3A_63 [0] : vector<64x1xf32> to vector<1xf32>
    %broadcast_in_dim3A_65 = vector.shape_cast %reduce_sum3A_64 : vector<1xf32> to vector<1x1xf32>
    %div3A_66 = arith.constant 2.560000e+02 : f32
    %div3A_67 = vector.broadcast %div3A_66 : f32 to vector<1x1xf32>
    %div3A_68 = arith.divf %broadcast_in_dim3A_65, %div3A_67 : vector<1x1xf32>
    %ceil3A_69 = math.ceil %div3A_68 : vector<1x1xf32>
    %mul3A_70 = arith.constant 2.560000e+02 : f32
    %mul3A_71 = vector.broadcast %mul3A_70 : f32 to vector<1x1xf32>
    %mul3A_72 = arith.mulf %ceil3A_69, %mul3A_71 : vector<1x1xf32>
    %add3A_73 = arith.addf %add3A_38, %mul3A_72 : vector<1x1xf32>
    %eq3A_74 = arith.constant 2 : i32
    %eq3A_75 = vector.broadcast %eq3A_74 : i32 to vector<64x128xi32>
    %eq3A_76 = arith.cmpi eq, %get3A_1, %eq3A_75 : vector<64x128xi32>
    %convert_element_type3A_77 = arith.extui %eq3A_76 : vector<64x128xi1> to vector<64x128xi32>
    %convert_element_type3A_78 = arith.sitofp %convert_element_type3A_77 : vector<64x128xi32> to vector<64x128xf32>
    %dot_general3A_79 = arith.constant dense<0.000000e+00> : vector<64x128xf32>
    %dot_general3A_80 = tpu.matmul %convert_element_type3A_78, %convert_element_type3A_3, %dot_general3A_79 {dimension_numbers = #tpu.dot_dimension_numbers<[1], [0], [0], [1], [0, 0, 1, 1], [], []>, transpose_lhs_hint = false} : vector<64x128xf32>, vector<128x128xf32>, vector<64x128xf32> -> vector<64x128xf32>
    %dot_general3A_81 = arith.constant dense<0.000000e+00> : vector<64x128xf32>
    %dot_general3A_82 = tpu.matmul %convert_element_type3A_8, %convert_element_type3A_78, %dot_general3A_81 {dimension_numbers = #tpu.dot_dimension_numbers<[1], [0], [0], [1], [0, 0, 1, 1], [], []>, transpose_lhs_hint = false} : vector<64x64xf32>, vector<64x128xf32>, vector<64x128xf32> -> vector<64x128xf32>
    %reduce_sum3A_83 = arith.constant dense<0.000000e+00> : vector<64xf32>
    %reduce_sum3A_84 = vector.multi_reduction <add>, %dot_general3A_82, %reduce_sum3A_83 [1] : vector<64x128xf32> to vector<64xf32>
    %broadcast_in_dim3A_85 = vector.shape_cast %reduce_sum3A_84 : vector<64xf32> to vector<64x1xf32>
    %add3A_86 = vector.broadcast %broadcast_in_dim3A_85 : vector<64x1xf32> to vector<64x128xf32>
    %add3A_87 = arith.addf %dot_general3A_80, %add3A_86 : vector<64x128xf32>
    %eq3A_88 = arith.constant 2 : i32
    %eq3A_89 = vector.broadcast %eq3A_88 : i32 to vector<64x128xi32>
    %eq3A_90 = arith.cmpi eq, %get3A_1, %eq3A_89 : vector<64x128xi32>
    %add3A_91 = vector.broadcast %add3A_73 : vector<1x1xf32> to vector<64x128xf32>
    %add3A_92 = arith.addf %add3A_87, %add3A_91 : vector<64x128xf32>
    %convert_element_type3A_93 = arith.fptosi %add3A_92 : vector<64x128xf32> to vector<64x128xi32>
    %select_n3A_94 = arith.select %eq3A_90, %convert_element_type3A_93, %select_n3A_59 : vector<64x128xi1>, vector<64x128xi32>
    %reduce_sum3A_95 = arith.constant dense<0.000000e+00> : vector<64xf32>
    %reduce_sum3A_96 = vector.multi_reduction <add>, %convert_element_type3A_78, %reduce_sum3A_95 [1] : vector<64x128xf32> to vector<64xf32>
    %broadcast_in_dim3A_97 = vector.shape_cast %reduce_sum3A_96 : vector<64xf32> to vector<64x1xf32>
    %reduce_sum3A_98 = arith.constant dense<0.000000e+00> : vector<1xf32>
    %reduce_sum3A_99 = vector.multi_reduction <add>, %broadcast_in_dim3A_97, %reduce_sum3A_98 [0] : vector<64x1xf32> to vector<1xf32>
    %broadcast_in_dim3A_100 = vector.shape_cast %reduce_sum3A_99 : vector<1xf32> to vector<1x1xf32>
    %div3A_101 = arith.constant 2.560000e+02 : f32
    %div3A_102 = vector.broadcast %div3A_101 : f32 to vector<1x1xf32>
    %div3A_103 = arith.divf %broadcast_in_dim3A_100, %div3A_102 : vector<1x1xf32>
    %ceil3A_104 = math.ceil %div3A_103 : vector<1x1xf32>
    %mul3A_105 = arith.constant 2.560000e+02 : f32
    %mul3A_106 = vector.broadcast %mul3A_105 : f32 to vector<1x1xf32>
    %mul3A_107 = arith.mulf %ceil3A_104, %mul3A_106 : vector<1x1xf32>
    %add3A_108 = arith.addf %add3A_73, %mul3A_107 : vector<1x1xf32>
    %eq3A_109 = arith.constant 3 : i32
    %eq3A_110 = vector.broadcast %eq3A_109 : i32 to vector<64x128xi32>
    %eq3A_111 = arith.cmpi eq, %get3A_1, %eq3A_110 : vector<64x128xi32>
    %convert_element_type3A_112 = arith.extui %eq3A_111 : vector<64x128xi1> to vector<64x128xi32>
    %convert_element_type3A_113 = arith.sitofp %convert_element_type3A_112 : vector<64x128xi32> to vector<64x128xf32>
    %dot_general3A_114 = arith.constant dense<0.000000e+00> : vector<64x128xf32>
    %dot_general3A_115 = tpu.matmul %convert_element_type3A_113, %convert_element_type3A_3, %dot_general3A_114 {dimension_numbers = #tpu.dot_dimension_numbers<[1], [0], [0], [1], [0, 0, 1, 1], [], []>, transpose_lhs_hint = false} : vector<64x128xf32>, vector<128x128xf32>, vector<64x128xf32> -> vector<64x128xf32>
    %dot_general3A_116 = arith.constant dense<0.000000e+00> : vector<64x128xf32>
    %dot_general3A_117 = tpu.matmul %convert_element_type3A_8, %convert_element_type3A_113, %dot_general3A_116 {dimension_numbers = #tpu.dot_dimension_numbers<[1], [0], [0], [1], [0, 0, 1, 1], [], []>, transpose_lhs_hint = false} : vector<64x64xf32>, vector<64x128xf32>, vector<64x128xf32> -> vector<64x128xf32>
    %reduce_sum3A_118 = arith.constant dense<0.000000e+00> : vector<64xf32>
    %reduce_sum3A_119 = vector.multi_reduction <add>, %dot_general3A_117, %reduce_sum3A_118 [1] : vector<64x128xf32> to vector<64xf32>
    %broadcast_in_dim3A_120 = vector.shape_cast %reduce_sum3A_119 : vector<64xf32> to vector<64x1xf32>
    %add3A_121 = vector.broadcast %broadcast_in_dim3A_120 : vector<64x1xf32> to vector<64x128xf32>
    %add3A_122 = arith.addf %dot_general3A_115, %add3A_121 : vector<64x128xf32>
    %eq3A_123 = arith.constant 3 : i32
    %eq3A_124 = vector.broadcast %eq3A_123 : i32 to vector<64x128xi32>
    %eq3A_125 = arith.cmpi eq, %get3A_1, %eq3A_124 : vector<64x128xi32>
    %add3A_126 = vector.broadcast %add3A_108 : vector<1x1xf32> to vector<64x128xf32>
    %add3A_127 = arith.addf %add3A_122, %add3A_126 : vector<64x128xf32>
    %convert_element_type3A_128 = arith.fptosi %add3A_127 : vector<64x128xf32> to vector<64x128xi32>
    %select_n3A_129 = arith.select %eq3A_125, %convert_element_type3A_128, %select_n3A_94 : vector<64x128xi1>, vector<64x128xi32>
    %swap3A = arith.constant 0 : index
    %swap3A_130 = arith.constant 0 : index
    %swap3A_131 = vector.load %arg1[%swap3A, %swap3A_130] : memref<64x128xi32, #tpu.memory_space<vmem>>, vector<64x128xi32>
    tpu.vector_store %arg1[%swap3A, %swap3A_130], %select_n3A_129 {strides = array<i32>} : memref<64x128xi32, #tpu.memory_space<vmem>>, vector<64x128xi32>,
    %add3A_132 = arith.constant 0 : i32
    %add3A_133 = vector.broadcast %add3A_132 : i32 to vector<64x128xi32>
    %add3A_134 = arith.addi %select_n3A_129, %add3A_133 : vector<64x128xi32>
    %swap3A_135 = arith.constant 0 : index
    %swap3A_136 = arith.constant 0 : index
    %swap3A_137 = arith.constant 0 : index
    %swap3A_138 = vector.load %arg2[%swap3A_135, %swap3A_136, %swap3A_137] : memref<4x64x128xi32, #tpu.memory_space<vmem>>, vector<1x64x128xi32>
    %swap3A_139 = vector.shape_cast %swap3A_138 : vector<1x64x128xi32> to vector<64x128xi32>
    %swap3A_140 = vector.shape_cast %add3A_134 : vector<64x128xi32> to vector<1x64x128xi32>
    tpu.vector_store %arg2[%swap3A_135, %swap3A_136, %swap3A_137], %swap3A_140 {strides = array<i32>} : memref<4x64x128xi32, #tpu.memory_space<vmem>>, vector<1x64x128xi32>,
    %add3A_141 = arith.constant 9216 : i32
    %add3A_142 = vector.broadcast %add3A_141 : i32 to vector<64x128xi32>
    %add3A_143 = arith.addi %select_n3A_129, %add3A_142 : vector<64x128xi32>
    %swap3A_144 = arith.constant 1 : index
    %swap3A_145 = arith.constant 0 : index
    %swap3A_146 = arith.constant 0 : index
    %swap3A_147 = vector.load %arg2[%swap3A_144, %swap3A_145, %swap3A_146] : memref<4x64x128xi32, #tpu.memory_space<vmem>>, vector<1x64x128xi32>
    %swap3A_148 = vector.shape_cast %swap3A_147 : vector<1x64x128xi32> to vector<64x128xi32>
    %swap3A_149 = vector.shape_cast %add3A_143 : vector<64x128xi32> to vector<1x64x128xi32>
    tpu.vector_store %arg2[%swap3A_144, %swap3A_145, %swap3A_146], %swap3A_149 {strides = array<i32>} : memref<4x64x128xi32, #tpu.memory_space<vmem>>, vector<1x64x128xi32>,
    %add3A_150 = arith.constant 18432 : i32
    %add3A_151 = vector.broadcast %add3A_150 : i32 to vector<64x128xi32>
    %add3A_152 = arith.addi %select_n3A_129, %add3A_151 : vector<64x128xi32>
    %swap3A_153 = arith.constant 2 : index
    %swap3A_154 = arith.constant 0 : index
    %swap3A_155 = arith.constant 0 : index
    %swap3A_156 = vector.load %arg2[%swap3A_153, %swap3A_154, %swap3A_155] : memref<4x64x128xi32, #tpu.memory_space<vmem>>, vector<1x64x128xi32>
    %swap3A_157 = vector.shape_cast %swap3A_156 : vector<1x64x128xi32> to vector<64x128xi32>
    %swap3A_158 = vector.shape_cast %add3A_152 : vector<64x128xi32> to vector<1x64x128xi32>
    tpu.vector_store %arg2[%swap3A_153, %swap3A_154, %swap3A_155], %swap3A_158 {strides = array<i32>} : memref<4x64x128xi32, #tpu.memory_space<vmem>>, vector<1x64x128xi32>,
    %add3A_159 = arith.constant 27648 : i32
    %add3A_160 = vector.broadcast %add3A_159 : i32 to vector<64x128xi32>
    %add3A_161 = arith.addi %select_n3A_129, %add3A_160 : vector<64x128xi32>
    %swap3A_162 = arith.constant 3 : index
    %swap3A_163 = arith.constant 0 : index
    %swap3A_164 = arith.constant 0 : index
    %swap3A_165 = vector.load %arg2[%swap3A_162, %swap3A_163, %swap3A_164] : memref<4x64x128xi32, #tpu.memory_space<vmem>>, vector<1x64x128xi32>
    %swap3A_166 = vector.shape_cast %swap3A_165 : vector<1x64x128xi32> to vector<64x128xi32>
    %swap3A_167 = vector.shape_cast %add3A_161 : vector<64x128xi32> to vector<1x64x128xi32>
    tpu.vector_store %arg2[%swap3A_162, %swap3A_163, %swap3A_164], %swap3A_167 {strides = array<i32>} : memref<4x64x128xi32, #tpu.memory_space<vmem>>, vector<1x64x128xi32>,
    %iota3A_168 = tpu.iota {dimensions = array<i32: 1>} : vector<8x128xi32>
    %mul3A_169 = arith.constant 256 : i32
    %mul3A_170 = vector.broadcast %mul3A_169 : i32 to vector<8x128xi32>
    %mul3A_171 = arith.muli %iota3A_168, %mul3A_170 : vector<8x128xi32>
    %convert_element_type3A_172 = arith.sitofp %mul3A_171 : vector<8x128xi32> to vector<8x128xf32>
    %broadcast_in_dim3A_173 = arith.constant 0 : i32
    %broadcast_in_dim3A_174 = vector.broadcast %broadcast_in_dim3A_173 : i32 to vector<8x128xi32>
    %ge3A = vector.broadcast %add3A_38 : vector<1x1xf32> to vector<8x128xf32>
    %ge3A_175 = arith.cmpf oge, %convert_element_type3A_172, %ge3A : vector<8x128xf32>
    %convert_element_type3A_176 = arith.extui %ge3A_175 : vector<8x128xi1> to vector<8x128xi32>
    %add3A_177 = arith.addi %broadcast_in_dim3A_174, %convert_element_type3A_176 : vector<8x128xi32>
    %ge3A_178 = vector.broadcast %add3A_73 : vector<1x1xf32> to vector<8x128xf32>
    %ge3A_179 = arith.cmpf oge, %convert_element_type3A_172, %ge3A_178 : vector<8x128xf32>
    %convert_element_type3A_180 = arith.extui %ge3A_179 : vector<8x128xi1> to vector<8x128xi32>
    %add3A_181 = arith.addi %add3A_177, %convert_element_type3A_180 : vector<8x128xi32>
    %ge3A_182 = vector.broadcast %add3A_108 : vector<1x1xf32> to vector<8x128xf32>
    %ge3A_183 = arith.cmpf oge, %convert_element_type3A_172, %ge3A_182 : vector<8x128xf32>
    %convert_element_type3A_184 = arith.extui %ge3A_183 : vector<8x128xi1> to vector<8x128xi32>
    %add3A_185 = arith.addi %add3A_181, %convert_element_type3A_184 : vector<8x128xi32>
    %swap3A_186 = arith.constant 0 : index
    %swap3A_187 = arith.constant 0 : index
    %swap3A_188 = vector.load %arg3[%swap3A_186, %swap3A_187] : memref<8x128xi32, #tpu.memory_space<vmem>>, vector<8x128xi32>
    tpu.vector_store %arg3[%swap3A_186, %swap3A_187], %add3A_185 {strides = array<i32>} : memref<8x128xi32, #tpu.memory_space<vmem>>, vector<8x128xi32>,
    return
  }
}

</mosaic_0001>

<sc_bundles>
// kernel: kernel.10.cloned.1.call-start
scs
__scs_entry_jumppad:
0x0: {  	(pc) =	sbr.rel $0x88, $3  }
0x1: {  	(tag) =	ssettag $0x0;
	lr =	simm.s32 $0x1  }
0x2: {  	[smem:$0x3F93] =	sst lr;
	_ =	strace $0xD0000000  }
0x3: {  	_ = 	snop  }
0x4: {  	_ = 	snop  }
0x5: {  	_ = 	snop  }
0x6: {  	_ = 	snop  }
0x7: {  	_ = 	snop  }
__scs_overlays_trampoline_lowered:
0x8: {  	[smem:$0x3FA2] =	sst s0  }
0x9: {  	[smem:$0x3FA3] =	sst s1  }
0xa: {  	[smem:$0x3FA4] =	sst s2  }
0xb: {  	[smem:$0x3FA5] =	sst s3  }
0xc: {  	[smem:$0x3FA6] =	sst s4  }
0xd: {  	[smem:$0x3FA7] =	sst s5  }
0xe: {  	[smem:$0x3FA8] =	sst s6  }
0xf: {  	[smem:$0x3FA9] =	sst s7  }
0x10: {  	[smem:$0x3FAA] =	sst s8  }
0x11: {  	[smem:$0x3FAB] =	sst s9;
	s0 =	simm.s32 @!p0 $0x0  }
0x12: {  	s1 =	sld [smem:$0x3F91];
	s0 =	simm.s32 @p0 $0x1  }
0x13: {  	[smem:$0x3FAC] =	sst s0;
	s0 =	simm.s32 @!p1 $0x0  }
0x14: {  	s2 =	sld [smem:$0x3F90];
	s0 =	simm.s32 @p1 $0x1  }
0x15: {  	[smem:$0x3FAD] =	sst s0;
	s0 =	simm.s32 @!p2 $0x0  }
0x16: {  	s3 =	sld [smem:$0x3FDB];
	s0 =	simm.s32 @p2 $0x1  }
0x17: {  	s4 =	simm.s32 $0x1BF5;
	[smem:$0x3FAF] =	sst s0  }
0x18: {  	s0 =	sld [smem:$0x3F92];
	_ =	swait.ge [sflag:s4], $0x0  }
0x19: {  	s7 =	sld [smem:$0x3F93]  }
0x1a: {  	s8 =	sadd.s32 $0xFFFFE003, lr  }
0x1b: {  	s9 =	sadd.s32 $0xFFFFFEF7, lr;
	s5 =	simm.s32 $0xFFFFFFFF;
	p2 =	slt.u32 s8, $0xFFFFF086  }
0x1c: {  	p1 =	slt.u32 s9, $0xF7A;
	s5 =	simm.s32 @!p2 $0x0  }
0x1d: {  	s5 =	simm.s32 @p1 $0x1;
	p0 =	seq.s32 s7, s2  }
0x1e: {  	s7 =	smul.u32 @!p0 $0xF7A, s2;
	p2 =	seq.s32 @!p0 s5, $0x0  }
0x1f: {  	s9 =	smul.u32 $0xF7A, s1;
	s8 =	simm.s32 @!p0 $0x1BF5;
	p2 =	por !p2, p0  }
0x20: {  	[sflag:s8] =	ssyncset.s32 @!p0 $0xFFFFF086;
	s6 =	sadd.s32 @!p0 s3, s7;
	s7 =	simm.s32 @!p0 $0x108  }
0x21: {  	s3 =	sadd.s32 s3, s9;
	s6 =	sadd.s32 @!p0 $0x88, s6;
	s7 =	simm.s32 @p2 $0x1082  }
0x22: {  	[simem:s7], [sflag:s8] =	dma.local @!p0 [hbm:s6], $0xF7A  }
0x23: {  	s9 =	sor.u32 $0xD0000000, s2;
	s6 =	simm.s32 $0x108;
	_ =	swait.ge @!p0 [sflag:s8], $0x0  }
0x24: {  	s3 =	sadd.s32 $0x88, s3;
	s6 =	simm.s32 @!p1 $0x1082;
	[sflag:s4] =	ssyncset.s32 $0xFFFFF086  }
0x25: {  	[simem:s6], [sflag:s4] =	dma.local [hbm:s3], $0xF7A  }
0x26: {  	[smem:$0x3F93] =	sst s1;
	(tag) =	ssettag s2;
	_ =	strace s9  }
0x27: {  	s1 =	sld [smem:$0x3FA3]  }
0x28: {  	s2 =	sld [smem:$0x3FA4]  }
0x29: {  	s4 =	sld [smem:$0x3FA6]  }
0x2a: {  	p0 =	seq.s32 s5, $0x0;
	s5 =	sld [smem:$0x3FA7]  }
0x2b: {  	s6 =	sld [smem:$0x3FA8]  }
0x2c: {  	s7 =	sld [smem:$0x3FA9]  }
0x2d: {  	s3 =	simm.s32 $0x108;
	s8 =	sld [smem:$0x3FAA]  }
0x2e: {  	s3 =	simm.s32 @!p0 $0x1082;
	s9 =	sld [smem:$0x3FAB]  }
0x2f: {  	lr =	sadd.s32 s0, s3;
	s0 =	sld [smem:$0x3FA2]  }
0x30: {  	s3 =	sld [smem:$0x3FA5]  }
0x31: {  	[smem:$0x3FAE] =	sst s10  }
0x32: {  	s10 =	sld [smem:$0x3FAC];
	_ =	sdelay $0x3  }
0x33: {  	p0 =	seq.s32 s10, $0x1;
	s10 =	sld [smem:$0x3FAE];
	_ =	sdelay $0x3  }
0x34: {  	[smem:$0x3FAE] =	sst s10  }
0x35: {  	s10 =	sld [smem:$0x3FAD];
	_ =	sdelay $0x3  }
0x36: {  	p1 =	seq.s32 s10, $0x1;
	s10 =	sld [smem:$0x3FAE];
	_ =	sdelay $0x3  }
0x37: {  	[smem:$0x3FAE] =	sst s10  }
0x38: {  	s10 =	sld [smem:$0x3FAF]  }
0x39: {  	_ = 	snop;
	(pc) =	sbr.ind lr, $3  }
0x3a: {  	_ = 	snop  }
0x3b: {  	_ = 	snop  }
0x3c: {  	p2 =	seq.s32 s10, $0x1;
	s10 =	sld [smem:$0x3FAE]  }
0x3d: {  	_ =	shalt  }
0x3e: {  	_ =	shalt  }
0x3f: {  	_ =	shalt  }
0x40: {  	_ =	shalt  }
0x41: {  	_ =	shalt  }
0x42: {  	_ =	shalt  }
0x43: {  	_ =	shalt  }
0x44: {  	_ =	shalt  }
0x45: {  	_ =	shalt  }
0x46: {  	_ =	shalt  }
0x47: {  	_ =	shalt  }
0x48: {  	_ =	shalt  }
0x49: {  	_ =	shalt  }
0x4a: {  	_ =	shalt  }
0x4b: {  	_ =	shalt  }
0x4c: {  	_ =	shalt  }
0x4d: {  	_ =	shalt  }
0x4e: {  	_ =	shalt  }
0x4f: {  	_ =	shalt  }
0x50: {  	_ =	shalt  }
0x51: {  	_ =	shalt  }
0x52: {  	_ =	shalt  }
0x53: {  	_ =	shalt  }
0x54: {  	_ =	shalt  }
0x55: {  	_ =	shalt  }
0x56: {  	_ =	shalt  }
0x57: {  	_ =	shalt  }
0x58: {  	_ =	shalt  }
0x59: {  	_ =	shalt  }
0x5a: {  	_ =	shalt  }
0x5b: {  	_ =	shalt  }
0x5c: {  	_ =	shalt  }
0x5d: {  	_ =	shalt  }
0x5e: {  	_ =	shalt  }
0x5f: {  	_ =	shalt  }
0x60: {  	_ =	shalt  }
0x61: {  	_ =	shalt  }
0x62: {  	_ =	shalt  }
0x63: {  	_ =	shalt  }
0x64: {  	_ =	shalt  }
0x65: {  	_ =	shalt  }
0x66: {  	_ =	shalt  }
0x67: {  	_ =	shalt  }
0x68: {  	_ =	shalt  }
0x69: {  	_ =	shalt  }
0x6a: {  	_ =	shalt  }
0x6b: {  	_ =	shalt  }
0x6c: {  	_ =	shalt  }
0x6d: {  	_ =	shalt  }
0x6e: {  	_ =	shalt  }
0x6f: {  	_ =	shalt  }
0x70: {  	_ =	shalt  }
0x71: {  	_ =	shalt  }
0x72: {  	_ =	shalt  }
0x73: {  	_ =	shalt  }
0x74: {  	_ =	shalt  }
0x75: {  	_ =	shalt  }
0x76: {  	_ =	shalt  }
0x77: {  	_ =	shalt  }
0x78: {  	_ =	shalt  }
0x79: {  	_ =	shalt  }
0x7a: {  	_ =	shalt  }
0x7b: {  	_ =	shalt  }
0x7c: {  	_ =	shalt  }
0x7d: {  	_ =	shalt  }
0x7e: {  	_ =	shalt  }
0x7f: {  	_ =	shalt  }
0x80: {  	_ =	shalt  }
0x81: {  	_ =	shalt  }
0x82: {  	_ =	shalt  }
0x83: {  	_ =	shalt  }
0x84: {  	_ =	shalt  }
0x85: {  	_ =	shalt  }
0x86: {  	_ =	shalt  }
0x87: {  	_ =	shalt  }
.Lfunc_end0:
.L_simem_size_0:
called_computation.1_lowered:
.L_overlay_start_0:
0x88: {  	s2 =	sld [smem:$0x3FD9]  }
0x89: {  	s3 =	sld [smem:$0x3FFE];
	_ =	sdelay $0x1  }
0x8a: {  	s1 =	srdreg.scid  }
0x8b: {  	s0 =	sand.u32 $0x1, s1  }
0x8c: {  	s17 =	sshll.u32 s0, $0xA;
	s2 =	sadd.s32 s3, s2  }
0x8d: {  	s2 =	sadd.s32 s2, s17  }
0x8e: {  	[smem:$0x3FBA] =	sst s2  }
0x8f: {  	_ = 	snop  }
0x90: {  	s2 =	sld [smem:$0x3FD0];
	(tm) =	ssettm $0x1  }
0x91: {  	s18 =	sld [smem:$0x3FFB];
	_ =	sdelay $0x3  }
0x92: {  	_ =	strace s18  }
0x93: {  	s3 =	sld [smem:$0x3FFC];
	_ =	sdelay $0x3  }
0x94: {  	_ =	strace s3  }
0x95: {  	s3 =	sld [smem:$0x3FFD];
	_ =	sdelay $0x3  }
0x96: {  	_ =	strace s3  }
0x97: {  	_ =	strace $0x8FFFFFFF  }
0x98: {  	s19 =	sld [smem:$0x3FDB];
	_ =	sdelay $0x1  }
0x99: {  	s4 =	simm.s32 $_scs_section_size  }
0x9a: {  	s5 =	simm.s32 $_size__tile_overlayer_lowered;
	s6 =	simm.s32 $_tile_overlayer_lowered  }
0x9b: {  	s22 =	simm.s32 $0x1BFF;
	s21 =	sshll.u32 s6, $0x1;
	s3 =	sadd.s32 s4, s19  }
0x9c: {  	s7 =	simm.s32 $0x0;
	s20 =	sshll.u32 s5, $0x1;
	s5 =	sadd.s32 s21, s3  }
0x9d: {  	[timem:s7], [sflag:s22] =	dma.local [hbm:s5], s20  }
0x9e: {  	_ =	swait.ge [sflag:s22], s20  }
0x9f: {  	s4 =	ssub.s32 $0x0, s20;
	[sflag:s22] =	ssyncset.done $0x0  }
0xa0: {  	[sflag:s22] =	ssyncadd.s32 s4;
	_ =	sdelay $0x1  }
0xa1: {  	s23 =	simm.s32 $0x1B8B  }
0xa2: {  	_ =	swait.ge [sflag:s23], $0x1  }
0xa3: {  	[sflag:s23] =	ssyncset.done $0x0  }
0xa4: {  	s25 =	simm.s32 $0x1B8E;
	s24 =	sld [smem:$0x3FFE];
	[sflag:s23] =	ssyncadd.s32 $0xFFFFFFFF  }
0xa5: {  	s26 =	simm.s32 $execute0_lowered;
	[smem:$0x3FD2] =	sst s25  }
0xa6: {  	s5 =	sshll.u32 s26, $0x1;
	_ =	strace $0x80000055;
	[dreg:$0x1] =	wrdreg $0xFFFFFFFF  }
0xa7: {  	s28 =	simm.s32 $_size_execute0_lowered;
	s3 =	sadd.s32 s3, s5;
	[dreg:$0x0] =	wrdreg $0x0  }
0xa8: {  	s5 =	sshll.u32 s28, $0x1;
	[dreg:$0x2] =	wrdreg s3  }
0xa9: {  	[dreg:$0x3] =	wrdreg s5  }
0xaa: {  	[dreg:$0x4] =	wrdreg $0xC0  }
0xab: {  	_ =	task [dreg:s7], $0x5FFFF  }
0xac: {  	[dreg:$0x1] =	wrdreg $0xFFFFFFFF  }
0xad: {  	[dreg:$0x0] =	wrdreg $0x60  }
0xae: {  	[dreg:$0x2] =	wrdreg s24  }
0xaf: {  	[dreg:$0x3] =	wrdreg s2  }
0xb0: {  	[dreg:$0x4] =	wrdreg $0x9  }
0xb1: {  	_ =	task.clear_ibuf [dreg:s7], $0x5FFFF;
	_ =	strace $0x90000055  }
0xb2: {  	s29 =	simm.s32 $0x9;
	_ =	strace $0x8000005E  }
0xb3: {  	_ =	swait.ge [sflag:s29], $0x1  }
0xb4: {  	[sflag:s29] =	ssyncadd.s32 $0xFFFFFFFF  }
0xb5: {  	_ =	strace $0x9000005E  }
0xb6: {  	_ =	sfence  }
0xb7: {  	s30 =	sld [smem:$0x0];
	_ =	sdelay $0x2  }
0xb8: {  	s31 =	sshll.u32 s1, $0xD;
	s1 =	sshrl.u32 s1, $0x2  }
0xb9: {  	s3 =	sand.u32 $0x4000, s31;
	s1 =	sadd.s32 s1, s30  }
0xba: {  	s0 =	sor.u32 s3, s0;
	s1 =	sshll.u32 s1, $0x11  }
0xbb: {  	s0 =	sor.u32 s1, s0  }
0xbc: {  	s0 =	sadd.s32 $0x8F2B, s0  }
0xbd: {  	[sflag:s0] =	ssyncadd.remote.s32 $0x1  }
0xbe: {  	_ =	sfence.sel $0xFFFF  }
0xbf: {  	[dreg:$0x0] =	wrdreg $0xFFFFFFFF;
	(pc) =	sbr.abs _section_cstart, $3  }
0xc0: {  	[dreg:$0x1] =	wrdreg $0xFFFFFFFF  }
0xc1: {  	_ =	task.clear_ibuf [dreg:s7], $0x2FFFF;
	_ =	strace $0x9FFFFFFF  }
0xc2: {  	(tm) =	ssettm $0x7FFFFFFF  }
0xc3: {  	_ =	shalt  }
tec
execute0_lowered:
.L_overlay_start_1:
0x0: {  	(tag) =	ssettag $0x1  }
0x1: {  	s3 =	rddreg [dreg:$0x0]  }
0x2: {  	s1 =	rddreg [dreg:$0x1]  }
0x3: {  	s0 =	rddreg [dreg:$0x2];
	s2 =	simm.s32 $0x0  }
0x4: {  	s5 =	srdreg.scid;
	[smem:$0x7FF] =	sst s2  }
0x5: {  	s4 =	sadd.s32 $0x167C00, s3;
	s6 =	sand.u32 $0x1, s5;
	s5 =	sadd.s32 $0x22800, s3  }
0x6: {  	s3 =	stileid.u32;
	_ =	strace $0x80000056;
	s7 =	ssub.s32 $0x2, s6  }
0x7: {  	s9 =	sshll.u32 s6, $0xA;
	s10 =	sshll.u32 s3, $0x6;
	s6 =	sshll.u32 s6, $0x6  }
0x8: {  	v2 =	vlaneseq.u32;
	s31 =	sshll.u32 s3, $0x2;
	s8 =	sshrl.u32 s7, $0x1;
	s9 =	sor.u32 s10, s9  }
0x9: {  	vm0 =	vmmov $0xffff;
	v1 =	vshrl.u32 v2, $0x3;
	s6 =	sor.u32 s31, s6;
	s10 =	simm.s32 $0x0;
	s8 =	ssub.s32 s7, s8  }
0xa: {  	v0 =	vand.u32 $0x7, v2;
	v2 =	vor.u32 $0x8, v2;
	v1 =	vmul.u32 $0x8, v1;
	s7 =	sadd.s32 s5, s9;
	s9 =	simm.s32 $0x5;
	s8 =	smax.u32 s8, $0x1  }
.LBB2_1:
0xb: {  	_ =	strace $0x80000057;
	s11 =	simm.s32 $0x8;
	s12 =	simm.s32 $0x0  }
0xc: {  	s14 =	simm.s32 $0x0;
	s13 =	simm.s32 $0x0;
	s15 =	simm.s32 $0x0  }
0xd: {  	[tilespmem:s2], [sflag:$0x1] =	stream.linear.gather [hbm4b:s7+s2], $0x80, $0x200038;
	[tilespmem:$0x10100] =	vst v63  }
0xe: {  	s16 =	simm.s32 $0x0;
	s17 =	simm.s32 $0x1;
	_ =	strace $0x90000057  }
.LBB2_2:
0xf: {  	s18 =	sadd.s32 s6, s12  }
0x10: {  	s20 =	sadd.s32 $0xFFFFFFFF, s12;
	p2 =	seq.s32 s12, $0x0;
	s12 =	sadd.s32 $0x1, s12  }
0x11: {  	s19 =	simm.s32 $0x1;
	p0 =	seq.s32 s12, $0x4  }
0x12: {  	s19 =	simm.s32 @!p0 $0x0  }
0x13: {  	s21 =	smov.u32 s14;
	s14 =	sadd.s32 s19, s14  }
0x14: {  	p1 =	seq.s32 s14, $0x2  }
0x15: {  	s23 =	sshll.u32 s21, $0x7;
	s12 =	simm.s32 @p0 $0x0;
	s14 =	simm.s32 @p1 $0x0  }
0x16: {  	s22 =	sadd.s32 s6, s12;
	s19 =	sadd.s32 s23, s18;
	s24 =	sshll.u32 s14, $0x7  }
0x17: {  	s23 =	sshra.s32 s19, $0x1F;
	s22 =	sadd.s32 s24, s22  }
0x18: {  	s25 =	sshrl.u32 s23, $0x1A;
	s26 =	sshra.s32 s22, $0x1F  }
0x19: {  	s18 =	sadd.s32 s25, s19;
	s23 =	sshrl.u32 s26, $0x1A  }
0x1a: {  	s24 =	sshra.s32 s18, $0x6;
	s18 =	sand.u32 $0xFFFFFFC0, s18;
	s23 =	sadd.s32 s23, s22  }
0x1b: {  	p4 =	slt.s32 s19, $0x1;
	p5 =	sne.s32 s19, s18;
	s25 =	sand.u32 $0xFFFFFFC0, s23  }
0x1c: {  	p6 =	slt.s32 s22, $0x1;
	p0 =	por !p4, !p5;
	p3 =	sne.s32 s22, s25  }
0x1d: {  	s18 =	simm.s32 $0x1;
	p0 =	por !p0, !p0;
	p1 =	por !p6, !p3  }
0x1e: {  	s26 =	simm.s32 $0x1;
	s18 =	simm.s32 @!p0 $0x0;
	p0 =	por !p1, !p1  }
0x1f: {  	s19 =	sand.u32 $0x3F, s19;
	s23 =	sshra.s32 s23, $0x6;
	s26 =	simm.s32 @!p0 $0x0  }
0x20: {  	s18 =	ssub.s32 s24, s18;
	s24 =	sand.u32 $0x3F, s22;
	s23 =	ssub.s32 s23, s26  }
0x21: {  	p5 =	sne.s32 s19, s24;
	p4 =	sne.s32 s18, s23  }
0x22: {  	p6 =	sne.s32 s11, $0x1;
	p1 =	por p5, p4  }
0x23: {  	p0 =	por !p6, !p1  }
0x24: {  	s20 =	simm.s32 @p2 $0x3;
	p0 =	por !p0, !p0  }
0x25: {  	s20 =	sadd.s32 s6, s20;
	s22 =	ssub.s32 @p0 s22, s25  }
0x26: {  	s25 =	simm.s32 $0x1;
	s24 =	sshll.u32 @p0 s24, $0x7;
	s23 =	sshll.u32 @p0 s23, $0xD  }
0x27: {  	_ =	strace @p0 $0x80000058;
	s24 =	sand.u32 @p0 $0x1C00, s24;
	s22 =	sshll.u32 @p0 s22, $0x7  }
0x28: {  	s25 =	simm.s32 @!p2 $0x0;
	s23 =	sor.u32 @p0 s24, s23;
	s22 =	sand.u32 @p0 $0x380, s22  }
0x29: {  	s21 =	ssub.s32 s21, s25;
	s25 =	simm.s32 @p0 $0x0;
	s22 =	sor.u32 @p0 s22, s23  }
0x2a: {  	s23 =	sand.u32 @p0 $0x1, s17;
	p2 =	seq.s32 s21, $0xFFFFFFFF;
	s21 =	sshll.u32 s21, $0x7  }
0x2b: {  	s24 =	sshll.u32 @p0 s23, $0x7;
	s22 =	sshrl.u32 @p0 s22, $0x3;
	s21 =	simm.s32 @p2 $0x80  }
0x2c: {  	s23 =	sadd.s32 @p0 $0x1, s23;
	s22 =	sadd.s32 @p0 s5, s22;
	s20 =	sadd.s32 s21, s20  }
0x2d: {  	[tilespmem:s24], [sflag:s23] =	stream.linear.gather @p0 [hbm4b:s22+s25], $0x80, $0x200038;
	[tilespmem:$0x10100] =	vst v63  }
0x2e: {  	s21 =	sshra.s32 s20, $0x1F  }
0x2f: {  	s21 =	sshrl.u32 s21, $0x1A  }
0x30: {  	s21 =	sadd.s32 s21, s20  }
0x31: {  	s28 =	sand.u32 $0xFFFFFFC0, s21  }
0x32: {  	p3 =	slt.s32 s20, $0x1;
	p4 =	sne.s32 s20, s28  }
0x33: {  	p2 =	por !p3, !p4  }
0x34: {  	s22 =	simm.s32 $0x1;
	p2 =	por !p2, !p2  }
0x35: {  	s21 =	sshra.s32 s21, $0x6;
	s22 =	simm.s32 @!p2 $0x0  }
0x36: {  	s20 =	sand.u32 $0x3F, s20;
	s21 =	ssub.s32 s21, s22  }
0x37: {  	p6 =	sne.s32 s19, s20;
	p5 =	sne.s32 s18, s21  }
0x38: {  	p4 =	seq.s32 s11, $0x8;
	p2 =	por p6, p5  }
0x39: {  	p3 =	por p4, p2  }
0x3a: {  	_ =	strace @p0 $0x90000058;
	s20 =	sand.u32 @p3 $0x1, s16  }
0x3b: {  	_ =	strace @p3 $0x80000059;
	s20 =	sadd.s32 @p3 $0x1, s20  }
0x3c: {  	_ =	swait.ge @p3 [sflag:s20], $0x80  }
0x3d: {  	[sflag:s20] =	ssyncset.done @p3 $0x0  }
0x3e: {  	[sflag:s20] =	ssyncadd.s32 @p3 $0xFFFFFF80  }
0x3f: {  	s29 =	sshll.u32 s16, $0x7;
	_ =	strace @p3 $0x90000059  }
0x40: {  	s23 =	sand.u32 $0x80, s29;
	_ =	strace $0x8000005A  }
0x41: {  	v3 =	vld [tilespmem:s23+$0x0];
	_ =	sdelay $0x4  }
0x42: {  	v4 =	vshll.u32 v3, $0x1  }
0x43: {  	v3 =	vand.u32 $0x7, v3;
	v4 =	vand.u32 $0xFFFFFFF0, v4  }
0x44: {  	v3 =	vor.u32 v3, v4  }
0x45: {  	v4 =	vperm.xlane v3, v0;
	_ =	sdelay $0x1  }
0x46: {  	v3 =	vperm.xlane v3, v2;
	v4 =	vadd.s32 v1, v4;
	_ =	sdelay $0x1  }
0x47: {  	s21 =	sand.u32 $0x1, s15;
	v3 =	vadd.s32 v1, v3  }
0x48: {  	s22 =	sshll.u32 s21, $0xF  }
0x49: {  	s20 =	sor.u32 $0x100, s22  }
0x4a: {  	[tilespmem:s20], [sflag:$0x5] =	stream.indirect_vreg.gather [hbm4b:s4+s2], $0x80, v4, vm0, $0x2000b8;
	[tilespmem:$0x10100] =	vst v63  }
0x4b: {  	s30 =	sor.u32 $0x900, s22  }
0x4c: {  	[tilespmem:s30], [sflag:$0x5] =	stream.indirect_vreg.gather [hbm4b:s4+s2], $0x80, v3, vm0, $0x2000b8;
	[tilespmem:$0x10100] =	vst v63  }
0x4d: {  	v3 =	vld [tilespmem:s23+$0x10];
	_ =	sdelay $0x4  }
0x4e: {  	v57 =	vshll.u32 v3, $0x1  }
0x4f: {  	v3 =	vand.u32 $0x7, v3;
	v4 =	vand.u32 $0xFFFFFFF0, v57  }
0x50: {  	v3 =	vor.u32 v3, v4  }
0x51: {  	v4 =	vperm.xlane v3, v0;
	_ =	sdelay $0x1  }
0x52: {  	v3 =	vperm.xlane v3, v2;
	v4 =	vadd.s32 v1, v4;
	_ =	sdelay $0x1  }
0x53: {  	v3 =	vadd.s32 v1, v3;
	_ =	sdelay $0x1  }
0x54: {  	s31 =	sor.u32 $0x1100, s22  }
0x55: {  	[tilespmem:s31], [sflag:$0x5] =	stream.indirect_vreg.gather [hbm4b:s4+s2], $0x80, v4, vm0, $0x2000b8;
	[tilespmem:$0x10100] =	vst v63  }
0x56: {  	s25 =	sor.u32 $0x1900, s22  }
0x57: {  	[tilespmem:s25], [sflag:$0x5] =	stream.indirect_vreg.gather [hbm4b:s4+s2], $0x80, v3, vm0, $0x2000b8;
	[tilespmem:$0x10100] =	vst v63  }
0x58: {  	v3 =	vld [tilespmem:s23+$0x20];
	_ =	sdelay $0x4  }
0x59: {  	v58 =	vshll.u32 v3, $0x1  }
0x5a: {  	v3 =	vand.u32 $0x7, v3;
	v4 =	vand.u32 $0xFFFFFFF0, v58  }
0x5b: {  	v3 =	vor.u32 v3, v4  }
0x5c: {  	v4 =	vperm.xlane v3, v0;
	_ =	sdelay $0x1  }
0x5d: {  	v3 =	vperm.xlane v3, v2;
	v4 =	vadd.s32 v1, v4;
	_ =	sdelay $0x1  }
0x5e: {  	v3 =	vadd.s32 v1, v3;
	_ =	sdelay $0x1  }
0x5f: {  	s26 =	sor.u32 $0x2100, s22  }
0x60: {  	[tilespmem:s26], [sflag:$0x5] =	stream.indirect_vreg.gather [hbm4b:s4+s2], $0x80, v4, vm0, $0x2000b8;
	[tilespmem:$0x10100] =	vst v63  }
0x61: {  	s28 =	sor.u32 $0x2900, s22  }
0x62: {  	[tilespmem:s28], [sflag:$0x5] =	stream.indirect_vreg.gather [hbm4b:s4+s2], $0x80, v3, vm0, $0x2000b8;
	[tilespmem:$0x10100] =	vst v63  }
0x63: {  	v3 =	vld [tilespmem:s23+$0x30];
	_ =	sdelay $0x4  }
0x64: {  	v59 =	vshll.u32 v3, $0x1  }
0x65: {  	v3 =	vand.u32 $0x7, v3;
	v4 =	vand.u32 $0xFFFFFFF0, v59  }
0x66: {  	v3 =	vor.u32 v3, v4  }
0x67: {  	v4 =	vperm.xlane v3, v0;
	_ =	sdelay $0x1  }
0x68: {  	v3 =	vperm.xlane v3, v2;
	v4 =	vadd.s32 v1, v4;
	_ =	sdelay $0x1  }
0x69: {  	v3 =	vadd.s32 v1, v3;
	_ =	sdelay $0x1  }
0x6a: {  	s29 =	sor.u32 $0x3100, s22  }
0x6b: {  	[tilespmem:s29], [sflag:$0x5] =	stream.indirect_vreg.gather [hbm4b:s4+s2], $0x80, v4, vm0, $0x2000b8;
	[tilespmem:$0x10100] =	vst v63  }
0x6c: {  	s30 =	sor.u32 $0x3900, s22  }
0x6d: {  	[tilespmem:s30], [sflag:$0x5] =	stream.indirect_vreg.gather [hbm4b:s4+s2], $0x80, v3, vm0, $0x2000b8;
	[tilespmem:$0x10100] =	vst v63  }
0x6e: {  	v3 =	vld [tilespmem:s23+$0x40];
	_ =	sdelay $0x4  }
0x6f: {  	v60 =	vshll.u32 v3, $0x1  }
0x70: {  	v3 =	vand.u32 $0x7, v3;
	v4 =	vand.u32 $0xFFFFFFF0, v60  }
0x71: {  	v3 =	vor.u32 v3, v4  }
0x72: {  	v4 =	vperm.xlane v3, v0;
	_ =	sdelay $0x1  }
0x73: {  	v3 =	vperm.xlane v3, v2;
	v4 =	vadd.s32 v1, v4;
	_ =	sdelay $0x1  }
0x74: {  	v3 =	vadd.s32 v1, v3;
	_ =	sdelay $0x1  }
0x75: {  	s31 =	sor.u32 $0x4100, s22  }
0x76: {  	[tilespmem:s31], [sflag:$0x5] =	stream.indirect_vreg.gather [hbm4b:s4+s2], $0x80, v4, vm0, $0x2000b8;
	[tilespmem:$0x10100] =	vst v63  }
0x77: {  	s25 =	sor.u32 $0x4900, s22  }
0x78: {  	[tilespmem:s25], [sflag:$0x5] =	stream.indirect_vreg.gather [hbm4b:s4+s2], $0x80, v3, vm0, $0x2000b8;
	[tilespmem:$0x10100] =	vst v63  }
0x79: {  	v3 =	vld [tilespmem:s23+$0x50];
	_ =	sdelay $0x4  }
0x7a: {  	v61 =	vshll.u32 v3, $0x1  }
0x7b: {  	v3 =	vand.u32 $0x7, v3;
	v4 =	vand.u32 $0xFFFFFFF0, v61  }
0x7c: {  	v3 =	vor.u32 v3, v4  }
0x7d: {  	v4 =	vperm.xlane v3, v0;
	_ =	sdelay $0x1  }
0x7e: {  	v3 =	vperm.xlane v3, v2;
	v4 =	vadd.s32 v1, v4;
	_ =	sdelay $0x1  }
0x7f: {  	v3 =	vadd.s32 v1, v3;
	_ =	sdelay $0x1  }
0x80: {  	s26 =	sor.u32 $0x5100, s22  }
0x81: {  	[tilespmem:s26], [sflag:$0x5] =	stream.indirect_vreg.gather [hbm4b:s4+s2], $0x80, v4, vm0, $0x2000b8;
	[tilespmem:$0x10100] =	vst v63  }
0x82: {  	s28 =	sor.u32 $0x5900, s22  }
0x83: {  	[tilespmem:s28], [sflag:$0x5] =	stream.indirect_vreg.gather [hbm4b:s4+s2], $0x80, v3, vm0, $0x2000b8;
	[tilespmem:$0x10100] =	vst v63  }
0x84: {  	v3 =	vld [tilespmem:s23+$0x60];
	_ =	sdelay $0x4  }
0x85: {  	v62 =	vshll.u32 v3, $0x1  }
0x86: {  	v3 =	vand.u32 $0x7, v3;
	v4 =	vand.u32 $0xFFFFFFF0, v62  }
0x87: {  	v3 =	vor.u32 v3, v4  }
0x88: {  	v4 =	vperm.xlane v3, v0;
	_ =	sdelay $0x1  }
0x89: {  	v3 =	vperm.xlane v3, v2;
	v4 =	vadd.s32 v1, v4;
	_ =	sdelay $0x1  }
0x8a: {  	v3 =	vadd.s32 v1, v3;
	_ =	sdelay $0x1  }
0x8b: {  	s29 =	sor.u32 $0x6100, s22  }
0x8c: {  	[tilespmem:s29], [sflag:$0x5] =	stream.indirect_vreg.gather [hbm4b:s4+s2], $0x80, v4, vm0, $0x2000b8;
	[tilespmem:$0x10100] =	vst v63  }
0x8d: {  	s30 =	sor.u32 $0x6900, s22  }
0x8e: {  	[tilespmem:s30], [sflag:$0x5] =	stream.indirect_vreg.gather [hbm4b:s4+s2], $0x80, v3, vm0, $0x2000b8;
	[tilespmem:$0x10100] =	vst v63  }
0x8f: {  	v3 =	vld [tilespmem:s23+$0x70];
	_ =	sdelay $0x4  }
0x90: {  	v63 =	vshll.u32 v3, $0x1  }
0x91: {  	v3 =	vand.u32 $0x7, v3;
	v4 =	vand.u32 $0xFFFFFFF0, v63  }
0x92: {  	v3 =	vor.u32 v3, v4  }
0x93: {  	v4 =	vperm.xlane v3, v0;
	_ =	sdelay $0x1  }
0x94: {  	v3 =	vperm.xlane v3, v2;
	v4 =	vadd.s32 v1, v4;
	_ =	sdelay $0x1  }
0x95: {  	v3 =	vadd.s32 v1, v3  }
0x96: {  	p5 =	seq.s32 s11, $0x1  }
0x97: {  	p6 =	sne.s32 s11, $0x8;
	p1 =	por p5, p1;
	s31 =	sor.u32 $0x7100, s22  }
0x98: {  	[tilespmem:s31], [sflag:$0x5] =	stream.indirect_vreg.gather [hbm4b:s4+s2], $0x80, v4, vm0, $0x2000b8;
	[tilespmem:$0x10100] =	vst v63  }
0x99: {  	s19 =	sshll.u32 @p1 s19, $0x11;
	s18 =	sshll.u32 @p1 s18, $0xB;
	s22 =	sor.u32 $0x7900, s22  }
0x9a: {  	[tilespmem:s22], [sflag:$0x5] =	stream.indirect_vreg.gather [hbm4b:s4+s2], $0x80, v3, vm0, $0x2000b8;
	[tilespmem:$0x10100] =	vst v63  }
0x9b: {  	p2 =	por !p6, !p2;
	s18 =	sadd.s32 @p1 s19, s18;
	_ =	swait.ge [sflag:s9], $0x8000  }
0x9c: {  	s19 =	sadd.s32 @p1 $0x3, s21;
	s18 =	sshrl.u32 @p1 s18, $0x3;
	[sflag:s9] =	ssyncset.done $0x0  }
0x9d: {  	s21 =	simm.s32 @p1 $0x800;
	s18 =	sadd.s32 @p1 s1, s18;
	[sflag:s9] =	ssyncadd.s32 $0xFFFF8000  }
0x9e: {  	s23 =	simm.s32 @p1 $0x2000;
	s22 =	simm.s32 $0x1;
	_ =	strace $0x9000005A  }
0x9f: {  	s22 =	simm.s32 @!p0 $0x0;
	p0 =	por !p2, !p2;
	_ =	strace @p1 $0x8000005B  }
0xa0: {  	[hbm4b:s18+s21] =	stream.strided.scatter @p1 [tilespmem:s20], [sflag:s19], $0x8000, s23, s21, $0x200038;
	[tilespmem:$0x10100] =	vst v63  }
0xa1: {  	s11 =	sadd.s32 $0xFFFFFFFF, s11;
	s18 =	simm.s32 $0x1;
	s19 =	sand.u32 @p0 $0x1, s13  }
0xa2: {  	_ =	strace @p1 $0x9000005B;
	s18 =	simm.s32 @!p1 $0x0;
	p1 =	sne.s32 s11, $0x0  }
.Ltmp0:
0xa3: {  	s19 =	sadd.s32 @p0 $0x3, s19;
	_ =	strace @p0 $0x8000005C;
	(pc) =	sbr.rel @p1 .LBB2_2-.Ltmp0, $4  }
0xa4: {  	_ =	swait.ge @p0 [sflag:s19], $0x8000  }
0xa5: {  	s17 =	sadd.s32 s22, s17;
	s20 =	simm.s32 $0x1;
	[sflag:s19] =	ssyncset.done @p0 $0x0  }
0xa6: {  	s20 =	simm.s32 @!p0 $0x0;
	s15 =	sadd.s32 s18, s15;
	[sflag:s19] =	ssyncadd.s32 @p0 $0xFFFF8000  }
0xa7: {  	s13 =	sadd.s32 s20, s13;
	s16 =	sadd.s32 s18, s16;
	_ =	strace @p0 $0x9000005C  }
0xa8: {  	s10 =	sadd.s32 $0x1, s10  }
0xa9: {  	s11 =	sand.u32 $0x1, s13;
	p0 =	sne.s32 s10, s8  }
.Ltmp1:
0xaa: {  	_ =	strace $0x8000005D;
	s11 =	sadd.s32 $0x3, s11;
	(pc) =	sbr.rel @p0 .LBB2_1-.Ltmp1, $4  }
0xab: {  	_ =	swait.ge [sflag:s11], $0x8000  }
0xac: {  	[sflag:s11] =	ssyncset.done $0x0  }
0xad: {  	[sflag:s11] =	ssyncadd.s32 $0xFFFF8000  }
0xae: {  	_ =	strace $0x9000005D  }
0xaf: {  	_ =	sfence.sel $0x180000  }
0xb0: {  	[bflag:$0x0] =	sbarrier.arrive $0xFFFF  }
0xb1: {  	p0 =	sne.s32 s3, $0x0;
	_ =	strace $0x90000056  }
0xb2: {  	s0 =	sadd.s32 @!p0 $0x100000, s0;
	[bflag:$0x2] =	sbarrier.arrive $0xFFFF  }
0xb3: {  	[sflag:s0] =	ssyncadd.tile.s32 @!p0 $0x1;
	_ =	shalt  }
.Lfunc_end2:
_tile_overlayer_lowered:
.L_overlay_start_2:
0xb4: {  	(tag) =	ssettag $0x2  }
0xb5: {  	s0 =	rddreg [dreg:$0x0];
	s2 =	stileid.u32  }
0xb6: {  	s1 =	rddreg [dreg:$0x1];
	p0 =	sne.s32 s2, $0x0  }
0xb7: {  	s3 =	rddreg [dreg:$0x2];
	[bflag:$0x3] =	sbarrier.arrive $0xFFFF;
	s2 =	simm.s32 @!p0 $0x1C01  }
0xb8: {  	[timem:s3], [sflag:s2] =	dma.local @!p0 [hbm:s0], s1  }
0xb9: {  	s0 =	simm.s32 @!p0 $0x1  }
0xba: {  	_ =	swait.ge @!p0 [sflag:s0], s1  }
0xbb: {  	s1 =	ssub.s32 @!p0 $0x0, s1;
	[sflag:s0] =	ssyncset.done @!p0 $0x0  }
0xbc: {  	[sflag:s0] =	ssyncadd.s32 @!p0 s1  }
0xbd: {  	[bflag:$0x3] =	sbarrier.arrive $0xFFFF  }
0xbe: {  	_ =	shalt  }

// kernel: kernel.7.cloned.1.call-start
scs
__scs_entry_jumppad:
0x0: {  	(pc) =	sbr.rel $0x88, $3  }
0x1: {  	(tag) =	ssettag $0x0;
	lr =	simm.s32 $0x1  }
0x2: {  	[smem:$0x3F93] =	sst lr;
	_ =	strace $0xD0000000  }
0x3: {  	_ = 	snop  }
0x4: {  	_ = 	snop  }
0x5: {  	_ = 	snop  }
0x6: {  	_ = 	snop  }
0x7: {  	_ = 	snop  }
__scs_overlays_trampoline_lowered:
0x8: {  	[smem:$0x3FA2] =	sst s0  }
0x9: {  	[smem:$0x3FA3] =	sst s1  }
0xa: {  	[smem:$0x3FA4] =	sst s2  }
0xb: {  	[smem:$0x3FA5] =	sst s3  }
0xc: {  	[smem:$0x3FA6] =	sst s4  }
0xd: {  	[smem:$0x3FA7] =	sst s5  }
0xe: {  	[smem:$0x3FA8] =	sst s6  }
0xf: {  	[smem:$0x3FA9] =	sst s7  }
0x10: {  	[smem:$0x3FAA] =	sst s8  }
0x11: {  	[smem:$0x3FAB] =	sst s9;
	s0 =	simm.s32 @!p0 $0x0  }
0x12: {  	s1 =	sld [smem:$0x3F91];
	s0 =	simm.s32 @p0 $0x1  }
0x13: {  	[smem:$0x3FAC] =	sst s0;
	s0 =	simm.s32 @!p1 $0x0  }
0x14: {  	s2 =	sld [smem:$0x3F90];
	s0 =	simm.s32 @p1 $0x1  }
0x15: {  	[smem:$0x3FAD] =	sst s0;
	s0 =	simm.s32 @!p2 $0x0  }
0x16: {  	s3 =	sld [smem:$0x3FDB];
	s0 =	simm.s32 @p2 $0x1  }
0x17: {  	s4 =	simm.s32 $0x1BF5;
	[smem:$0x3FAF] =	sst s0  }
0x18: {  	s0 =	sld [smem:$0x3F92];
	_ =	swait.ge [sflag:s4], $0x0  }
0x19: {  	s7 =	sld [smem:$0x3F93]  }
0x1a: {  	s8 =	sadd.s32 $0xFFFFE003, lr  }
0x1b: {  	s9 =	sadd.s32 $0xFFFFFEF7, lr;
	s5 =	simm.s32 $0xFFFFFFFF;
	p2 =	slt.u32 s8, $0xFFFFF086  }
0x1c: {  	p1 =	slt.u32 s9, $0xF7A;
	s5 =	simm.s32 @!p2 $0x0  }
0x1d: {  	s5 =	simm.s32 @p1 $0x1;
	p0 =	seq.s32 s7, s2  }
0x1e: {  	s7 =	smul.u32 @!p0 $0xF7A, s2;
	p2 =	seq.s32 @!p0 s5, $0x0  }
0x1f: {  	s9 =	smul.u32 $0xF7A, s1;
	s8 =	simm.s32 @!p0 $0x1BF5;
	p2 =	por !p2, p0  }
0x20: {  	[sflag:s8] =	ssyncset.s32 @!p0 $0xFFFFF086;
	s6 =	sadd.s32 @!p0 s3, s7;
	s7 =	simm.s32 @!p0 $0x108  }
0x21: {  	s3 =	sadd.s32 s3, s9;
	s6 =	sadd.s32 @!p0 $0x88, s6;
	s7 =	simm.s32 @p2 $0x1082  }
0x22: {  	[simem:s7], [sflag:s8] =	dma.local @!p0 [hbm:s6], $0xF7A  }
0x23: {  	s9 =	sor.u32 $0xD0000000, s2;
	s6 =	simm.s32 $0x108;
	_ =	swait.ge @!p0 [sflag:s8], $0x0  }
0x24: {  	s3 =	sadd.s32 $0x88, s3;
	s6 =	simm.s32 @!p1 $0x1082;
	[sflag:s4] =	ssyncset.s32 $0xFFFFF086  }
0x25: {  	[simem:s6], [sflag:s4] =	dma.local [hbm:s3], $0xF7A  }
0x26: {  	[smem:$0x3F93] =	sst s1;
	(tag) =	ssettag s2;
	_ =	strace s9  }
0x27: {  	s1 =	sld [smem:$0x3FA3]  }
0x28: {  	s2 =	sld [smem:$0x3FA4]  }
0x29: {  	s4 =	sld [smem:$0x3FA6]  }
0x2a: {  	p0 =	seq.s32 s5, $0x0;
	s5 =	sld [smem:$0x3FA7]  }
0x2b: {  	s6 =	sld [smem:$0x3FA8]  }
0x2c: {  	s7 =	sld [smem:$0x3FA9]  }
0x2d: {  	s3 =	simm.s32 $0x108;
	s8 =	sld [smem:$0x3FAA]  }
0x2e: {  	s3 =	simm.s32 @!p0 $0x1082;
	s9 =	sld [smem:$0x3FAB]  }
0x2f: {  	lr =	sadd.s32 s0, s3;
	s0 =	sld [smem:$0x3FA2]  }
0x30: {  	s3 =	sld [smem:$0x3FA5]  }
0x31: {  	[smem:$0x3FAE] =	sst s10  }
0x32: {  	s10 =	sld [smem:$0x3FAC];
	_ =	sdelay $0x3  }
0x33: {  	p0 =	seq.s32 s10, $0x1;
	s10 =	sld [smem:$0x3FAE];
	_ =	sdelay $0x3  }
0x34: {  	[smem:$0x3FAE] =	sst s10  }
0x35: {  	s10 =	sld [smem:$0x3FAD];
	_ =	sdelay $0x3  }
0x36: {  	p1 =	seq.s32 s10, $0x1;
	s10 =	sld [smem:$0x3FAE];
	_ =	sdelay $0x3  }
0x37: {  	[smem:$0x3FAE] =	sst s10  }
0x38: {  	s10 =	sld [smem:$0x3FAF]  }
0x39: {  	_ = 	snop;
	(pc) =	sbr.ind lr, $3  }
0x3a: {  	_ = 	snop  }
0x3b: {  	_ = 	snop  }
0x3c: {  	p2 =	seq.s32 s10, $0x1;
	s10 =	sld [smem:$0x3FAE]  }
0x3d: {  	_ =	shalt  }
0x3e: {  	_ =	shalt  }
0x3f: {  	_ =	shalt  }
0x40: {  	_ =	shalt  }
0x41: {  	_ =	shalt  }
0x42: {  	_ =	shalt  }
0x43: {  	_ =	shalt  }
0x44: {  	_ =	shalt  }
0x45: {  	_ =	shalt  }
0x46: {  	_ =	shalt  }
0x47: {  	_ =	shalt  }
0x48: {  	_ =	shalt  }
0x49: {  	_ =	shalt  }
0x4a: {  	_ =	shalt  }
0x4b: {  	_ =	shalt  }
0x4c: {  	_ =	shalt  }
0x4d: {  	_ =	shalt  }
0x4e: {  	_ =	shalt  }
0x4f: {  	_ =	shalt  }
0x50: {  	_ =	shalt  }
0x51: {  	_ =	shalt  }
0x52: {  	_ =	shalt  }
0x53: {  	_ =	shalt  }
0x54: {  	_ =	shalt  }
0x55: {  	_ =	shalt  }
0x56: {  	_ =	shalt  }
0x57: {  	_ =	shalt  }
0x58: {  	_ =	shalt  }
0x59: {  	_ =	shalt  }
0x5a: {  	_ =	shalt  }
0x5b: {  	_ =	shalt  }
0x5c: {  	_ =	shalt  }
0x5d: {  	_ =	shalt  }
0x5e: {  	_ =	shalt  }
0x5f: {  	_ =	shalt  }
0x60: {  	_ =	shalt  }
0x61: {  	_ =	shalt  }
0x62: {  	_ =	shalt  }
0x63: {  	_ =	shalt  }
0x64: {  	_ =	shalt  }
0x65: {  	_ =	shalt  }
0x66: {  	_ =	shalt  }
0x67: {  	_ =	shalt  }
0x68: {  	_ =	shalt  }
0x69: {  	_ =	shalt  }
0x6a: {  	_ =	shalt  }
0x6b: {  	_ =	shalt  }
0x6c: {  	_ =	shalt  }
0x6d: {  	_ =	shalt  }
0x6e: {  	_ =	shalt  }
0x6f: {  	_ =	shalt  }
0x70: {  	_ =	shalt  }
0x71: {  	_ =	shalt  }
0x72: {  	_ =	shalt  }
0x73: {  	_ =	shalt  }
0x74: {  	_ =	shalt  }
0x75: {  	_ =	shalt  }
0x76: {  	_ =	shalt  }
0x77: {  	_ =	shalt  }
0x78: {  	_ =	shalt  }
0x79: {  	_ =	shalt  }
0x7a: {  	_ =	shalt  }
0x7b: {  	_ =	shalt  }
0x7c: {  	_ =	shalt  }
0x7d: {  	_ =	shalt  }
0x7e: {  	_ =	shalt  }
0x7f: {  	_ =	shalt  }
0x80: {  	_ =	shalt  }
0x81: {  	_ =	shalt  }
0x82: {  	_ =	shalt  }
0x83: {  	_ =	shalt  }
0x84: {  	_ =	shalt  }
0x85: {  	_ =	shalt  }
0x86: {  	_ =	shalt  }
0x87: {  	_ =	shalt  }
.Lfunc_end0:
.L_simem_size_0:
called_computation_lowered:
.L_overlay_start_0:
0x88: {  	s2 =	sld [smem:$0x3FD9]  }
0x89: {  	s3 =	sld [smem:$0x3FFE];
	_ =	sdelay $0x1  }
0x8a: {  	s1 =	srdreg.scid  }
0x8b: {  	s0 =	sand.u32 $0x1, s1  }
0x8c: {  	s17 =	sshll.u32 s0, $0xA;
	s2 =	sadd.s32 s3, s2  }
0x8d: {  	s2 =	sadd.s32 s2, s17  }
0x8e: {  	[smem:$0x3FBA] =	sst s2  }
0x8f: {  	_ = 	snop  }
0x90: {  	s2 =	sld [smem:$0x3FD0];
	(tm) =	ssettm $0x1  }
0x91: {  	s18 =	sld [smem:$0x3FFB];
	_ =	sdelay $0x3  }
0x92: {  	_ =	strace s18  }
0x93: {  	s3 =	sld [smem:$0x3FFC];
	_ =	sdelay $0x3  }
0x94: {  	_ =	strace s3  }
0x95: {  	s3 =	sld [smem:$0x3FFD];
	_ =	sdelay $0x3  }
0x96: {  	_ =	strace s3  }
0x97: {  	_ =	strace $0x8FFFFFFF  }
0x98: {  	s19 =	sld [smem:$0x3FDB];
	_ =	sdelay $0x1  }
0x99: {  	s4 =	simm.s32 $_scs_section_size  }
0x9a: {  	s5 =	simm.s32 $_size__tile_overlayer_lowered;
	s6 =	simm.s32 $_tile_overlayer_lowered  }
0x9b: {  	s22 =	simm.s32 $0x1BFF;
	s21 =	sshll.u32 s6, $0x1;
	s3 =	sadd.s32 s4, s19  }
0x9c: {  	s7 =	simm.s32 $0x0;
	s20 =	sshll.u32 s5, $0x1;
	s5 =	sadd.s32 s21, s3  }
0x9d: {  	[timem:s7], [sflag:s22] =	dma.local [hbm:s5], s20  }
0x9e: {  	_ =	swait.ge [sflag:s22], s20  }
0x9f: {  	s4 =	ssub.s32 $0x0, s20;
	[sflag:s22] =	ssyncset.done $0x0  }
0xa0: {  	[sflag:s22] =	ssyncadd.s32 s4;
	_ =	sdelay $0x1  }
0xa1: {  	s23 =	simm.s32 $0x1B8B  }
0xa2: {  	_ =	swait.ge [sflag:s23], $0x1  }
0xa3: {  	[sflag:s23] =	ssyncset.done $0x0  }
0xa4: {  	s25 =	simm.s32 $0x1B8E;
	s24 =	sld [smem:$0x3FFE];
	[sflag:s23] =	ssyncadd.s32 $0xFFFFFFFF  }
0xa5: {  	s26 =	simm.s32 $execute0_lowered;
	[smem:$0x3FD2] =	sst s25  }
0xa6: {  	s5 =	sshll.u32 s26, $0x1;
	_ =	strace $0x80000046;
	[dreg:$0x1] =	wrdreg $0xFFFFFFFF  }
0xa7: {  	s28 =	simm.s32 $_size_execute0_lowered;
	s3 =	sadd.s32 s3, s5;
	[dreg:$0x0] =	wrdreg $0x0  }
0xa8: {  	s5 =	sshll.u32 s28, $0x1;
	[dreg:$0x2] =	wrdreg s3  }
0xa9: {  	[dreg:$0x3] =	wrdreg s5  }
0xaa: {  	[dreg:$0x4] =	wrdreg $0xC0  }
0xab: {  	_ =	task [dreg:s7], $0x5FFFF  }
0xac: {  	[dreg:$0x1] =	wrdreg $0xFFFFFFFF  }
0xad: {  	[dreg:$0x0] =	wrdreg $0x60  }
0xae: {  	[dreg:$0x2] =	wrdreg s2  }
0xaf: {  	[dreg:$0x3] =	wrdreg s24  }
0xb0: {  	[dreg:$0x4] =	wrdreg $0x9  }
0xb1: {  	_ =	task.clear_ibuf [dreg:s7], $0x5FFFF;
	_ =	strace $0x90000046  }
0xb2: {  	s29 =	simm.s32 $0x9;
	_ =	strace $0x80000054  }
0xb3: {  	_ =	swait.ge [sflag:s29], $0x1  }
0xb4: {  	[sflag:s29] =	ssyncadd.s32 $0xFFFFFFFF  }
0xb5: {  	_ =	strace $0x90000054  }
0xb6: {  	_ =	sfence  }
0xb7: {  	s30 =	sld [smem:$0x0];
	_ =	sdelay $0x2  }
0xb8: {  	s31 =	sshll.u32 s1, $0xD;
	s1 =	sshrl.u32 s1, $0x2  }
0xb9: {  	s3 =	sand.u32 $0x4000, s31;
	s1 =	sadd.s32 s1, s30  }
0xba: {  	s0 =	sor.u32 s3, s0;
	s1 =	sshll.u32 s1, $0x11  }
0xbb: {  	s0 =	sor.u32 s1, s0  }
0xbc: {  	s0 =	sadd.s32 $0x8F2B, s0  }
0xbd: {  	[sflag:s0] =	ssyncadd.remote.s32 $0x1  }
0xbe: {  	_ =	sfence.sel $0xFFFF  }
0xbf: {  	[dreg:$0x0] =	wrdreg $0xFFFFFFFF;
	(pc) =	sbr.abs _section_cstart, $3  }
0xc0: {  	[dreg:$0x1] =	wrdreg $0xFFFFFFFF  }
0xc1: {  	_ =	task.clear_ibuf [dreg:s7], $0x2FFFF;
	_ =	strace $0x9FFFFFFF  }
0xc2: {  	(tm) =	ssettm $0x7FFFFFFF  }
0xc3: {  	_ =	shalt  }
tec
execute0_lowered:
.L_overlay_start_1:
0x0: {  	(tag) =	ssettag $0x1  }
0x1: {  	s1 =	rddreg [dreg:$0x0]  }
0x2: {  	s0 =	rddreg [dreg:$0x1];
	s2 =	simm.s32 $0x0;
	s4 =	srdreg.scid  }
0x3: {  	s13 =	stileid.u32;
	s16 =	simm.s32 $0x1;
	s17 =	simm.s32 $0x5  }
0x4: {  	[smem:$0x7FF] =	sst s2;
	s8 =	sadd.s32 $0x2800, s0;
	s3 =	sadd.s32 $0x22800, s0  }
0x5: {  	s4 =	sand.u32 $0x1, s4;
	s9 =	sadd.s32 $0x23800, s0;
	s5 =	sadd.s32 $0x47C00, s0  }
0x6: {  	s6 =	sadd.s32 $0x23C00, s0;
	s12 =	sshll.u32 s13, $0x6;
	s23 =	sshll.u32 s13, $0x7  }
0x7: {  	_ =	strace $0x80000047;
	s7 =	ssub.s32 $0x2, s4;
	s11 =	sshll.u32 s4, $0x4  }
0x8: {  	s4 =	sshll.u32 s4, $0xA;
	s21 =	sadd.s32 s3, s12;
	s24 =	sand.u32 $0x380, s23  }
0x9: {  	s23 =	simm.s32 $0x2;
	s10 =	sshrl.u32 s7, $0x1;
	s20 =	sor.u32 s13, s11  }
0xa: {  	s4 =	sadd.s32 s4, s21;
	s21 =	simm.s32 $0x3;
	s19 =	ssub.s32 s7, s10  }
0xb: {  	s7 =	sshll.u32 s20, $0x2;
	s11 =	sshll.u32 s20, $0xE;
	[dreg:$0x4] =	wrdreg s4  }
0xc: {  	s22 =	sshll.u32 s20, $0x7;
	s25 =	sor.u32 $0x20, s20;
	s10 =	sshll.u32 s20, $0xB  }
0xd: {  	s20 =	simm.s32 $0x8080;
	s11 =	sadd.s32 s1, s11;
	s4 =	sand.u32 $0xC00, s22  }
0xe: {  	s26 =	sshll.u32 s25, $0x7;
	s10 =	sadd.s32 s8, s10;
	[dreg:$0x3] =	wrdreg s11  }
0xf: {  	s29 =	sshll.u32 s25, $0xB;
	s0 =	smax.u32 s19, $0x1;
	[dreg:$0x5] =	wrdreg s10  }
0x10: {  	s4 =	sor.u32 s24, s4;
	s28 =	sand.u32 $0x1C00, s26;
	[dreg:$0x7] =	wrdreg s0  }
0x11: {  	s30 =	sadd.s32 s8, s29;
	s4 =	sshrl.u32 s4, $0x3;
	s10 =	sor.u32 s24, s28  }
0x12: {  	v2 =	vlaneseq.u32;
	[dreg:$0x8] =	wrdreg s30;
	s4 =	sadd.s32 s9, s4;
	s31 =	sshrl.u32 s10, $0x3  }
0x13: {  	vm0 =	vmmov $0xffff;
	v1 =	vshrl.u32 v2, $0x3;
	s22 =	simm.s32 $0x80;
	[dreg:$0x6] =	wrdreg s4;
	s0 =	sadd.s32 s9, s31  }
0x14: {  	v0 =	vand.u32 $0x7, v2;
	v2 =	vor.u32 $0x8, v2;
	v1 =	vmul.u32 $0x8, v1;
	s25 =	simm.s32 $0x0;
	s24 =	simm.s32 $0x4;
	[dreg:$0x9] =	wrdreg s0  }
.LBB2_1:
0x15: {  	_ =	strace $0x80000048;
	s4 =	simm.s32 $0x10000;
	s26 =	simm.s32 $0x8  }
0x16: {  	s28 =	simm.s32 $0x0;
	s11 =	simm.s32 $0x0;
	s0 =	rddreg [dreg:$0x3]  }
0x17: {  	[tilespmem:s2], [sflag:$0x1] =	stream.linear.gather [hbm4b:s0+s2], $0x8000, $0x200038;
	[tilespmem:$0x10100] =	vst v63  }
0x18: {  	s29 =	simm.s32 $0x0;
	s31 =	simm.s32 $0x1;
	s30 =	rddreg [dreg:$0x4]  }
0x19: {  	[tilespmem:s4], [sflag:$0x3] =	stream.linear.gather [hbm4b:s30+s2], $0x80, $0x200038;
	[tilespmem:$0x10100] =	vst v63  }
0x1a: {  	s0 =	simm.s32 $0x0;
	s4 =	simm.s32 $0x1;
	_ =	strace $0x90000048  }
.LBB2_2:
0x1b: {  	s9 =	sadd.s32 s7, s28  }
0x1c: {  	s8 =	sadd.s32 $0xFFFFFFFF, s28;
	p4 =	seq.s32 s28, $0x0;
	s28 =	sadd.s32 $0x1, s28  }
0x1d: {  	s10 =	simm.s32 $0x1;
	p0 =	seq.s32 s28, $0x4  }
0x1e: {  	s10 =	simm.s32 @!p0 $0x0  }
0x1f: {  	s30 =	smov.u32 s11;
	s11 =	sadd.s32 s10, s11  }
0x20: {  	p1 =	seq.s32 s11, $0x2  }
0x21: {  	s28 =	simm.s32 @p0 $0x0;
	s11 =	simm.s32 @p1 $0x0  }
0x22: {  	s15 =	sshll.u32 s30, $0x7;
	s19 =	sadd.s32 s7, s28;
	s12 =	sshll.u32 s11, $0x7  }
0x23: {  	s15 =	sadd.s32 s15, s9;
	s12 =	sadd.s32 s12, s19  }
0x24: {  	p3 =	sne.s32 s26, $0x1;
	p0 =	sne.s32 s15, s12  }
0x25: {  	s9 =	simm.s32 @!p0 $0x0;
	p2 =	por !p3, !p0  }
0x26: {  	s9 =	simm.s32 @p0 $0x1;
	p1 =	por !p2, !p2  }
0x27: {  	[smem:$0x7FD] =	sst s9;
	s9 =	sand.u32 @p1 $0x1, s4;
	s10 =	sshll.u32 @p1 s12, $0xC  }
0x28: {  	s18 =	simm.s32 @p1 $0x0;
	_ =	strace @p1 $0x80000049;
	s10 =	sand.u32 @p1 $0x1FFFF000, s10  }
0x29: {  	s13 =	sshll.u32 @p1 s9, $0xF;
	s9 =	sadd.s32 @p1 $0x1, s9;
	s10 =	sadd.s32 @p1 s1, s10  }
0x2a: {  	[tilespmem:s13], [sflag:s9] =	stream.linear.gather @p1 [hbm4b:s10+s18], $0x8000, $0x200038;
	[tilespmem:$0x10100] =	vst v63  }
0x2b: {  	s10 =	sshra.s32 s15, $0x1F;
	s13 =	sshra.s32 s12, $0x1F  }
0x2c: {  	p6 =	slt.s32 s12, $0x1;
	s9 =	sshrl.u32 s10, $0x1A;
	s10 =	sshrl.u32 s13, $0x1A  }
0x2d: {  	p2 =	slt.s32 s15, $0x1;
	s9 =	sadd.s32 s9, s15;
	s10 =	sadd.s32 s10, s12  }
0x2e: {  	s13 =	simm.s32 $0x1;
	s14 =	sand.u32 $0xFFFFFFC0, s9;
	s18 =	sand.u32 $0xFFFFFFC0, s10  }
0x2f: {  	s9 =	sshra.s32 s9, $0x6;
	p5 =	sne.s32 s15, s14;
	p0 =	sne.s32 s12, s18  }
0x30: {  	s19 =	sshra.s32 s10, $0x6;
	p2 =	por !p2, !p5;
	p0 =	por !p6, !p0  }
0x31: {  	s14 =	simm.s32 $0x1;
	p2 =	por !p2, !p2;
	p0 =	por !p0, !p0  }
0x32: {  	s10 =	sand.u32 $0x3F, s15;
	s13 =	simm.s32 @!p2 $0x0;
	s14 =	simm.s32 @!p0 $0x0  }
0x33: {  	s9 =	ssub.s32 s9, s13;
	s13 =	ssub.s32 s19, s14;
	s14 =	sand.u32 $0x3F, s12  }
0x34: {  	p5 =	sne.s32 s9, s13;
	p6 =	sne.s32 s10, s14  }
0x35: {  	p2 =	por p6, p5  }
0x36: {  	p0 =	por !p3, !p2  }
0x37: {  	_ =	strace @p1 $0x90000049;
	s19 =	simm.s32 $0x1;
	p3 =	por !p0, !p0  }
0x38: {  	s19 =	simm.s32 @!p4 $0x0;
	s12 =	ssub.s32 @p3 s12, s18;
	s14 =	sshll.u32 @p3 s14, $0x7  }
0x39: {  	s13 =	sshll.u32 @p3 s13, $0xD;
	s14 =	sand.u32 @p3 $0x1C00, s14;
	s12 =	sshll.u32 @p3 s12, $0x7  }
0x3a: {  	s19 =	ssub.s32 s30, s19;
	s13 =	sor.u32 @p3 s14, s13;
	s12 =	sand.u32 @p3 $0x380, s12  }
0x3b: {  	_ =	strace @p3 $0x8000004A;
	s14 =	sand.u32 @p3 $0x1, s31;
	s12 =	sor.u32 @p3 s12, s13  }
0x3c: {  	s18 =	simm.s32 @p3 $0x0;
	s13 =	sshll.u32 @p3 s14, $0x7;
	s12 =	sshrl.u32 @p3 s12, $0x3  }
0x3d: {  	s14 =	sadd.s32 @p3 $0x3, s14;
	s13 =	sor.u32 @p3 $0x10000, s13;
	s12 =	sadd.s32 @p3 s3, s12  }
0x3e: {  	[tilespmem:s13], [sflag:s14] =	stream.linear.gather @p3 [hbm4b:s12+s18], $0x80, $0x200038;
	[tilespmem:$0x10100] =	vst v63  }
0x3f: {  	s8 =	simm.s32 @p4 $0x3;
	p0 =	seq.s32 s19, $0xFFFFFFFF;
	s12 =	sshll.u32 s19, $0x7  }
0x40: {  	s8 =	sadd.s32 s7, s8;
	s12 =	simm.s32 @p0 $0x80  }
0x41: {  	p4 =	seq.s32 s26, $0x8;
	s8 =	sadd.s32 s12, s8  }
0x42: {  	p0 =	seq.s32 @!p4 s15, s8  }
0x43: {  	p0 =	por p4, !p0  }
0x44: {  	_ =	strace @p3 $0x9000004A;
	s12 =	sand.u32 @p0 $0x1, s0  }
0x45: {  	_ =	strace @p0 $0x8000004B;
	s12 =	sadd.s32 @p0 $0x1, s12  }
0x46: {  	_ =	swait.ge @p0 [sflag:s12], $0x8000  }
0x47: {  	s14 =	sshra.s32 s8, $0x1F;
	[sflag:s12] =	ssyncset.done @p0 $0x0  }
0x48: {  	[sflag:s12] =	ssyncadd.s32 @p0 $0xFFFF8000;
	s12 =	sshrl.u32 s14, $0x1A  }
0x49: {  	s12 =	sadd.s32 s12, s8  }
0x4a: {  	s15 =	sand.u32 $0xFFFFFFC0, s12  }
0x4b: {  	p5 =	slt.s32 s8, $0x1;
	p6 =	sne.s32 s8, s15  }
0x4c: {  	_ =	strace @p0 $0x9000004B;
	p0 =	por !p5, !p6  }
0x4d: {  	s13 =	simm.s32 $0x1;
	s8 =	sand.u32 $0x3F, s8;
	p0 =	por !p0, !p0  }
0x4e: {  	s12 =	sshra.s32 s12, $0x6;
	s13 =	simm.s32 @!p0 $0x0;
	p0 =	sne.s32 @!p4 s10, s8  }
0x4f: {  	s8 =	ssub.s32 s12, s13;
	p0 =	por p4, p0  }
0x50: {  	p4 =	seq.s32 @!p0 s9, s8  }
0x51: {  	p0 =	por p0, !p4  }
0x52: {  	s8 =	sand.u32 @p0 $0x1, s29  }
0x53: {  	_ =	strace @p0 $0x8000004C;
	s8 =	sadd.s32 @p0 $0x3, s8  }
0x54: {  	_ =	swait.ge @p0 [sflag:s8], $0x80  }
0x55: {  	[sflag:s8] =	ssyncset.done @p0 $0x0  }
0x56: {  	[sflag:s8] =	ssyncadd.s32 @p0 $0xFFFFFF80  }
0x57: {  	s18 =	sshll.u32 s29, $0x7;
	_ =	strace @p0 $0x9000004C  }
0x58: {  	s8 =	sand.u32 $0x80, s18;
	_ =	strace $0x8000004D  }
0x59: {  	v3 =	vld [tilespmem:s8+$0x10000];
	_ =	sdelay $0x4  }
0x5a: {  	v4 =	vshll.u32 v3, $0x1  }
0x5b: {  	v3 =	vand.u32 $0x7, v3;
	v4 =	vand.u32 $0xFFFFFFF0, v4  }
0x5c: {  	v3 =	vor.u32 v3, v4  }
0x5d: {  	v4 =	vperm.xlane v3, v0;
	_ =	sdelay $0x1  }
0x5e: {  	v3 =	vperm.xlane v3, v2;
	v4 =	vadd.s32 v1, v4;
	_ =	sdelay $0x1  }
0x5f: {  	v3 =	vadd.s32 v1, v3  }
0x60: {  	s19 =	sshll.u32 s0, $0xF  }
0x61: {  	s15 =	sand.u32 $0x8000, s19  }
0x62: {  	[hbm4b:s5+s2] =	stream.indirect_vreg.scatter [tilespmem:s15], [sflag:$0x5], $0x80, v4, vm0, $0x2000b8;
	[tilespmem:$0x10100] =	vst v63  }
0x63: {  	s9 =	sor.u32 $0x800, s15  }
0x64: {  	[hbm4b:s5+s2] =	stream.indirect_vreg.scatter [tilespmem:s9], [sflag:$0x5], $0x80, v3, vm0, $0x2000b8;
	[tilespmem:$0x10100] =	vst v63  }
0x65: {  	v3 =	vld [tilespmem:s8+$0x10010];
	_ =	sdelay $0x4  }
0x66: {  	v57 =	vshll.u32 v3, $0x1  }
0x67: {  	v3 =	vand.u32 $0x7, v3;
	v4 =	vand.u32 $0xFFFFFFF0, v57  }
0x68: {  	v3 =	vor.u32 v3, v4  }
0x69: {  	v4 =	vperm.xlane v3, v0;
	_ =	sdelay $0x1  }
0x6a: {  	v3 =	vperm.xlane v3, v2;
	v4 =	vadd.s32 v1, v4;
	_ =	sdelay $0x1  }
0x6b: {  	v3 =	vadd.s32 v1, v3;
	_ =	sdelay $0x1  }
0x6c: {  	s30 =	sor.u32 $0x1000, s15  }
0x6d: {  	[hbm4b:s5+s2] =	stream.indirect_vreg.scatter [tilespmem:s30], [sflag:$0x5], $0x80, v4, vm0, $0x2000b8;
	[tilespmem:$0x10100] =	vst v63  }
0x6e: {  	s10 =	sor.u32 $0x1800, s15  }
0x6f: {  	[hbm4b:s5+s2] =	stream.indirect_vreg.scatter [tilespmem:s10], [sflag:$0x5], $0x80, v3, vm0, $0x2000b8;
	[tilespmem:$0x10100] =	vst v63  }
0x70: {  	v3 =	vld [tilespmem:s8+$0x10020];
	_ =	sdelay $0x4  }
0x71: {  	v58 =	vshll.u32 v3, $0x1  }
0x72: {  	v3 =	vand.u32 $0x7, v3;
	v4 =	vand.u32 $0xFFFFFFF0, v58  }
0x73: {  	v3 =	vor.u32 v3, v4  }
0x74: {  	v4 =	vperm.xlane v3, v0;
	_ =	sdelay $0x1  }
0x75: {  	v3 =	vperm.xlane v3, v2;
	v4 =	vadd.s32 v1, v4;
	_ =	sdelay $0x1  }
0x76: {  	v3 =	vadd.s32 v1, v3;
	_ =	sdelay $0x1  }
0x77: {  	s12 =	sor.u32 $0x2000, s15  }
0x78: {  	[hbm4b:s5+s2] =	stream.indirect_vreg.scatter [tilespmem:s12], [sflag:$0x5], $0x80, v4, vm0, $0x2000b8;
	[tilespmem:$0x10100] =	vst v63  }
0x79: {  	s13 =	sor.u32 $0x2800, s15  }
0x7a: {  	[hbm4b:s5+s2] =	stream.indirect_vreg.scatter [tilespmem:s13], [sflag:$0x5], $0x80, v3, vm0, $0x2000b8;
	[tilespmem:$0x10100] =	vst v63  }
0x7b: {  	v3 =	vld [tilespmem:s8+$0x10030];
	_ =	sdelay $0x4  }
0x7c: {  	v59 =	vshll.u32 v3, $0x1  }
0x7d: {  	v3 =	vand.u32 $0x7, v3;
	v4 =	vand.u32 $0xFFFFFFF0, v59  }
0x7e: {  	v3 =	vor.u32 v3, v4  }
0x7f: {  	v4 =	vperm.xlane v3, v0;
	_ =	sdelay $0x1  }
0x80: {  	v3 =	vperm.xlane v3, v2;
	v4 =	vadd.s32 v1, v4;
	_ =	sdelay $0x1  }
0x81: {  	v3 =	vadd.s32 v1, v3;
	_ =	sdelay $0x1  }
0x82: {  	s14 =	sor.u32 $0x3000, s15  }
0x83: {  	[hbm4b:s5+s2] =	stream.indirect_vreg.scatter [tilespmem:s14], [sflag:$0x5], $0x80, v4, vm0, $0x2000b8;
	[tilespmem:$0x10100] =	vst v63  }
0x84: {  	s18 =	sor.u32 $0x3800, s15  }
0x85: {  	[hbm4b:s5+s2] =	stream.indirect_vreg.scatter [tilespmem:s18], [sflag:$0x5], $0x80, v3, vm0, $0x2000b8;
	[tilespmem:$0x10100] =	vst v63  }
0x86: {  	v3 =	vld [tilespmem:s8+$0x10040];
	_ =	sdelay $0x4  }
0x87: {  	v60 =	vshll.u32 v3, $0x1  }
0x88: {  	v3 =	vand.u32 $0x7, v3;
	v4 =	vand.u32 $0xFFFFFFF0, v60  }
0x89: {  	v3 =	vor.u32 v3, v4  }
0x8a: {  	v4 =	vperm.xlane v3, v0;
	_ =	sdelay $0x1  }
0x8b: {  	v3 =	vperm.xlane v3, v2;
	v4 =	vadd.s32 v1, v4;
	_ =	sdelay $0x1  }
0x8c: {  	v3 =	vadd.s32 v1, v3;
	_ =	sdelay $0x1  }
0x8d: {  	s19 =	sor.u32 $0x4000, s15  }
0x8e: {  	[hbm4b:s5+s2] =	stream.indirect_vreg.scatter [tilespmem:s19], [sflag:$0x5], $0x80, v4, vm0, $0x2000b8;
	[tilespmem:$0x10100] =	vst v63  }
0x8f: {  	s30 =	sor.u32 $0x4800, s15  }
0x90: {  	[hbm4b:s5+s2] =	stream.indirect_vreg.scatter [tilespmem:s30], [sflag:$0x5], $0x80, v3, vm0, $0x2000b8;
	[tilespmem:$0x10100] =	vst v63  }
0x91: {  	v3 =	vld [tilespmem:s8+$0x10050];
	_ =	sdelay $0x4  }
0x92: {  	v61 =	vshll.u32 v3, $0x1  }
0x93: {  	v3 =	vand.u32 $0x7, v3;
	v4 =	vand.u32 $0xFFFFFFF0, v61  }
0x94: {  	v3 =	vor.u32 v3, v4  }
0x95: {  	v4 =	vperm.xlane v3, v0;
	_ =	sdelay $0x1  }
0x96: {  	v3 =	vperm.xlane v3, v2;
	v4 =	vadd.s32 v1, v4;
	_ =	sdelay $0x1  }
0x97: {  	v3 =	vadd.s32 v1, v3;
	_ =	sdelay $0x1  }
0x98: {  	s10 =	sor.u32 $0x5000, s15  }
0x99: {  	[hbm4b:s5+s2] =	stream.indirect_vreg.scatter [tilespmem:s10], [sflag:$0x5], $0x80, v4, vm0, $0x2000b8;
	[tilespmem:$0x10100] =	vst v63  }
0x9a: {  	s12 =	sor.u32 $0x5800, s15  }
0x9b: {  	[hbm4b:s5+s2] =	stream.indirect_vreg.scatter [tilespmem:s12], [sflag:$0x5], $0x80, v3, vm0, $0x2000b8;
	[tilespmem:$0x10100] =	vst v63  }
0x9c: {  	v3 =	vld [tilespmem:s8+$0x10060];
	_ =	sdelay $0x4  }
0x9d: {  	v62 =	vshll.u32 v3, $0x1  }
0x9e: {  	v3 =	vand.u32 $0x7, v3;
	v4 =	vand.u32 $0xFFFFFFF0, v62  }
0x9f: {  	v3 =	vor.u32 v3, v4  }
0xa0: {  	v4 =	vperm.xlane v3, v0;
	_ =	sdelay $0x1  }
0xa1: {  	v3 =	vperm.xlane v3, v2;
	v4 =	vadd.s32 v1, v4;
	_ =	sdelay $0x1  }
0xa2: {  	v3 =	vadd.s32 v1, v3;
	_ =	sdelay $0x1  }
0xa3: {  	s13 =	sor.u32 $0x6000, s15  }
0xa4: {  	[hbm4b:s5+s2] =	stream.indirect_vreg.scatter [tilespmem:s13], [sflag:$0x5], $0x80, v4, vm0, $0x2000b8;
	[tilespmem:$0x10100] =	vst v63  }
0xa5: {  	s14 =	sor.u32 $0x6800, s15  }
0xa6: {  	[hbm4b:s5+s2] =	stream.indirect_vreg.scatter [tilespmem:s14], [sflag:$0x5], $0x80, v3, vm0, $0x2000b8;
	[tilespmem:$0x10100] =	vst v63  }
0xa7: {  	v3 =	vld [tilespmem:s8+$0x10070];
	_ =	sdelay $0x4  }
0xa8: {  	v63 =	vshll.u32 v3, $0x1  }
0xa9: {  	v3 =	vand.u32 $0x7, v3;
	v4 =	vand.u32 $0xFFFFFFF0, v63  }
0xaa: {  	v3 =	vor.u32 v3, v4  }
0xab: {  	v4 =	vperm.xlane v3, v0;
	_ =	sdelay $0x1  }
0xac: {  	v3 =	vperm.xlane v3, v2;
	v4 =	vadd.s32 v1, v4;
	_ =	sdelay $0x1  }
0xad: {  	v3 =	vadd.s32 v1, v3;
	_ =	sdelay $0x1  }
0xae: {  	p5 =	seq.s32 s26, $0x1;
	s18 =	sor.u32 $0x7000, s15  }
0xaf: {  	[hbm4b:s5+s2] =	stream.indirect_vreg.scatter [tilespmem:s18], [sflag:$0x5], $0x80, v4, vm0, $0x2000b8;
	[tilespmem:$0x10100] =	vst v63  }
0xb0: {  	s26 =	sadd.s32 $0xFFFFFFFF, s26;
	s9 =	simm.s32 $0x1;
	s19 =	sor.u32 $0x7800, s15  }
0xb1: {  	[hbm4b:s5+s2] =	stream.indirect_vreg.scatter [tilespmem:s19], [sflag:$0x5], $0x80, v3, vm0, $0x2000b8;
	[tilespmem:$0x10100] =	vst v63  }
0xb2: {  	p0 =	por p5, p2;
	s9 =	simm.s32 @!p3 $0x0;
	_ =	swait.ge [sflag:s17], $0x8000  }
0xb3: {  	s31 =	sadd.s32 s9, s31;
	s9 =	simm.s32 $0x1;
	s30 =	sld [smem:$0x7FD]  }
0xb4: {  	s9 =	simm.s32 @!p0 $0x0;
	p0 =	sne.s32 s26, $0x0;
	s8 =	simm.s32 $0x1  }
.Ltmp0:
0xb5: {  	s8 =	simm.s32 @!p1 $0x0;
	(pc) =	sbr.rel @p0 .LBB2_2-.Ltmp0, $4  }
0xb6: {  	s4 =	sadd.s32 s8, s4;
	p6 =	seq.s32 s30, $0x1  }
0xb7: {  	s8 =	simm.s32 $0x1;
	[sflag:s17] =	ssyncset.done $0x0;
	p1 =	por p5, p6  }
0xb8: {  	[sflag:s17] =	ssyncadd.s32 $0xFFFF8000;
	s8 =	simm.s32 @!p1 $0x0  }
0xb9: {  	s29 =	sadd.s32 s9, s29;
	_ =	strace $0x9000004D;
	s0 =	sadd.s32 s8, s0  }
0xba: {  	_ =	strace $0x8000004E  }
0xbb: {  	s0 =	rddreg [dreg:$0x5]  }
0xbc: {  	[tilespmem:s2], [sflag:$0x1] =	stream.linear.gather [hbm4b:s0+s2], $0x4000, $0x200038;
	[tilespmem:$0x10100] =	vst v63  }
0xbd: {  	s4 =	simm.s32 $0x8000;
	s28 =	rddreg [dreg:$0x6]  }
0xbe: {  	[tilespmem:s4], [sflag:$0x3] =	stream.linear.gather [hbm4b:s28+s2], $0x80, $0x200038;
	[tilespmem:$0x10100] =	vst v63  }
0xbf: {  	_ =	strace $0x9000004E  }
0xc0: {  	_ =	strace $0x8000004F  }
0xc1: {  	s8 =	simm.s32 $0x4000;
	s29 =	rddreg [dreg:$0x8]  }
0xc2: {  	[tilespmem:s8], [sflag:$0x2] =	stream.linear.gather [hbm4b:s29+s2], $0x4000, $0x200038;
	[tilespmem:$0x10100] =	vst v63  }
0xc3: {  	_ =	strace $0x9000004F  }
0xc4: {  	_ =	strace $0x80000050  }
0xc5: {  	s30 =	rddreg [dreg:$0x9]  }
0xc6: {  	[tilespmem:s20], [sflag:$0x4] =	stream.linear.gather [hbm4b:s30+s2], $0x80, $0x200038;
	[tilespmem:$0x10100] =	vst v63  }
0xc7: {  	_ =	strace $0x90000050  }
0xc8: {  	_ =	strace $0x80000051  }
0xc9: {  	_ =	swait.ge [sflag:s16], $0x4000  }
0xca: {  	[sflag:s16] =	ssyncset.done $0x0  }
0xcb: {  	[sflag:s16] =	ssyncadd.s32 $0xFFFFC000  }
0xcc: {  	_ =	strace $0x90000051  }
0xcd: {  	_ =	strace $0x80000052  }
0xce: {  	_ =	swait.ge [sflag:s21], $0x80  }
0xcf: {  	[sflag:s21] =	ssyncset.done $0x0  }
0xd0: {  	[sflag:s21] =	ssyncadd.s32 $0xFFFFFF80  }
0xd1: {  	_ =	strace $0x90000052  }
0xd2: {  	_ =	strace $0x80000053  }
0xd3: {  	[hbm4b:s6+s22] =	stream.indirect.scatter [tilespmem:s2], [sflag:$0x5], $0x80, s4, s22, $0x2000b8;
	[tilespmem:$0x10100] =	vst v63  }
0xd4: {  	_ =	swait.ge [sflag:s17], $0x4000  }
0xd5: {  	[sflag:s17] =	ssyncset.done $0x0  }
0xd6: {  	[sflag:s17] =	ssyncadd.s32 $0xFFFFC000  }
0xd7: {  	_ =	strace $0x90000053  }
0xd8: {  	_ =	strace $0x80000051  }
0xd9: {  	_ =	swait.ge [sflag:s23], $0x4000  }
0xda: {  	[sflag:s23] =	ssyncset.done $0x0  }
0xdb: {  	[sflag:s23] =	ssyncadd.s32 $0xFFFFC000  }
0xdc: {  	_ =	strace $0x90000051  }
0xdd: {  	_ =	strace $0x80000052  }
0xde: {  	_ =	swait.ge [sflag:s24], $0x80  }
0xdf: {  	[sflag:s24] =	ssyncset.done $0x0  }
0xe0: {  	[sflag:s24] =	ssyncadd.s32 $0xFFFFFF80  }
0xe1: {  	_ =	strace $0x90000052  }
0xe2: {  	_ =	strace $0x80000053  }
0xe3: {  	[hbm4b:s6+s22] =	stream.indirect.scatter [tilespmem:s8], [sflag:$0x5], $0x80, s20, s22, $0x2000b8;
	[tilespmem:$0x10100] =	vst v63  }
0xe4: {  	_ =	swait.ge [sflag:s17], $0x4000  }
0xe5: {  	s25 =	sadd.s32 $0x1, s25;
	s31 =	rddreg [dreg:$0x7]  }
0xe6: {  	p0 =	sne.s32 s25, s31  }
.Ltmp1:
0xe7: {  	_ = 	snop;
	(pc) =	sbr.rel @p0 .LBB2_1-.Ltmp1, $4  }
0xe8: {  	_ = 	snop  }
0xe9: {  	[sflag:s17] =	ssyncset.done $0x0  }
0xea: {  	[sflag:s17] =	ssyncadd.s32 $0xFFFFC000  }
0xeb: {  	_ =	strace $0x90000053  }
0xec: {  	_ =	sfence.sel $0x180000  }
0xed: {  	[bflag:$0x0] =	sbarrier.arrive $0xFFFF  }
0xee: {  	_ =	strace $0x90000047  }
0xef: {  	s0 =	stileid.u32;
	[bflag:$0x2] =	sbarrier.arrive $0xFFFF  }
0xf0: {  	p0 =	sne.s32 s0, $0x0;
	s0 =	rddreg [dreg:$0x2]  }
0xf1: {  	s0 =	sadd.s32 @!p0 $0x100000, s0  }
0xf2: {  	[sflag:s0] =	ssyncadd.tile.s32 @!p0 $0x1;
	_ =	shalt  }
.Lfunc_end2:
_tile_overlayer_lowered:
.L_overlay_start_2:
0xf3: {  	(tag) =	ssettag $0x2  }
0xf4: {  	s0 =	rddreg [dreg:$0x0];
	s2 =	stileid.u32  }
0xf5: {  	s1 =	rddreg [dreg:$0x1];
	p0 =	sne.s32 s2, $0x0  }
0xf6: {  	s3 =	rddreg [dreg:$0x2];
	[bflag:$0x3] =	sbarrier.arrive $0xFFFF;
	s2 =	simm.s32 @!p0 $0x1C01  }
0xf7: {  	[timem:s3], [sflag:s2] =	dma.local @!p0 [hbm:s0], s1  }
0xf8: {  	s0 =	simm.s32 @!p0 $0x1  }
0xf9: {  	_ =	swait.ge @!p0 [sflag:s0], s1  }
0xfa: {  	s1 =	ssub.s32 @!p0 $0x0, s1;
	[sflag:s0] =	ssyncset.done @!p0 $0x0  }
0xfb: {  	[sflag:s0] =	ssyncadd.s32 @!p0 s1  }
0xfc: {  	[bflag:$0x3] =	sbarrier.arrive $0xFFFF  }
0xfd: {  	_ =	shalt  }

</sc_bundles>
